<compile_context>
chip_gen: v7x
topology: tpu7x:2x2x1
jax: 0.10.2.dev20260603
libtpu: 0.0.44.dev20260713+nightly
codegen_flags: <defaults>
</compile_context>

<pallas_src>
import functools

import jax
import jax.numpy as jnp
from jax import lax
from jax.experimental import pallas as pl
from jax.experimental.pallas import tpu as pltpu
from jax.experimental.pallas import tpu_sc as plsc

B = 16384
K = 16
NUM_CORES = 2
NUM_SUBCORES = 16
NW = NUM_CORES * NUM_SUBCORES
BPW = B // NW
GRP = 8
NGRP = BPW // GRP
BLK = 2048


def _gather_body(col, xt_hbm, t_hbm, out_hbm, idxv, slabs, rows, sem):
    wid = lax.axis_index("s") * NUM_CORES + lax.axis_index("c")
    base = wid * BPW

    def idx_chunk(c, carry):
        off = c * 128
        pltpu.sync_copy(xt_hbm.at[col, pl.ds(base + off, 128)],
                        idxv.at[pl.ds(off, 128)])
        return carry

    lax.fori_loop(0, BPW // 128, idx_chunk, 0)

    lanes = lax.iota(jnp.int32, 16)

    def fire(g):
        cols16 = idxv[pl.ds(g * GRP, 16)]
        slot0 = lax.rem(g, 2) * GRP
        for j in range(GRP):
            cj = cols16[j]
            bj = pl.multiple_of((cj // 128) * 128, 128)
            for kt in range(2):
                pltpu.async_copy(
                    t_hbm.at[pl.ds(kt * 8, 8), pl.ds(bj, 128)],
                    slabs.at[slot0 + j, kt], sem)

    fire(jnp.int32(0))

    def group_body(g, carry):
        for _ in range(2 * GRP):
            pltpu.make_async_copy(t_hbm.at[pl.ds(0, 8), pl.ds(0, 128)],
                                  slabs.at[0, 0], sem).wait()

        @pl.when(g < NGRP - 1)
        def _():
            fire(g + 1)

        cols16 = idxv[pl.ds(g * GRP, 16)]
        slot0 = lax.rem(g, 2) * GRP
        ktv = lanes // 8
        krv = lax.rem(lanes, 8)
        for j in range(GRP):
            cj = cols16[j]
            jv = jnp.full((16,), 0, jnp.int32) + slot0 + j
            cm = jnp.full((16,), 0, jnp.int32) + lax.rem(cj, 128)
            r = plsc.load_gather(slabs, [jv, ktv, krv, cm])
            row = g * GRP + j
            plsc.store_scatter(
                rows, [jnp.full((16,), 0, jnp.int32) + row, lanes], r)
        return carry

    lax.fori_loop(0, NGRP, group_body, 0)

    def wb_chunk(c, carry):
        off = c * 32
        pltpu.sync_copy(rows.at[pl.ds(off, 32)],
                        out_hbm.at[pl.ds(base + off, 32)])
        return carry

    lax.fori_loop(0, BPW // 32, wb_chunk, 0)


def _sc_gather(xt, table_t, col):
    mesh = plsc.VectorSubcoreMesh(core_axis_name="c", subcore_axis_name="s")
    return pl.kernel(
        functools.partial(_gather_body, col),
        out_type=jax.ShapeDtypeStruct((B, K), jnp.float32),
        mesh=mesh,
        compiler_params=pltpu.CompilerParams(needs_layout_passes=False),
        scratch_types=[
            pltpu.VMEM((BPW + 16,), jnp.int32),
            pltpu.VMEM((2 * GRP, 2, 8, 128), jnp.float32),
            pltpu.VMEM((BPW, K), jnp.float32),
            pltpu.SemaphoreType.DMA,
        ],
    )(xt, table_t)


def _tc_body(u_ref, v_ref, dot_ref, cat_ref):
    u = u_ref[...]
    v = v_ref[...]
    dot_ref[...] = jnp.sum(u * v, axis=1)
    cat_ref[:, :K] = u
    cat_ref[:, K:] = v


def kernel(x, W, H):
    xt = x.T
    u = _sc_gather(xt, W.T, 0)
    v = _sc_gather(xt, H.T, 1)
    dot, cat = pl.pallas_call(
        _tc_body,
        grid=(B // BLK,),
        in_specs=[pl.BlockSpec((BLK, K), lambda i: (i, 0)),
                  pl.BlockSpec((BLK, K), lambda i: (i, 0))],
        out_specs=[pl.BlockSpec((BLK,), lambda i: (i,)),
                   pl.BlockSpec((BLK, 2 * K), lambda i: (i, 0))],
        out_shape=[jax.ShapeDtypeStruct((B,), jnp.float32),
                   jax.ShapeDtypeStruct((B, 2 * K), jnp.float32)],
    )(u, v)
    return dot, cat

# --- scband reference (transcript-rebuilt; emitter-appended) ---
"""Pipeline reference for scband-mf-dr-jl-25752623907464 (READ-ONLY COPY).

The authoritative reference and input builder live on the scoring server;
editing this copy changes nothing except your own understanding.
"""

import jax, jax.numpy as jnp
import numpy as np

NUM_USERS = 1000000
NUM_ITEMS = 1000000
EMB_K = 16
BATCH = 16384

def setup_inputs(seed: int = 0) -> dict:
    key = jax.random.key(seed)
    k1, k2, k3 = jax.random.split(key, 3)
    x = jax.random.randint(k1, (BATCH, 2), 0, NUM_USERS, dtype=jnp.int64 if jax.config.jax_enable_x64 else jnp.int32).astype(jnp.int32)
    W = jax.random.normal(k2, (NUM_USERS, EMB_K), dtype=jnp.float32)
    H = jax.random.normal(k3, (NUM_ITEMS, EMB_K), dtype=jnp.float32)
    return {"x": x, "W": W, "H": H}

def reference(x, W, H):
    # Faithful translation of MF_DR_JL.forward (inherited from MF), is_training=False
    user_idx = x[:, 0]
    item_idx = x[:, 1]
    U_emb = jnp.take(W, user_idx, axis=0)
    V_emb = jnp.take(H, item_idx, axis=0)
    out = jnp.sum(U_emb * V_emb, axis=1)
    return (out, jnp.concatenate((U_emb, V_emb), axis=1))

if __name__ == "__main__":
    import jax
    _d = setup_inputs()
    print(jax.jit(kernel)(*tuple(_d.values())))

</pallas_src>

<mosaic_0001>
#map = affine_map<(d0, d1) -> (0, 0)>
module attributes {stable_mosaic.version = 14 : i64} {
  func.func @_gather_body(%arg0: i32, %arg1: i32, %arg2: memref<2x16384xi32, #tpu.memory_space<hbm>>, %arg3: memref<16x1000000xf32, #tpu.memory_space<hbm>>, %arg4: memref<16384x16xf32, #tpu.memory_space<hbm>>, %arg5: memref<528xi32, #tpu.memory_space<vmem>>, %arg6: memref<16x2x8x128xf32, #tpu.memory_space<vmem>>, %arg7: memref<512x16xf32, #tpu.memory_space<vmem>>, %arg8: memref<!tpu.dma_semaphore, #tpu.memory_space<semaphore_mem>>) attributes {dimension_semantics = [#tpu.dimension_semantics<core_parallel>, #tpu.dimension_semantics<subcore_parallel>], iteration_bounds = array<i64: 2, 16>, scalar_prefetch = 0 : i64, scratch_operands = 4 : i64, tpu.core_type = #tpu.core_type<sc_vector_subcore>, window_params = [{transform_indices = #map}, {transform_indices = #map}, {transform_indices = #map}]} {
    %mul3A = arith.constant 2 : i32
    %mul3A_0 = arith.muli %arg1, %mul3A : i32
    %add3A = arith.addi %mul3A_0, %arg0 : i32
    %mul3A_1 = arith.constant 512 : i32
    %mul3A_2 = arith.muli %add3A, %mul3A_1 : i32
    %scan3A = arith.constant 0 : i32
    %scan3A_3 = arith.constant 0 : i32
    %scan3A_4 = arith.constant 4 : i32
    %scan3A_5 = arith.addi %scan3A_3, %scan3A_4 : i32
    %scan3A_6 = arith.constant 1 : i32
    scf.for %scan3A_489 = %scan3A_3 to %scan3A_5 step %scan3A_6  : i32 {
      %mul3A_490 = arith.constant 128 : i32
      %mul3A_491 = arith.muli %scan3A_489, %mul3A_490 : i32
      %add3A_492 = arith.addi %mul3A_2, %mul3A_491 : i32
      %run_scoped3A = arith.constant 0 : i32
      "tpu.region"() ({
        %run_scoped3A_493 = tpu.sem_alloc : memref<!tpu.dma_semaphore, #tpu.memory_space<semaphore_mem>>
        %dma_start3A_494 = tpu.memref_slice %arg5[%mul3A_491] : memref<528xi32, #tpu.memory_space<vmem>> -> memref<128xi32, #tpu.memory_space<vmem>>
        %dma_start3A_495 = tpu.memref_slice %arg2[%run_scoped3A, %add3A_492] : memref<2x16384xi32, #tpu.memory_space<hbm>> -> memref<1x128xi32, #tpu.memory_space<hbm>>
        %dma_start3A_496 = tpu.memref_squeeze %dma_start3A_495 : memref<1x128xi32, #tpu.memory_space<hbm>> -> memref<128xi32, #tpu.memory_space<hbm>>
        %dma_start3A_497 = tpu.memref_slice %arg5[%mul3A_491] : memref<528xi32, #tpu.memory_space<vmem>> -> memref<128xi32, #tpu.memory_space<vmem>>
        %dma_start3A_498 = tpu.memref_slice %arg2[%run_scoped3A, %add3A_492] : memref<2x16384xi32, #tpu.memory_space<hbm>> -> memref<1x128xi32, #tpu.memory_space<hbm>>
        %dma_start3A_499 = tpu.memref_squeeze %dma_start3A_498 : memref<1x128xi32, #tpu.memory_space<hbm>> -> memref<128xi32, #tpu.memory_space<hbm>>
        tpu.enqueue_dma source(%dma_start3A_499 : memref<128xi32, #tpu.memory_space<hbm>>) target(%dma_start3A_497 : memref<128xi32, #tpu.memory_space<vmem>>) target_semaphore(%run_scoped3A_493 : memref<!tpu.dma_semaphore, #tpu.memory_space<semaphore_mem>>)
        %dma_wait3A = tpu.memref_slice %arg5[%mul3A_491] : memref<528xi32, #tpu.memory_space<vmem>> -> memref<128xi32, #tpu.memory_space<vmem>>
        %dma_wait3A_500 = tpu.memref_slice %arg2[%run_scoped3A, %add3A_492] : memref<2x16384xi32, #tpu.memory_space<hbm>> -> memref<1x128xi32, #tpu.memory_space<hbm>>
        %dma_wait3A_501 = tpu.memref_squeeze %dma_wait3A_500 : memref<1x128xi32, #tpu.memory_space<hbm>> -> memref<128xi32, #tpu.memory_space<hbm>>
        %dma_wait3A_502 = tpu.memref_slice %arg5[%mul3A_491] : memref<528xi32, #tpu.memory_space<vmem>> -> memref<128xi32, #tpu.memory_space<vmem>>
        %dma_wait3A_503 = tpu.memref_slice %arg2[%run_scoped3A, %add3A_492] : memref<2x16384xi32, #tpu.memory_space<hbm>> -> memref<1x128xi32, #tpu.memory_space<hbm>>
        %dma_wait3A_504 = tpu.memref_squeeze %dma_wait3A_503 : memref<1x128xi32, #tpu.memory_space<hbm>> -> memref<128xi32, #tpu.memory_space<hbm>>
        tpu.wait_dma2 semaphore(%run_scoped3A_493 : memref<!tpu.dma_semaphore, #tpu.memory_space<semaphore_mem>>) src(%dma_wait3A_504 : memref<128xi32, #tpu.memory_space<hbm>>) dst(%dma_wait3A_502 : memref<128xi32, #tpu.memory_space<vmem>>)
        tpu.yield
      }) : () -> ()
    }
    %scan3A_7 = arith.constant 4 : i32
    %iota3A = tpu.iota {dimensions = array<i32: 0>} : vector<16xi32>
    %mul3A_8 = arith.constant 0 : i32
    %mul3A_9 = arith.constant 8 : i32
    %mul3A_10 = arith.muli %mul3A_8, %mul3A_9 : i32
    %get3A = arith.index_cast %mul3A_10 : i32 to index
    %get3A_11 = tpu.vector_load %arg5[%get3A] {strides = array<i32>} : memref<528xi32, #tpu.memory_space<vmem>>, vector<16xi32>,
    %rem3A = arith.constant 0 : i32
    %rem3A_12 = arith.constant 2 : i32
    %rem3A_13 = arith.remsi %rem3A, %rem3A_12 : i32
    %mul3A_14 = arith.constant 8 : i32
    %mul3A_15 = arith.muli %rem3A_13, %mul3A_14 : i32
    %slice3A = vector.extract_strided_slice %get3A_11 {offsets = [0], sizes = [1], strides = [1]} : vector<16xi32> to vector<1xi32>
    %squeeze3A = vector.extract %slice3A[0] : i32 from vector<1xi32>
    %jit3A = arith.constant 128 : i32
    %div3A = arith.divsi %squeeze3A, %jit3A : i32
    %sign3A = arith.constant 0 : i32
    %sign3A_16 = arith.cmpi sgt, %squeeze3A, %sign3A : i32
    %sign3A_17 = arith.extui %sign3A_16 : i1 to i32
    %sign3A_18 = arith.constant 0 : i32
    %sign3A_19 = arith.cmpi slt, %squeeze3A, %sign3A_18 : i32
    %sign3A_20 = arith.extui %sign3A_19 : i1 to i32
    %sign3A_21 = arith.subi %sign3A_17, %sign3A_20 : i32
    %sign3A_22 = arith.constant 0 : i32
    %sign3A_23 = arith.cmpi sgt, %jit3A, %sign3A_22 : i32
    %sign3A_24 = arith.extui %sign3A_23 : i1 to i32
    %sign3A_25 = arith.constant 0 : i32
    %sign3A_26 = arith.cmpi slt, %jit3A, %sign3A_25 : i32
    %sign3A_27 = arith.extui %sign3A_26 : i1 to i32
    %sign3A_28 = arith.subi %sign3A_24, %sign3A_27 : i32
    %ne3A = arith.cmpi ne, %sign3A_21, %sign3A_28 : i32
    %rem3A_29 = arith.remsi %squeeze3A, %jit3A : i32
    %ne3A_30 = arith.constant 0 : i32
    %ne3A_31 = arith.cmpi ne, %rem3A_29, %ne3A_30 : i32
    %and3A = arith.andi %ne3A, %ne3A_31 : i1
    %sub3A = arith.constant 1 : i32
    %sub3A_32 = arith.subi %div3A, %sub3A : i32
    %select_n3A = arith.select %and3A, %sub3A_32, %div3A : i32
    %mul3A_33 = arith.constant 128 : i32
    %mul3A_34 = arith.muli %select_n3A, %mul3A_33 : i32
    %multiple_of3A = tpu.assume_multiple %mul3A_34, 128 : i32
    %add3A_35 = arith.constant 0 : i32
    %add3A_36 = arith.addi %mul3A_15, %add3A_35 : i32
    %dma_start3A = arith.constant 0 : i32
    %dma_start3A_37 = arith.constant 0 : i32
    %dma_start3A_38 = arith.constant 0 : i32
    %dma_start3A_39 = tpu.memref_slice %arg6[%add3A_36, %dma_start3A, %dma_start3A_37, %dma_start3A_38] : memref<16x2x8x128xf32, #tpu.memory_space<vmem>> -> memref<1x1x8x128xf32, #tpu.memory_space<vmem>>
    %dma_start3A_40 = tpu.memref_squeeze %dma_start3A_39 : memref<1x1x8x128xf32, #tpu.memory_space<vmem>> -> memref<8x128xf32, #tpu.memory_space<vmem>>
    %dma_start3A_41 = arith.constant 0 : i32
    %dma_start3A_42 = tpu.memref_slice %arg3[%dma_start3A_41, %multiple_of3A] : memref<16x1000000xf32, #tpu.memory_space<hbm>> -> memref<8x128xf32, #tpu.memory_space<hbm>>
    %dma_start3A_43 = arith.constant 0 : i32
    %dma_start3A_44 = arith.constant 0 : i32
    %dma_start3A_45 = tpu.memref_slice %arg6[%add3A_36, %dma_start3A, %dma_start3A_43, %dma_start3A_44] : memref<16x2x8x128xf32, #tpu.memory_space<vmem>> -> memref<1x1x8x128xf32, #tpu.memory_space<vmem>>
    %dma_start3A_46 = tpu.memref_squeeze %dma_start3A_45 : memref<1x1x8x128xf32, #tpu.memory_space<vmem>> -> memref<8x128xf32, #tpu.memory_space<vmem>>
    %dma_start3A_47 = arith.constant 0 : i32
    %dma_start3A_48 = tpu.memref_slice %arg3[%dma_start3A_47, %multiple_of3A] : memref<16x1000000xf32, #tpu.memory_space<hbm>> -> memref<8x128xf32, #tpu.memory_space<hbm>>
    tpu.enqueue_dma source(%dma_start3A_48 : memref<8x128xf32, #tpu.memory_space<hbm>>) target(%dma_start3A_46 : memref<8x128xf32, #tpu.memory_space<vmem>>) target_semaphore(%arg8 : memref<!tpu.dma_semaphore, #tpu.memory_space<semaphore_mem>>)
    %add3A_49 = arith.constant 0 : i32
    %add3A_50 = arith.addi %mul3A_15, %add3A_49 : i32
    %dma_start3A_51 = arith.constant 1 : i32
    %dma_start3A_52 = arith.constant 0 : i32
    %dma_start3A_53 = arith.constant 0 : i32
    %dma_start3A_54 = tpu.memref_slice %arg6[%add3A_50, %dma_start3A_51, %dma_start3A_52, %dma_start3A_53] : memref<16x2x8x128xf32, #tpu.memory_space<vmem>> -> memref<1x1x8x128xf32, #tpu.memory_space<vmem>>
    %dma_start3A_55 = tpu.memref_squeeze %dma_start3A_54 : memref<1x1x8x128xf32, #tpu.memory_space<vmem>> -> memref<8x128xf32, #tpu.memory_space<vmem>>
    %dma_start3A_56 = arith.constant 8 : i32
    %dma_start3A_57 = tpu.memref_slice %arg3[%dma_start3A_56, %multiple_of3A] : memref<16x1000000xf32, #tpu.memory_space<hbm>> -> memref<8x128xf32, #tpu.memory_space<hbm>>
    %dma_start3A_58 = arith.constant 0 : i32
    %dma_start3A_59 = arith.constant 0 : i32
    %dma_start3A_60 = tpu.memref_slice %arg6[%add3A_50, %dma_start3A_51, %dma_start3A_58, %dma_start3A_59] : memref<16x2x8x128xf32, #tpu.memory_space<vmem>> -> memref<1x1x8x128xf32, #tpu.memory_space<vmem>>
    %dma_start3A_61 = tpu.memref_squeeze %dma_start3A_60 : memref<1x1x8x128xf32, #tpu.memory_space<vmem>> -> memref<8x128xf32, #tpu.memory_space<vmem>>
    %dma_start3A_62 = arith.constant 8 : i32
    %dma_start3A_63 = tpu.memref_slice %arg3[%dma_start3A_62, %multiple_of3A] : memref<16x1000000xf32, #tpu.memory_space<hbm>> -> memref<8x128xf32, #tpu.memory_space<hbm>>
    tpu.enqueue_dma source(%dma_start3A_63 : memref<8x128xf32, #tpu.memory_space<hbm>>) target(%dma_start3A_61 : memref<8x128xf32, #tpu.memory_space<vmem>>) target_semaphore(%arg8 : memref<!tpu.dma_semaphore, #tpu.memory_space<semaphore_mem>>)
    %slice3A_64 = vector.extract_strided_slice %get3A_11 {offsets = [1], sizes = [1], strides = [1]} : vector<16xi32> to vector<1xi32>
    %squeeze3A_65 = vector.extract %slice3A_64[0] : i32 from vector<1xi32>
    %jit3A_66 = arith.constant 128 : i32
    %div3A_67 = arith.divsi %squeeze3A_65, %jit3A_66 : i32
    %sign3A_68 = arith.constant 0 : i32
    %sign3A_69 = arith.cmpi sgt, %squeeze3A_65, %sign3A_68 : i32
    %sign3A_70 = arith.extui %sign3A_69 : i1 to i32
    %sign3A_71 = arith.constant 0 : i32
    %sign3A_72 = arith.cmpi slt, %squeeze3A_65, %sign3A_71 : i32
    %sign3A_73 = arith.extui %sign3A_72 : i1 to i32
    %sign3A_74 = arith.subi %sign3A_70, %sign3A_73 : i32
    %sign3A_75 = arith.constant 0 : i32
    %sign3A_76 = arith.cmpi sgt, %jit3A_66, %sign3A_75 : i32
    %sign3A_77 = arith.extui %sign3A_76 : i1 to i32
    %sign3A_78 = arith.constant 0 : i32
    %sign3A_79 = arith.cmpi slt, %jit3A_66, %sign3A_78 : i32
    %sign3A_80 = arith.extui %sign3A_79 : i1 to i32
    %sign3A_81 = arith.subi %sign3A_77, %sign3A_80 : i32
    %ne3A_82 = arith.cmpi ne, %sign3A_74, %sign3A_81 : i32
    %rem3A_83 = arith.remsi %squeeze3A_65, %jit3A_66 : i32
    %ne3A_84 = arith.constant 0 : i32
    %ne3A_85 = arith.cmpi ne, %rem3A_83, %ne3A_84 : i32
    %and3A_86 = arith.andi %ne3A_82, %ne3A_85 : i1
    %sub3A_87 = arith.constant 1 : i32
    %sub3A_88 = arith.subi %div3A_67, %sub3A_87 : i32
    %select_n3A_89 = arith.select %and3A_86, %sub3A_88, %div3A_67 : i32
    %mul3A_90 = arith.constant 128 : i32
    %mul3A_91 = arith.muli %select_n3A_89, %mul3A_90 : i32
    %multiple_of3A_92 = tpu.assume_multiple %mul3A_91, 128 : i32
    %add3A_93 = arith.constant 1 : i32
    %add3A_94 = arith.addi %mul3A_15, %add3A_93 : i32
    %dma_start3A_95 = arith.constant 0 : i32
    %dma_start3A_96 = arith.constant 0 : i32
    %dma_start3A_97 = arith.constant 0 : i32
    %dma_start3A_98 = tpu.memref_slice %arg6[%add3A_94, %dma_start3A_95, %dma_start3A_96, %dma_start3A_97] : memref<16x2x8x128xf32, #tpu.memory_space<vmem>> -> memref<1x1x8x128xf32, #tpu.memory_space<vmem>>
    %dma_start3A_99 = tpu.memref_squeeze %dma_start3A_98 : memref<1x1x8x128xf32, #tpu.memory_space<vmem>> -> memref<8x128xf32, #tpu.memory_space<vmem>>
    %dma_start3A_100 = arith.constant 0 : i32
    %dma_start3A_101 = tpu.memref_slice %arg3[%dma_start3A_100, %multiple_of3A_92] : memref<16x1000000xf32, #tpu.memory_space<hbm>> -> memref<8x128xf32, #tpu.memory_space<hbm>>
    %dma_start3A_102 = arith.constant 0 : i32
    %dma_start3A_103 = arith.constant 0 : i32
    %dma_start3A_104 = tpu.memref_slice %arg6[%add3A_94, %dma_start3A_95, %dma_start3A_102, %dma_start3A_103] : memref<16x2x8x128xf32, #tpu.memory_space<vmem>> -> memref<1x1x8x128xf32, #tpu.memory_space<vmem>>
    %dma_start3A_105 = tpu.memref_squeeze %dma_start3A_104 : memref<1x1x8x128xf32, #tpu.memory_space<vmem>> -> memref<8x128xf32, #tpu.memory_space<vmem>>
    %dma_start3A_106 = arith.constant 0 : i32
    %dma_start3A_107 = tpu.memref_slice %arg3[%dma_start3A_106, %multiple_of3A_92] : memref<16x1000000xf32, #tpu.memory_space<hbm>> -> memref<8x128xf32, #tpu.memory_space<hbm>>
    tpu.enqueue_dma source(%dma_start3A_107 : memref<8x128xf32, #tpu.memory_space<hbm>>) target(%dma_start3A_105 : memref<8x128xf32, #tpu.memory_space<vmem>>) target_semaphore(%arg8 : memref<!tpu.dma_semaphore, #tpu.memory_space<semaphore_mem>>)
    %add3A_108 = arith.constant 1 : i32
    %add3A_109 = arith.addi %mul3A_15, %add3A_108 : i32
    %dma_start3A_110 = arith.constant 1 : i32
    %dma_start3A_111 = arith.constant 0 : i32
    %dma_start3A_112 = arith.constant 0 : i32
    %dma_start3A_113 = tpu.memref_slice %arg6[%add3A_109, %dma_start3A_110, %dma_start3A_111, %dma_start3A_112] : memref<16x2x8x128xf32, #tpu.memory_space<vmem>> -> memref<1x1x8x128xf32, #tpu.memory_space<vmem>>
    %dma_start3A_114 = tpu.memref_squeeze %dma_start3A_113 : memref<1x1x8x128xf32, #tpu.memory_space<vmem>> -> memref<8x128xf32, #tpu.memory_space<vmem>>
    %dma_start3A_115 = arith.constant 8 : i32
    %dma_start3A_116 = tpu.memref_slice %arg3[%dma_start3A_115, %multiple_of3A_92] : memref<16x1000000xf32, #tpu.memory_space<hbm>> -> memref<8x128xf32, #tpu.memory_space<hbm>>
    %dma_start3A_117 = arith.constant 0 : i32
    %dma_start3A_118 = arith.constant 0 : i32
    %dma_start3A_119 = tpu.memref_slice %arg6[%add3A_109, %dma_start3A_110, %dma_start3A_117, %dma_start3A_118] : memref<16x2x8x128xf32, #tpu.memory_space<vmem>> -> memref<1x1x8x128xf32, #tpu.memory_space<vmem>>
    %dma_start3A_120 = tpu.memref_squeeze %dma_start3A_119 : memref<1x1x8x128xf32, #tpu.memory_space<vmem>> -> memref<8x128xf32, #tpu.memory_space<vmem>>
    %dma_start3A_121 = arith.constant 8 : i32
    %dma_start3A_122 = tpu.memref_slice %arg3[%dma_start3A_121, %multiple_of3A_92] : memref<16x1000000xf32, #tpu.memory_space<hbm>> -> memref<8x128xf32, #tpu.memory_space<hbm>>
    tpu.enqueue_dma source(%dma_start3A_122 : memref<8x128xf32, #tpu.memory_space<hbm>>) target(%dma_start3A_120 : memref<8x128xf32, #tpu.memory_space<vmem>>) target_semaphore(%arg8 : memref<!tpu.dma_semaphore, #tpu.memory_space<semaphore_mem>>)
    %slice3A_123 = vector.extract_strided_slice %get3A_11 {offsets = [2], sizes = [1], strides = [1]} : vector<16xi32> to vector<1xi32>
    %squeeze3A_124 = vector.extract %slice3A_123[0] : i32 from vector<1xi32>
    %jit3A_125 = arith.constant 128 : i32
    %div3A_126 = arith.divsi %squeeze3A_124, %jit3A_125 : i32
    %sign3A_127 = arith.constant 0 : i32
    %sign3A_128 = arith.cmpi sgt, %squeeze3A_124, %sign3A_127 : i32
    %sign3A_129 = arith.extui %sign3A_128 : i1 to i32
    %sign3A_130 = arith.constant 0 : i32
    %sign3A_131 = arith.cmpi slt, %squeeze3A_124, %sign3A_130 : i32
    %sign3A_132 = arith.extui %sign3A_131 : i1 to i32
    %sign3A_133 = arith.subi %sign3A_129, %sign3A_132 : i32
    %sign3A_134 = arith.constant 0 : i32
    %sign3A_135 = arith.cmpi sgt, %jit3A_125, %sign3A_134 : i32
    %sign3A_136 = arith.extui %sign3A_135 : i1 to i32
    %sign3A_137 = arith.constant 0 : i32
    %sign3A_138 = arith.cmpi slt, %jit3A_125, %sign3A_137 : i32
    %sign3A_139 = arith.extui %sign3A_138 : i1 to i32
    %sign3A_140 = arith.subi %sign3A_136, %sign3A_139 : i32
    %ne3A_141 = arith.cmpi ne, %sign3A_133, %sign3A_140 : i32
    %rem3A_142 = arith.remsi %squeeze3A_124, %jit3A_125 : i32
    %ne3A_143 = arith.constant 0 : i32
    %ne3A_144 = arith.cmpi ne, %rem3A_142, %ne3A_143 : i32
    %and3A_145 = arith.andi %ne3A_141, %ne3A_144 : i1
    %sub3A_146 = arith.constant 1 : i32
    %sub3A_147 = arith.subi %div3A_126, %sub3A_146 : i32
    %select_n3A_148 = arith.select %and3A_145, %sub3A_147, %div3A_126 : i32
    %mul3A_149 = arith.constant 128 : i32
    %mul3A_150 = arith.muli %select_n3A_148, %mul3A_149 : i32
    %multiple_of3A_151 = tpu.assume_multiple %mul3A_150, 128 : i32
    %add3A_152 = arith.constant 2 : i32
    %add3A_153 = arith.addi %mul3A_15, %add3A_152 : i32
    %dma_start3A_154 = arith.constant 0 : i32
    %dma_start3A_155 = arith.constant 0 : i32
    %dma_start3A_156 = arith.constant 0 : i32
    %dma_start3A_157 = tpu.memref_slice %arg6[%add3A_153, %dma_start3A_154, %dma_start3A_155, %dma_start3A_156] : memref<16x2x8x128xf32, #tpu.memory_space<vmem>> -> memref<1x1x8x128xf32, #tpu.memory_space<vmem>>
    %dma_start3A_158 = tpu.memref_squeeze %dma_start3A_157 : memref<1x1x8x128xf32, #tpu.memory_space<vmem>> -> memref<8x128xf32, #tpu.memory_space<vmem>>
    %dma_start3A_159 = arith.constant 0 : i32
    %dma_start3A_160 = tpu.memref_slice %arg3[%dma_start3A_159, %multiple_of3A_151] : memref<16x1000000xf32, #tpu.memory_space<hbm>> -> memref<8x128xf32, #tpu.memory_space<hbm>>
    %dma_start3A_161 = arith.constant 0 : i32
    %dma_start3A_162 = arith.constant 0 : i32
    %dma_start3A_163 = tpu.memref_slice %arg6[%add3A_153, %dma_start3A_154, %dma_start3A_161, %dma_start3A_162] : memref<16x2x8x128xf32, #tpu.memory_space<vmem>> -> memref<1x1x8x128xf32, #tpu.memory_space<vmem>>
    %dma_start3A_164 = tpu.memref_squeeze %dma_start3A_163 : memref<1x1x8x128xf32, #tpu.memory_space<vmem>> -> memref<8x128xf32, #tpu.memory_space<vmem>>
    %dma_start3A_165 = arith.constant 0 : i32
    %dma_start3A_166 = tpu.memref_slice %arg3[%dma_start3A_165, %multiple_of3A_151] : memref<16x1000000xf32, #tpu.memory_space<hbm>> -> memref<8x128xf32, #tpu.memory_space<hbm>>
    tpu.enqueue_dma source(%dma_start3A_166 : memref<8x128xf32, #tpu.memory_space<hbm>>) target(%dma_start3A_164 : memref<8x128xf32, #tpu.memory_space<vmem>>) target_semaphore(%arg8 : memref<!tpu.dma_semaphore, #tpu.memory_space<semaphore_mem>>)
    %add3A_167 = arith.constant 2 : i32
    %add3A_168 = arith.addi %mul3A_15, %add3A_167 : i32
    %dma_start3A_169 = arith.constant 1 : i32
    %dma_start3A_170 = arith.constant 0 : i32
    %dma_start3A_171 = arith.constant 0 : i32
    %dma_start3A_172 = tpu.memref_slice %arg6[%add3A_168, %dma_start3A_169, %dma_start3A_170, %dma_start3A_171] : memref<16x2x8x128xf32, #tpu.memory_space<vmem>> -> memref<1x1x8x128xf32, #tpu.memory_space<vmem>>
    %dma_start3A_173 = tpu.memref_squeeze %dma_start3A_172 : memref<1x1x8x128xf32, #tpu.memory_space<vmem>> -> memref<8x128xf32, #tpu.memory_space<vmem>>
    %dma_start3A_174 = arith.constant 8 : i32
    %dma_start3A_175 = tpu.memref_slice %arg3[%dma_start3A_174, %multiple_of3A_151] : memref<16x1000000xf32, #tpu.memory_space<hbm>> -> memref<8x128xf32, #tpu.memory_space<hbm>>
    %dma_start3A_176 = arith.constant 0 : i32
    %dma_start3A_177 = arith.constant 0 : i32
    %dma_start3A_178 = tpu.memref_slice %arg6[%add3A_168, %dma_start3A_169, %dma_start3A_176, %dma_start3A_177] : memref<16x2x8x128xf32, #tpu.memory_space<vmem>> -> memref<1x1x8x128xf32, #tpu.memory_space<vmem>>
    %dma_start3A_179 = tpu.memref_squeeze %dma_start3A_178 : memref<1x1x8x128xf32, #tpu.memory_space<vmem>> -> memref<8x128xf32, #tpu.memory_space<vmem>>
    %dma_start3A_180 = arith.constant 8 : i32
    %dma_start3A_181 = tpu.memref_slice %arg3[%dma_start3A_180, %multiple_of3A_151] : memref<16x1000000xf32, #tpu.memory_space<hbm>> -> memref<8x128xf32, #tpu.memory_space<hbm>>
    tpu.enqueue_dma source(%dma_start3A_181 : memref<8x128xf32, #tpu.memory_space<hbm>>) target(%dma_start3A_179 : memref<8x128xf32, #tpu.memory_space<vmem>>) target_semaphore(%arg8 : memref<!tpu.dma_semaphore, #tpu.memory_space<semaphore_mem>>)
    %slice3A_182 = vector.extract_strided_slice %get3A_11 {offsets = [3], sizes = [1], strides = [1]} : vector<16xi32> to vector<1xi32>
    %squeeze3A_183 = vector.extract %slice3A_182[0] : i32 from vector<1xi32>
    %jit3A_184 = arith.constant 128 : i32
    %div3A_185 = arith.divsi %squeeze3A_183, %jit3A_184 : i32
    %sign3A_186 = arith.constant 0 : i32
    %sign3A_187 = arith.cmpi sgt, %squeeze3A_183, %sign3A_186 : i32
    %sign3A_188 = arith.extui %sign3A_187 : i1 to i32
    %sign3A_189 = arith.constant 0 : i32
    %sign3A_190 = arith.cmpi slt, %squeeze3A_183, %sign3A_189 : i32
    %sign3A_191 = arith.extui %sign3A_190 : i1 to i32
    %sign3A_192 = arith.subi %sign3A_188, %sign3A_191 : i32
    %sign3A_193 = arith.constant 0 : i32
    %sign3A_194 = arith.cmpi sgt, %jit3A_184, %sign3A_193 : i32
    %sign3A_195 = arith.extui %sign3A_194 : i1 to i32
    %sign3A_196 = arith.constant 0 : i32
    %sign3A_197 = arith.cmpi slt, %jit3A_184, %sign3A_196 : i32
    %sign3A_198 = arith.extui %sign3A_197 : i1 to i32
    %sign3A_199 = arith.subi %sign3A_195, %sign3A_198 : i32
    %ne3A_200 = arith.cmpi ne, %sign3A_192, %sign3A_199 : i32
    %rem3A_201 = arith.remsi %squeeze3A_183, %jit3A_184 : i32
    %ne3A_202 = arith.constant 0 : i32
    %ne3A_203 = arith.cmpi ne, %rem3A_201, %ne3A_202 : i32
    %and3A_204 = arith.andi %ne3A_200, %ne3A_203 : i1
    %sub3A_205 = arith.constant 1 : i32
    %sub3A_206 = arith.subi %div3A_185, %sub3A_205 : i32
    %select_n3A_207 = arith.select %and3A_204, %sub3A_206, %div3A_185 : i32
    %mul3A_208 = arith.constant 128 : i32
    %mul3A_209 = arith.muli %select_n3A_207, %mul3A_208 : i32
    %multiple_of3A_210 = tpu.assume_multiple %mul3A_209, 128 : i32
    %add3A_211 = arith.constant 3 : i32
    %add3A_212 = arith.addi %mul3A_15, %add3A_211 : i32
    %dma_start3A_213 = arith.constant 0 : i32
    %dma_start3A_214 = arith.constant 0 : i32
    %dma_start3A_215 = arith.constant 0 : i32
    %dma_start3A_216 = tpu.memref_slice %arg6[%add3A_212, %dma_start3A_213, %dma_start3A_214, %dma_start3A_215] : memref<16x2x8x128xf32, #tpu.memory_space<vmem>> -> memref<1x1x8x128xf32, #tpu.memory_space<vmem>>
    %dma_start3A_217 = tpu.memref_squeeze %dma_start3A_216 : memref<1x1x8x128xf32, #tpu.memory_space<vmem>> -> memref<8x128xf32, #tpu.memory_space<vmem>>
    %dma_start3A_218 = arith.constant 0 : i32
    %dma_start3A_219 = tpu.memref_slice %arg3[%dma_start3A_218, %multiple_of3A_210] : memref<16x1000000xf32, #tpu.memory_space<hbm>> -> memref<8x128xf32, #tpu.memory_space<hbm>>
    %dma_start3A_220 = arith.constant 0 : i32
    %dma_start3A_221 = arith.constant 0 : i32
    %dma_start3A_222 = tpu.memref_slice %arg6[%add3A_212, %dma_start3A_213, %dma_start3A_220, %dma_start3A_221] : memref<16x2x8x128xf32, #tpu.memory_space<vmem>> -> memref<1x1x8x128xf32, #tpu.memory_space<vmem>>
    %dma_start3A_223 = tpu.memref_squeeze %dma_start3A_222 : memref<1x1x8x128xf32, #tpu.memory_space<vmem>> -> memref<8x128xf32, #tpu.memory_space<vmem>>
    %dma_start3A_224 = arith.constant 0 : i32
    %dma_start3A_225 = tpu.memref_slice %arg3[%dma_start3A_224, %multiple_of3A_210] : memref<16x1000000xf32, #tpu.memory_space<hbm>> -> memref<8x128xf32, #tpu.memory_space<hbm>>
    tpu.enqueue_dma source(%dma_start3A_225 : memref<8x128xf32, #tpu.memory_space<hbm>>) target(%dma_start3A_223 : memref<8x128xf32, #tpu.memory_space<vmem>>) target_semaphore(%arg8 : memref<!tpu.dma_semaphore, #tpu.memory_space<semaphore_mem>>)
    %add3A_226 = arith.constant 3 : i32
    %add3A_227 = arith.addi %mul3A_15, %add3A_226 : i32
    %dma_start3A_228 = arith.constant 1 : i32
    %dma_start3A_229 = arith.constant 0 : i32
    %dma_start3A_230 = arith.constant 0 : i32
    %dma_start3A_231 = tpu.memref_slice %arg6[%add3A_227, %dma_start3A_228, %dma_start3A_229, %dma_start3A_230] : memref<16x2x8x128xf32, #tpu.memory_space<vmem>> -> memref<1x1x8x128xf32, #tpu.memory_space<vmem>>
    %dma_start3A_232 = tpu.memref_squeeze %dma_start3A_231 : memref<1x1x8x128xf32, #tpu.memory_space<vmem>> -> memref<8x128xf32, #tpu.memory_space<vmem>>
    %dma_start3A_233 = arith.constant 8 : i32
    %dma_start3A_234 = tpu.memref_slice %arg3[%dma_start3A_233, %multiple_of3A_210] : memref<16x1000000xf32, #tpu.memory_space<hbm>> -> memref<8x128xf32, #tpu.memory_space<hbm>>
    %dma_start3A_235 = arith.constant 0 : i32
    %dma_start3A_236 = arith.constant 0 : i32
    %dma_start3A_237 = tpu.memref_slice %arg6[%add3A_227, %dma_start3A_228, %dma_start3A_235, %dma_start3A_236] : memref<16x2x8x128xf32, #tpu.memory_space<vmem>> -> memref<1x1x8x128xf32, #tpu.memory_space<vmem>>
    %dma_start3A_238 = tpu.memref_squeeze %dma_start3A_237 : memref<1x1x8x128xf32, #tpu.memory_space<vmem>> -> memref<8x128xf32, #tpu.memory_space<vmem>>
    %dma_start3A_239 = arith.constant 8 : i32
    %dma_start3A_240 = tpu.memref_slice %arg3[%dma_start3A_239, %multiple_of3A_210] : memref<16x1000000xf32, #tpu.memory_space<hbm>> -> memref<8x128xf32, #tpu.memory_space<hbm>>
    tpu.enqueue_dma source(%dma_start3A_240 : memref<8x128xf32, #tpu.memory_space<hbm>>) target(%dma_start3A_238 : memref<8x128xf32, #tpu.memory_space<vmem>>) target_semaphore(%arg8 : memref<!tpu.dma_semaphore, #tpu.memory_space<semaphore_mem>>)
    %slice3A_241 = vector.extract_strided_slice %get3A_11 {offsets = [4], sizes = [1], strides = [1]} : vector<16xi32> to vector<1xi32>
    %squeeze3A_242 = vector.extract %slice3A_241[0] : i32 from vector<1xi32>
    %jit3A_243 = arith.constant 128 : i32
    %div3A_244 = arith.divsi %squeeze3A_242, %jit3A_243 : i32
    %sign3A_245 = arith.constant 0 : i32
    %sign3A_246 = arith.cmpi sgt, %squeeze3A_242, %sign3A_245 : i32
    %sign3A_247 = arith.extui %sign3A_246 : i1 to i32
    %sign3A_248 = arith.constant 0 : i32
    %sign3A_249 = arith.cmpi slt, %squeeze3A_242, %sign3A_248 : i32
    %sign3A_250 = arith.extui %sign3A_249 : i1 to i32
    %sign3A_251 = arith.subi %sign3A_247, %sign3A_250 : i32
    %sign3A_252 = arith.constant 0 : i32
    %sign3A_253 = arith.cmpi sgt, %jit3A_243, %sign3A_252 : i32
    %sign3A_254 = arith.extui %sign3A_253 : i1 to i32
    %sign3A_255 = arith.constant 0 : i32
    %sign3A_256 = arith.cmpi slt, %jit3A_243, %sign3A_255 : i32
    %sign3A_257 = arith.extui %sign3A_256 : i1 to i32
    %sign3A_258 = arith.subi %sign3A_254, %sign3A_257 : i32
    %ne3A_259 = arith.cmpi ne, %sign3A_251, %sign3A_258 : i32
    %rem3A_260 = arith.remsi %squeeze3A_242, %jit3A_243 : i32
    %ne3A_261 = arith.constant 0 : i32
    %ne3A_262 = arith.cmpi ne, %rem3A_260, %ne3A_261 : i32
    %and3A_263 = arith.andi %ne3A_259, %ne3A_262 : i1
    %sub3A_264 = arith.constant 1 : i32
    %sub3A_265 = arith.subi %div3A_244, %sub3A_264 : i32
    %select_n3A_266 = arith.select %and3A_263, %sub3A_265, %div3A_244 : i32
    %mul3A_267 = arith.constant 128 : i32
    %mul3A_268 = arith.muli %select_n3A_266, %mul3A_267 : i32
    %multiple_of3A_269 = tpu.assume_multiple %mul3A_268, 128 : i32
    %add3A_270 = arith.constant 4 : i32
    %add3A_271 = arith.addi %mul3A_15, %add3A_270 : i32
    %dma_start3A_272 = arith.constant 0 : i32
    %dma_start3A_273 = arith.constant 0 : i32
    %dma_start3A_274 = arith.constant 0 : i32
    %dma_start3A_275 = tpu.memref_slice %arg6[%add3A_271, %dma_start3A_272, %dma_start3A_273, %dma_start3A_274] : memref<16x2x8x128xf32, #tpu.memory_space<vmem>> -> memref<1x1x8x128xf32, #tpu.memory_space<vmem>>
    %dma_start3A_276 = tpu.memref_squeeze %dma_start3A_275 : memref<1x1x8x128xf32, #tpu.memory_space<vmem>> -> memref<8x128xf32, #tpu.memory_space<vmem>>
    %dma_start3A_277 = arith.constant 0 : i32
    %dma_start3A_278 = tpu.memref_slice %arg3[%dma_start3A_277, %multiple_of3A_269] : memref<16x1000000xf32, #tpu.memory_space<hbm>> -> memref<8x128xf32, #tpu.memory_space<hbm>>
    %dma_start3A_279 = arith.constant 0 : i32
    %dma_start3A_280 = arith.constant 0 : i32
    %dma_start3A_281 = tpu.memref_slice %arg6[%add3A_271, %dma_start3A_272, %dma_start3A_279, %dma_start3A_280] : memref<16x2x8x128xf32, #tpu.memory_space<vmem>> -> memref<1x1x8x128xf32, #tpu.memory_space<vmem>>
    %dma_start3A_282 = tpu.memref_squeeze %dma_start3A_281 : memref<1x1x8x128xf32, #tpu.memory_space<vmem>> -> memref<8x128xf32, #tpu.memory_space<vmem>>
    %dma_start3A_283 = arith.constant 0 : i32
    %dma_start3A_284 = tpu.memref_slice %arg3[%dma_start3A_283, %multiple_of3A_269] : memref<16x1000000xf32, #tpu.memory_space<hbm>> -> memref<8x128xf32, #tpu.memory_space<hbm>>
    tpu.enqueue_dma source(%dma_start3A_284 : memref<8x128xf32, #tpu.memory_space<hbm>>) target(%dma_start3A_282 : memref<8x128xf32, #tpu.memory_space<vmem>>) target_semaphore(%arg8 : memref<!tpu.dma_semaphore, #tpu.memory_space<semaphore_mem>>)
    %add3A_285 = arith.constant 4 : i32
    %add3A_286 = arith.addi %mul3A_15, %add3A_285 : i32
    %dma_start3A_287 = arith.constant 1 : i32
    %dma_start3A_288 = arith.constant 0 : i32
    %dma_start3A_289 = arith.constant 0 : i32
    %dma_start3A_290 = tpu.memref_slice %arg6[%add3A_286, %dma_start3A_287, %dma_start3A_288, %dma_start3A_289] : memref<16x2x8x128xf32, #tpu.memory_space<vmem>> -> memref<1x1x8x128xf32, #tpu.memory_space<vmem>>
    %dma_start3A_291 = tpu.memref_squeeze %dma_start3A_290 : memref<1x1x8x128xf32, #tpu.memory_space<vmem>> -> memref<8x128xf32, #tpu.memory_space<vmem>>
    %dma_start3A_292 = arith.constant 8 : i32
    %dma_start3A_293 = tpu.memref_slice %arg3[%dma_start3A_292, %multiple_of3A_269] : memref<16x1000000xf32, #tpu.memory_space<hbm>> -> memref<8x128xf32, #tpu.memory_space<hbm>>
    %dma_start3A_294 = arith.constant 0 : i32
    %dma_start3A_295 = arith.constant 0 : i32
    %dma_start3A_296 = tpu.memref_slice %arg6[%add3A_286, %dma_start3A_287, %dma_start3A_294, %dma_start3A_295] : memref<16x2x8x128xf32, #tpu.memory_space<vmem>> -> memref<1x1x8x128xf32, #tpu.memory_space<vmem>>
    %dma_start3A_297 = tpu.memref_squeeze %dma_start3A_296 : memref<1x1x8x128xf32, #tpu.memory_space<vmem>> -> memref<8x128xf32, #tpu.memory_space<vmem>>
    %dma_start3A_298 = arith.constant 8 : i32
    %dma_start3A_299 = tpu.memref_slice %arg3[%dma_start3A_298, %multiple_of3A_269] : memref<16x1000000xf32, #tpu.memory_space<hbm>> -> memref<8x128xf32, #tpu.memory_space<hbm>>
    tpu.enqueue_dma source(%dma_start3A_299 : memref<8x128xf32, #tpu.memory_space<hbm>>) target(%dma_start3A_297 : memref<8x128xf32, #tpu.memory_space<vmem>>) target_semaphore(%arg8 : memref<!tpu.dma_semaphore, #tpu.memory_space<semaphore_mem>>)
    %slice3A_300 = vector.extract_strided_slice %get3A_11 {offsets = [5], sizes = [1], strides = [1]} : vector<16xi32> to vector<1xi32>
    %squeeze3A_301 = vector.extract %slice3A_300[0] : i32 from vector<1xi32>
    %jit3A_302 = arith.constant 128 : i32
    %div3A_303 = arith.divsi %squeeze3A_301, %jit3A_302 : i32
    %sign3A_304 = arith.constant 0 : i32
    %sign3A_305 = arith.cmpi sgt, %squeeze3A_301, %sign3A_304 : i32
    %sign3A_306 = arith.extui %sign3A_305 : i1 to i32
    %sign3A_307 = arith.constant 0 : i32
    %sign3A_308 = arith.cmpi slt, %squeeze3A_301, %sign3A_307 : i32
    %sign3A_309 = arith.extui %sign3A_308 : i1 to i32
    %sign3A_310 = arith.subi %sign3A_306, %sign3A_309 : i32
    %sign3A_311 = arith.constant 0 : i32
    %sign3A_312 = arith.cmpi sgt, %jit3A_302, %sign3A_311 : i32
    %sign3A_313 = arith.extui %sign3A_312 : i1 to i32
    %sign3A_314 = arith.constant 0 : i32
    %sign3A_315 = arith.cmpi slt, %jit3A_302, %sign3A_314 : i32
    %sign3A_316 = arith.extui %sign3A_315 : i1 to i32
    %sign3A_317 = arith.subi %sign3A_313, %sign3A_316 : i32
    %ne3A_318 = arith.cmpi ne, %sign3A_310, %sign3A_317 : i32
    %rem3A_319 = arith.remsi %squeeze3A_301, %jit3A_302 : i32
    %ne3A_320 = arith.constant 0 : i32
    %ne3A_321 = arith.cmpi ne, %rem3A_319, %ne3A_320 : i32
    %and3A_322 = arith.andi %ne3A_318, %ne3A_321 : i1
    %sub3A_323 = arith.constant 1 : i32
    %sub3A_324 = arith.subi %div3A_303, %sub3A_323 : i32
    %select_n3A_325 = arith.select %and3A_322, %sub3A_324, %div3A_303 : i32
    %mul3A_326 = arith.constant 128 : i32
    %mul3A_327 = arith.muli %select_n3A_325, %mul3A_326 : i32
    %multiple_of3A_328 = tpu.assume_multiple %mul3A_327, 128 : i32
    %add3A_329 = arith.constant 5 : i32
    %add3A_330 = arith.addi %mul3A_15, %add3A_329 : i32
    %dma_start3A_331 = arith.constant 0 : i32
    %dma_start3A_332 = arith.constant 0 : i32
    %dma_start3A_333 = arith.constant 0 : i32
    %dma_start3A_334 = tpu.memref_slice %arg6[%add3A_330, %dma_start3A_331, %dma_start3A_332, %dma_start3A_333] : memref<16x2x8x128xf32, #tpu.memory_space<vmem>> -> memref<1x1x8x128xf32, #tpu.memory_space<vmem>>
    %dma_start3A_335 = tpu.memref_squeeze %dma_start3A_334 : memref<1x1x8x128xf32, #tpu.memory_space<vmem>> -> memref<8x128xf32, #tpu.memory_space<vmem>>
    %dma_start3A_336 = arith.constant 0 : i32
    %dma_start3A_337 = tpu.memref_slice %arg3[%dma_start3A_336, %multiple_of3A_328] : memref<16x1000000xf32, #tpu.memory_space<hbm>> -> memref<8x128xf32, #tpu.memory_space<hbm>>
    %dma_start3A_338 = arith.constant 0 : i32
    %dma_start3A_339 = arith.constant 0 : i32
    %dma_start3A_340 = tpu.memref_slice %arg6[%add3A_330, %dma_start3A_331, %dma_start3A_338, %dma_start3A_339] : memref<16x2x8x128xf32, #tpu.memory_space<vmem>> -> memref<1x1x8x128xf32, #tpu.memory_space<vmem>>
    %dma_start3A_341 = tpu.memref_squeeze %dma_start3A_340 : memref<1x1x8x128xf32, #tpu.memory_space<vmem>> -> memref<8x128xf32, #tpu.memory_space<vmem>>
    %dma_start3A_342 = arith.constant 0 : i32
    %dma_start3A_343 = tpu.memref_slice %arg3[%dma_start3A_342, %multiple_of3A_328] : memref<16x1000000xf32, #tpu.memory_space<hbm>> -> memref<8x128xf32, #tpu.memory_space<hbm>>
    tpu.enqueue_dma source(%dma_start3A_343 : memref<8x128xf32, #tpu.memory_space<hbm>>) target(%dma_start3A_341 : memref<8x128xf32, #tpu.memory_space<vmem>>) target_semaphore(%arg8 : memref<!tpu.dma_semaphore, #tpu.memory_space<semaphore_mem>>)
    %add3A_344 = arith.constant 5 : i32
    %add3A_345 = arith.addi %mul3A_15, %add3A_344 : i32
    %dma_start3A_346 = arith.constant 1 : i32
    %dma_start3A_347 = arith.constant 0 : i32
    %dma_start3A_348 = arith.constant 0 : i32
    %dma_start3A_349 = tpu.memref_slice %arg6[%add3A_345, %dma_start3A_346, %dma_start3A_347, %dma_start3A_348] : memref<16x2x8x128xf32, #tpu.memory_space<vmem>> -> memref<1x1x8x128xf32, #tpu.memory_space<vmem>>
    %dma_start3A_350 = tpu.memref_squeeze %dma_start3A_349 : memref<1x1x8x128xf32, #tpu.memory_space<vmem>> -> memref<8x128xf32, #tpu.memory_space<vmem>>
    %dma_start3A_351 = arith.constant 8 : i32
    %dma_start3A_352 = tpu.memref_slice %arg3[%dma_start3A_351, %multiple_of3A_328] : memref<16x1000000xf32, #tpu.memory_space<hbm>> -> memref<8x128xf32, #tpu.memory_space<hbm>>
    %dma_start3A_353 = arith.constant 0 : i32
    %dma_start3A_354 = arith.constant 0 : i32
    %dma_start3A_355 = tpu.memref_slice %arg6[%add3A_345, %dma_start3A_346, %dma_start3A_353, %dma_start3A_354] : memref<16x2x8x128xf32, #tpu.memory_space<vmem>> -> memref<1x1x8x128xf32, #tpu.memory_space<vmem>>
    %dma_start3A_356 = tpu.memref_squeeze %dma_start3A_355 : memref<1x1x8x128xf32, #tpu.memory_space<vmem>> -> memref<8x128xf32, #tpu.memory_space<vmem>>
    %dma_start3A_357 = arith.constant 8 : i32
    %dma_start3A_358 = tpu.memref_slice %arg3[%dma_start3A_357, %multiple_of3A_328] : memref<16x1000000xf32, #tpu.memory_space<hbm>> -> memref<8x128xf32, #tpu.memory_space<hbm>>
    tpu.enqueue_dma source(%dma_start3A_358 : memref<8x128xf32, #tpu.memory_space<hbm>>) target(%dma_start3A_356 : memref<8x128xf32, #tpu.memory_space<vmem>>) target_semaphore(%arg8 : memref<!tpu.dma_semaphore, #tpu.memory_space<semaphore_mem>>)
    %slice3A_359 = vector.extract_strided_slice %get3A_11 {offsets = [6], sizes = [1], strides = [1]} : vector<16xi32> to vector<1xi32>
    %squeeze3A_360 = vector.extract %slice3A_359[0] : i32 from vector<1xi32>
    %jit3A_361 = arith.constant 128 : i32
    %div3A_362 = arith.divsi %squeeze3A_360, %jit3A_361 : i32
    %sign3A_363 = arith.constant 0 : i32
    %sign3A_364 = arith.cmpi sgt, %squeeze3A_360, %sign3A_363 : i32
    %sign3A_365 = arith.extui %sign3A_364 : i1 to i32
    %sign3A_366 = arith.constant 0 : i32
    %sign3A_367 = arith.cmpi slt, %squeeze3A_360, %sign3A_366 : i32
    %sign3A_368 = arith.extui %sign3A_367 : i1 to i32
    %sign3A_369 = arith.subi %sign3A_365, %sign3A_368 : i32
    %sign3A_370 = arith.constant 0 : i32
    %sign3A_371 = arith.cmpi sgt, %jit3A_361, %sign3A_370 : i32
    %sign3A_372 = arith.extui %sign3A_371 : i1 to i32
    %sign3A_373 = arith.constant 0 : i32
    %sign3A_374 = arith.cmpi slt, %jit3A_361, %sign3A_373 : i32
    %sign3A_375 = arith.extui %sign3A_374 : i1 to i32
    %sign3A_376 = arith.subi %sign3A_372, %sign3A_375 : i32
    %ne3A_377 = arith.cmpi ne, %sign3A_369, %sign3A_376 : i32
    %rem3A_378 = arith.remsi %squeeze3A_360, %jit3A_361 : i32
    %ne3A_379 = arith.constant 0 : i32
    %ne3A_380 = arith.cmpi ne, %rem3A_378, %ne3A_379 : i32
    %and3A_381 = arith.andi %ne3A_377, %ne3A_380 : i1
    %sub3A_382 = arith.constant 1 : i32
    %sub3A_383 = arith.subi %div3A_362, %sub3A_382 : i32
    %select_n3A_384 = arith.select %and3A_381, %sub3A_383, %div3A_362 : i32
    %mul3A_385 = arith.constant 128 : i32
    %mul3A_386 = arith.muli %select_n3A_384, %mul3A_385 : i32
    %multiple_of3A_387 = tpu.assume_multiple %mul3A_386, 128 : i32
    %add3A_388 = arith.constant 6 : i32
    %add3A_389 = arith.addi %mul3A_15, %add3A_388 : i32
    %dma_start3A_390 = arith.constant 0 : i32
    %dma_start3A_391 = arith.constant 0 : i32
    %dma_start3A_392 = arith.constant 0 : i32
    %dma_start3A_393 = tpu.memref_slice %arg6[%add3A_389, %dma_start3A_390, %dma_start3A_391, %dma_start3A_392] : memref<16x2x8x128xf32, #tpu.memory_space<vmem>> -> memref<1x1x8x128xf32, #tpu.memory_space<vmem>>
    %dma_start3A_394 = tpu.memref_squeeze %dma_start3A_393 : memref<1x1x8x128xf32, #tpu.memory_space<vmem>> -> memref<8x128xf32, #tpu.memory_space<vmem>>
    %dma_start3A_395 = arith.constant 0 : i32
    %dma_start3A_396 = tpu.memref_slice %arg3[%dma_start3A_395, %multiple_of3A_387] : memref<16x1000000xf32, #tpu.memory_space<hbm>> -> memref<8x128xf32, #tpu.memory_space<hbm>>
    %dma_start3A_397 = arith.constant 0 : i32
    %dma_start3A_398 = arith.constant 0 : i32
    %dma_start3A_399 = tpu.memref_slice %arg6[%add3A_389, %dma_start3A_390, %dma_start3A_397, %dma_start3A_398] : memref<16x2x8x128xf32, #tpu.memory_space<vmem>> -> memref<1x1x8x128xf32, #tpu.memory_space<vmem>>
    %dma_start3A_400 = tpu.memref_squeeze %dma_start3A_399 : memref<1x1x8x128xf32, #tpu.memory_space<vmem>> -> memref<8x128xf32, #tpu.memory_space<vmem>>
    %dma_start3A_401 = arith.constant 0 : i32
    %dma_start3A_402 = tpu.memref_slice %arg3[%dma_start3A_401, %multiple_of3A_387] : memref<16x1000000xf32, #tpu.memory_space<hbm>> -> memref<8x128xf32, #tpu.memory_space<hbm>>
    tpu.enqueue_dma source(%dma_start3A_402 : memref<8x128xf32, #tpu.memory_space<hbm>>) target(%dma_start3A_400 : memref<8x128xf32, #tpu.memory_space<vmem>>) target_semaphore(%arg8 : memref<!tpu.dma_semaphore, #tpu.memory_space<semaphore_mem>>)
    %add3A_403 = arith.constant 6 : i32
    %add3A_404 = arith.addi %mul3A_15, %add3A_403 : i32
    %dma_start3A_405 = arith.constant 1 : i32
    %dma_start3A_406 = arith.constant 0 : i32
    %dma_start3A_407 = arith.constant 0 : i32
    %dma_start3A_408 = tpu.memref_slice %arg6[%add3A_404, %dma_start3A_405, %dma_start3A_406, %dma_start3A_407] : memref<16x2x8x128xf32, #tpu.memory_space<vmem>> -> memref<1x1x8x128xf32, #tpu.memory_space<vmem>>
    %dma_start3A_409 = tpu.memref_squeeze %dma_start3A_408 : memref<1x1x8x128xf32, #tpu.memory_space<vmem>> -> memref<8x128xf32, #tpu.memory_space<vmem>>
    %dma_start3A_410 = arith.constant 8 : i32
    %dma_start3A_411 = tpu.memref_slice %arg3[%dma_start3A_410, %multiple_of3A_387] : memref<16x1000000xf32, #tpu.memory_space<hbm>> -> memref<8x128xf32, #tpu.memory_space<hbm>>
    %dma_start3A_412 = arith.constant 0 : i32
    %dma_start3A_413 = arith.constant 0 : i32
    %dma_start3A_414 = tpu.memref_slice %arg6[%add3A_404, %dma_start3A_405, %dma_start3A_412, %dma_start3A_413] : memref<16x2x8x128xf32, #tpu.memory_space<vmem>> -> memref<1x1x8x128xf32, #tpu.memory_space<vmem>>
    %dma_start3A_415 = tpu.memref_squeeze %dma_start3A_414 : memref<1x1x8x128xf32, #tpu.memory_space<vmem>> -> memref<8x128xf32, #tpu.memory_space<vmem>>
    %dma_start3A_416 = arith.constant 8 : i32
    %dma_start3A_417 = tpu.memref_slice %arg3[%dma_start3A_416, %multiple_of3A_387] : memref<16x1000000xf32, #tpu.memory_space<hbm>> -> memref<8x128xf32, #tpu.memory_space<hbm>>
    tpu.enqueue_dma source(%dma_start3A_417 : memref<8x128xf32, #tpu.memory_space<hbm>>) target(%dma_start3A_415 : memref<8x128xf32, #tpu.memory_space<vmem>>) target_semaphore(%arg8 : memref<!tpu.dma_semaphore, #tpu.memory_space<semaphore_mem>>)
    %slice3A_418 = vector.extract_strided_slice %get3A_11 {offsets = [7], sizes = [1], strides = [1]} : vector<16xi32> to vector<1xi32>
    %squeeze3A_419 = vector.extract %slice3A_418[0] : i32 from vector<1xi32>
    %jit3A_420 = arith.constant 128 : i32
    %div3A_421 = arith.divsi %squeeze3A_419, %jit3A_420 : i32
    %sign3A_422 = arith.constant 0 : i32
    %sign3A_423 = arith.cmpi sgt, %squeeze3A_419, %sign3A_422 : i32
    %sign3A_424 = arith.extui %sign3A_423 : i1 to i32
    %sign3A_425 = arith.constant 0 : i32
    %sign3A_426 = arith.cmpi slt, %squeeze3A_419, %sign3A_425 : i32
    %sign3A_427 = arith.extui %sign3A_426 : i1 to i32
    %sign3A_428 = arith.subi %sign3A_424, %sign3A_427 : i32
    %sign3A_429 = arith.constant 0 : i32
    %sign3A_430 = arith.cmpi sgt, %jit3A_420, %sign3A_429 : i32
    %sign3A_431 = arith.extui %sign3A_430 : i1 to i32
    %sign3A_432 = arith.constant 0 : i32
    %sign3A_433 = arith.cmpi slt, %jit3A_420, %sign3A_432 : i32
    %sign3A_434 = arith.extui %sign3A_433 : i1 to i32
    %sign3A_435 = arith.subi %sign3A_431, %sign3A_434 : i32
    %ne3A_436 = arith.cmpi ne, %sign3A_428, %sign3A_435 : i32
    %rem3A_437 = arith.remsi %squeeze3A_419, %jit3A_420 : i32
    %ne3A_438 = arith.constant 0 : i32
    %ne3A_439 = arith.cmpi ne, %rem3A_437, %ne3A_438 : i32
    %and3A_440 = arith.andi %ne3A_436, %ne3A_439 : i1
    %sub3A_441 = arith.constant 1 : i32
    %sub3A_442 = arith.subi %div3A_421, %sub3A_441 : i32
    %select_n3A_443 = arith.select %and3A_440, %sub3A_442, %div3A_421 : i32
    %mul3A_444 = arith.constant 128 : i32
    %mul3A_445 = arith.muli %select_n3A_443, %mul3A_444 : i32
    %multiple_of3A_446 = tpu.assume_multiple %mul3A_445, 128 : i32
    %add3A_447 = arith.constant 7 : i32
    %add3A_448 = arith.addi %mul3A_15, %add3A_447 : i32
    %dma_start3A_449 = arith.constant 0 : i32
    %dma_start3A_450 = arith.constant 0 : i32
    %dma_start3A_451 = arith.constant 0 : i32
    %dma_start3A_452 = tpu.memref_slice %arg6[%add3A_448, %dma_start3A_449, %dma_start3A_450, %dma_start3A_451] : memref<16x2x8x128xf32, #tpu.memory_space<vmem>> -> memref<1x1x8x128xf32, #tpu.memory_space<vmem>>
    %dma_start3A_453 = tpu.memref_squeeze %dma_start3A_452 : memref<1x1x8x128xf32, #tpu.memory_space<vmem>> -> memref<8x128xf32, #tpu.memory_space<vmem>>
    %dma_start3A_454 = arith.constant 0 : i32
    %dma_start3A_455 = tpu.memref_slice %arg3[%dma_start3A_454, %multiple_of3A_446] : memref<16x1000000xf32, #tpu.memory_space<hbm>> -> memref<8x128xf32, #tpu.memory_space<hbm>>
    %dma_start3A_456 = arith.constant 0 : i32
    %dma_start3A_457 = arith.constant 0 : i32
    %dma_start3A_458 = tpu.memref_slice %arg6[%add3A_448, %dma_start3A_449, %dma_start3A_456, %dma_start3A_457] : memref<16x2x8x128xf32, #tpu.memory_space<vmem>> -> memref<1x1x8x128xf32, #tpu.memory_space<vmem>>
    %dma_start3A_459 = tpu.memref_squeeze %dma_start3A_458 : memref<1x1x8x128xf32, #tpu.memory_space<vmem>> -> memref<8x128xf32, #tpu.memory_space<vmem>>
    %dma_start3A_460 = arith.constant 0 : i32
    %dma_start3A_461 = tpu.memref_slice %arg3[%dma_start3A_460, %multiple_of3A_446] : memref<16x1000000xf32, #tpu.memory_space<hbm>> -> memref<8x128xf32, #tpu.memory_space<hbm>>
    tpu.enqueue_dma source(%dma_start3A_461 : memref<8x128xf32, #tpu.memory_space<hbm>>) target(%dma_start3A_459 : memref<8x128xf32, #tpu.memory_space<vmem>>) target_semaphore(%arg8 : memref<!tpu.dma_semaphore, #tpu.memory_space<semaphore_mem>>)
    %add3A_462 = arith.constant 7 : i32
    %add3A_463 = arith.addi %mul3A_15, %add3A_462 : i32
    %dma_start3A_464 = arith.constant 1 : i32
    %dma_start3A_465 = arith.constant 0 : i32
    %dma_start3A_466 = arith.constant 0 : i32
    %dma_start3A_467 = tpu.memref_slice %arg6[%add3A_463, %dma_start3A_464, %dma_start3A_465, %dma_start3A_466] : memref<16x2x8x128xf32, #tpu.memory_space<vmem>> -> memref<1x1x8x128xf32, #tpu.memory_space<vmem>>
    %dma_start3A_468 = tpu.memref_squeeze %dma_start3A_467 : memref<1x1x8x128xf32, #tpu.memory_space<vmem>> -> memref<8x128xf32, #tpu.memory_space<vmem>>
    %dma_start3A_469 = arith.constant 8 : i32
    %dma_start3A_470 = tpu.memref_slice %arg3[%dma_start3A_469, %multiple_of3A_446] : memref<16x1000000xf32, #tpu.memory_space<hbm>> -> memref<8x128xf32, #tpu.memory_space<hbm>>
    %dma_start3A_471 = arith.constant 0 : i32
    %dma_start3A_472 = arith.constant 0 : i32
    %dma_start3A_473 = tpu.memref_slice %arg6[%add3A_463, %dma_start3A_464, %dma_start3A_471, %dma_start3A_472] : memref<16x2x8x128xf32, #tpu.memory_space<vmem>> -> memref<1x1x8x128xf32, #tpu.memory_space<vmem>>
    %dma_start3A_474 = tpu.memref_squeeze %dma_start3A_473 : memref<1x1x8x128xf32, #tpu.memory_space<vmem>> -> memref<8x128xf32, #tpu.memory_space<vmem>>
    %dma_start3A_475 = arith.constant 8 : i32
    %dma_start3A_476 = tpu.memref_slice %arg3[%dma_start3A_475, %multiple_of3A_446] : memref<16x1000000xf32, #tpu.memory_space<hbm>> -> memref<8x128xf32, #tpu.memory_space<hbm>>
    tpu.enqueue_dma source(%dma_start3A_476 : memref<8x128xf32, #tpu.memory_space<hbm>>) target(%dma_start3A_474 : memref<8x128xf32, #tpu.memory_space<vmem>>) target_semaphore(%arg8 : memref<!tpu.dma_semaphore, #tpu.memory_space<semaphore_mem>>)
    %scan3A_477 = arith.constant 0 : i32
    %scan3A_478 = arith.constant 0 : i32
    %scan3A_479 = arith.constant 64 : i32
    %scan3A_480 = arith.addi %scan3A_478, %scan3A_479 : i32
    %scan3A_481 = arith.constant 1 : i32
    scf.for %scan3A_489 = %scan3A_478 to %scan3A_480 step %scan3A_481  : i32 {
      %dma_wait3A = arith.constant 0 : i32
      %dma_wait3A_490 = arith.constant 0 : i32
      %dma_wait3A_491 = arith.constant 0 : i32
      %dma_wait3A_492 = arith.constant 0 : i32
      %dma_wait3A_493 = tpu.memref_slice %arg6[%dma_wait3A, %dma_wait3A_490, %dma_wait3A_491, %dma_wait3A_492] : memref<16x2x8x128xf32, #tpu.memory_space<vmem>> -> memref<1x1x8x128xf32, #tpu.memory_space<vmem>>
      %dma_wait3A_494 = tpu.memref_squeeze %dma_wait3A_493 : memref<1x1x8x128xf32, #tpu.memory_space<vmem>> -> memref<8x128xf32, #tpu.memory_space<vmem>>
      %dma_wait3A_495 = arith.constant 0 : i32
      %dma_wait3A_496 = arith.constant 0 : i32
      %dma_wait3A_497 = tpu.memref_slice %arg3[%dma_wait3A_495, %dma_wait3A_496] : memref<16x1000000xf32, #tpu.memory_space<hbm>> -> memref<8x128xf32, #tpu.memory_space<hbm>>
      %dma_wait3A_498 = arith.constant 0 : i32
      %dma_wait3A_499 = arith.constant 0 : i32
      %dma_wait3A_500 = tpu.memref_slice %arg6[%dma_wait3A, %dma_wait3A_490, %dma_wait3A_498, %dma_wait3A_499] : memref<16x2x8x128xf32, #tpu.memory_space<vmem>> -> memref<1x1x8x128xf32, #tpu.memory_space<vmem>>
      %dma_wait3A_501 = tpu.memref_squeeze %dma_wait3A_500 : memref<1x1x8x128xf32, #tpu.memory_space<vmem>> -> memref<8x128xf32, #tpu.memory_space<vmem>>
      %dma_wait3A_502 = arith.constant 0 : i32
      %dma_wait3A_503 = arith.constant 0 : i32
      %dma_wait3A_504 = tpu.memref_slice %arg3[%dma_wait3A_502, %dma_wait3A_503] : memref<16x1000000xf32, #tpu.memory_space<hbm>> -> memref<8x128xf32, #tpu.memory_space<hbm>>
      tpu.wait_dma2 semaphore(%arg8 : memref<!tpu.dma_semaphore, #tpu.memory_space<semaphore_mem>>) src(%dma_wait3A_504 : memref<8x128xf32, #tpu.memory_space<hbm>>) dst(%dma_wait3A_501 : memref<8x128xf32, #tpu.memory_space<vmem>>)
      %dma_wait3A_505 = arith.constant 0 : i32
      %dma_wait3A_506 = arith.constant 0 : i32
      %dma_wait3A_507 = arith.constant 0 : i32
      %dma_wait3A_508 = arith.constant 0 : i32
      %dma_wait3A_509 = tpu.memref_slice %arg6[%dma_wait3A_505, %dma_wait3A_506, %dma_wait3A_507, %dma_wait3A_508] : memref<16x2x8x128xf32, #tpu.memory_space<vmem>> -> memref<1x1x8x128xf32, #tpu.memory_space<vmem>>
      %dma_wait3A_510 = tpu.memref_squeeze %dma_wait3A_509 : memref<1x1x8x128xf32, #tpu.memory_space<vmem>> -> memref<8x128xf32, #tpu.memory_space<vmem>>
      %dma_wait3A_511 = arith.constant 0 : i32
      %dma_wait3A_512 = arith.constant 0 : i32
      %dma_wait3A_513 = tpu.memref_slice %arg3[%dma_wait3A_511, %dma_wait3A_512] : memref<16x1000000xf32, #tpu.memory_space<hbm>> -> memref<8x128xf32, #tpu.memory_space<hbm>>
      %dma_wait3A_514 = arith.constant 0 : i32
      %dma_wait3A_515 = arith.constant 0 : i32
      %dma_wait3A_516 = tpu.memref_slice %arg6[%dma_wait3A_505, %dma_wait3A_506, %dma_wait3A_514, %dma_wait3A_515] : memref<16x2x8x128xf32, #tpu.memory_space<vmem>> -> memref<1x1x8x128xf32, #tpu.memory_space<vmem>>
      %dma_wait3A_517 = tpu.memref_squeeze %dma_wait3A_516 : memref<1x1x8x128xf32, #tpu.memory_space<vmem>> -> memref<8x128xf32, #tpu.memory_space<vmem>>
      %dma_wait3A_518 = arith.constant 0 : i32
      %dma_wait3A_519 = arith.constant 0 : i32
      %dma_wait3A_520 = tpu.memref_slice %arg3[%dma_wait3A_518, %dma_wait3A_519] : memref<16x1000000xf32, #tpu.memory_space<hbm>> -> memref<8x128xf32, #tpu.memory_space<hbm>>
      tpu.wait_dma2 semaphore(%arg8 : memref<!tpu.dma_semaphore, #tpu.memory_space<semaphore_mem>>) src(%dma_wait3A_520 : memref<8x128xf32, #tpu.memory_space<hbm>>) dst(%dma_wait3A_517 : memref<8x128xf32, #tpu.memory_space<vmem>>)
      %dma_wait3A_521 = arith.constant 0 : i32
      %dma_wait3A_522 = arith.constant 0 : i32
      %dma_wait3A_523 = arith.constant 0 : i32
      %dma_wait3A_524 = arith.constant 0 : i32
      %dma_wait3A_525 = tpu.memref_slice %arg6[%dma_wait3A_521, %dma_wait3A_522, %dma_wait3A_523, %dma_wait3A_524] : memref<16x2x8x128xf32, #tpu.memory_space<vmem>> -> memref<1x1x8x128xf32, #tpu.memory_space<vmem>>
      %dma_wait3A_526 = tpu.memref_squeeze %dma_wait3A_525 : memref<1x1x8x128xf32, #tpu.memory_space<vmem>> -> memref<8x128xf32, #tpu.memory_space<vmem>>
      %dma_wait3A_527 = arith.constant 0 : i32
      %dma_wait3A_528 = arith.constant 0 : i32
      %dma_wait3A_529 = tpu.memref_slice %arg3[%dma_wait3A_527, %dma_wait3A_528] : memref<16x1000000xf32, #tpu.memory_space<hbm>> -> memref<8x128xf32, #tpu.memory_space<hbm>>
      %dma_wait3A_530 = arith.constant 0 : i32
      %dma_wait3A_531 = arith.constant 0 : i32
      %dma_wait3A_532 = tpu.memref_slice %arg6[%dma_wait3A_521, %dma_wait3A_522, %dma_wait3A_530, %dma_wait3A_531] : memref<16x2x8x128xf32, #tpu.memory_space<vmem>> -> memref<1x1x8x128xf32, #tpu.memory_space<vmem>>
      %dma_wait3A_533 = tpu.memref_squeeze %dma_wait3A_532 : memref<1x1x8x128xf32, #tpu.memory_space<vmem>> -> memref<8x128xf32, #tpu.memory_space<vmem>>
      %dma_wait3A_534 = arith.constant 0 : i32
      %dma_wait3A_535 = arith.constant 0 : i32
      %dma_wait3A_536 = tpu.memref_slice %arg3[%dma_wait3A_534, %dma_wait3A_535] : memref<16x1000000xf32, #tpu.memory_space<hbm>> -> memref<8x128xf32, #tpu.memory_space<hbm>>
      tpu.wait_dma2 semaphore(%arg8 : memref<!tpu.dma_semaphore, #tpu.memory_space<semaphore_mem>>) src(%dma_wait3A_536 : memref<8x128xf32, #tpu.memory_space<hbm>>) dst(%dma_wait3A_533 : memref<8x128xf32, #tpu.memory_space<vmem>>)
      %dma_wait3A_537 = arith.constant 0 : i32
      %dma_wait3A_538 = arith.constant 0 : i32
      %dma_wait3A_539 = arith.constant 0 : i32
      %dma_wait3A_540 = arith.constant 0 : i32
      %dma_wait3A_541 = tpu.memref_slice %arg6[%dma_wait3A_537, %dma_wait3A_538, %dma_wait3A_539, %dma_wait3A_540] : memref<16x2x8x128xf32, #tpu.memory_space<vmem>> -> memref<1x1x8x128xf32, #tpu.memory_space<vmem>>
      %dma_wait3A_542 = tpu.memref_squeeze %dma_wait3A_541 : memref<1x1x8x128xf32, #tpu.memory_space<vmem>> -> memref<8x128xf32, #tpu.memory_space<vmem>>
      %dma_wait3A_543 = arith.constant 0 : i32
      %dma_wait3A_544 = arith.constant 0 : i32
      %dma_wait3A_545 = tpu.memref_slice %arg3[%dma_wait3A_543, %dma_wait3A_544] : memref<16x1000000xf32, #tpu.memory_space<hbm>> -> memref<8x128xf32, #tpu.memory_space<hbm>>
      %dma_wait3A_546 = arith.constant 0 : i32
      %dma_wait3A_547 = arith.constant 0 : i32
      %dma_wait3A_548 = tpu.memref_slice %arg6[%dma_wait3A_537, %dma_wait3A_538, %dma_wait3A_546, %dma_wait3A_547] : memref<16x2x8x128xf32, #tpu.memory_space<vmem>> -> memref<1x1x8x128xf32, #tpu.memory_space<vmem>>
      %dma_wait3A_549 = tpu.memref_squeeze %dma_wait3A_548 : memref<1x1x8x128xf32, #tpu.memory_space<vmem>> -> memref<8x128xf32, #tpu.memory_space<vmem>>
      %dma_wait3A_550 = arith.constant 0 : i32
      %dma_wait3A_551 = arith.constant 0 : i32
      %dma_wait3A_552 = tpu.memref_slice %arg3[%dma_wait3A_550, %dma_wait3A_551] : memref<16x1000000xf32, #tpu.memory_space<hbm>> -> memref<8x128xf32, #tpu.memory_space<hbm>>
      tpu.wait_dma2 semaphore(%arg8 : memref<!tpu.dma_semaphore, #tpu.memory_space<semaphore_mem>>) src(%dma_wait3A_552 : memref<8x128xf32, #tpu.memory_space<hbm>>) dst(%dma_wait3A_549 : memref<8x128xf32, #tpu.memory_space<vmem>>)
      %dma_wait3A_553 = arith.constant 0 : i32
      %dma_wait3A_554 = arith.constant 0 : i32
      %dma_wait3A_555 = arith.constant 0 : i32
      %dma_wait3A_556 = arith.constant 0 : i32
      %dma_wait3A_557 = tpu.memref_slice %arg6[%dma_wait3A_553, %dma_wait3A_554, %dma_wait3A_555, %dma_wait3A_556] : memref<16x2x8x128xf32, #tpu.memory_space<vmem>> -> memref<1x1x8x128xf32, #tpu.memory_space<vmem>>
      %dma_wait3A_558 = tpu.memref_squeeze %dma_wait3A_557 : memref<1x1x8x128xf32, #tpu.memory_space<vmem>> -> memref<8x128xf32, #tpu.memory_space<vmem>>
      %dma_wait3A_559 = arith.constant 0 : i32
      %dma_wait3A_560 = arith.constant 0 : i32
      %dma_wait3A_561 = tpu.memref_slice %arg3[%dma_wait3A_559, %dma_wait3A_560] : memref<16x1000000xf32, #tpu.memory_space<hbm>> -> memref<8x128xf32, #tpu.memory_space<hbm>>
      %dma_wait3A_562 = arith.constant 0 : i32
      %dma_wait3A_563 = arith.constant 0 : i32
      %dma_wait3A_564 = tpu.memref_slice %arg6[%dma_wait3A_553, %dma_wait3A_554, %dma_wait3A_562, %dma_wait3A_563] : memref<16x2x8x128xf32, #tpu.memory_space<vmem>> -> memref<1x1x8x128xf32, #tpu.memory_space<vmem>>
      %dma_wait3A_565 = tpu.memref_squeeze %dma_wait3A_564 : memref<1x1x8x128xf32, #tpu.memory_space<vmem>> -> memref<8x128xf32, #tpu.memory_space<vmem>>
      %dma_wait3A_566 = arith.constant 0 : i32
      %dma_wait3A_567 = arith.constant 0 : i32
      %dma_wait3A_568 = tpu.memref_slice %arg3[%dma_wait3A_566, %dma_wait3A_567] : memref<16x1000000xf32, #tpu.memory_space<hbm>> -> memref<8x128xf32, #tpu.memory_space<hbm>>
      tpu.wait_dma2 semaphore(%arg8 : memref<!tpu.dma_semaphore, #tpu.memory_space<semaphore_mem>>) src(%dma_wait3A_568 : memref<8x128xf32, #tpu.memory_space<hbm>>) dst(%dma_wait3A_565 : memref<8x128xf32, #tpu.memory_space<vmem>>)
      %dma_wait3A_569 = arith.constant 0 : i32
      %dma_wait3A_570 = arith.constant 0 : i32
      %dma_wait3A_571 = arith.constant 0 : i32
      %dma_wait3A_572 = arith.constant 0 : i32
      %dma_wait3A_573 = tpu.memref_slice %arg6[%dma_wait3A_569, %dma_wait3A_570, %dma_wait3A_571, %dma_wait3A_572] : memref<16x2x8x128xf32, #tpu.memory_space<vmem>> -> memref<1x1x8x128xf32, #tpu.memory_space<vmem>>
      %dma_wait3A_574 = tpu.memref_squeeze %dma_wait3A_573 : memref<1x1x8x128xf32, #tpu.memory_space<vmem>> -> memref<8x128xf32, #tpu.memory_space<vmem>>
      %dma_wait3A_575 = arith.constant 0 : i32
      %dma_wait3A_576 = arith.constant 0 : i32
      %dma_wait3A_577 = tpu.memref_slice %arg3[%dma_wait3A_575, %dma_wait3A_576] : memref<16x1000000xf32, #tpu.memory_space<hbm>> -> memref<8x128xf32, #tpu.memory_space<hbm>>
      %dma_wait3A_578 = arith.constant 0 : i32
      %dma_wait3A_579 = arith.constant 0 : i32
      %dma_wait3A_580 = tpu.memref_slice %arg6[%dma_wait3A_569, %dma_wait3A_570, %dma_wait3A_578, %dma_wait3A_579] : memref<16x2x8x128xf32, #tpu.memory_space<vmem>> -> memref<1x1x8x128xf32, #tpu.memory_space<vmem>>
      %dma_wait3A_581 = tpu.memref_squeeze %dma_wait3A_580 : memref<1x1x8x128xf32, #tpu.memory_space<vmem>> -> memref<8x128xf32, #tpu.memory_space<vmem>>
      %dma_wait3A_582 = arith.constant 0 : i32
      %dma_wait3A_583 = arith.constant 0 : i32
      %dma_wait3A_584 = tpu.memref_slice %arg3[%dma_wait3A_582, %dma_wait3A_583] : memref<16x1000000xf32, #tpu.memory_space<hbm>> -> memref<8x128xf32, #tpu.memory_space<hbm>>
      tpu.wait_dma2 semaphore(%arg8 : memref<!tpu.dma_semaphore, #tpu.memory_space<semaphore_mem>>) src(%dma_wait3A_584 : memref<8x128xf32, #tpu.memory_space<hbm>>) dst(%dma_wait3A_581 : memref<8x128xf32, #tpu.memory_space<vmem>>)
      %dma_wait3A_585 = arith.constant 0 : i32
      %dma_wait3A_586 = arith.constant 0 : i32
      %dma_wait3A_587 = arith.constant 0 : i32
      %dma_wait3A_588 = arith.constant 0 : i32
      %dma_wait3A_589 = tpu.memref_slice %arg6[%dma_wait3A_585, %dma_wait3A_586, %dma_wait3A_587, %dma_wait3A_588] : memref<16x2x8x128xf32, #tpu.memory_space<vmem>> -> memref<1x1x8x128xf32, #tpu.memory_space<vmem>>
      %dma_wait3A_590 = tpu.memref_squeeze %dma_wait3A_589 : memref<1x1x8x128xf32, #tpu.memory_space<vmem>> -> memref<8x128xf32, #tpu.memory_space<vmem>>
      %dma_wait3A_591 = arith.constant 0 : i32
      %dma_wait3A_592 = arith.constant 0 : i32
      %dma_wait3A_593 = tpu.memref_slice %arg3[%dma_wait3A_591, %dma_wait3A_592] : memref<16x1000000xf32, #tpu.memory_space<hbm>> -> memref<8x128xf32, #tpu.memory_space<hbm>>
      %dma_wait3A_594 = arith.constant 0 : i32
      %dma_wait3A_595 = arith.constant 0 : i32
      %dma_wait3A_596 = tpu.memref_slice %arg6[%dma_wait3A_585, %dma_wait3A_586, %dma_wait3A_594, %dma_wait3A_595] : memref<16x2x8x128xf32, #tpu.memory_space<vmem>> -> memref<1x1x8x128xf32, #tpu.memory_space<vmem>>
      %dma_wait3A_597 = tpu.memref_squeeze %dma_wait3A_596 : memref<1x1x8x128xf32, #tpu.memory_space<vmem>> -> memref<8x128xf32, #tpu.memory_space<vmem>>
      %dma_wait3A_598 = arith.constant 0 : i32
      %dma_wait3A_599 = arith.constant 0 : i32
      %dma_wait3A_600 = tpu.memref_slice %arg3[%dma_wait3A_598, %dma_wait3A_599] : memref<16x1000000xf32, #tpu.memory_space<hbm>> -> memref<8x128xf32, #tpu.memory_space<hbm>>
      tpu.wait_dma2 semaphore(%arg8 : memref<!tpu.dma_semaphore, #tpu.memory_space<semaphore_mem>>) src(%dma_wait3A_600 : memref<8x128xf32, #tpu.memory_space<hbm>>) dst(%dma_wait3A_597 : memref<8x128xf32, #tpu.memory_space<vmem>>)
      %dma_wait3A_601 = arith.constant 0 : i32
      %dma_wait3A_602 = arith.constant 0 : i32
      %dma_wait3A_603 = arith.constant 0 : i32
      %dma_wait3A_604 = arith.constant 0 : i32
      %dma_wait3A_605 = tpu.memref_slice %arg6[%dma_wait3A_601, %dma_wait3A_602, %dma_wait3A_603, %dma_wait3A_604] : memref<16x2x8x128xf32, #tpu.memory_space<vmem>> -> memref<1x1x8x128xf32, #tpu.memory_space<vmem>>
      %dma_wait3A_606 = tpu.memref_squeeze %dma_wait3A_605 : memref<1x1x8x128xf32, #tpu.memory_space<vmem>> -> memref<8x128xf32, #tpu.memory_space<vmem>>
      %dma_wait3A_607 = arith.constant 0 : i32
      %dma_wait3A_608 = arith.constant 0 : i32
      %dma_wait3A_609 = tpu.memref_slice %arg3[%dma_wait3A_607, %dma_wait3A_608] : memref<16x1000000xf32, #tpu.memory_space<hbm>> -> memref<8x128xf32, #tpu.memory_space<hbm>>
      %dma_wait3A_610 = arith.constant 0 : i32
      %dma_wait3A_611 = arith.constant 0 : i32
      %dma_wait3A_612 = tpu.memref_slice %arg6[%dma_wait3A_601, %dma_wait3A_602, %dma_wait3A_610, %dma_wait3A_611] : memref<16x2x8x128xf32, #tpu.memory_space<vmem>> -> memref<1x1x8x128xf32, #tpu.memory_space<vmem>>
      %dma_wait3A_613 = tpu.memref_squeeze %dma_wait3A_612 : memref<1x1x8x128xf32, #tpu.memory_space<vmem>> -> memref<8x128xf32, #tpu.memory_space<vmem>>
      %dma_wait3A_614 = arith.constant 0 : i32
      %dma_wait3A_615 = arith.constant 0 : i32
      %dma_wait3A_616 = tpu.memref_slice %arg3[%dma_wait3A_614, %dma_wait3A_615] : memref<16x1000000xf32, #tpu.memory_space<hbm>> -> memref<8x128xf32, #tpu.memory_space<hbm>>
      tpu.wait_dma2 semaphore(%arg8 : memref<!tpu.dma_semaphore, #tpu.memory_space<semaphore_mem>>) src(%dma_wait3A_616 : memref<8x128xf32, #tpu.memory_space<hbm>>) dst(%dma_wait3A_613 : memref<8x128xf32, #tpu.memory_space<vmem>>)
      %dma_wait3A_617 = arith.constant 0 : i32
      %dma_wait3A_618 = arith.constant 0 : i32
      %dma_wait3A_619 = arith.constant 0 : i32
      %dma_wait3A_620 = arith.constant 0 : i32
      %dma_wait3A_621 = tpu.memref_slice %arg6[%dma_wait3A_617, %dma_wait3A_618, %dma_wait3A_619, %dma_wait3A_620] : memref<16x2x8x128xf32, #tpu.memory_space<vmem>> -> memref<1x1x8x128xf32, #tpu.memory_space<vmem>>
      %dma_wait3A_622 = tpu.memref_squeeze %dma_wait3A_621 : memref<1x1x8x128xf32, #tpu.memory_space<vmem>> -> memref<8x128xf32, #tpu.memory_space<vmem>>
      %dma_wait3A_623 = arith.constant 0 : i32
      %dma_wait3A_624 = arith.constant 0 : i32
      %dma_wait3A_625 = tpu.memref_slice %arg3[%dma_wait3A_623, %dma_wait3A_624] : memref<16x1000000xf32, #tpu.memory_space<hbm>> -> memref<8x128xf32, #tpu.memory_space<hbm>>
      %dma_wait3A_626 = arith.constant 0 : i32
      %dma_wait3A_627 = arith.constant 0 : i32
      %dma_wait3A_628 = tpu.memref_slice %arg6[%dma_wait3A_617, %dma_wait3A_618, %dma_wait3A_626, %dma_wait3A_627] : memref<16x2x8x128xf32, #tpu.memory_space<vmem>> -> memref<1x1x8x128xf32, #tpu.memory_space<vmem>>
      %dma_wait3A_629 = tpu.memref_squeeze %dma_wait3A_628 : memref<1x1x8x128xf32, #tpu.memory_space<vmem>> -> memref<8x128xf32, #tpu.memory_space<vmem>>
      %dma_wait3A_630 = arith.constant 0 : i32
      %dma_wait3A_631 = arith.constant 0 : i32
      %dma_wait3A_632 = tpu.memref_slice %arg3[%dma_wait3A_630, %dma_wait3A_631] : memref<16x1000000xf32, #tpu.memory_space<hbm>> -> memref<8x128xf32, #tpu.memory_space<hbm>>
      tpu.wait_dma2 semaphore(%arg8 : memref<!tpu.dma_semaphore, #tpu.memory_space<semaphore_mem>>) src(%dma_wait3A_632 : memref<8x128xf32, #tpu.memory_space<hbm>>) dst(%dma_wait3A_629 : memref<8x128xf32, #tpu.memory_space<vmem>>)
      %dma_wait3A_633 = arith.constant 0 : i32
      %dma_wait3A_634 = arith.constant 0 : i32
      %dma_wait3A_635 = arith.constant 0 : i32
      %dma_wait3A_636 = arith.constant 0 : i32
      %dma_wait3A_637 = tpu.memref_slice %arg6[%dma_wait3A_633, %dma_wait3A_634, %dma_wait3A_635, %dma_wait3A_636] : memref<16x2x8x128xf32, #tpu.memory_space<vmem>> -> memref<1x1x8x128xf32, #tpu.memory_space<vmem>>
      %dma_wait3A_638 = tpu.memref_squeeze %dma_wait3A_637 : memref<1x1x8x128xf32, #tpu.memory_space<vmem>> -> memref<8x128xf32, #tpu.memory_space<vmem>>
      %dma_wait3A_639 = arith.constant 0 : i32
      %dma_wait3A_640 = arith.constant 0 : i32
      %dma_wait3A_641 = tpu.memref_slice %arg3[%dma_wait3A_639, %dma_wait3A_640] : memref<16x1000000xf32, #tpu.memory_space<hbm>> -> memref<8x128xf32, #tpu.memory_space<hbm>>
      %dma_wait3A_642 = arith.constant 0 : i32
      %dma_wait3A_643 = arith.constant 0 : i32
      %dma_wait3A_644 = tpu.memref_slice %arg6[%dma_wait3A_633, %dma_wait3A_634, %dma_wait3A_642, %dma_wait3A_643] : memref<16x2x8x128xf32, #tpu.memory_space<vmem>> -> memref<1x1x8x128xf32, #tpu.memory_space<vmem>>
      %dma_wait3A_645 = tpu.memref_squeeze %dma_wait3A_644 : memref<1x1x8x128xf32, #tpu.memory_space<vmem>> -> memref<8x128xf32, #tpu.memory_space<vmem>>
      %dma_wait3A_646 = arith.constant 0 : i32
      %dma_wait3A_647 = arith.constant 0 : i32
      %dma_wait3A_648 = tpu.memref_slice %arg3[%dma_wait3A_646, %dma_wait3A_647] : memref<16x1000000xf32, #tpu.memory_space<hbm>> -> memref<8x128xf32, #tpu.memory_space<hbm>>
      tpu.wait_dma2 semaphore(%arg8 : memref<!tpu.dma_semaphore, #tpu.memory_space<semaphore_mem>>) src(%dma_wait3A_648 : memref<8x128xf32, #tpu.memory_space<hbm>>) dst(%dma_wait3A_645 : memref<8x128xf32, #tpu.memory_space<vmem>>)
      %dma_wait3A_649 = arith.constant 0 : i32
      %dma_wait3A_650 = arith.constant 0 : i32
      %dma_wait3A_651 = arith.constant 0 : i32
      %dma_wait3A_652 = arith.constant 0 : i32
      %dma_wait3A_653 = tpu.memref_slice %arg6[%dma_wait3A_649, %dma_wait3A_650, %dma_wait3A_651, %dma_wait3A_652] : memref<16x2x8x128xf32, #tpu.memory_space<vmem>> -> memref<1x1x8x128xf32, #tpu.memory_space<vmem>>
      %dma_wait3A_654 = tpu.memref_squeeze %dma_wait3A_653 : memref<1x1x8x128xf32, #tpu.memory_space<vmem>> -> memref<8x128xf32, #tpu.memory_space<vmem>>
      %dma_wait3A_655 = arith.constant 0 : i32
      %dma_wait3A_656 = arith.constant 0 : i32
      %dma_wait3A_657 = tpu.memref_slice %arg3[%dma_wait3A_655, %dma_wait3A_656] : memref<16x1000000xf32, #tpu.memory_space<hbm>> -> memref<8x128xf32, #tpu.memory_space<hbm>>
      %dma_wait3A_658 = arith.constant 0 : i32
      %dma_wait3A_659 = arith.constant 0 : i32
      %dma_wait3A_660 = tpu.memref_slice %arg6[%dma_wait3A_649, %dma_wait3A_650, %dma_wait3A_658, %dma_wait3A_659] : memref<16x2x8x128xf32, #tpu.memory_space<vmem>> -> memref<1x1x8x128xf32, #tpu.memory_space<vmem>>
      %dma_wait3A_661 = tpu.memref_squeeze %dma_wait3A_660 : memref<1x1x8x128xf32, #tpu.memory_space<vmem>> -> memref<8x128xf32, #tpu.memory_space<vmem>>
      %dma_wait3A_662 = arith.constant 0 : i32
      %dma_wait3A_663 = arith.constant 0 : i32
      %dma_wait3A_664 = tpu.memref_slice %arg3[%dma_wait3A_662, %dma_wait3A_663] : memref<16x1000000xf32, #tpu.memory_space<hbm>> -> memref<8x128xf32, #tpu.memory_space<hbm>>
      tpu.wait_dma2 semaphore(%arg8 : memref<!tpu.dma_semaphore, #tpu.memory_space<semaphore_mem>>) src(%dma_wait3A_664 : memref<8x128xf32, #tpu.memory_space<hbm>>) dst(%dma_wait3A_661 : memref<8x128xf32, #tpu.memory_space<vmem>>)
      %dma_wait3A_665 = arith.constant 0 : i32
      %dma_wait3A_666 = arith.constant 0 : i32
      %dma_wait3A_667 = arith.constant 0 : i32
      %dma_wait3A_668 = arith.constant 0 : i32
      %dma_wait3A_669 = tpu.memref_slice %arg6[%dma_wait3A_665, %dma_wait3A_666, %dma_wait3A_667, %dma_wait3A_668] : memref<16x2x8x128xf32, #tpu.memory_space<vmem>> -> memref<1x1x8x128xf32, #tpu.memory_space<vmem>>
      %dma_wait3A_670 = tpu.memref_squeeze %dma_wait3A_669 : memref<1x1x8x128xf32, #tpu.memory_space<vmem>> -> memref<8x128xf32, #tpu.memory_space<vmem>>
      %dma_wait3A_671 = arith.constant 0 : i32
      %dma_wait3A_672 = arith.constant 0 : i32
      %dma_wait3A_673 = tpu.memref_slice %arg3[%dma_wait3A_671, %dma_wait3A_672] : memref<16x1000000xf32, #tpu.memory_space<hbm>> -> memref<8x128xf32, #tpu.memory_space<hbm>>
      %dma_wait3A_674 = arith.constant 0 : i32
      %dma_wait3A_675 = arith.constant 0 : i32
      %dma_wait3A_676 = tpu.memref_slice %arg6[%dma_wait3A_665, %dma_wait3A_666, %dma_wait3A_674, %dma_wait3A_675] : memref<16x2x8x128xf32, #tpu.memory_space<vmem>> -> memref<1x1x8x128xf32, #tpu.memory_space<vmem>>
      %dma_wait3A_677 = tpu.memref_squeeze %dma_wait3A_676 : memref<1x1x8x128xf32, #tpu.memory_space<vmem>> -> memref<8x128xf32, #tpu.memory_space<vmem>>
      %dma_wait3A_678 = arith.constant 0 : i32
      %dma_wait3A_679 = arith.constant 0 : i32
      %dma_wait3A_680 = tpu.memref_slice %arg3[%dma_wait3A_678, %dma_wait3A_679] : memref<16x1000000xf32, #tpu.memory_space<hbm>> -> memref<8x128xf32, #tpu.memory_space<hbm>>
      tpu.wait_dma2 semaphore(%arg8 : memref<!tpu.dma_semaphore, #tpu.memory_space<semaphore_mem>>) src(%dma_wait3A_680 : memref<8x128xf32, #tpu.memory_space<hbm>>) dst(%dma_wait3A_677 : memref<8x128xf32, #tpu.memory_space<vmem>>)
      %dma_wait3A_681 = arith.constant 0 : i32
      %dma_wait3A_682 = arith.constant 0 : i32
      %dma_wait3A_683 = arith.constant 0 : i32
      %dma_wait3A_684 = arith.constant 0 : i32
      %dma_wait3A_685 = tpu.memref_slice %arg6[%dma_wait3A_681, %dma_wait3A_682, %dma_wait3A_683, %dma_wait3A_684] : memref<16x2x8x128xf32, #tpu.memory_space<vmem>> -> memref<1x1x8x128xf32, #tpu.memory_space<vmem>>
      %dma_wait3A_686 = tpu.memref_squeeze %dma_wait3A_685 : memref<1x1x8x128xf32, #tpu.memory_space<vmem>> -> memref<8x128xf32, #tpu.memory_space<vmem>>
      %dma_wait3A_687 = arith.constant 0 : i32
      %dma_wait3A_688 = arith.constant 0 : i32
      %dma_wait3A_689 = tpu.memref_slice %arg3[%dma_wait3A_687, %dma_wait3A_688] : memref<16x1000000xf32, #tpu.memory_space<hbm>> -> memref<8x128xf32, #tpu.memory_space<hbm>>
      %dma_wait3A_690 = arith.constant 0 : i32
      %dma_wait3A_691 = arith.constant 0 : i32
      %dma_wait3A_692 = tpu.memref_slice %arg6[%dma_wait3A_681, %dma_wait3A_682, %dma_wait3A_690, %dma_wait3A_691] : memref<16x2x8x128xf32, #tpu.memory_space<vmem>> -> memref<1x1x8x128xf32, #tpu.memory_space<vmem>>
      %dma_wait3A_693 = tpu.memref_squeeze %dma_wait3A_692 : memref<1x1x8x128xf32, #tpu.memory_space<vmem>> -> memref<8x128xf32, #tpu.memory_space<vmem>>
      %dma_wait3A_694 = arith.constant 0 : i32
      %dma_wait3A_695 = arith.constant 0 : i32
      %dma_wait3A_696 = tpu.memref_slice %arg3[%dma_wait3A_694, %dma_wait3A_695] : memref<16x1000000xf32, #tpu.memory_space<hbm>> -> memref<8x128xf32, #tpu.memory_space<hbm>>
      tpu.wait_dma2 semaphore(%arg8 : memref<!tpu.dma_semaphore, #tpu.memory_space<semaphore_mem>>) src(%dma_wait3A_696 : memref<8x128xf32, #tpu.memory_space<hbm>>) dst(%dma_wait3A_693 : memref<8x128xf32, #tpu.memory_space<vmem>>)
      %dma_wait3A_697 = arith.constant 0 : i32
      %dma_wait3A_698 = arith.constant 0 : i32
      %dma_wait3A_699 = arith.constant 0 : i32
      %dma_wait3A_700 = arith.constant 0 : i32
      %dma_wait3A_701 = tpu.memref_slice %arg6[%dma_wait3A_697, %dma_wait3A_698, %dma_wait3A_699, %dma_wait3A_700] : memref<16x2x8x128xf32, #tpu.memory_space<vmem>> -> memref<1x1x8x128xf32, #tpu.memory_space<vmem>>
      %dma_wait3A_702 = tpu.memref_squeeze %dma_wait3A_701 : memref<1x1x8x128xf32, #tpu.memory_space<vmem>> -> memref<8x128xf32, #tpu.memory_space<vmem>>
      %dma_wait3A_703 = arith.constant 0 : i32
      %dma_wait3A_704 = arith.constant 0 : i32
      %dma_wait3A_705 = tpu.memref_slice %arg3[%dma_wait3A_703, %dma_wait3A_704] : memref<16x1000000xf32, #tpu.memory_space<hbm>> -> memref<8x128xf32, #tpu.memory_space<hbm>>
      %dma_wait3A_706 = arith.constant 0 : i32
      %dma_wait3A_707 = arith.constant 0 : i32
      %dma_wait3A_708 = tpu.memref_slice %arg6[%dma_wait3A_697, %dma_wait3A_698, %dma_wait3A_706, %dma_wait3A_707] : memref<16x2x8x128xf32, #tpu.memory_space<vmem>> -> memref<1x1x8x128xf32, #tpu.memory_space<vmem>>
      %dma_wait3A_709 = tpu.memref_squeeze %dma_wait3A_708 : memref<1x1x8x128xf32, #tpu.memory_space<vmem>> -> memref<8x128xf32, #tpu.memory_space<vmem>>
      %dma_wait3A_710 = arith.constant 0 : i32
      %dma_wait3A_711 = arith.constant 0 : i32
      %dma_wait3A_712 = tpu.memref_slice %arg3[%dma_wait3A_710, %dma_wait3A_711] : memref<16x1000000xf32, #tpu.memory_space<hbm>> -> memref<8x128xf32, #tpu.memory_space<hbm>>
      tpu.wait_dma2 semaphore(%arg8 : memref<!tpu.dma_semaphore, #tpu.memory_space<semaphore_mem>>) src(%dma_wait3A_712 : memref<8x128xf32, #tpu.memory_space<hbm>>) dst(%dma_wait3A_709 : memref<8x128xf32, #tpu.memory_space<vmem>>)
      %dma_wait3A_713 = arith.constant 0 : i32
      %dma_wait3A_714 = arith.constant 0 : i32
      %dma_wait3A_715 = arith.constant 0 : i32
      %dma_wait3A_716 = arith.constant 0 : i32
      %dma_wait3A_717 = tpu.memref_slice %arg6[%dma_wait3A_713, %dma_wait3A_714, %dma_wait3A_715, %dma_wait3A_716] : memref<16x2x8x128xf32, #tpu.memory_space<vmem>> -> memref<1x1x8x128xf32, #tpu.memory_space<vmem>>
      %dma_wait3A_718 = tpu.memref_squeeze %dma_wait3A_717 : memref<1x1x8x128xf32, #tpu.memory_space<vmem>> -> memref<8x128xf32, #tpu.memory_space<vmem>>
      %dma_wait3A_719 = arith.constant 0 : i32
      %dma_wait3A_720 = arith.constant 0 : i32
      %dma_wait3A_721 = tpu.memref_slice %arg3[%dma_wait3A_719, %dma_wait3A_720] : memref<16x1000000xf32, #tpu.memory_space<hbm>> -> memref<8x128xf32, #tpu.memory_space<hbm>>
      %dma_wait3A_722 = arith.constant 0 : i32
      %dma_wait3A_723 = arith.constant 0 : i32
      %dma_wait3A_724 = tpu.memref_slice %arg6[%dma_wait3A_713, %dma_wait3A_714, %dma_wait3A_722, %dma_wait3A_723] : memref<16x2x8x128xf32, #tpu.memory_space<vmem>> -> memref<1x1x8x128xf32, #tpu.memory_space<vmem>>
      %dma_wait3A_725 = tpu.memref_squeeze %dma_wait3A_724 : memref<1x1x8x128xf32, #tpu.memory_space<vmem>> -> memref<8x128xf32, #tpu.memory_space<vmem>>
      %dma_wait3A_726 = arith.constant 0 : i32
      %dma_wait3A_727 = arith.constant 0 : i32
      %dma_wait3A_728 = tpu.memref_slice %arg3[%dma_wait3A_726, %dma_wait3A_727] : memref<16x1000000xf32, #tpu.memory_space<hbm>> -> memref<8x128xf32, #tpu.memory_space<hbm>>
      tpu.wait_dma2 semaphore(%arg8 : memref<!tpu.dma_semaphore, #tpu.memory_space<semaphore_mem>>) src(%dma_wait3A_728 : memref<8x128xf32, #tpu.memory_space<hbm>>) dst(%dma_wait3A_725 : memref<8x128xf32, #tpu.memory_space<vmem>>)
      %dma_wait3A_729 = arith.constant 0 : i32
      %dma_wait3A_730 = arith.constant 0 : i32
      %dma_wait3A_731 = arith.constant 0 : i32
      %dma_wait3A_732 = arith.constant 0 : i32
      %dma_wait3A_733 = tpu.memref_slice %arg6[%dma_wait3A_729, %dma_wait3A_730, %dma_wait3A_731, %dma_wait3A_732] : memref<16x2x8x128xf32, #tpu.memory_space<vmem>> -> memref<1x1x8x128xf32, #tpu.memory_space<vmem>>
      %dma_wait3A_734 = tpu.memref_squeeze %dma_wait3A_733 : memref<1x1x8x128xf32, #tpu.memory_space<vmem>> -> memref<8x128xf32, #tpu.memory_space<vmem>>
      %dma_wait3A_735 = arith.constant 0 : i32
      %dma_wait3A_736 = arith.constant 0 : i32
      %dma_wait3A_737 = tpu.memref_slice %arg3[%dma_wait3A_735, %dma_wait3A_736] : memref<16x1000000xf32, #tpu.memory_space<hbm>> -> memref<8x128xf32, #tpu.memory_space<hbm>>
      %dma_wait3A_738 = arith.constant 0 : i32
      %dma_wait3A_739 = arith.constant 0 : i32
      %dma_wait3A_740 = tpu.memref_slice %arg6[%dma_wait3A_729, %dma_wait3A_730, %dma_wait3A_738, %dma_wait3A_739] : memref<16x2x8x128xf32, #tpu.memory_space<vmem>> -> memref<1x1x8x128xf32, #tpu.memory_space<vmem>>
      %dma_wait3A_741 = tpu.memref_squeeze %dma_wait3A_740 : memref<1x1x8x128xf32, #tpu.memory_space<vmem>> -> memref<8x128xf32, #tpu.memory_space<vmem>>
      %dma_wait3A_742 = arith.constant 0 : i32
      %dma_wait3A_743 = arith.constant 0 : i32
      %dma_wait3A_744 = tpu.memref_slice %arg3[%dma_wait3A_742, %dma_wait3A_743] : memref<16x1000000xf32, #tpu.memory_space<hbm>> -> memref<8x128xf32, #tpu.memory_space<hbm>>
      tpu.wait_dma2 semaphore(%arg8 : memref<!tpu.dma_semaphore, #tpu.memory_space<semaphore_mem>>) src(%dma_wait3A_744 : memref<8x128xf32, #tpu.memory_space<hbm>>) dst(%dma_wait3A_741 : memref<8x128xf32, #tpu.memory_space<vmem>>)
      %lt3A = arith.constant 63 : i32
      %lt3A_745 = arith.cmpi slt, %scan3A_489, %lt3A : i32
      %convert_element_type3A = arith.extui %lt3A_745 : i1 to i32
      %cond3A = arith.constant 0 : i32
      %cond3A_746 = arith.cmpi ne, %convert_element_type3A, %cond3A : i32
      scf.if %cond3A_746 {
        %add3A_979 = arith.constant 1 : i32
        %add3A_980 = arith.addi %scan3A_489, %add3A_979 : i32
        %mul3A_981 = arith.constant 8 : i32
        %mul3A_982 = arith.muli %add3A_980, %mul3A_981 : i32
        %get3A_983 = arith.index_cast %mul3A_982 : i32 to index
        %get3A_984 = tpu.vector_load %arg5[%get3A_983] {strides = array<i32>} : memref<528xi32, #tpu.memory_space<vmem>>, vector<16xi32>,
        %rem3A_985 = arith.constant 2 : i32
        %rem3A_986 = arith.remsi %add3A_980, %rem3A_985 : i32
        %mul3A_987 = arith.constant 8 : i32
        %mul3A_988 = arith.muli %rem3A_986, %mul3A_987 : i32
        %slice3A_989 = vector.extract_strided_slice %get3A_984 {offsets = [0], sizes = [1], strides = [1]} : vector<16xi32> to vector<1xi32>
        %squeeze3A_990 = vector.extract %slice3A_989[0] : i32 from vector<1xi32>
        %jit3A_991 = arith.constant 128 : i32
        %div3A_992 = arith.divsi %squeeze3A_990, %jit3A_991 : i32
        %sign3A_993 = arith.constant 0 : i32
        %sign3A_994 = arith.cmpi sgt, %squeeze3A_990, %sign3A_993 : i32
        %sign3A_995 = arith.extui %sign3A_994 : i1 to i32
        %sign3A_996 = arith.constant 0 : i32
        %sign3A_997 = arith.cmpi slt, %squeeze3A_990, %sign3A_996 : i32
        %sign3A_998 = arith.extui %sign3A_997 : i1 to i32
        %sign3A_999 = arith.subi %sign3A_995, %sign3A_998 : i32
        %sign3A_1000 = arith.constant 0 : i32
        %sign3A_1001 = arith.cmpi sgt, %jit3A_991, %sign3A_1000 : i32
        %sign3A_1002 = arith.extui %sign3A_1001 : i1 to i32
        %sign3A_1003 = arith.constant 0 : i32
        %sign3A_1004 = arith.cmpi slt, %jit3A_991, %sign3A_1003 : i32
        %sign3A_1005 = arith.extui %sign3A_1004 : i1 to i32
        %sign3A_1006 = arith.subi %sign3A_1002, %sign3A_1005 : i32
        %ne3A_1007 = arith.cmpi ne, %sign3A_999, %sign3A_1006 : i32
        %rem3A_1008 = arith.remsi %squeeze3A_990, %jit3A_991 : i32
        %ne3A_1009 = arith.constant 0 : i32
        %ne3A_1010 = arith.cmpi ne, %rem3A_1008, %ne3A_1009 : i32
        %and3A_1011 = arith.andi %ne3A_1007, %ne3A_1010 : i1
        %sub3A_1012 = arith.constant 1 : i32
        %sub3A_1013 = arith.subi %div3A_992, %sub3A_1012 : i32
        %select_n3A_1014 = arith.select %and3A_1011, %sub3A_1013, %div3A_992 : i32
        %mul3A_1015 = arith.constant 128 : i32
        %mul3A_1016 = arith.muli %select_n3A_1014, %mul3A_1015 : i32
        %multiple_of3A_1017 = tpu.assume_multiple %mul3A_1016, 128 : i32
        %add3A_1018 = arith.constant 0 : i32
        %add3A_1019 = arith.addi %mul3A_988, %add3A_1018 : i32
        %dma_start3A_1020 = arith.constant 0 : i32
        %dma_start3A_1021 = arith.constant 0 : i32
        %dma_start3A_1022 = arith.constant 0 : i32
        %dma_start3A_1023 = tpu.memref_slice %arg6[%add3A_1019, %dma_start3A_1020, %dma_start3A_1021, %dma_start3A_1022] : memref<16x2x8x128xf32, #tpu.memory_space<vmem>> -> memref<1x1x8x128xf32, #tpu.memory_space<vmem>>
        %dma_start3A_1024 = tpu.memref_squeeze %dma_start3A_1023 : memref<1x1x8x128xf32, #tpu.memory_space<vmem>> -> memref<8x128xf32, #tpu.memory_space<vmem>>
        %dma_start3A_1025 = arith.constant 0 : i32
        %dma_start3A_1026 = tpu.memref_slice %arg3[%dma_start3A_1025, %multiple_of3A_1017] : memref<16x1000000xf32, #tpu.memory_space<hbm>> -> memref<8x128xf32, #tpu.memory_space<hbm>>
        %dma_start3A_1027 = arith.constant 0 : i32
        %dma_start3A_1028 = arith.constant 0 : i32
        %dma_start3A_1029 = tpu.memref_slice %arg6[%add3A_1019, %dma_start3A_1020, %dma_start3A_1027, %dma_start3A_1028] : memref<16x2x8x128xf32, #tpu.memory_space<vmem>> -> memref<1x1x8x128xf32, #tpu.memory_space<vmem>>
        %dma_start3A_1030 = tpu.memref_squeeze %dma_start3A_1029 : memref<1x1x8x128xf32, #tpu.memory_space<vmem>> -> memref<8x128xf32, #tpu.memory_space<vmem>>
        %dma_start3A_1031 = arith.constant 0 : i32
        %dma_start3A_1032 = tpu.memref_slice %arg3[%dma_start3A_1031, %multiple_of3A_1017] : memref<16x1000000xf32, #tpu.memory_space<hbm>> -> memref<8x128xf32, #tpu.memory_space<hbm>>
        tpu.enqueue_dma source(%dma_start3A_1032 : memref<8x128xf32, #tpu.memory_space<hbm>>) target(%dma_start3A_1030 : memref<8x128xf32, #tpu.memory_space<vmem>>) target_semaphore(%arg8 : memref<!tpu.dma_semaphore, #tpu.memory_space<semaphore_mem>>)
        %add3A_1033 = arith.constant 0 : i32
        %add3A_1034 = arith.addi %mul3A_988, %add3A_1033 : i32
        %dma_start3A_1035 = arith.constant 1 : i32
        %dma_start3A_1036 = arith.constant 0 : i32
        %dma_start3A_1037 = arith.constant 0 : i32
        %dma_start3A_1038 = tpu.memref_slice %arg6[%add3A_1034, %dma_start3A_1035, %dma_start3A_1036, %dma_start3A_1037] : memref<16x2x8x128xf32, #tpu.memory_space<vmem>> -> memref<1x1x8x128xf32, #tpu.memory_space<vmem>>
        %dma_start3A_1039 = tpu.memref_squeeze %dma_start3A_1038 : memref<1x1x8x128xf32, #tpu.memory_space<vmem>> -> memref<8x128xf32, #tpu.memory_space<vmem>>
        %dma_start3A_1040 = arith.constant 8 : i32
        %dma_start3A_1041 = tpu.memref_slice %arg3[%dma_start3A_1040, %multiple_of3A_1017] : memref<16x1000000xf32, #tpu.memory_space<hbm>> -> memref<8x128xf32, #tpu.memory_space<hbm>>
        %dma_start3A_1042 = arith.constant 0 : i32
        %dma_start3A_1043 = arith.constant 0 : i32
        %dma_start3A_1044 = tpu.memref_slice %arg6[%add3A_1034, %dma_start3A_1035, %dma_start3A_1042, %dma_start3A_1043] : memref<16x2x8x128xf32, #tpu.memory_space<vmem>> -> memref<1x1x8x128xf32, #tpu.memory_space<vmem>>
        %dma_start3A_1045 = tpu.memref_squeeze %dma_start3A_1044 : memref<1x1x8x128xf32, #tpu.memory_space<vmem>> -> memref<8x128xf32, #tpu.memory_space<vmem>>
        %dma_start3A_1046 = arith.constant 8 : i32
        %dma_start3A_1047 = tpu.memref_slice %arg3[%dma_start3A_1046, %multiple_of3A_1017] : memref<16x1000000xf32, #tpu.memory_space<hbm>> -> memref<8x128xf32, #tpu.memory_space<hbm>>
        tpu.enqueue_dma source(%dma_start3A_1047 : memref<8x128xf32, #tpu.memory_space<hbm>>) target(%dma_start3A_1045 : memref<8x128xf32, #tpu.memory_space<vmem>>) target_semaphore(%arg8 : memref<!tpu.dma_semaphore, #tpu.memory_space<semaphore_mem>>)
        %slice3A_1048 = vector.extract_strided_slice %get3A_984 {offsets = [1], sizes = [1], strides = [1]} : vector<16xi32> to vector<1xi32>
        %squeeze3A_1049 = vector.extract %slice3A_1048[0] : i32 from vector<1xi32>
        %jit3A_1050 = arith.constant 128 : i32
        %div3A_1051 = arith.divsi %squeeze3A_1049, %jit3A_1050 : i32
        %sign3A_1052 = arith.constant 0 : i32
        %sign3A_1053 = arith.cmpi sgt, %squeeze3A_1049, %sign3A_1052 : i32
        %sign3A_1054 = arith.extui %sign3A_1053 : i1 to i32
        %sign3A_1055 = arith.constant 0 : i32
        %sign3A_1056 = arith.cmpi slt, %squeeze3A_1049, %sign3A_1055 : i32
        %sign3A_1057 = arith.extui %sign3A_1056 : i1 to i32
        %sign3A_1058 = arith.subi %sign3A_1054, %sign3A_1057 : i32
        %sign3A_1059 = arith.constant 0 : i32
        %sign3A_1060 = arith.cmpi sgt, %jit3A_1050, %sign3A_1059 : i32
        %sign3A_1061 = arith.extui %sign3A_1060 : i1 to i32
        %sign3A_1062 = arith.constant 0 : i32
        %sign3A_1063 = arith.cmpi slt, %jit3A_1050, %sign3A_1062 : i32
        %sign3A_1064 = arith.extui %sign3A_1063 : i1 to i32
        %sign3A_1065 = arith.subi %sign3A_1061, %sign3A_1064 : i32
        %ne3A_1066 = arith.cmpi ne, %sign3A_1058, %sign3A_1065 : i32
        %rem3A_1067 = arith.remsi %squeeze3A_1049, %jit3A_1050 : i32
        %ne3A_1068 = arith.constant 0 : i32
        %ne3A_1069 = arith.cmpi ne, %rem3A_1067, %ne3A_1068 : i32
        %and3A_1070 = arith.andi %ne3A_1066, %ne3A_1069 : i1
        %sub3A_1071 = arith.constant 1 : i32
        %sub3A_1072 = arith.subi %div3A_1051, %sub3A_1071 : i32
        %select_n3A_1073 = arith.select %and3A_1070, %sub3A_1072, %div3A_1051 : i32
        %mul3A_1074 = arith.constant 128 : i32
        %mul3A_1075 = arith.muli %select_n3A_1073, %mul3A_1074 : i32
        %multiple_of3A_1076 = tpu.assume_multiple %mul3A_1075, 128 : i32
        %add3A_1077 = arith.constant 1 : i32
        %add3A_1078 = arith.addi %mul3A_988, %add3A_1077 : i32
        %dma_start3A_1079 = arith.constant 0 : i32
        %dma_start3A_1080 = arith.constant 0 : i32
        %dma_start3A_1081 = arith.constant 0 : i32
        %dma_start3A_1082 = tpu.memref_slice %arg6[%add3A_1078, %dma_start3A_1079, %dma_start3A_1080, %dma_start3A_1081] : memref<16x2x8x128xf32, #tpu.memory_space<vmem>> -> memref<1x1x8x128xf32, #tpu.memory_space<vmem>>
        %dma_start3A_1083 = tpu.memref_squeeze %dma_start3A_1082 : memref<1x1x8x128xf32, #tpu.memory_space<vmem>> -> memref<8x128xf32, #tpu.memory_space<vmem>>
        %dma_start3A_1084 = arith.constant 0 : i32
        %dma_start3A_1085 = tpu.memref_slice %arg3[%dma_start3A_1084, %multiple_of3A_1076] : memref<16x1000000xf32, #tpu.memory_space<hbm>> -> memref<8x128xf32, #tpu.memory_space<hbm>>
        %dma_start3A_1086 = arith.constant 0 : i32
        %dma_start3A_1087 = arith.constant 0 : i32
        %dma_start3A_1088 = tpu.memref_slice %arg6[%add3A_1078, %dma_start3A_1079, %dma_start3A_1086, %dma_start3A_1087] : memref<16x2x8x128xf32, #tpu.memory_space<vmem>> -> memref<1x1x8x128xf32, #tpu.memory_space<vmem>>
        %dma_start3A_1089 = tpu.memref_squeeze %dma_start3A_1088 : memref<1x1x8x128xf32, #tpu.memory_space<vmem>> -> memref<8x128xf32, #tpu.memory_space<vmem>>
        %dma_start3A_1090 = arith.constant 0 : i32
        %dma_start3A_1091 = tpu.memref_slice %arg3[%dma_start3A_1090, %multiple_of3A_1076] : memref<16x1000000xf32, #tpu.memory_space<hbm>> -> memref<8x128xf32, #tpu.memory_space<hbm>>
        tpu.enqueue_dma source(%dma_start3A_1091 : memref<8x128xf32, #tpu.memory_space<hbm>>) target(%dma_start3A_1089 : memref<8x128xf32, #tpu.memory_space<vmem>>) target_semaphore(%arg8 : memref<!tpu.dma_semaphore, #tpu.memory_space<semaphore_mem>>)
        %add3A_1092 = arith.constant 1 : i32
        %add3A_1093 = arith.addi %mul3A_988, %add3A_1092 : i32
        %dma_start3A_1094 = arith.constant 1 : i32
        %dma_start3A_1095 = arith.constant 0 : i32
        %dma_start3A_1096 = arith.constant 0 : i32
        %dma_start3A_1097 = tpu.memref_slice %arg6[%add3A_1093, %dma_start3A_1094, %dma_start3A_1095, %dma_start3A_1096] : memref<16x2x8x128xf32, #tpu.memory_space<vmem>> -> memref<1x1x8x128xf32, #tpu.memory_space<vmem>>
        %dma_start3A_1098 = tpu.memref_squeeze %dma_start3A_1097 : memref<1x1x8x128xf32, #tpu.memory_space<vmem>> -> memref<8x128xf32, #tpu.memory_space<vmem>>
        %dma_start3A_1099 = arith.constant 8 : i32
        %dma_start3A_1100 = tpu.memref_slice %arg3[%dma_start3A_1099, %multiple_of3A_1076] : memref<16x1000000xf32, #tpu.memory_space<hbm>> -> memref<8x128xf32, #tpu.memory_space<hbm>>
        %dma_start3A_1101 = arith.constant 0 : i32
        %dma_start3A_1102 = arith.constant 0 : i32
        %dma_start3A_1103 = tpu.memref_slice %arg6[%add3A_1093, %dma_start3A_1094, %dma_start3A_1101, %dma_start3A_1102] : memref<16x2x8x128xf32, #tpu.memory_space<vmem>> -> memref<1x1x8x128xf32, #tpu.memory_space<vmem>>
        %dma_start3A_1104 = tpu.memref_squeeze %dma_start3A_1103 : memref<1x1x8x128xf32, #tpu.memory_space<vmem>> -> memref<8x128xf32, #tpu.memory_space<vmem>>
        %dma_start3A_1105 = arith.constant 8 : i32
        %dma_start3A_1106 = tpu.memref_slice %arg3[%dma_start3A_1105, %multiple_of3A_1076] : memref<16x1000000xf32, #tpu.memory_space<hbm>> -> memref<8x128xf32, #tpu.memory_space<hbm>>
        tpu.enqueue_dma source(%dma_start3A_1106 : memref<8x128xf32, #tpu.memory_space<hbm>>) target(%dma_start3A_1104 : memref<8x128xf32, #tpu.memory_space<vmem>>) target_semaphore(%arg8 : memref<!tpu.dma_semaphore, #tpu.memory_space<semaphore_mem>>)
        %slice3A_1107 = vector.extract_strided_slice %get3A_984 {offsets = [2], sizes = [1], strides = [1]} : vector<16xi32> to vector<1xi32>
        %squeeze3A_1108 = vector.extract %slice3A_1107[0] : i32 from vector<1xi32>
        %jit3A_1109 = arith.constant 128 : i32
        %div3A_1110 = arith.divsi %squeeze3A_1108, %jit3A_1109 : i32
        %sign3A_1111 = arith.constant 0 : i32
        %sign3A_1112 = arith.cmpi sgt, %squeeze3A_1108, %sign3A_1111 : i32
        %sign3A_1113 = arith.extui %sign3A_1112 : i1 to i32
        %sign3A_1114 = arith.constant 0 : i32
        %sign3A_1115 = arith.cmpi slt, %squeeze3A_1108, %sign3A_1114 : i32
        %sign3A_1116 = arith.extui %sign3A_1115 : i1 to i32
        %sign3A_1117 = arith.subi %sign3A_1113, %sign3A_1116 : i32
        %sign3A_1118 = arith.constant 0 : i32
        %sign3A_1119 = arith.cmpi sgt, %jit3A_1109, %sign3A_1118 : i32
        %sign3A_1120 = arith.extui %sign3A_1119 : i1 to i32
        %sign3A_1121 = arith.constant 0 : i32
        %sign3A_1122 = arith.cmpi slt, %jit3A_1109, %sign3A_1121 : i32
        %sign3A_1123 = arith.extui %sign3A_1122 : i1 to i32
        %sign3A_1124 = arith.subi %sign3A_1120, %sign3A_1123 : i32
        %ne3A_1125 = arith.cmpi ne, %sign3A_1117, %sign3A_1124 : i32
        %rem3A_1126 = arith.remsi %squeeze3A_1108, %jit3A_1109 : i32
        %ne3A_1127 = arith.constant 0 : i32
        %ne3A_1128 = arith.cmpi ne, %rem3A_1126, %ne3A_1127 : i32
        %and3A_1129 = arith.andi %ne3A_1125, %ne3A_1128 : i1
        %sub3A_1130 = arith.constant 1 : i32
        %sub3A_1131 = arith.subi %div3A_1110, %sub3A_1130 : i32
        %select_n3A_1132 = arith.select %and3A_1129, %sub3A_1131, %div3A_1110 : i32
        %mul3A_1133 = arith.constant 128 : i32
        %mul3A_1134 = arith.muli %select_n3A_1132, %mul3A_1133 : i32
        %multiple_of3A_1135 = tpu.assume_multiple %mul3A_1134, 128 : i32
        %add3A_1136 = arith.constant 2 : i32
        %add3A_1137 = arith.addi %mul3A_988, %add3A_1136 : i32
        %dma_start3A_1138 = arith.constant 0 : i32
        %dma_start3A_1139 = arith.constant 0 : i32
        %dma_start3A_1140 = arith.constant 0 : i32
        %dma_start3A_1141 = tpu.memref_slice %arg6[%add3A_1137, %dma_start3A_1138, %dma_start3A_1139, %dma_start3A_1140] : memref<16x2x8x128xf32, #tpu.memory_space<vmem>> -> memref<1x1x8x128xf32, #tpu.memory_space<vmem>>
        %dma_start3A_1142 = tpu.memref_squeeze %dma_start3A_1141 : memref<1x1x8x128xf32, #tpu.memory_space<vmem>> -> memref<8x128xf32, #tpu.memory_space<vmem>>
        %dma_start3A_1143 = arith.constant 0 : i32
        %dma_start3A_1144 = tpu.memref_slice %arg3[%dma_start3A_1143, %multiple_of3A_1135] : memref<16x1000000xf32, #tpu.memory_space<hbm>> -> memref<8x128xf32, #tpu.memory_space<hbm>>
        %dma_start3A_1145 = arith.constant 0 : i32
        %dma_start3A_1146 = arith.constant 0 : i32
        %dma_start3A_1147 = tpu.memref_slice %arg6[%add3A_1137, %dma_start3A_1138, %dma_start3A_1145, %dma_start3A_1146] : memref<16x2x8x128xf32, #tpu.memory_space<vmem>> -> memref<1x1x8x128xf32, #tpu.memory_space<vmem>>
        %dma_start3A_1148 = tpu.memref_squeeze %dma_start3A_1147 : memref<1x1x8x128xf32, #tpu.memory_space<vmem>> -> memref<8x128xf32, #tpu.memory_space<vmem>>
        %dma_start3A_1149 = arith.constant 0 : i32
        %dma_start3A_1150 = tpu.memref_slice %arg3[%dma_start3A_1149, %multiple_of3A_1135] : memref<16x1000000xf32, #tpu.memory_space<hbm>> -> memref<8x128xf32, #tpu.memory_space<hbm>>
        tpu.enqueue_dma source(%dma_start3A_1150 : memref<8x128xf32, #tpu.memory_space<hbm>>) target(%dma_start3A_1148 : memref<8x128xf32, #tpu.memory_space<vmem>>) target_semaphore(%arg8 : memref<!tpu.dma_semaphore, #tpu.memory_space<semaphore_mem>>)
        %add3A_1151 = arith.constant 2 : i32
        %add3A_1152 = arith.addi %mul3A_988, %add3A_1151 : i32
        %dma_start3A_1153 = arith.constant 1 : i32
        %dma_start3A_1154 = arith.constant 0 : i32
        %dma_start3A_1155 = arith.constant 0 : i32
        %dma_start3A_1156 = tpu.memref_slice %arg6[%add3A_1152, %dma_start3A_1153, %dma_start3A_1154, %dma_start3A_1155] : memref<16x2x8x128xf32, #tpu.memory_space<vmem>> -> memref<1x1x8x128xf32, #tpu.memory_space<vmem>>
        %dma_start3A_1157 = tpu.memref_squeeze %dma_start3A_1156 : memref<1x1x8x128xf32, #tpu.memory_space<vmem>> -> memref<8x128xf32, #tpu.memory_space<vmem>>
        %dma_start3A_1158 = arith.constant 8 : i32
        %dma_start3A_1159 = tpu.memref_slice %arg3[%dma_start3A_1158, %multiple_of3A_1135] : memref<16x1000000xf32, #tpu.memory_space<hbm>> -> memref<8x128xf32, #tpu.memory_space<hbm>>
        %dma_start3A_1160 = arith.constant 0 : i32
        %dma_start3A_1161 = arith.constant 0 : i32
        %dma_start3A_1162 = tpu.memref_slice %arg6[%add3A_1152, %dma_start3A_1153, %dma_start3A_1160, %dma_start3A_1161] : memref<16x2x8x128xf32, #tpu.memory_space<vmem>> -> memref<1x1x8x128xf32, #tpu.memory_space<vmem>>
        %dma_start3A_1163 = tpu.memref_squeeze %dma_start3A_1162 : memref<1x1x8x128xf32, #tpu.memory_space<vmem>> -> memref<8x128xf32, #tpu.memory_space<vmem>>
        %dma_start3A_1164 = arith.constant 8 : i32
        %dma_start3A_1165 = tpu.memref_slice %arg3[%dma_start3A_1164, %multiple_of3A_1135] : memref<16x1000000xf32, #tpu.memory_space<hbm>> -> memref<8x128xf32, #tpu.memory_space<hbm>>
        tpu.enqueue_dma source(%dma_start3A_1165 : memref<8x128xf32, #tpu.memory_space<hbm>>) target(%dma_start3A_1163 : memref<8x128xf32, #tpu.memory_space<vmem>>) target_semaphore(%arg8 : memref<!tpu.dma_semaphore, #tpu.memory_space<semaphore_mem>>)
        %slice3A_1166 = vector.extract_strided_slice %get3A_984 {offsets = [3], sizes = [1], strides = [1]} : vector<16xi32> to vector<1xi32>
        %squeeze3A_1167 = vector.extract %slice3A_1166[0] : i32 from vector<1xi32>
        %jit3A_1168 = arith.constant 128 : i32
        %div3A_1169 = arith.divsi %squeeze3A_1167, %jit3A_1168 : i32
        %sign3A_1170 = arith.constant 0 : i32
        %sign3A_1171 = arith.cmpi sgt, %squeeze3A_1167, %sign3A_1170 : i32
        %sign3A_1172 = arith.extui %sign3A_1171 : i1 to i32
        %sign3A_1173 = arith.constant 0 : i32
        %sign3A_1174 = arith.cmpi slt, %squeeze3A_1167, %sign3A_1173 : i32
        %sign3A_1175 = arith.extui %sign3A_1174 : i1 to i32
        %sign3A_1176 = arith.subi %sign3A_1172, %sign3A_1175 : i32
        %sign3A_1177 = arith.constant 0 : i32
        %sign3A_1178 = arith.cmpi sgt, %jit3A_1168, %sign3A_1177 : i32
        %sign3A_1179 = arith.extui %sign3A_1178 : i1 to i32
        %sign3A_1180 = arith.constant 0 : i32
        %sign3A_1181 = arith.cmpi slt, %jit3A_1168, %sign3A_1180 : i32
        %sign3A_1182 = arith.extui %sign3A_1181 : i1 to i32
        %sign3A_1183 = arith.subi %sign3A_1179, %sign3A_1182 : i32
        %ne3A_1184 = arith.cmpi ne, %sign3A_1176, %sign3A_1183 : i32
        %rem3A_1185 = arith.remsi %squeeze3A_1167, %jit3A_1168 : i32
        %ne3A_1186 = arith.constant 0 : i32
        %ne3A_1187 = arith.cmpi ne, %rem3A_1185, %ne3A_1186 : i32
        %and3A_1188 = arith.andi %ne3A_1184, %ne3A_1187 : i1
        %sub3A_1189 = arith.constant 1 : i32
        %sub3A_1190 = arith.subi %div3A_1169, %sub3A_1189 : i32
        %select_n3A_1191 = arith.select %and3A_1188, %sub3A_1190, %div3A_1169 : i32
        %mul3A_1192 = arith.constant 128 : i32
        %mul3A_1193 = arith.muli %select_n3A_1191, %mul3A_1192 : i32
        %multiple_of3A_1194 = tpu.assume_multiple %mul3A_1193, 128 : i32
        %add3A_1195 = arith.constant 3 : i32
        %add3A_1196 = arith.addi %mul3A_988, %add3A_1195 : i32
        %dma_start3A_1197 = arith.constant 0 : i32
        %dma_start3A_1198 = arith.constant 0 : i32
        %dma_start3A_1199 = arith.constant 0 : i32
        %dma_start3A_1200 = tpu.memref_slice %arg6[%add3A_1196, %dma_start3A_1197, %dma_start3A_1198, %dma_start3A_1199] : memref<16x2x8x128xf32, #tpu.memory_space<vmem>> -> memref<1x1x8x128xf32, #tpu.memory_space<vmem>>
        %dma_start3A_1201 = tpu.memref_squeeze %dma_start3A_1200 : memref<1x1x8x128xf32, #tpu.memory_space<vmem>> -> memref<8x128xf32, #tpu.memory_space<vmem>>
        %dma_start3A_1202 = arith.constant 0 : i32
        %dma_start3A_1203 = tpu.memref_slice %arg3[%dma_start3A_1202, %multiple_of3A_1194] : memref<16x1000000xf32, #tpu.memory_space<hbm>> -> memref<8x128xf32, #tpu.memory_space<hbm>>
        %dma_start3A_1204 = arith.constant 0 : i32
        %dma_start3A_1205 = arith.constant 0 : i32
        %dma_start3A_1206 = tpu.memref_slice %arg6[%add3A_1196, %dma_start3A_1197, %dma_start3A_1204, %dma_start3A_1205] : memref<16x2x8x128xf32, #tpu.memory_space<vmem>> -> memref<1x1x8x128xf32, #tpu.memory_space<vmem>>
        %dma_start3A_1207 = tpu.memref_squeeze %dma_start3A_1206 : memref<1x1x8x128xf32, #tpu.memory_space<vmem>> -> memref<8x128xf32, #tpu.memory_space<vmem>>
        %dma_start3A_1208 = arith.constant 0 : i32
        %dma_start3A_1209 = tpu.memref_slice %arg3[%dma_start3A_1208, %multiple_of3A_1194] : memref<16x1000000xf32, #tpu.memory_space<hbm>> -> memref<8x128xf32, #tpu.memory_space<hbm>>
        tpu.enqueue_dma source(%dma_start3A_1209 : memref<8x128xf32, #tpu.memory_space<hbm>>) target(%dma_start3A_1207 : memref<8x128xf32, #tpu.memory_space<vmem>>) target_semaphore(%arg8 : memref<!tpu.dma_semaphore, #tpu.memory_space<semaphore_mem>>)
        %add3A_1210 = arith.constant 3 : i32
        %add3A_1211 = arith.addi %mul3A_988, %add3A_1210 : i32
        %dma_start3A_1212 = arith.constant 1 : i32
        %dma_start3A_1213 = arith.constant 0 : i32
        %dma_start3A_1214 = arith.constant 0 : i32
        %dma_start3A_1215 = tpu.memref_slice %arg6[%add3A_1211, %dma_start3A_1212, %dma_start3A_1213, %dma_start3A_1214] : memref<16x2x8x128xf32, #tpu.memory_space<vmem>> -> memref<1x1x8x128xf32, #tpu.memory_space<vmem>>
        %dma_start3A_1216 = tpu.memref_squeeze %dma_start3A_1215 : memref<1x1x8x128xf32, #tpu.memory_space<vmem>> -> memref<8x128xf32, #tpu.memory_space<vmem>>
        %dma_start3A_1217 = arith.constant 8 : i32
        %dma_start3A_1218 = tpu.memref_slice %arg3[%dma_start3A_1217, %multiple_of3A_1194] : memref<16x1000000xf32, #tpu.memory_space<hbm>> -> memref<8x128xf32, #tpu.memory_space<hbm>>
        %dma_start3A_1219 = arith.constant 0 : i32
        %dma_start3A_1220 = arith.constant 0 : i32
        %dma_start3A_1221 = tpu.memref_slice %arg6[%add3A_1211, %dma_start3A_1212, %dma_start3A_1219, %dma_start3A_1220] : memref<16x2x8x128xf32, #tpu.memory_space<vmem>> -> memref<1x1x8x128xf32, #tpu.memory_space<vmem>>
        %dma_start3A_1222 = tpu.memref_squeeze %dma_start3A_1221 : memref<1x1x8x128xf32, #tpu.memory_space<vmem>> -> memref<8x128xf32, #tpu.memory_space<vmem>>
        %dma_start3A_1223 = arith.constant 8 : i32
        %dma_start3A_1224 = tpu.memref_slice %arg3[%dma_start3A_1223, %multiple_of3A_1194] : memref<16x1000000xf32, #tpu.memory_space<hbm>> -> memref<8x128xf32, #tpu.memory_space<hbm>>
        tpu.enqueue_dma source(%dma_start3A_1224 : memref<8x128xf32, #tpu.memory_space<hbm>>) target(%dma_start3A_1222 : memref<8x128xf32, #tpu.memory_space<vmem>>) target_semaphore(%arg8 : memref<!tpu.dma_semaphore, #tpu.memory_space<semaphore_mem>>)
        %slice3A_1225 = vector.extract_strided_slice %get3A_984 {offsets = [4], sizes = [1], strides = [1]} : vector<16xi32> to vector<1xi32>
        %squeeze3A_1226 = vector.extract %slice3A_1225[0] : i32 from vector<1xi32>
        %jit3A_1227 = arith.constant 128 : i32
        %div3A_1228 = arith.divsi %squeeze3A_1226, %jit3A_1227 : i32
        %sign3A_1229 = arith.constant 0 : i32
        %sign3A_1230 = arith.cmpi sgt, %squeeze3A_1226, %sign3A_1229 : i32
        %sign3A_1231 = arith.extui %sign3A_1230 : i1 to i32
        %sign3A_1232 = arith.constant 0 : i32
        %sign3A_1233 = arith.cmpi slt, %squeeze3A_1226, %sign3A_1232 : i32
        %sign3A_1234 = arith.extui %sign3A_1233 : i1 to i32
        %sign3A_1235 = arith.subi %sign3A_1231, %sign3A_1234 : i32
        %sign3A_1236 = arith.constant 0 : i32
        %sign3A_1237 = arith.cmpi sgt, %jit3A_1227, %sign3A_1236 : i32
        %sign3A_1238 = arith.extui %sign3A_1237 : i1 to i32
        %sign3A_1239 = arith.constant 0 : i32
        %sign3A_1240 = arith.cmpi slt, %jit3A_1227, %sign3A_1239 : i32
        %sign3A_1241 = arith.extui %sign3A_1240 : i1 to i32
        %sign3A_1242 = arith.subi %sign3A_1238, %sign3A_1241 : i32
        %ne3A_1243 = arith.cmpi ne, %sign3A_1235, %sign3A_1242 : i32
        %rem3A_1244 = arith.remsi %squeeze3A_1226, %jit3A_1227 : i32
        %ne3A_1245 = arith.constant 0 : i32
        %ne3A_1246 = arith.cmpi ne, %rem3A_1244, %ne3A_1245 : i32
        %and3A_1247 = arith.andi %ne3A_1243, %ne3A_1246 : i1
        %sub3A_1248 = arith.constant 1 : i32
        %sub3A_1249 = arith.subi %div3A_1228, %sub3A_1248 : i32
        %select_n3A_1250 = arith.select %and3A_1247, %sub3A_1249, %div3A_1228 : i32
        %mul3A_1251 = arith.constant 128 : i32
        %mul3A_1252 = arith.muli %select_n3A_1250, %mul3A_1251 : i32
        %multiple_of3A_1253 = tpu.assume_multiple %mul3A_1252, 128 : i32
        %add3A_1254 = arith.constant 4 : i32
        %add3A_1255 = arith.addi %mul3A_988, %add3A_1254 : i32
        %dma_start3A_1256 = arith.constant 0 : i32
        %dma_start3A_1257 = arith.constant 0 : i32
        %dma_start3A_1258 = arith.constant 0 : i32
        %dma_start3A_1259 = tpu.memref_slice %arg6[%add3A_1255, %dma_start3A_1256, %dma_start3A_1257, %dma_start3A_1258] : memref<16x2x8x128xf32, #tpu.memory_space<vmem>> -> memref<1x1x8x128xf32, #tpu.memory_space<vmem>>
        %dma_start3A_1260 = tpu.memref_squeeze %dma_start3A_1259 : memref<1x1x8x128xf32, #tpu.memory_space<vmem>> -> memref<8x128xf32, #tpu.memory_space<vmem>>
        %dma_start3A_1261 = arith.constant 0 : i32
        %dma_start3A_1262 = tpu.memref_slice %arg3[%dma_start3A_1261, %multiple_of3A_1253] : memref<16x1000000xf32, #tpu.memory_space<hbm>> -> memref<8x128xf32, #tpu.memory_space<hbm>>
        %dma_start3A_1263 = arith.constant 0 : i32
        %dma_start3A_1264 = arith.constant 0 : i32
        %dma_start3A_1265 = tpu.memref_slice %arg6[%add3A_1255, %dma_start3A_1256, %dma_start3A_1263, %dma_start3A_1264] : memref<16x2x8x128xf32, #tpu.memory_space<vmem>> -> memref<1x1x8x128xf32, #tpu.memory_space<vmem>>
        %dma_start3A_1266 = tpu.memref_squeeze %dma_start3A_1265 : memref<1x1x8x128xf32, #tpu.memory_space<vmem>> -> memref<8x128xf32, #tpu.memory_space<vmem>>
        %dma_start3A_1267 = arith.constant 0 : i32
        %dma_start3A_1268 = tpu.memref_slice %arg3[%dma_start3A_1267, %multiple_of3A_1253] : memref<16x1000000xf32, #tpu.memory_space<hbm>> -> memref<8x128xf32, #tpu.memory_space<hbm>>
        tpu.enqueue_dma source(%dma_start3A_1268 : memref<8x128xf32, #tpu.memory_space<hbm>>) target(%dma_start3A_1266 : memref<8x128xf32, #tpu.memory_space<vmem>>) target_semaphore(%arg8 : memref<!tpu.dma_semaphore, #tpu.memory_space<semaphore_mem>>)
        %add3A_1269 = arith.constant 4 : i32
        %add3A_1270 = arith.addi %mul3A_988, %add3A_1269 : i32
        %dma_start3A_1271 = arith.constant 1 : i32
        %dma_start3A_1272 = arith.constant 0 : i32
        %dma_start3A_1273 = arith.constant 0 : i32
        %dma_start3A_1274 = tpu.memref_slice %arg6[%add3A_1270, %dma_start3A_1271, %dma_start3A_1272, %dma_start3A_1273] : memref<16x2x8x128xf32, #tpu.memory_space<vmem>> -> memref<1x1x8x128xf32, #tpu.memory_space<vmem>>
        %dma_start3A_1275 = tpu.memref_squeeze %dma_start3A_1274 : memref<1x1x8x128xf32, #tpu.memory_space<vmem>> -> memref<8x128xf32, #tpu.memory_space<vmem>>
        %dma_start3A_1276 = arith.constant 8 : i32
        %dma_start3A_1277 = tpu.memref_slice %arg3[%dma_start3A_1276, %multiple_of3A_1253] : memref<16x1000000xf32, #tpu.memory_space<hbm>> -> memref<8x128xf32, #tpu.memory_space<hbm>>
        %dma_start3A_1278 = arith.constant 0 : i32
        %dma_start3A_1279 = arith.constant 0 : i32
        %dma_start3A_1280 = tpu.memref_slice %arg6[%add3A_1270, %dma_start3A_1271, %dma_start3A_1278, %dma_start3A_1279] : memref<16x2x8x128xf32, #tpu.memory_space<vmem>> -> memref<1x1x8x128xf32, #tpu.memory_space<vmem>>
        %dma_start3A_1281 = tpu.memref_squeeze %dma_start3A_1280 : memref<1x1x8x128xf32, #tpu.memory_space<vmem>> -> memref<8x128xf32, #tpu.memory_space<vmem>>
        %dma_start3A_1282 = arith.constant 8 : i32
        %dma_start3A_1283 = tpu.memref_slice %arg3[%dma_start3A_1282, %multiple_of3A_1253] : memref<16x1000000xf32, #tpu.memory_space<hbm>> -> memref<8x128xf32, #tpu.memory_space<hbm>>
        tpu.enqueue_dma source(%dma_start3A_1283 : memref<8x128xf32, #tpu.memory_space<hbm>>) target(%dma_start3A_1281 : memref<8x128xf32, #tpu.memory_space<vmem>>) target_semaphore(%arg8 : memref<!tpu.dma_semaphore, #tpu.memory_space<semaphore_mem>>)
        %slice3A_1284 = vector.extract_strided_slice %get3A_984 {offsets = [5], sizes = [1], strides = [1]} : vector<16xi32> to vector<1xi32>
        %squeeze3A_1285 = vector.extract %slice3A_1284[0] : i32 from vector<1xi32>
        %jit3A_1286 = arith.constant 128 : i32
        %div3A_1287 = arith.divsi %squeeze3A_1285, %jit3A_1286 : i32
        %sign3A_1288 = arith.constant 0 : i32
        %sign3A_1289 = arith.cmpi sgt, %squeeze3A_1285, %sign3A_1288 : i32
        %sign3A_1290 = arith.extui %sign3A_1289 : i1 to i32
        %sign3A_1291 = arith.constant 0 : i32
        %sign3A_1292 = arith.cmpi slt, %squeeze3A_1285, %sign3A_1291 : i32
        %sign3A_1293 = arith.extui %sign3A_1292 : i1 to i32
        %sign3A_1294 = arith.subi %sign3A_1290, %sign3A_1293 : i32
        %sign3A_1295 = arith.constant 0 : i32
        %sign3A_1296 = arith.cmpi sgt, %jit3A_1286, %sign3A_1295 : i32
        %sign3A_1297 = arith.extui %sign3A_1296 : i1 to i32
        %sign3A_1298 = arith.constant 0 : i32
        %sign3A_1299 = arith.cmpi slt, %jit3A_1286, %sign3A_1298 : i32
        %sign3A_1300 = arith.extui %sign3A_1299 : i1 to i32
        %sign3A_1301 = arith.subi %sign3A_1297, %sign3A_1300 : i32
        %ne3A_1302 = arith.cmpi ne, %sign3A_1294, %sign3A_1301 : i32
        %rem3A_1303 = arith.remsi %squeeze3A_1285, %jit3A_1286 : i32
        %ne3A_1304 = arith.constant 0 : i32
        %ne3A_1305 = arith.cmpi ne, %rem3A_1303, %ne3A_1304 : i32
        %and3A_1306 = arith.andi %ne3A_1302, %ne3A_1305 : i1
        %sub3A_1307 = arith.constant 1 : i32
        %sub3A_1308 = arith.subi %div3A_1287, %sub3A_1307 : i32
        %select_n3A_1309 = arith.select %and3A_1306, %sub3A_1308, %div3A_1287 : i32
        %mul3A_1310 = arith.constant 128 : i32
        %mul3A_1311 = arith.muli %select_n3A_1309, %mul3A_1310 : i32
        %multiple_of3A_1312 = tpu.assume_multiple %mul3A_1311, 128 : i32
        %add3A_1313 = arith.constant 5 : i32
        %add3A_1314 = arith.addi %mul3A_988, %add3A_1313 : i32
        %dma_start3A_1315 = arith.constant 0 : i32
        %dma_start3A_1316 = arith.constant 0 : i32
        %dma_start3A_1317 = arith.constant 0 : i32
        %dma_start3A_1318 = tpu.memref_slice %arg6[%add3A_1314, %dma_start3A_1315, %dma_start3A_1316, %dma_start3A_1317] : memref<16x2x8x128xf32, #tpu.memory_space<vmem>> -> memref<1x1x8x128xf32, #tpu.memory_space<vmem>>
        %dma_start3A_1319 = tpu.memref_squeeze %dma_start3A_1318 : memref<1x1x8x128xf32, #tpu.memory_space<vmem>> -> memref<8x128xf32, #tpu.memory_space<vmem>>
        %dma_start3A_1320 = arith.constant 0 : i32
        %dma_start3A_1321 = tpu.memref_slice %arg3[%dma_start3A_1320, %multiple_of3A_1312] : memref<16x1000000xf32, #tpu.memory_space<hbm>> -> memref<8x128xf32, #tpu.memory_space<hbm>>
        %dma_start3A_1322 = arith.constant 0 : i32
        %dma_start3A_1323 = arith.constant 0 : i32
        %dma_start3A_1324 = tpu.memref_slice %arg6[%add3A_1314, %dma_start3A_1315, %dma_start3A_1322, %dma_start3A_1323] : memref<16x2x8x128xf32, #tpu.memory_space<vmem>> -> memref<1x1x8x128xf32, #tpu.memory_space<vmem>>
        %dma_start3A_1325 = tpu.memref_squeeze %dma_start3A_1324 : memref<1x1x8x128xf32, #tpu.memory_space<vmem>> -> memref<8x128xf32, #tpu.memory_space<vmem>>
        %dma_start3A_1326 = arith.constant 0 : i32
        %dma_start3A_1327 = tpu.memref_slice %arg3[%dma_start3A_1326, %multiple_of3A_1312] : memref<16x1000000xf32, #tpu.memory_space<hbm>> -> memref<8x128xf32, #tpu.memory_space<hbm>>
        tpu.enqueue_dma source(%dma_start3A_1327 : memref<8x128xf32, #tpu.memory_space<hbm>>) target(%dma_start3A_1325 : memref<8x128xf32, #tpu.memory_space<vmem>>) target_semaphore(%arg8 : memref<!tpu.dma_semaphore, #tpu.memory_space<semaphore_mem>>)
        %add3A_1328 = arith.constant 5 : i32
        %add3A_1329 = arith.addi %mul3A_988, %add3A_1328 : i32
        %dma_start3A_1330 = arith.constant 1 : i32
        %dma_start3A_1331 = arith.constant 0 : i32
        %dma_start3A_1332 = arith.constant 0 : i32
        %dma_start3A_1333 = tpu.memref_slice %arg6[%add3A_1329, %dma_start3A_1330, %dma_start3A_1331, %dma_start3A_1332] : memref<16x2x8x128xf32, #tpu.memory_space<vmem>> -> memref<1x1x8x128xf32, #tpu.memory_space<vmem>>
        %dma_start3A_1334 = tpu.memref_squeeze %dma_start3A_1333 : memref<1x1x8x128xf32, #tpu.memory_space<vmem>> -> memref<8x128xf32, #tpu.memory_space<vmem>>
        %dma_start3A_1335 = arith.constant 8 : i32
        %dma_start3A_1336 = tpu.memref_slice %arg3[%dma_start3A_1335, %multiple_of3A_1312] : memref<16x1000000xf32, #tpu.memory_space<hbm>> -> memref<8x128xf32, #tpu.memory_space<hbm>>
        %dma_start3A_1337 = arith.constant 0 : i32
        %dma_start3A_1338 = arith.constant 0 : i32
        %dma_start3A_1339 = tpu.memref_slice %arg6[%add3A_1329, %dma_start3A_1330, %dma_start3A_1337, %dma_start3A_1338] : memref<16x2x8x128xf32, #tpu.memory_space<vmem>> -> memref<1x1x8x128xf32, #tpu.memory_space<vmem>>
        %dma_start3A_1340 = tpu.memref_squeeze %dma_start3A_1339 : memref<1x1x8x128xf32, #tpu.memory_space<vmem>> -> memref<8x128xf32, #tpu.memory_space<vmem>>
        %dma_start3A_1341 = arith.constant 8 : i32
        %dma_start3A_1342 = tpu.memref_slice %arg3[%dma_start3A_1341, %multiple_of3A_1312] : memref<16x1000000xf32, #tpu.memory_space<hbm>> -> memref<8x128xf32, #tpu.memory_space<hbm>>
        tpu.enqueue_dma source(%dma_start3A_1342 : memref<8x128xf32, #tpu.memory_space<hbm>>) target(%dma_start3A_1340 : memref<8x128xf32, #tpu.memory_space<vmem>>) target_semaphore(%arg8 : memref<!tpu.dma_semaphore, #tpu.memory_space<semaphore_mem>>)
        %slice3A_1343 = vector.extract_strided_slice %get3A_984 {offsets = [6], sizes = [1], strides = [1]} : vector<16xi32> to vector<1xi32>
        %squeeze3A_1344 = vector.extract %slice3A_1343[0] : i32 from vector<1xi32>
        %jit3A_1345 = arith.constant 128 : i32
        %div3A_1346 = arith.divsi %squeeze3A_1344, %jit3A_1345 : i32
        %sign3A_1347 = arith.constant 0 : i32
        %sign3A_1348 = arith.cmpi sgt, %squeeze3A_1344, %sign3A_1347 : i32
        %sign3A_1349 = arith.extui %sign3A_1348 : i1 to i32
        %sign3A_1350 = arith.constant 0 : i32
        %sign3A_1351 = arith.cmpi slt, %squeeze3A_1344, %sign3A_1350 : i32
        %sign3A_1352 = arith.extui %sign3A_1351 : i1 to i32
        %sign3A_1353 = arith.subi %sign3A_1349, %sign3A_1352 : i32
        %sign3A_1354 = arith.constant 0 : i32
        %sign3A_1355 = arith.cmpi sgt, %jit3A_1345, %sign3A_1354 : i32
        %sign3A_1356 = arith.extui %sign3A_1355 : i1 to i32
        %sign3A_1357 = arith.constant 0 : i32
        %sign3A_1358 = arith.cmpi slt, %jit3A_1345, %sign3A_1357 : i32
        %sign3A_1359 = arith.extui %sign3A_1358 : i1 to i32
        %sign3A_1360 = arith.subi %sign3A_1356, %sign3A_1359 : i32
        %ne3A_1361 = arith.cmpi ne, %sign3A_1353, %sign3A_1360 : i32
        %rem3A_1362 = arith.remsi %squeeze3A_1344, %jit3A_1345 : i32
        %ne3A_1363 = arith.constant 0 : i32
        %ne3A_1364 = arith.cmpi ne, %rem3A_1362, %ne3A_1363 : i32
        %and3A_1365 = arith.andi %ne3A_1361, %ne3A_1364 : i1
        %sub3A_1366 = arith.constant 1 : i32
        %sub3A_1367 = arith.subi %div3A_1346, %sub3A_1366 : i32
        %select_n3A_1368 = arith.select %and3A_1365, %sub3A_1367, %div3A_1346 : i32
        %mul3A_1369 = arith.constant 128 : i32
        %mul3A_1370 = arith.muli %select_n3A_1368, %mul3A_1369 : i32
        %multiple_of3A_1371 = tpu.assume_multiple %mul3A_1370, 128 : i32
        %add3A_1372 = arith.constant 6 : i32
        %add3A_1373 = arith.addi %mul3A_988, %add3A_1372 : i32
        %dma_start3A_1374 = arith.constant 0 : i32
        %dma_start3A_1375 = arith.constant 0 : i32
        %dma_start3A_1376 = arith.constant 0 : i32
        %dma_start3A_1377 = tpu.memref_slice %arg6[%add3A_1373, %dma_start3A_1374, %dma_start3A_1375, %dma_start3A_1376] : memref<16x2x8x128xf32, #tpu.memory_space<vmem>> -> memref<1x1x8x128xf32, #tpu.memory_space<vmem>>
        %dma_start3A_1378 = tpu.memref_squeeze %dma_start3A_1377 : memref<1x1x8x128xf32, #tpu.memory_space<vmem>> -> memref<8x128xf32, #tpu.memory_space<vmem>>
        %dma_start3A_1379 = arith.constant 0 : i32
        %dma_start3A_1380 = tpu.memref_slice %arg3[%dma_start3A_1379, %multiple_of3A_1371] : memref<16x1000000xf32, #tpu.memory_space<hbm>> -> memref<8x128xf32, #tpu.memory_space<hbm>>
        %dma_start3A_1381 = arith.constant 0 : i32
        %dma_start3A_1382 = arith.constant 0 : i32
        %dma_start3A_1383 = tpu.memref_slice %arg6[%add3A_1373, %dma_start3A_1374, %dma_start3A_1381, %dma_start3A_1382] : memref<16x2x8x128xf32, #tpu.memory_space<vmem>> -> memref<1x1x8x128xf32, #tpu.memory_space<vmem>>
        %dma_start3A_1384 = tpu.memref_squeeze %dma_start3A_1383 : memref<1x1x8x128xf32, #tpu.memory_space<vmem>> -> memref<8x128xf32, #tpu.memory_space<vmem>>
        %dma_start3A_1385 = arith.constant 0 : i32
        %dma_start3A_1386 = tpu.memref_slice %arg3[%dma_start3A_1385, %multiple_of3A_1371] : memref<16x1000000xf32, #tpu.memory_space<hbm>> -> memref<8x128xf32, #tpu.memory_space<hbm>>
        tpu.enqueue_dma source(%dma_start3A_1386 : memref<8x128xf32, #tpu.memory_space<hbm>>) target(%dma_start3A_1384 : memref<8x128xf32, #tpu.memory_space<vmem>>) target_semaphore(%arg8 : memref<!tpu.dma_semaphore, #tpu.memory_space<semaphore_mem>>)
        %add3A_1387 = arith.constant 6 : i32
        %add3A_1388 = arith.addi %mul3A_988, %add3A_1387 : i32
        %dma_start3A_1389 = arith.constant 1 : i32
        %dma_start3A_1390 = arith.constant 0 : i32
        %dma_start3A_1391 = arith.constant 0 : i32
        %dma_start3A_1392 = tpu.memref_slice %arg6[%add3A_1388, %dma_start3A_1389, %dma_start3A_1390, %dma_start3A_1391] : memref<16x2x8x128xf32, #tpu.memory_space<vmem>> -> memref<1x1x8x128xf32, #tpu.memory_space<vmem>>
        %dma_start3A_1393 = tpu.memref_squeeze %dma_start3A_1392 : memref<1x1x8x128xf32, #tpu.memory_space<vmem>> -> memref<8x128xf32, #tpu.memory_space<vmem>>
        %dma_start3A_1394 = arith.constant 8 : i32
        %dma_start3A_1395 = tpu.memref_slice %arg3[%dma_start3A_1394, %multiple_of3A_1371] : memref<16x1000000xf32, #tpu.memory_space<hbm>> -> memref<8x128xf32, #tpu.memory_space<hbm>>
        %dma_start3A_1396 = arith.constant 0 : i32
        %dma_start3A_1397 = arith.constant 0 : i32
        %dma_start3A_1398 = tpu.memref_slice %arg6[%add3A_1388, %dma_start3A_1389, %dma_start3A_1396, %dma_start3A_1397] : memref<16x2x8x128xf32, #tpu.memory_space<vmem>> -> memref<1x1x8x128xf32, #tpu.memory_space<vmem>>
        %dma_start3A_1399 = tpu.memref_squeeze %dma_start3A_1398 : memref<1x1x8x128xf32, #tpu.memory_space<vmem>> -> memref<8x128xf32, #tpu.memory_space<vmem>>
        %dma_start3A_1400 = arith.constant 8 : i32
        %dma_start3A_1401 = tpu.memref_slice %arg3[%dma_start3A_1400, %multiple_of3A_1371] : memref<16x1000000xf32, #tpu.memory_space<hbm>> -> memref<8x128xf32, #tpu.memory_space<hbm>>
        tpu.enqueue_dma source(%dma_start3A_1401 : memref<8x128xf32, #tpu.memory_space<hbm>>) target(%dma_start3A_1399 : memref<8x128xf32, #tpu.memory_space<vmem>>) target_semaphore(%arg8 : memref<!tpu.dma_semaphore, #tpu.memory_space<semaphore_mem>>)
        %slice3A_1402 = vector.extract_strided_slice %get3A_984 {offsets = [7], sizes = [1], strides = [1]} : vector<16xi32> to vector<1xi32>
        %squeeze3A_1403 = vector.extract %slice3A_1402[0] : i32 from vector<1xi32>
        %jit3A_1404 = arith.constant 128 : i32
        %div3A_1405 = arith.divsi %squeeze3A_1403, %jit3A_1404 : i32
        %sign3A_1406 = arith.constant 0 : i32
        %sign3A_1407 = arith.cmpi sgt, %squeeze3A_1403, %sign3A_1406 : i32
        %sign3A_1408 = arith.extui %sign3A_1407 : i1 to i32
        %sign3A_1409 = arith.constant 0 : i32
        %sign3A_1410 = arith.cmpi slt, %squeeze3A_1403, %sign3A_1409 : i32
        %sign3A_1411 = arith.extui %sign3A_1410 : i1 to i32
        %sign3A_1412 = arith.subi %sign3A_1408, %sign3A_1411 : i32
        %sign3A_1413 = arith.constant 0 : i32
        %sign3A_1414 = arith.cmpi sgt, %jit3A_1404, %sign3A_1413 : i32
        %sign3A_1415 = arith.extui %sign3A_1414 : i1 to i32
        %sign3A_1416 = arith.constant 0 : i32
        %sign3A_1417 = arith.cmpi slt, %jit3A_1404, %sign3A_1416 : i32
        %sign3A_1418 = arith.extui %sign3A_1417 : i1 to i32
        %sign3A_1419 = arith.subi %sign3A_1415, %sign3A_1418 : i32
        %ne3A_1420 = arith.cmpi ne, %sign3A_1412, %sign3A_1419 : i32
        %rem3A_1421 = arith.remsi %squeeze3A_1403, %jit3A_1404 : i32
        %ne3A_1422 = arith.constant 0 : i32
        %ne3A_1423 = arith.cmpi ne, %rem3A_1421, %ne3A_1422 : i32
        %and3A_1424 = arith.andi %ne3A_1420, %ne3A_1423 : i1
        %sub3A_1425 = arith.constant 1 : i32
        %sub3A_1426 = arith.subi %div3A_1405, %sub3A_1425 : i32
        %select_n3A_1427 = arith.select %and3A_1424, %sub3A_1426, %div3A_1405 : i32
        %mul3A_1428 = arith.constant 128 : i32
        %mul3A_1429 = arith.muli %select_n3A_1427, %mul3A_1428 : i32
        %multiple_of3A_1430 = tpu.assume_multiple %mul3A_1429, 128 : i32
        %add3A_1431 = arith.constant 7 : i32
        %add3A_1432 = arith.addi %mul3A_988, %add3A_1431 : i32
        %dma_start3A_1433 = arith.constant 0 : i32
        %dma_start3A_1434 = arith.constant 0 : i32
        %dma_start3A_1435 = arith.constant 0 : i32
        %dma_start3A_1436 = tpu.memref_slice %arg6[%add3A_1432, %dma_start3A_1433, %dma_start3A_1434, %dma_start3A_1435] : memref<16x2x8x128xf32, #tpu.memory_space<vmem>> -> memref<1x1x8x128xf32, #tpu.memory_space<vmem>>
        %dma_start3A_1437 = tpu.memref_squeeze %dma_start3A_1436 : memref<1x1x8x128xf32, #tpu.memory_space<vmem>> -> memref<8x128xf32, #tpu.memory_space<vmem>>
        %dma_start3A_1438 = arith.constant 0 : i32
        %dma_start3A_1439 = tpu.memref_slice %arg3[%dma_start3A_1438, %multiple_of3A_1430] : memref<16x1000000xf32, #tpu.memory_space<hbm>> -> memref<8x128xf32, #tpu.memory_space<hbm>>
        %dma_start3A_1440 = arith.constant 0 : i32
        %dma_start3A_1441 = arith.constant 0 : i32
        %dma_start3A_1442 = tpu.memref_slice %arg6[%add3A_1432, %dma_start3A_1433, %dma_start3A_1440, %dma_start3A_1441] : memref<16x2x8x128xf32, #tpu.memory_space<vmem>> -> memref<1x1x8x128xf32, #tpu.memory_space<vmem>>
        %dma_start3A_1443 = tpu.memref_squeeze %dma_start3A_1442 : memref<1x1x8x128xf32, #tpu.memory_space<vmem>> -> memref<8x128xf32, #tpu.memory_space<vmem>>
        %dma_start3A_1444 = arith.constant 0 : i32
        %dma_start3A_1445 = tpu.memref_slice %arg3[%dma_start3A_1444, %multiple_of3A_1430] : memref<16x1000000xf32, #tpu.memory_space<hbm>> -> memref<8x128xf32, #tpu.memory_space<hbm>>
        tpu.enqueue_dma source(%dma_start3A_1445 : memref<8x128xf32, #tpu.memory_space<hbm>>) target(%dma_start3A_1443 : memref<8x128xf32, #tpu.memory_space<vmem>>) target_semaphore(%arg8 : memref<!tpu.dma_semaphore, #tpu.memory_space<semaphore_mem>>)
        %add3A_1446 = arith.constant 7 : i32
        %add3A_1447 = arith.addi %mul3A_988, %add3A_1446 : i32
        %dma_start3A_1448 = arith.constant 1 : i32
        %dma_start3A_1449 = arith.constant 0 : i32
        %dma_start3A_1450 = arith.constant 0 : i32
        %dma_start3A_1451 = tpu.memref_slice %arg6[%add3A_1447, %dma_start3A_1448, %dma_start3A_1449, %dma_start3A_1450] : memref<16x2x8x128xf32, #tpu.memory_space<vmem>> -> memref<1x1x8x128xf32, #tpu.memory_space<vmem>>
        %dma_start3A_1452 = tpu.memref_squeeze %dma_start3A_1451 : memref<1x1x8x128xf32, #tpu.memory_space<vmem>> -> memref<8x128xf32, #tpu.memory_space<vmem>>
        %dma_start3A_1453 = arith.constant 8 : i32
        %dma_start3A_1454 = tpu.memref_slice %arg3[%dma_start3A_1453, %multiple_of3A_1430] : memref<16x1000000xf32, #tpu.memory_space<hbm>> -> memref<8x128xf32, #tpu.memory_space<hbm>>
        %dma_start3A_1455 = arith.constant 0 : i32
        %dma_start3A_1456 = arith.constant 0 : i32
        %dma_start3A_1457 = tpu.memref_slice %arg6[%add3A_1447, %dma_start3A_1448, %dma_start3A_1455, %dma_start3A_1456] : memref<16x2x8x128xf32, #tpu.memory_space<vmem>> -> memref<1x1x8x128xf32, #tpu.memory_space<vmem>>
        %dma_start3A_1458 = tpu.memref_squeeze %dma_start3A_1457 : memref<1x1x8x128xf32, #tpu.memory_space<vmem>> -> memref<8x128xf32, #tpu.memory_space<vmem>>
        %dma_start3A_1459 = arith.constant 8 : i32
        %dma_start3A_1460 = tpu.memref_slice %arg3[%dma_start3A_1459, %multiple_of3A_1430] : memref<16x1000000xf32, #tpu.memory_space<hbm>> -> memref<8x128xf32, #tpu.memory_space<hbm>>
        tpu.enqueue_dma source(%dma_start3A_1460 : memref<8x128xf32, #tpu.memory_space<hbm>>) target(%dma_start3A_1458 : memref<8x128xf32, #tpu.memory_space<vmem>>) target_semaphore(%arg8 : memref<!tpu.dma_semaphore, #tpu.memory_space<semaphore_mem>>)
      } else {
      }
      %mul3A_747 = arith.constant 8 : i32
      %mul3A_748 = arith.muli %scan3A_489, %mul3A_747 : i32
      %get3A_749 = arith.index_cast %mul3A_748 : i32 to index
      %get3A_750 = tpu.vector_load %arg5[%get3A_749] {strides = array<i32>} : memref<528xi32, #tpu.memory_space<vmem>>, vector<16xi32>,
      %rem3A_751 = arith.constant 2 : i32
      %rem3A_752 = arith.remsi %scan3A_489, %rem3A_751 : i32
      %mul3A_753 = arith.constant 8 : i32
      %mul3A_754 = arith.muli %rem3A_752, %mul3A_753 : i32
      %jit3A_755 = arith.constant 8 : i32
      %div3A_756 = vector.broadcast %jit3A_755 : i32 to vector<16xi32>
      %div3A_757 = arith.divsi %iota3A, %div3A_756 : vector<16xi32>
      %sign3A_758 = arith.constant 0 : i32
      %sign3A_759 = vector.broadcast %sign3A_758 : i32 to vector<16xi32>
      %sign3A_760 = arith.cmpi sgt, %iota3A, %sign3A_759 : vector<16xi32>
      %sign3A_761 = arith.extui %sign3A_760 : vector<16xi1> to vector<16xi32>
      %sign3A_762 = arith.constant 0 : i32
      %sign3A_763 = vector.broadcast %sign3A_762 : i32 to vector<16xi32>
      %sign3A_764 = arith.cmpi slt, %iota3A, %sign3A_763 : vector<16xi32>
      %sign3A_765 = arith.extui %sign3A_764 : vector<16xi1> to vector<16xi32>
      %sign3A_766 = arith.subi %sign3A_761, %sign3A_765 : vector<16xi32>
      %sign3A_767 = arith.constant 0 : i32
      %sign3A_768 = arith.cmpi sgt, %jit3A_755, %sign3A_767 : i32
      %sign3A_769 = arith.extui %sign3A_768 : i1 to i32
      %sign3A_770 = arith.constant 0 : i32
      %sign3A_771 = arith.cmpi slt, %jit3A_755, %sign3A_770 : i32
      %sign3A_772 = arith.extui %sign3A_771 : i1 to i32
      %sign3A_773 = arith.subi %sign3A_769, %sign3A_772 : i32
      %ne3A_774 = vector.broadcast %sign3A_773 : i32 to vector<16xi32>
      %ne3A_775 = arith.cmpi ne, %sign3A_766, %ne3A_774 : vector<16xi32>
      %rem3A_776 = vector.broadcast %jit3A_755 : i32 to vector<16xi32>
      %rem3A_777 = arith.remsi %iota3A, %rem3A_776 : vector<16xi32>
      %ne3A_778 = arith.constant 0 : i32
      %ne3A_779 = vector.broadcast %ne3A_778 : i32 to vector<16xi32>
      %ne3A_780 = arith.cmpi ne, %rem3A_777, %ne3A_779 : vector<16xi32>
      %and3A_781 = arith.andi %ne3A_775, %ne3A_780 : vector<16xi1>
      %sub3A_782 = arith.constant 1 : i32
      %sub3A_783 = vector.broadcast %sub3A_782 : i32 to vector<16xi32>
      %sub3A_784 = arith.subi %div3A_757, %sub3A_783 : vector<16xi32>
      %select_n3A_785 = arith.select %and3A_781, %sub3A_784, %div3A_757 : vector<16xi1>, vector<16xi32>
      %rem3A_786 = arith.constant 8 : i32
      %rem3A_787 = vector.broadcast %rem3A_786 : i32 to vector<16xi32>
      %rem3A_788 = arith.remsi %iota3A, %rem3A_787 : vector<16xi32>
      %slice3A_789 = vector.extract_strided_slice %get3A_750 {offsets = [0], sizes = [1], strides = [1]} : vector<16xi32> to vector<1xi32>
      %squeeze3A_790 = vector.extract %slice3A_789[0] : i32 from vector<1xi32>
      %broadcast_in_dim3A = arith.constant 0 : i32
      %broadcast_in_dim3A_791 = vector.broadcast %broadcast_in_dim3A : i32 to vector<16xi32>
      %add3A_792 = vector.broadcast %mul3A_754 : i32 to vector<16xi32>
      %add3A_793 = arith.addi %broadcast_in_dim3A_791, %add3A_792 : vector<16xi32>
      %add3A_794 = arith.constant 0 : i32
      %add3A_795 = vector.broadcast %add3A_794 : i32 to vector<16xi32>
      %add3A_796 = arith.addi %add3A_793, %add3A_795 : vector<16xi32>
      %broadcast_in_dim3A_797 = arith.constant 0 : i32
      %broadcast_in_dim3A_798 = vector.broadcast %broadcast_in_dim3A_797 : i32 to vector<16xi32>
      %rem3A_799 = arith.constant 128 : i32
      %rem3A_800 = arith.remsi %squeeze3A_790, %rem3A_799 : i32
      %add3A_801 = vector.broadcast %rem3A_800 : i32 to vector<16xi32>
      %add3A_802 = arith.addi %broadcast_in_dim3A_798, %add3A_801 : vector<16xi32>
      %gather3A = tpu.vector_load_idx %arg6[%add3A_796, %select_n3A_785, %rem3A_788, %add3A_802] : memref<16x2x8x128xf32, #tpu.memory_space<vmem>>[vector<16xi32>, vector<16xi32>, vector<16xi32>, vector<16xi32>], vector<16xf32>,
      %mul3A_803 = arith.constant 8 : i32
      %mul3A_804 = arith.muli %scan3A_489, %mul3A_803 : i32
      %add3A_805 = arith.constant 0 : i32
      %add3A_806 = arith.addi %mul3A_804, %add3A_805 : i32
      %broadcast_in_dim3A_807 = arith.constant 0 : i32
      %broadcast_in_dim3A_808 = vector.broadcast %broadcast_in_dim3A_807 : i32 to vector<16xi32>
      %add3A_809 = vector.broadcast %add3A_806 : i32 to vector<16xi32>
      %add3A_810 = arith.addi %broadcast_in_dim3A_808, %add3A_809 : vector<16xi32>
      tpu.vector_store_idx %arg7[%add3A_810, %iota3A], %gather3A : memref<512x16xf32, #tpu.memory_space<vmem>>[vector<16xi32>, vector<16xi32>], vector<16xf32>,
      %slice3A_811 = vector.extract_strided_slice %get3A_750 {offsets = [1], sizes = [1], strides = [1]} : vector<16xi32> to vector<1xi32>
      %squeeze3A_812 = vector.extract %slice3A_811[0] : i32 from vector<1xi32>
      %broadcast_in_dim3A_813 = arith.constant 0 : i32
      %broadcast_in_dim3A_814 = vector.broadcast %broadcast_in_dim3A_813 : i32 to vector<16xi32>
      %add3A_815 = vector.broadcast %mul3A_754 : i32 to vector<16xi32>
      %add3A_816 = arith.addi %broadcast_in_dim3A_814, %add3A_815 : vector<16xi32>
      %add3A_817 = arith.constant 1 : i32
      %add3A_818 = vector.broadcast %add3A_817 : i32 to vector<16xi32>
      %add3A_819 = arith.addi %add3A_816, %add3A_818 : vector<16xi32>
      %broadcast_in_dim3A_820 = arith.constant 0 : i32
      %broadcast_in_dim3A_821 = vector.broadcast %broadcast_in_dim3A_820 : i32 to vector<16xi32>
      %rem3A_822 = arith.constant 128 : i32
      %rem3A_823 = arith.remsi %squeeze3A_812, %rem3A_822 : i32
      %add3A_824 = vector.broadcast %rem3A_823 : i32 to vector<16xi32>
      %add3A_825 = arith.addi %broadcast_in_dim3A_821, %add3A_824 : vector<16xi32>
      %gather3A_826 = tpu.vector_load_idx %arg6[%add3A_819, %select_n3A_785, %rem3A_788, %add3A_825] : memref<16x2x8x128xf32, #tpu.memory_space<vmem>>[vector<16xi32>, vector<16xi32>, vector<16xi32>, vector<16xi32>], vector<16xf32>,
      %mul3A_827 = arith.constant 8 : i32
      %mul3A_828 = arith.muli %scan3A_489, %mul3A_827 : i32
      %add3A_829 = arith.constant 1 : i32
      %add3A_830 = arith.addi %mul3A_828, %add3A_829 : i32
      %broadcast_in_dim3A_831 = arith.constant 0 : i32
      %broadcast_in_dim3A_832 = vector.broadcast %broadcast_in_dim3A_831 : i32 to vector<16xi32>
      %add3A_833 = vector.broadcast %add3A_830 : i32 to vector<16xi32>
      %add3A_834 = arith.addi %broadcast_in_dim3A_832, %add3A_833 : vector<16xi32>
      tpu.vector_store_idx %arg7[%add3A_834, %iota3A], %gather3A_826 : memref<512x16xf32, #tpu.memory_space<vmem>>[vector<16xi32>, vector<16xi32>], vector<16xf32>,
      %slice3A_835 = vector.extract_strided_slice %get3A_750 {offsets = [2], sizes = [1], strides = [1]} : vector<16xi32> to vector<1xi32>
      %squeeze3A_836 = vector.extract %slice3A_835[0] : i32 from vector<1xi32>
      %broadcast_in_dim3A_837 = arith.constant 0 : i32
      %broadcast_in_dim3A_838 = vector.broadcast %broadcast_in_dim3A_837 : i32 to vector<16xi32>
      %add3A_839 = vector.broadcast %mul3A_754 : i32 to vector<16xi32>
      %add3A_840 = arith.addi %broadcast_in_dim3A_838, %add3A_839 : vector<16xi32>
      %add3A_841 = arith.constant 2 : i32
      %add3A_842 = vector.broadcast %add3A_841 : i32 to vector<16xi32>
      %add3A_843 = arith.addi %add3A_840, %add3A_842 : vector<16xi32>
      %broadcast_in_dim3A_844 = arith.constant 0 : i32
      %broadcast_in_dim3A_845 = vector.broadcast %broadcast_in_dim3A_844 : i32 to vector<16xi32>
      %rem3A_846 = arith.constant 128 : i32
      %rem3A_847 = arith.remsi %squeeze3A_836, %rem3A_846 : i32
      %add3A_848 = vector.broadcast %rem3A_847 : i32 to vector<16xi32>
      %add3A_849 = arith.addi %broadcast_in_dim3A_845, %add3A_848 : vector<16xi32>
      %gather3A_850 = tpu.vector_load_idx %arg6[%add3A_843, %select_n3A_785, %rem3A_788, %add3A_849] : memref<16x2x8x128xf32, #tpu.memory_space<vmem>>[vector<16xi32>, vector<16xi32>, vector<16xi32>, vector<16xi32>], vector<16xf32>,
      %mul3A_851 = arith.constant 8 : i32
      %mul3A_852 = arith.muli %scan3A_489, %mul3A_851 : i32
      %add3A_853 = arith.constant 2 : i32
      %add3A_854 = arith.addi %mul3A_852, %add3A_853 : i32
      %broadcast_in_dim3A_855 = arith.constant 0 : i32
      %broadcast_in_dim3A_856 = vector.broadcast %broadcast_in_dim3A_855 : i32 to vector<16xi32>
      %add3A_857 = vector.broadcast %add3A_854 : i32 to vector<16xi32>
      %add3A_858 = arith.addi %broadcast_in_dim3A_856, %add3A_857 : vector<16xi32>
      tpu.vector_store_idx %arg7[%add3A_858, %iota3A], %gather3A_850 : memref<512x16xf32, #tpu.memory_space<vmem>>[vector<16xi32>, vector<16xi32>], vector<16xf32>,
      %slice3A_859 = vector.extract_strided_slice %get3A_750 {offsets = [3], sizes = [1], strides = [1]} : vector<16xi32> to vector<1xi32>
      %squeeze3A_860 = vector.extract %slice3A_859[0] : i32 from vector<1xi32>
      %broadcast_in_dim3A_861 = arith.constant 0 : i32
      %broadcast_in_dim3A_862 = vector.broadcast %broadcast_in_dim3A_861 : i32 to vector<16xi32>
      %add3A_863 = vector.broadcast %mul3A_754 : i32 to vector<16xi32>
      %add3A_864 = arith.addi %broadcast_in_dim3A_862, %add3A_863 : vector<16xi32>
      %add3A_865 = arith.constant 3 : i32
      %add3A_866 = vector.broadcast %add3A_865 : i32 to vector<16xi32>
      %add3A_867 = arith.addi %add3A_864, %add3A_866 : vector<16xi32>
      %broadcast_in_dim3A_868 = arith.constant 0 : i32
      %broadcast_in_dim3A_869 = vector.broadcast %broadcast_in_dim3A_868 : i32 to vector<16xi32>
      %rem3A_870 = arith.constant 128 : i32
      %rem3A_871 = arith.remsi %squeeze3A_860, %rem3A_870 : i32
      %add3A_872 = vector.broadcast %rem3A_871 : i32 to vector<16xi32>
      %add3A_873 = arith.addi %broadcast_in_dim3A_869, %add3A_872 : vector<16xi32>
      %gather3A_874 = tpu.vector_load_idx %arg6[%add3A_867, %select_n3A_785, %rem3A_788, %add3A_873] : memref<16x2x8x128xf32, #tpu.memory_space<vmem>>[vector<16xi32>, vector<16xi32>, vector<16xi32>, vector<16xi32>], vector<16xf32>,
      %mul3A_875 = arith.constant 8 : i32
      %mul3A_876 = arith.muli %scan3A_489, %mul3A_875 : i32
      %add3A_877 = arith.constant 3 : i32
      %add3A_878 = arith.addi %mul3A_876, %add3A_877 : i32
      %broadcast_in_dim3A_879 = arith.constant 0 : i32
      %broadcast_in_dim3A_880 = vector.broadcast %broadcast_in_dim3A_879 : i32 to vector<16xi32>
      %add3A_881 = vector.broadcast %add3A_878 : i32 to vector<16xi32>
      %add3A_882 = arith.addi %broadcast_in_dim3A_880, %add3A_881 : vector<16xi32>
      tpu.vector_store_idx %arg7[%add3A_882, %iota3A], %gather3A_874 : memref<512x16xf32, #tpu.memory_space<vmem>>[vector<16xi32>, vector<16xi32>], vector<16xf32>,
      %slice3A_883 = vector.extract_strided_slice %get3A_750 {offsets = [4], sizes = [1], strides = [1]} : vector<16xi32> to vector<1xi32>
      %squeeze3A_884 = vector.extract %slice3A_883[0] : i32 from vector<1xi32>
      %broadcast_in_dim3A_885 = arith.constant 0 : i32
      %broadcast_in_dim3A_886 = vector.broadcast %broadcast_in_dim3A_885 : i32 to vector<16xi32>
      %add3A_887 = vector.broadcast %mul3A_754 : i32 to vector<16xi32>
      %add3A_888 = arith.addi %broadcast_in_dim3A_886, %add3A_887 : vector<16xi32>
      %add3A_889 = arith.constant 4 : i32
      %add3A_890 = vector.broadcast %add3A_889 : i32 to vector<16xi32>
      %add3A_891 = arith.addi %add3A_888, %add3A_890 : vector<16xi32>
      %broadcast_in_dim3A_892 = arith.constant 0 : i32
      %broadcast_in_dim3A_893 = vector.broadcast %broadcast_in_dim3A_892 : i32 to vector<16xi32>
      %rem3A_894 = arith.constant 128 : i32
      %rem3A_895 = arith.remsi %squeeze3A_884, %rem3A_894 : i32
      %add3A_896 = vector.broadcast %rem3A_895 : i32 to vector<16xi32>
      %add3A_897 = arith.addi %broadcast_in_dim3A_893, %add3A_896 : vector<16xi32>
      %gather3A_898 = tpu.vector_load_idx %arg6[%add3A_891, %select_n3A_785, %rem3A_788, %add3A_897] : memref<16x2x8x128xf32, #tpu.memory_space<vmem>>[vector<16xi32>, vector<16xi32>, vector<16xi32>, vector<16xi32>], vector<16xf32>,
      %mul3A_899 = arith.constant 8 : i32
      %mul3A_900 = arith.muli %scan3A_489, %mul3A_899 : i32
      %add3A_901 = arith.constant 4 : i32
      %add3A_902 = arith.addi %mul3A_900, %add3A_901 : i32
      %broadcast_in_dim3A_903 = arith.constant 0 : i32
      %broadcast_in_dim3A_904 = vector.broadcast %broadcast_in_dim3A_903 : i32 to vector<16xi32>
      %add3A_905 = vector.broadcast %add3A_902 : i32 to vector<16xi32>
      %add3A_906 = arith.addi %broadcast_in_dim3A_904, %add3A_905 : vector<16xi32>
      tpu.vector_store_idx %arg7[%add3A_906, %iota3A], %gather3A_898 : memref<512x16xf32, #tpu.memory_space<vmem>>[vector<16xi32>, vector<16xi32>], vector<16xf32>,
      %slice3A_907 = vector.extract_strided_slice %get3A_750 {offsets = [5], sizes = [1], strides = [1]} : vector<16xi32> to vector<1xi32>
      %squeeze3A_908 = vector.extract %slice3A_907[0] : i32 from vector<1xi32>
      %broadcast_in_dim3A_909 = arith.constant 0 : i32
      %broadcast_in_dim3A_910 = vector.broadcast %broadcast_in_dim3A_909 : i32 to vector<16xi32>
      %add3A_911 = vector.broadcast %mul3A_754 : i32 to vector<16xi32>
      %add3A_912 = arith.addi %broadcast_in_dim3A_910, %add3A_911 : vector<16xi32>
      %add3A_913 = arith.constant 5 : i32
      %add3A_914 = vector.broadcast %add3A_913 : i32 to vector<16xi32>
      %add3A_915 = arith.addi %add3A_912, %add3A_914 : vector<16xi32>
      %broadcast_in_dim3A_916 = arith.constant 0 : i32
      %broadcast_in_dim3A_917 = vector.broadcast %broadcast_in_dim3A_916 : i32 to vector<16xi32>
      %rem3A_918 = arith.constant 128 : i32
      %rem3A_919 = arith.remsi %squeeze3A_908, %rem3A_918 : i32
      %add3A_920 = vector.broadcast %rem3A_919 : i32 to vector<16xi32>
      %add3A_921 = arith.addi %broadcast_in_dim3A_917, %add3A_920 : vector<16xi32>
      %gather3A_922 = tpu.vector_load_idx %arg6[%add3A_915, %select_n3A_785, %rem3A_788, %add3A_921] : memref<16x2x8x128xf32, #tpu.memory_space<vmem>>[vector<16xi32>, vector<16xi32>, vector<16xi32>, vector<16xi32>], vector<16xf32>,
      %mul3A_923 = arith.constant 8 : i32
      %mul3A_924 = arith.muli %scan3A_489, %mul3A_923 : i32
      %add3A_925 = arith.constant 5 : i32
      %add3A_926 = arith.addi %mul3A_924, %add3A_925 : i32
      %broadcast_in_dim3A_927 = arith.constant 0 : i32
      %broadcast_in_dim3A_928 = vector.broadcast %broadcast_in_dim3A_927 : i32 to vector<16xi32>
      %add3A_929 = vector.broadcast %add3A_926 : i32 to vector<16xi32>
      %add3A_930 = arith.addi %broadcast_in_dim3A_928, %add3A_929 : vector<16xi32>
      tpu.vector_store_idx %arg7[%add3A_930, %iota3A], %gather3A_922 : memref<512x16xf32, #tpu.memory_space<vmem>>[vector<16xi32>, vector<16xi32>], vector<16xf32>,
      %slice3A_931 = vector.extract_strided_slice %get3A_750 {offsets = [6], sizes = [1], strides = [1]} : vector<16xi32> to vector<1xi32>
      %squeeze3A_932 = vector.extract %slice3A_931[0] : i32 from vector<1xi32>
      %broadcast_in_dim3A_933 = arith.constant 0 : i32
      %broadcast_in_dim3A_934 = vector.broadcast %broadcast_in_dim3A_933 : i32 to vector<16xi32>
      %add3A_935 = vector.broadcast %mul3A_754 : i32 to vector<16xi32>
      %add3A_936 = arith.addi %broadcast_in_dim3A_934, %add3A_935 : vector<16xi32>
      %add3A_937 = arith.constant 6 : i32
      %add3A_938 = vector.broadcast %add3A_937 : i32 to vector<16xi32>
      %add3A_939 = arith.addi %add3A_936, %add3A_938 : vector<16xi32>
      %broadcast_in_dim3A_940 = arith.constant 0 : i32
      %broadcast_in_dim3A_941 = vector.broadcast %broadcast_in_dim3A_940 : i32 to vector<16xi32>
      %rem3A_942 = arith.constant 128 : i32
      %rem3A_943 = arith.remsi %squeeze3A_932, %rem3A_942 : i32
      %add3A_944 = vector.broadcast %rem3A_943 : i32 to vector<16xi32>
      %add3A_945 = arith.addi %broadcast_in_dim3A_941, %add3A_944 : vector<16xi32>
      %gather3A_946 = tpu.vector_load_idx %arg6[%add3A_939, %select_n3A_785, %rem3A_788, %add3A_945] : memref<16x2x8x128xf32, #tpu.memory_space<vmem>>[vector<16xi32>, vector<16xi32>, vector<16xi32>, vector<16xi32>], vector<16xf32>,
      %mul3A_947 = arith.constant 8 : i32
      %mul3A_948 = arith.muli %scan3A_489, %mul3A_947 : i32
      %add3A_949 = arith.constant 6 : i32
      %add3A_950 = arith.addi %mul3A_948, %add3A_949 : i32
      %broadcast_in_dim3A_951 = arith.constant 0 : i32
      %broadcast_in_dim3A_952 = vector.broadcast %broadcast_in_dim3A_951 : i32 to vector<16xi32>
      %add3A_953 = vector.broadcast %add3A_950 : i32 to vector<16xi32>
      %add3A_954 = arith.addi %broadcast_in_dim3A_952, %add3A_953 : vector<16xi32>
      tpu.vector_store_idx %arg7[%add3A_954, %iota3A], %gather3A_946 : memref<512x16xf32, #tpu.memory_space<vmem>>[vector<16xi32>, vector<16xi32>], vector<16xf32>,
      %slice3A_955 = vector.extract_strided_slice %get3A_750 {offsets = [7], sizes = [1], strides = [1]} : vector<16xi32> to vector<1xi32>
      %squeeze3A_956 = vector.extract %slice3A_955[0] : i32 from vector<1xi32>
      %broadcast_in_dim3A_957 = arith.constant 0 : i32
      %broadcast_in_dim3A_958 = vector.broadcast %broadcast_in_dim3A_957 : i32 to vector<16xi32>
      %add3A_959 = vector.broadcast %mul3A_754 : i32 to vector<16xi32>
      %add3A_960 = arith.addi %broadcast_in_dim3A_958, %add3A_959 : vector<16xi32>
      %add3A_961 = arith.constant 7 : i32
      %add3A_962 = vector.broadcast %add3A_961 : i32 to vector<16xi32>
      %add3A_963 = arith.addi %add3A_960, %add3A_962 : vector<16xi32>
      %broadcast_in_dim3A_964 = arith.constant 0 : i32
      %broadcast_in_dim3A_965 = vector.broadcast %broadcast_in_dim3A_964 : i32 to vector<16xi32>
      %rem3A_966 = arith.constant 128 : i32
      %rem3A_967 = arith.remsi %squeeze3A_956, %rem3A_966 : i32
      %add3A_968 = vector.broadcast %rem3A_967 : i32 to vector<16xi32>
      %add3A_969 = arith.addi %broadcast_in_dim3A_965, %add3A_968 : vector<16xi32>
      %gather3A_970 = tpu.vector_load_idx %arg6[%add3A_963, %select_n3A_785, %rem3A_788, %add3A_969] : memref<16x2x8x128xf32, #tpu.memory_space<vmem>>[vector<16xi32>, vector<16xi32>, vector<16xi32>, vector<16xi32>], vector<16xf32>,
      %mul3A_971 = arith.constant 8 : i32
      %mul3A_972 = arith.muli %scan3A_489, %mul3A_971 : i32
      %add3A_973 = arith.constant 7 : i32
      %add3A_974 = arith.addi %mul3A_972, %add3A_973 : i32
      %broadcast_in_dim3A_975 = arith.constant 0 : i32
      %broadcast_in_dim3A_976 = vector.broadcast %broadcast_in_dim3A_975 : i32 to vector<16xi32>
      %add3A_977 = vector.broadcast %add3A_974 : i32 to vector<16xi32>
      %add3A_978 = arith.addi %broadcast_in_dim3A_976, %add3A_977 : vector<16xi32>
      tpu.vector_store_idx %arg7[%add3A_978, %iota3A], %gather3A_970 : memref<512x16xf32, #tpu.memory_space<vmem>>[vector<16xi32>, vector<16xi32>], vector<16xf32>,
    }
    %scan3A_482 = arith.constant 64 : i32
    %scan3A_483 = arith.constant 0 : i32
    %scan3A_484 = arith.constant 0 : i32
    %scan3A_485 = arith.constant 16 : i32
    %scan3A_486 = arith.addi %scan3A_484, %scan3A_485 : i32
    %scan3A_487 = arith.constant 1 : i32
    scf.for %scan3A_489 = %scan3A_484 to %scan3A_486 step %scan3A_487  : i32 {
      %mul3A_490 = arith.constant 32 : i32
      %mul3A_491 = arith.muli %scan3A_489, %mul3A_490 : i32
      %add3A_492 = arith.addi %mul3A_2, %mul3A_491 : i32
      "tpu.region"() ({
        %run_scoped3A = tpu.sem_alloc : memref<!tpu.dma_semaphore, #tpu.memory_space<semaphore_mem>>
        %dma_start3A_493 = arith.constant 0 : i32
        %dma_start3A_494 = tpu.memref_slice %arg7[%mul3A_491, %dma_start3A_493] : memref<512x16xf32, #tpu.memory_space<vmem>> -> memref<32x16xf32, #tpu.memory_space<vmem>>
        %dma_start3A_495 = arith.constant 0 : i32
        %dma_start3A_496 = tpu.memref_slice %arg4[%add3A_492, %dma_start3A_495] : memref<16384x16xf32, #tpu.memory_space<hbm>> -> memref<32x16xf32, #tpu.memory_space<hbm>>
        %dma_start3A_497 = arith.constant 0 : i32
        %dma_start3A_498 = tpu.memref_slice %arg4[%add3A_492, %dma_start3A_497] : memref<16384x16xf32, #tpu.memory_space<hbm>> -> memref<32x16xf32, #tpu.memory_space<hbm>>
        %dma_start3A_499 = arith.constant 0 : i32
        %dma_start3A_500 = tpu.memref_slice %arg7[%mul3A_491, %dma_start3A_499] : memref<512x16xf32, #tpu.memory_space<vmem>> -> memref<32x16xf32, #tpu.memory_space<vmem>>
        tpu.enqueue_dma source(%dma_start3A_500 : memref<32x16xf32, #tpu.memory_space<vmem>>) target(%dma_start3A_498 : memref<32x16xf32, #tpu.memory_space<hbm>>) target_semaphore(%run_scoped3A : memref<!tpu.dma_semaphore, #tpu.memory_space<semaphore_mem>>)
        %dma_wait3A = arith.constant 0 : i32
        %dma_wait3A_501 = tpu.memref_slice %arg7[%mul3A_491, %dma_wait3A] : memref<512x16xf32, #tpu.memory_space<vmem>> -> memref<32x16xf32, #tpu.memory_space<vmem>>
        %dma_wait3A_502 = arith.constant 0 : i32
        %dma_wait3A_503 = tpu.memref_slice %arg4[%add3A_492, %dma_wait3A_502] : memref<16384x16xf32, #tpu.memory_space<hbm>> -> memref<32x16xf32, #tpu.memory_space<hbm>>
        %dma_wait3A_504 = arith.constant 0 : i32
        %dma_wait3A_505 = tpu.memref_slice %arg4[%add3A_492, %dma_wait3A_504] : memref<16384x16xf32, #tpu.memory_space<hbm>> -> memref<32x16xf32, #tpu.memory_space<hbm>>
        %dma_wait3A_506 = arith.constant 0 : i32
        %dma_wait3A_507 = tpu.memref_slice %arg7[%mul3A_491, %dma_wait3A_506] : memref<512x16xf32, #tpu.memory_space<vmem>> -> memref<32x16xf32, #tpu.memory_space<vmem>>
        tpu.wait_dma2 semaphore(%run_scoped3A : memref<!tpu.dma_semaphore, #tpu.memory_space<semaphore_mem>>) src(%dma_wait3A_507 : memref<32x16xf32, #tpu.memory_space<vmem>>) dst(%dma_wait3A_505 : memref<32x16xf32, #tpu.memory_space<hbm>>)
        tpu.yield
      }) : () -> ()
    }
    %scan3A_488 = arith.constant 16 : i32
    return
  }
}

#map = affine_map<(d0, d1) -> (0, 0)>
module attributes {stable_mosaic.version = 14 : i64} {
  func.func @_gather_body(%arg0: i32, %arg1: i32, %arg2: memref<2x16384xi32, #tpu.memory_space<hbm>>, %arg3: memref<16x1000000xf32, #tpu.memory_space<hbm>>, %arg4: memref<16384x16xf32, #tpu.memory_space<hbm>>, %arg5: memref<528xi32, #tpu.memory_space<vmem>>, %arg6: memref<16x2x8x128xf32, #tpu.memory_space<vmem>>, %arg7: memref<512x16xf32, #tpu.memory_space<vmem>>, %arg8: memref<!tpu.dma_semaphore, #tpu.memory_space<semaphore_mem>>) attributes {dimension_semantics = [#tpu.dimension_semantics<core_parallel>, #tpu.dimension_semantics<subcore_parallel>], iteration_bounds = array<i64: 2, 16>, scalar_prefetch = 0 : i64, scratch_operands = 4 : i64, tpu.core_type = #tpu.core_type<sc_vector_subcore>, window_params = [{transform_indices = #map}, {transform_indices = #map}, {transform_indices = #map}]} {
    %mul3A = arith.constant 2 : i32
    %mul3A_0 = arith.muli %arg1, %mul3A : i32
    %add3A = arith.addi %mul3A_0, %arg0 : i32
    %mul3A_1 = arith.constant 512 : i32
    %mul3A_2 = arith.muli %add3A, %mul3A_1 : i32
    %scan3A = arith.constant 0 : i32
    %scan3A_3 = arith.constant 0 : i32
    %scan3A_4 = arith.constant 4 : i32
    %scan3A_5 = arith.addi %scan3A_3, %scan3A_4 : i32
    %scan3A_6 = arith.constant 1 : i32
    scf.for %scan3A_489 = %scan3A_3 to %scan3A_5 step %scan3A_6  : i32 {
      %mul3A_490 = arith.constant 128 : i32
      %mul3A_491 = arith.muli %scan3A_489, %mul3A_490 : i32
      %add3A_492 = arith.addi %mul3A_2, %mul3A_491 : i32
      %run_scoped3A = arith.constant 1 : i32
      "tpu.region"() ({
        %run_scoped3A_493 = tpu.sem_alloc : memref<!tpu.dma_semaphore, #tpu.memory_space<semaphore_mem>>
        %dma_start3A_494 = tpu.memref_slice %arg5[%mul3A_491] : memref<528xi32, #tpu.memory_space<vmem>> -> memref<128xi32, #tpu.memory_space<vmem>>
        %dma_start3A_495 = tpu.memref_slice %arg2[%run_scoped3A, %add3A_492] : memref<2x16384xi32, #tpu.memory_space<hbm>> -> memref<1x128xi32, #tpu.memory_space<hbm>>
        %dma_start3A_496 = tpu.memref_squeeze %dma_start3A_495 : memref<1x128xi32, #tpu.memory_space<hbm>> -> memref<128xi32, #tpu.memory_space<hbm>>
        %dma_start3A_497 = tpu.memref_slice %arg5[%mul3A_491] : memref<528xi32, #tpu.memory_space<vmem>> -> memref<128xi32, #tpu.memory_space<vmem>>
        %dma_start3A_498 = tpu.memref_slice %arg2[%run_scoped3A, %add3A_492] : memref<2x16384xi32, #tpu.memory_space<hbm>> -> memref<1x128xi32, #tpu.memory_space<hbm>>
        %dma_start3A_499 = tpu.memref_squeeze %dma_start3A_498 : memref<1x128xi32, #tpu.memory_space<hbm>> -> memref<128xi32, #tpu.memory_space<hbm>>
        tpu.enqueue_dma source(%dma_start3A_499 : memref<128xi32, #tpu.memory_space<hbm>>) target(%dma_start3A_497 : memref<128xi32, #tpu.memory_space<vmem>>) target_semaphore(%run_scoped3A_493 : memref<!tpu.dma_semaphore, #tpu.memory_space<semaphore_mem>>)
        %dma_wait3A = tpu.memref_slice %arg5[%mul3A_491] : memref<528xi32, #tpu.memory_space<vmem>> -> memref<128xi32, #tpu.memory_space<vmem>>
        %dma_wait3A_500 = tpu.memref_slice %arg2[%run_scoped3A, %add3A_492] : memref<2x16384xi32, #tpu.memory_space<hbm>> -> memref<1x128xi32, #tpu.memory_space<hbm>>
        %dma_wait3A_501 = tpu.memref_squeeze %dma_wait3A_500 : memref<1x128xi32, #tpu.memory_space<hbm>> -> memref<128xi32, #tpu.memory_space<hbm>>
        %dma_wait3A_502 = tpu.memref_slice %arg5[%mul3A_491] : memref<528xi32, #tpu.memory_space<vmem>> -> memref<128xi32, #tpu.memory_space<vmem>>
        %dma_wait3A_503 = tpu.memref_slice %arg2[%run_scoped3A, %add3A_492] : memref<2x16384xi32, #tpu.memory_space<hbm>> -> memref<1x128xi32, #tpu.memory_space<hbm>>
        %dma_wait3A_504 = tpu.memref_squeeze %dma_wait3A_503 : memref<1x128xi32, #tpu.memory_space<hbm>> -> memref<128xi32, #tpu.memory_space<hbm>>
        tpu.wait_dma2 semaphore(%run_scoped3A_493 : memref<!tpu.dma_semaphore, #tpu.memory_space<semaphore_mem>>) src(%dma_wait3A_504 : memref<128xi32, #tpu.memory_space<hbm>>) dst(%dma_wait3A_502 : memref<128xi32, #tpu.memory_space<vmem>>)
        tpu.yield
      }) : () -> ()
    }
    %scan3A_7 = arith.constant 4 : i32
    %iota3A = tpu.iota {dimensions = array<i32: 0>} : vector<16xi32>
    %mul3A_8 = arith.constant 0 : i32
    %mul3A_9 = arith.constant 8 : i32
    %mul3A_10 = arith.muli %mul3A_8, %mul3A_9 : i32
    %get3A = arith.index_cast %mul3A_10 : i32 to index
    %get3A_11 = tpu.vector_load %arg5[%get3A] {strides = array<i32>} : memref<528xi32, #tpu.memory_space<vmem>>, vector<16xi32>,
    %rem3A = arith.constant 0 : i32
    %rem3A_12 = arith.constant 2 : i32
    %rem3A_13 = arith.remsi %rem3A, %rem3A_12 : i32
    %mul3A_14 = arith.constant 8 : i32
    %mul3A_15 = arith.muli %rem3A_13, %mul3A_14 : i32
    %slice3A = vector.extract_strided_slice %get3A_11 {offsets = [0], sizes = [1], strides = [1]} : vector<16xi32> to vector<1xi32>
    %squeeze3A = vector.extract %slice3A[0] : i32 from vector<1xi32>
    %jit3A = arith.constant 128 : i32
    %div3A = arith.divsi %squeeze3A, %jit3A : i32
    %sign3A = arith.constant 0 : i32
    %sign3A_16 = arith.cmpi sgt, %squeeze3A, %sign3A : i32
    %sign3A_17 = arith.extui %sign3A_16 : i1 to i32
    %sign3A_18 = arith.constant 0 : i32
    %sign3A_19 = arith.cmpi slt, %squeeze3A, %sign3A_18 : i32
    %sign3A_20 = arith.extui %sign3A_19 : i1 to i32
    %sign3A_21 = arith.subi %sign3A_17, %sign3A_20 : i32
    %sign3A_22 = arith.constant 0 : i32
    %sign3A_23 = arith.cmpi sgt, %jit3A, %sign3A_22 : i32
    %sign3A_24 = arith.extui %sign3A_23 : i1 to i32
    %sign3A_25 = arith.constant 0 : i32
    %sign3A_26 = arith.cmpi slt, %jit3A, %sign3A_25 : i32
    %sign3A_27 = arith.extui %sign3A_26 : i1 to i32
    %sign3A_28 = arith.subi %sign3A_24, %sign3A_27 : i32
    %ne3A = arith.cmpi ne, %sign3A_21, %sign3A_28 : i32
    %rem3A_29 = arith.remsi %squeeze3A, %jit3A : i32
    %ne3A_30 = arith.constant 0 : i32
    %ne3A_31 = arith.cmpi ne, %rem3A_29, %ne3A_30 : i32
    %and3A = arith.andi %ne3A, %ne3A_31 : i1
    %sub3A = arith.constant 1 : i32
    %sub3A_32 = arith.subi %div3A, %sub3A : i32
    %select_n3A = arith.select %and3A, %sub3A_32, %div3A : i32
    %mul3A_33 = arith.constant 128 : i32
    %mul3A_34 = arith.muli %select_n3A, %mul3A_33 : i32
    %multiple_of3A = tpu.assume_multiple %mul3A_34, 128 : i32
    %add3A_35 = arith.constant 0 : i32
    %add3A_36 = arith.addi %mul3A_15, %add3A_35 : i32
    %dma_start3A = arith.constant 0 : i32
    %dma_start3A_37 = arith.constant 0 : i32
    %dma_start3A_38 = arith.constant 0 : i32
    %dma_start3A_39 = tpu.memref_slice %arg6[%add3A_36, %dma_start3A, %dma_start3A_37, %dma_start3A_38] : memref<16x2x8x128xf32, #tpu.memory_space<vmem>> -> memref<1x1x8x128xf32, #tpu.memory_space<vmem>>
    %dma_start3A_40 = tpu.memref_squeeze %dma_start3A_39 : memref<1x1x8x128xf32, #tpu.memory_space<vmem>> -> memref<8x128xf32, #tpu.memory_space<vmem>>
    %dma_start3A_41 = arith.constant 0 : i32
    %dma_start3A_42 = tpu.memref_slice %arg3[%dma_start3A_41, %multiple_of3A] : memref<16x1000000xf32, #tpu.memory_space<hbm>> -> memref<8x128xf32, #tpu.memory_space<hbm>>
    %dma_start3A_43 = arith.constant 0 : i32
    %dma_start3A_44 = arith.constant 0 : i32
    %dma_start3A_45 = tpu.memref_slice %arg6[%add3A_36, %dma_start3A, %dma_start3A_43, %dma_start3A_44] : memref<16x2x8x128xf32, #tpu.memory_space<vmem>> -> memref<1x1x8x128xf32, #tpu.memory_space<vmem>>
    %dma_start3A_46 = tpu.memref_squeeze %dma_start3A_45 : memref<1x1x8x128xf32, #tpu.memory_space<vmem>> -> memref<8x128xf32, #tpu.memory_space<vmem>>
    %dma_start3A_47 = arith.constant 0 : i32
    %dma_start3A_48 = tpu.memref_slice %arg3[%dma_start3A_47, %multiple_of3A] : memref<16x1000000xf32, #tpu.memory_space<hbm>> -> memref<8x128xf32, #tpu.memory_space<hbm>>
    tpu.enqueue_dma source(%dma_start3A_48 : memref<8x128xf32, #tpu.memory_space<hbm>>) target(%dma_start3A_46 : memref<8x128xf32, #tpu.memory_space<vmem>>) target_semaphore(%arg8 : memref<!tpu.dma_semaphore, #tpu.memory_space<semaphore_mem>>)
    %add3A_49 = arith.constant 0 : i32
    %add3A_50 = arith.addi %mul3A_15, %add3A_49 : i32
    %dma_start3A_51 = arith.constant 1 : i32
    %dma_start3A_52 = arith.constant 0 : i32
    %dma_start3A_53 = arith.constant 0 : i32
    %dma_start3A_54 = tpu.memref_slice %arg6[%add3A_50, %dma_start3A_51, %dma_start3A_52, %dma_start3A_53] : memref<16x2x8x128xf32, #tpu.memory_space<vmem>> -> memref<1x1x8x128xf32, #tpu.memory_space<vmem>>
    %dma_start3A_55 = tpu.memref_squeeze %dma_start3A_54 : memref<1x1x8x128xf32, #tpu.memory_space<vmem>> -> memref<8x128xf32, #tpu.memory_space<vmem>>
    %dma_start3A_56 = arith.constant 8 : i32
    %dma_start3A_57 = tpu.memref_slice %arg3[%dma_start3A_56, %multiple_of3A] : memref<16x1000000xf32, #tpu.memory_space<hbm>> -> memref<8x128xf32, #tpu.memory_space<hbm>>
    %dma_start3A_58 = arith.constant 0 : i32
    %dma_start3A_59 = arith.constant 0 : i32
    %dma_start3A_60 = tpu.memref_slice %arg6[%add3A_50, %dma_start3A_51, %dma_start3A_58, %dma_start3A_59] : memref<16x2x8x128xf32, #tpu.memory_space<vmem>> -> memref<1x1x8x128xf32, #tpu.memory_space<vmem>>
    %dma_start3A_61 = tpu.memref_squeeze %dma_start3A_60 : memref<1x1x8x128xf32, #tpu.memory_space<vmem>> -> memref<8x128xf32, #tpu.memory_space<vmem>>
    %dma_start3A_62 = arith.constant 8 : i32
    %dma_start3A_63 = tpu.memref_slice %arg3[%dma_start3A_62, %multiple_of3A] : memref<16x1000000xf32, #tpu.memory_space<hbm>> -> memref<8x128xf32, #tpu.memory_space<hbm>>
    tpu.enqueue_dma source(%dma_start3A_63 : memref<8x128xf32, #tpu.memory_space<hbm>>) target(%dma_start3A_61 : memref<8x128xf32, #tpu.memory_space<vmem>>) target_semaphore(%arg8 : memref<!tpu.dma_semaphore, #tpu.memory_space<semaphore_mem>>)
    %slice3A_64 = vector.extract_strided_slice %get3A_11 {offsets = [1], sizes = [1], strides = [1]} : vector<16xi32> to vector<1xi32>
    %squeeze3A_65 = vector.extract %slice3A_64[0] : i32 from vector<1xi32>
    %jit3A_66 = arith.constant 128 : i32
    %div3A_67 = arith.divsi %squeeze3A_65, %jit3A_66 : i32
    %sign3A_68 = arith.constant 0 : i32
    %sign3A_69 = arith.cmpi sgt, %squeeze3A_65, %sign3A_68 : i32
    %sign3A_70 = arith.extui %sign3A_69 : i1 to i32
    %sign3A_71 = arith.constant 0 : i32
    %sign3A_72 = arith.cmpi slt, %squeeze3A_65, %sign3A_71 : i32
    %sign3A_73 = arith.extui %sign3A_72 : i1 to i32
    %sign3A_74 = arith.subi %sign3A_70, %sign3A_73 : i32
    %sign3A_75 = arith.constant 0 : i32
    %sign3A_76 = arith.cmpi sgt, %jit3A_66, %sign3A_75 : i32
    %sign3A_77 = arith.extui %sign3A_76 : i1 to i32
    %sign3A_78 = arith.constant 0 : i32
    %sign3A_79 = arith.cmpi slt, %jit3A_66, %sign3A_78 : i32
    %sign3A_80 = arith.extui %sign3A_79 : i1 to i32
    %sign3A_81 = arith.subi %sign3A_77, %sign3A_80 : i32
    %ne3A_82 = arith.cmpi ne, %sign3A_74, %sign3A_81 : i32
    %rem3A_83 = arith.remsi %squeeze3A_65, %jit3A_66 : i32
    %ne3A_84 = arith.constant 0 : i32
    %ne3A_85 = arith.cmpi ne, %rem3A_83, %ne3A_84 : i32
    %and3A_86 = arith.andi %ne3A_82, %ne3A_85 : i1
    %sub3A_87 = arith.constant 1 : i32
    %sub3A_88 = arith.subi %div3A_67, %sub3A_87 : i32
    %select_n3A_89 = arith.select %and3A_86, %sub3A_88, %div3A_67 : i32
    %mul3A_90 = arith.constant 128 : i32
    %mul3A_91 = arith.muli %select_n3A_89, %mul3A_90 : i32
    %multiple_of3A_92 = tpu.assume_multiple %mul3A_91, 128 : i32
    %add3A_93 = arith.constant 1 : i32
    %add3A_94 = arith.addi %mul3A_15, %add3A_93 : i32
    %dma_start3A_95 = arith.constant 0 : i32
    %dma_start3A_96 = arith.constant 0 : i32
    %dma_start3A_97 = arith.constant 0 : i32
    %dma_start3A_98 = tpu.memref_slice %arg6[%add3A_94, %dma_start3A_95, %dma_start3A_96, %dma_start3A_97] : memref<16x2x8x128xf32, #tpu.memory_space<vmem>> -> memref<1x1x8x128xf32, #tpu.memory_space<vmem>>
    %dma_start3A_99 = tpu.memref_squeeze %dma_start3A_98 : memref<1x1x8x128xf32, #tpu.memory_space<vmem>> -> memref<8x128xf32, #tpu.memory_space<vmem>>
    %dma_start3A_100 = arith.constant 0 : i32
    %dma_start3A_101 = tpu.memref_slice %arg3[%dma_start3A_100, %multiple_of3A_92] : memref<16x1000000xf32, #tpu.memory_space<hbm>> -> memref<8x128xf32, #tpu.memory_space<hbm>>
    %dma_start3A_102 = arith.constant 0 : i32
    %dma_start3A_103 = arith.constant 0 : i32
    %dma_start3A_104 = tpu.memref_slice %arg6[%add3A_94, %dma_start3A_95, %dma_start3A_102, %dma_start3A_103] : memref<16x2x8x128xf32, #tpu.memory_space<vmem>> -> memref<1x1x8x128xf32, #tpu.memory_space<vmem>>
    %dma_start3A_105 = tpu.memref_squeeze %dma_start3A_104 : memref<1x1x8x128xf32, #tpu.memory_space<vmem>> -> memref<8x128xf32, #tpu.memory_space<vmem>>
    %dma_start3A_106 = arith.constant 0 : i32
    %dma_start3A_107 = tpu.memref_slice %arg3[%dma_start3A_106, %multiple_of3A_92] : memref<16x1000000xf32, #tpu.memory_space<hbm>> -> memref<8x128xf32, #tpu.memory_space<hbm>>
    tpu.enqueue_dma source(%dma_start3A_107 : memref<8x128xf32, #tpu.memory_space<hbm>>) target(%dma_start3A_105 : memref<8x128xf32, #tpu.memory_space<vmem>>) target_semaphore(%arg8 : memref<!tpu.dma_semaphore, #tpu.memory_space<semaphore_mem>>)
    %add3A_108 = arith.constant 1 : i32
    %add3A_109 = arith.addi %mul3A_15, %add3A_108 : i32
    %dma_start3A_110 = arith.constant 1 : i32
    %dma_start3A_111 = arith.constant 0 : i32
    %dma_start3A_112 = arith.constant 0 : i32
    %dma_start3A_113 = tpu.memref_slice %arg6[%add3A_109, %dma_start3A_110, %dma_start3A_111, %dma_start3A_112] : memref<16x2x8x128xf32, #tpu.memory_space<vmem>> -> memref<1x1x8x128xf32, #tpu.memory_space<vmem>>
    %dma_start3A_114 = tpu.memref_squeeze %dma_start3A_113 : memref<1x1x8x128xf32, #tpu.memory_space<vmem>> -> memref<8x128xf32, #tpu.memory_space<vmem>>
    %dma_start3A_115 = arith.constant 8 : i32
    %dma_start3A_116 = tpu.memref_slice %arg3[%dma_start3A_115, %multiple_of3A_92] : memref<16x1000000xf32, #tpu.memory_space<hbm>> -> memref<8x128xf32, #tpu.memory_space<hbm>>
    %dma_start3A_117 = arith.constant 0 : i32
    %dma_start3A_118 = arith.constant 0 : i32
    %dma_start3A_119 = tpu.memref_slice %arg6[%add3A_109, %dma_start3A_110, %dma_start3A_117, %dma_start3A_118] : memref<16x2x8x128xf32, #tpu.memory_space<vmem>> -> memref<1x1x8x128xf32, #tpu.memory_space<vmem>>
    %dma_start3A_120 = tpu.memref_squeeze %dma_start3A_119 : memref<1x1x8x128xf32, #tpu.memory_space<vmem>> -> memref<8x128xf32, #tpu.memory_space<vmem>>
    %dma_start3A_121 = arith.constant 8 : i32
    %dma_start3A_122 = tpu.memref_slice %arg3[%dma_start3A_121, %multiple_of3A_92] : memref<16x1000000xf32, #tpu.memory_space<hbm>> -> memref<8x128xf32, #tpu.memory_space<hbm>>
    tpu.enqueue_dma source(%dma_start3A_122 : memref<8x128xf32, #tpu.memory_space<hbm>>) target(%dma_start3A_120 : memref<8x128xf32, #tpu.memory_space<vmem>>) target_semaphore(%arg8 : memref<!tpu.dma_semaphore, #tpu.memory_space<semaphore_mem>>)
    %slice3A_123 = vector.extract_strided_slice %get3A_11 {offsets = [2], sizes = [1], strides = [1]} : vector<16xi32> to vector<1xi32>
    %squeeze3A_124 = vector.extract %slice3A_123[0] : i32 from vector<1xi32>
    %jit3A_125 = arith.constant 128 : i32
    %div3A_126 = arith.divsi %squeeze3A_124, %jit3A_125 : i32
    %sign3A_127 = arith.constant 0 : i32
    %sign3A_128 = arith.cmpi sgt, %squeeze3A_124, %sign3A_127 : i32
    %sign3A_129 = arith.extui %sign3A_128 : i1 to i32
    %sign3A_130 = arith.constant 0 : i32
    %sign3A_131 = arith.cmpi slt, %squeeze3A_124, %sign3A_130 : i32
    %sign3A_132 = arith.extui %sign3A_131 : i1 to i32
    %sign3A_133 = arith.subi %sign3A_129, %sign3A_132 : i32
    %sign3A_134 = arith.constant 0 : i32
    %sign3A_135 = arith.cmpi sgt, %jit3A_125, %sign3A_134 : i32
    %sign3A_136 = arith.extui %sign3A_135 : i1 to i32
    %sign3A_137 = arith.constant 0 : i32
    %sign3A_138 = arith.cmpi slt, %jit3A_125, %sign3A_137 : i32
    %sign3A_139 = arith.extui %sign3A_138 : i1 to i32
    %sign3A_140 = arith.subi %sign3A_136, %sign3A_139 : i32
    %ne3A_141 = arith.cmpi ne, %sign3A_133, %sign3A_140 : i32
    %rem3A_142 = arith.remsi %squeeze3A_124, %jit3A_125 : i32
    %ne3A_143 = arith.constant 0 : i32
    %ne3A_144 = arith.cmpi ne, %rem3A_142, %ne3A_143 : i32
    %and3A_145 = arith.andi %ne3A_141, %ne3A_144 : i1
    %sub3A_146 = arith.constant 1 : i32
    %sub3A_147 = arith.subi %div3A_126, %sub3A_146 : i32
    %select_n3A_148 = arith.select %and3A_145, %sub3A_147, %div3A_126 : i32
    %mul3A_149 = arith.constant 128 : i32
    %mul3A_150 = arith.muli %select_n3A_148, %mul3A_149 : i32
    %multiple_of3A_151 = tpu.assume_multiple %mul3A_150, 128 : i32
    %add3A_152 = arith.constant 2 : i32
    %add3A_153 = arith.addi %mul3A_15, %add3A_152 : i32
    %dma_start3A_154 = arith.constant 0 : i32
    %dma_start3A_155 = arith.constant 0 : i32
    %dma_start3A_156 = arith.constant 0 : i32
    %dma_start3A_157 = tpu.memref_slice %arg6[%add3A_153, %dma_start3A_154, %dma_start3A_155, %dma_start3A_156] : memref<16x2x8x128xf32, #tpu.memory_space<vmem>> -> memref<1x1x8x128xf32, #tpu.memory_space<vmem>>
    %dma_start3A_158 = tpu.memref_squeeze %dma_start3A_157 : memref<1x1x8x128xf32, #tpu.memory_space<vmem>> -> memref<8x128xf32, #tpu.memory_space<vmem>>
    %dma_start3A_159 = arith.constant 0 : i32
    %dma_start3A_160 = tpu.memref_slice %arg3[%dma_start3A_159, %multiple_of3A_151] : memref<16x1000000xf32, #tpu.memory_space<hbm>> -> memref<8x128xf32, #tpu.memory_space<hbm>>
    %dma_start3A_161 = arith.constant 0 : i32
    %dma_start3A_162 = arith.constant 0 : i32
    %dma_start3A_163 = tpu.memref_slice %arg6[%add3A_153, %dma_start3A_154, %dma_start3A_161, %dma_start3A_162] : memref<16x2x8x128xf32, #tpu.memory_space<vmem>> -> memref<1x1x8x128xf32, #tpu.memory_space<vmem>>
    %dma_start3A_164 = tpu.memref_squeeze %dma_start3A_163 : memref<1x1x8x128xf32, #tpu.memory_space<vmem>> -> memref<8x128xf32, #tpu.memory_space<vmem>>
    %dma_start3A_165 = arith.constant 0 : i32
    %dma_start3A_166 = tpu.memref_slice %arg3[%dma_start3A_165, %multiple_of3A_151] : memref<16x1000000xf32, #tpu.memory_space<hbm>> -> memref<8x128xf32, #tpu.memory_space<hbm>>
    tpu.enqueue_dma source(%dma_start3A_166 : memref<8x128xf32, #tpu.memory_space<hbm>>) target(%dma_start3A_164 : memref<8x128xf32, #tpu.memory_space<vmem>>) target_semaphore(%arg8 : memref<!tpu.dma_semaphore, #tpu.memory_space<semaphore_mem>>)
    %add3A_167 = arith.constant 2 : i32
    %add3A_168 = arith.addi %mul3A_15, %add3A_167 : i32
    %dma_start3A_169 = arith.constant 1 : i32
    %dma_start3A_170 = arith.constant 0 : i32
    %dma_start3A_171 = arith.constant 0 : i32
    %dma_start3A_172 = tpu.memref_slice %arg6[%add3A_168, %dma_start3A_169, %dma_start3A_170, %dma_start3A_171] : memref<16x2x8x128xf32, #tpu.memory_space<vmem>> -> memref<1x1x8x128xf32, #tpu.memory_space<vmem>>
    %dma_start3A_173 = tpu.memref_squeeze %dma_start3A_172 : memref<1x1x8x128xf32, #tpu.memory_space<vmem>> -> memref<8x128xf32, #tpu.memory_space<vmem>>
    %dma_start3A_174 = arith.constant 8 : i32
    %dma_start3A_175 = tpu.memref_slice %arg3[%dma_start3A_174, %multiple_of3A_151] : memref<16x1000000xf32, #tpu.memory_space<hbm>> -> memref<8x128xf32, #tpu.memory_space<hbm>>
    %dma_start3A_176 = arith.constant 0 : i32
    %dma_start3A_177 = arith.constant 0 : i32
    %dma_start3A_178 = tpu.memref_slice %arg6[%add3A_168, %dma_start3A_169, %dma_start3A_176, %dma_start3A_177] : memref<16x2x8x128xf32, #tpu.memory_space<vmem>> -> memref<1x1x8x128xf32, #tpu.memory_space<vmem>>
    %dma_start3A_179 = tpu.memref_squeeze %dma_start3A_178 : memref<1x1x8x128xf32, #tpu.memory_space<vmem>> -> memref<8x128xf32, #tpu.memory_space<vmem>>
    %dma_start3A_180 = arith.constant 8 : i32
    %dma_start3A_181 = tpu.memref_slice %arg3[%dma_start3A_180, %multiple_of3A_151] : memref<16x1000000xf32, #tpu.memory_space<hbm>> -> memref<8x128xf32, #tpu.memory_space<hbm>>
    tpu.enqueue_dma source(%dma_start3A_181 : memref<8x128xf32, #tpu.memory_space<hbm>>) target(%dma_start3A_179 : memref<8x128xf32, #tpu.memory_space<vmem>>) target_semaphore(%arg8 : memref<!tpu.dma_semaphore, #tpu.memory_space<semaphore_mem>>)
    %slice3A_182 = vector.extract_strided_slice %get3A_11 {offsets = [3], sizes = [1], strides = [1]} : vector<16xi32> to vector<1xi32>
    %squeeze3A_183 = vector.extract %slice3A_182[0] : i32 from vector<1xi32>
    %jit3A_184 = arith.constant 128 : i32
    %div3A_185 = arith.divsi %squeeze3A_183, %jit3A_184 : i32
    %sign3A_186 = arith.constant 0 : i32
    %sign3A_187 = arith.cmpi sgt, %squeeze3A_183, %sign3A_186 : i32
    %sign3A_188 = arith.extui %sign3A_187 : i1 to i32
    %sign3A_189 = arith.constant 0 : i32
    %sign3A_190 = arith.cmpi slt, %squeeze3A_183, %sign3A_189 : i32
    %sign3A_191 = arith.extui %sign3A_190 : i1 to i32
    %sign3A_192 = arith.subi %sign3A_188, %sign3A_191 : i32
    %sign3A_193 = arith.constant 0 : i32
    %sign3A_194 = arith.cmpi sgt, %jit3A_184, %sign3A_193 : i32
    %sign3A_195 = arith.extui %sign3A_194 : i1 to i32
    %sign3A_196 = arith.constant 0 : i32
    %sign3A_197 = arith.cmpi slt, %jit3A_184, %sign3A_196 : i32
    %sign3A_198 = arith.extui %sign3A_197 : i1 to i32
    %sign3A_199 = arith.subi %sign3A_195, %sign3A_198 : i32
    %ne3A_200 = arith.cmpi ne, %sign3A_192, %sign3A_199 : i32
    %rem3A_201 = arith.remsi %squeeze3A_183, %jit3A_184 : i32
    %ne3A_202 = arith.constant 0 : i32
    %ne3A_203 = arith.cmpi ne, %rem3A_201, %ne3A_202 : i32
    %and3A_204 = arith.andi %ne3A_200, %ne3A_203 : i1
    %sub3A_205 = arith.constant 1 : i32
    %sub3A_206 = arith.subi %div3A_185, %sub3A_205 : i32
    %select_n3A_207 = arith.select %and3A_204, %sub3A_206, %div3A_185 : i32
    %mul3A_208 = arith.constant 128 : i32
    %mul3A_209 = arith.muli %select_n3A_207, %mul3A_208 : i32
    %multiple_of3A_210 = tpu.assume_multiple %mul3A_209, 128 : i32
    %add3A_211 = arith.constant 3 : i32
    %add3A_212 = arith.addi %mul3A_15, %add3A_211 : i32
    %dma_start3A_213 = arith.constant 0 : i32
    %dma_start3A_214 = arith.constant 0 : i32
    %dma_start3A_215 = arith.constant 0 : i32
    %dma_start3A_216 = tpu.memref_slice %arg6[%add3A_212, %dma_start3A_213, %dma_start3A_214, %dma_start3A_215] : memref<16x2x8x128xf32, #tpu.memory_space<vmem>> -> memref<1x1x8x128xf32, #tpu.memory_space<vmem>>
    %dma_start3A_217 = tpu.memref_squeeze %dma_start3A_216 : memref<1x1x8x128xf32, #tpu.memory_space<vmem>> -> memref<8x128xf32, #tpu.memory_space<vmem>>
    %dma_start3A_218 = arith.constant 0 : i32
    %dma_start3A_219 = tpu.memref_slice %arg3[%dma_start3A_218, %multiple_of3A_210] : memref<16x1000000xf32, #tpu.memory_space<hbm>> -> memref<8x128xf32, #tpu.memory_space<hbm>>
    %dma_start3A_220 = arith.constant 0 : i32
    %dma_start3A_221 = arith.constant 0 : i32
    %dma_start3A_222 = tpu.memref_slice %arg6[%add3A_212, %dma_start3A_213, %dma_start3A_220, %dma_start3A_221] : memref<16x2x8x128xf32, #tpu.memory_space<vmem>> -> memref<1x1x8x128xf32, #tpu.memory_space<vmem>>
    %dma_start3A_223 = tpu.memref_squeeze %dma_start3A_222 : memref<1x1x8x128xf32, #tpu.memory_space<vmem>> -> memref<8x128xf32, #tpu.memory_space<vmem>>
    %dma_start3A_224 = arith.constant 0 : i32
    %dma_start3A_225 = tpu.memref_slice %arg3[%dma_start3A_224, %multiple_of3A_210] : memref<16x1000000xf32, #tpu.memory_space<hbm>> -> memref<8x128xf32, #tpu.memory_space<hbm>>
    tpu.enqueue_dma source(%dma_start3A_225 : memref<8x128xf32, #tpu.memory_space<hbm>>) target(%dma_start3A_223 : memref<8x128xf32, #tpu.memory_space<vmem>>) target_semaphore(%arg8 : memref<!tpu.dma_semaphore, #tpu.memory_space<semaphore_mem>>)
    %add3A_226 = arith.constant 3 : i32
    %add3A_227 = arith.addi %mul3A_15, %add3A_226 : i32
    %dma_start3A_228 = arith.constant 1 : i32
    %dma_start3A_229 = arith.constant 0 : i32
    %dma_start3A_230 = arith.constant 0 : i32
    %dma_start3A_231 = tpu.memref_slice %arg6[%add3A_227, %dma_start3A_228, %dma_start3A_229, %dma_start3A_230] : memref<16x2x8x128xf32, #tpu.memory_space<vmem>> -> memref<1x1x8x128xf32, #tpu.memory_space<vmem>>
    %dma_start3A_232 = tpu.memref_squeeze %dma_start3A_231 : memref<1x1x8x128xf32, #tpu.memory_space<vmem>> -> memref<8x128xf32, #tpu.memory_space<vmem>>
    %dma_start3A_233 = arith.constant 8 : i32
    %dma_start3A_234 = tpu.memref_slice %arg3[%dma_start3A_233, %multiple_of3A_210] : memref<16x1000000xf32, #tpu.memory_space<hbm>> -> memref<8x128xf32, #tpu.memory_space<hbm>>
    %dma_start3A_235 = arith.constant 0 : i32
    %dma_start3A_236 = arith.constant 0 : i32
    %dma_start3A_237 = tpu.memref_slice %arg6[%add3A_227, %dma_start3A_228, %dma_start3A_235, %dma_start3A_236] : memref<16x2x8x128xf32, #tpu.memory_space<vmem>> -> memref<1x1x8x128xf32, #tpu.memory_space<vmem>>
    %dma_start3A_238 = tpu.memref_squeeze %dma_start3A_237 : memref<1x1x8x128xf32, #tpu.memory_space<vmem>> -> memref<8x128xf32, #tpu.memory_space<vmem>>
    %dma_start3A_239 = arith.constant 8 : i32
    %dma_start3A_240 = tpu.memref_slice %arg3[%dma_start3A_239, %multiple_of3A_210] : memref<16x1000000xf32, #tpu.memory_space<hbm>> -> memref<8x128xf32, #tpu.memory_space<hbm>>
    tpu.enqueue_dma source(%dma_start3A_240 : memref<8x128xf32, #tpu.memory_space<hbm>>) target(%dma_start3A_238 : memref<8x128xf32, #tpu.memory_space<vmem>>) target_semaphore(%arg8 : memref<!tpu.dma_semaphore, #tpu.memory_space<semaphore_mem>>)
    %slice3A_241 = vector.extract_strided_slice %get3A_11 {offsets = [4], sizes = [1], strides = [1]} : vector<16xi32> to vector<1xi32>
    %squeeze3A_242 = vector.extract %slice3A_241[0] : i32 from vector<1xi32>
    %jit3A_243 = arith.constant 128 : i32
    %div3A_244 = arith.divsi %squeeze3A_242, %jit3A_243 : i32
    %sign3A_245 = arith.constant 0 : i32
    %sign3A_246 = arith.cmpi sgt, %squeeze3A_242, %sign3A_245 : i32
    %sign3A_247 = arith.extui %sign3A_246 : i1 to i32
    %sign3A_248 = arith.constant 0 : i32
    %sign3A_249 = arith.cmpi slt, %squeeze3A_242, %sign3A_248 : i32
    %sign3A_250 = arith.extui %sign3A_249 : i1 to i32
    %sign3A_251 = arith.subi %sign3A_247, %sign3A_250 : i32
    %sign3A_252 = arith.constant 0 : i32
    %sign3A_253 = arith.cmpi sgt, %jit3A_243, %sign3A_252 : i32
    %sign3A_254 = arith.extui %sign3A_253 : i1 to i32
    %sign3A_255 = arith.constant 0 : i32
    %sign3A_256 = arith.cmpi slt, %jit3A_243, %sign3A_255 : i32
    %sign3A_257 = arith.extui %sign3A_256 : i1 to i32
    %sign3A_258 = arith.subi %sign3A_254, %sign3A_257 : i32
    %ne3A_259 = arith.cmpi ne, %sign3A_251, %sign3A_258 : i32
    %rem3A_260 = arith.remsi %squeeze3A_242, %jit3A_243 : i32
    %ne3A_261 = arith.constant 0 : i32
    %ne3A_262 = arith.cmpi ne, %rem3A_260, %ne3A_261 : i32
    %and3A_263 = arith.andi %ne3A_259, %ne3A_262 : i1
    %sub3A_264 = arith.constant 1 : i32
    %sub3A_265 = arith.subi %div3A_244, %sub3A_264 : i32
    %select_n3A_266 = arith.select %and3A_263, %sub3A_265, %div3A_244 : i32
    %mul3A_267 = arith.constant 128 : i32
    %mul3A_268 = arith.muli %select_n3A_266, %mul3A_267 : i32
    %multiple_of3A_269 = tpu.assume_multiple %mul3A_268, 128 : i32
    %add3A_270 = arith.constant 4 : i32
    %add3A_271 = arith.addi %mul3A_15, %add3A_270 : i32
    %dma_start3A_272 = arith.constant 0 : i32
    %dma_start3A_273 = arith.constant 0 : i32
    %dma_start3A_274 = arith.constant 0 : i32
    %dma_start3A_275 = tpu.memref_slice %arg6[%add3A_271, %dma_start3A_272, %dma_start3A_273, %dma_start3A_274] : memref<16x2x8x128xf32, #tpu.memory_space<vmem>> -> memref<1x1x8x128xf32, #tpu.memory_space<vmem>>
    %dma_start3A_276 = tpu.memref_squeeze %dma_start3A_275 : memref<1x1x8x128xf32, #tpu.memory_space<vmem>> -> memref<8x128xf32, #tpu.memory_space<vmem>>
    %dma_start3A_277 = arith.constant 0 : i32
    %dma_start3A_278 = tpu.memref_slice %arg3[%dma_start3A_277, %multiple_of3A_269] : memref<16x1000000xf32, #tpu.memory_space<hbm>> -> memref<8x128xf32, #tpu.memory_space<hbm>>
    %dma_start3A_279 = arith.constant 0 : i32
    %dma_start3A_280 = arith.constant 0 : i32
    %dma_start3A_281 = tpu.memref_slice %arg6[%add3A_271, %dma_start3A_272, %dma_start3A_279, %dma_start3A_280] : memref<16x2x8x128xf32, #tpu.memory_space<vmem>> -> memref<1x1x8x128xf32, #tpu.memory_space<vmem>>
    %dma_start3A_282 = tpu.memref_squeeze %dma_start3A_281 : memref<1x1x8x128xf32, #tpu.memory_space<vmem>> -> memref<8x128xf32, #tpu.memory_space<vmem>>
    %dma_start3A_283 = arith.constant 0 : i32
    %dma_start3A_284 = tpu.memref_slice %arg3[%dma_start3A_283, %multiple_of3A_269] : memref<16x1000000xf32, #tpu.memory_space<hbm>> -> memref<8x128xf32, #tpu.memory_space<hbm>>
    tpu.enqueue_dma source(%dma_start3A_284 : memref<8x128xf32, #tpu.memory_space<hbm>>) target(%dma_start3A_282 : memref<8x128xf32, #tpu.memory_space<vmem>>) target_semaphore(%arg8 : memref<!tpu.dma_semaphore, #tpu.memory_space<semaphore_mem>>)
    %add3A_285 = arith.constant 4 : i32
    %add3A_286 = arith.addi %mul3A_15, %add3A_285 : i32
    %dma_start3A_287 = arith.constant 1 : i32
    %dma_start3A_288 = arith.constant 0 : i32
    %dma_start3A_289 = arith.constant 0 : i32
    %dma_start3A_290 = tpu.memref_slice %arg6[%add3A_286, %dma_start3A_287, %dma_start3A_288, %dma_start3A_289] : memref<16x2x8x128xf32, #tpu.memory_space<vmem>> -> memref<1x1x8x128xf32, #tpu.memory_space<vmem>>
    %dma_start3A_291 = tpu.memref_squeeze %dma_start3A_290 : memref<1x1x8x128xf32, #tpu.memory_space<vmem>> -> memref<8x128xf32, #tpu.memory_space<vmem>>
    %dma_start3A_292 = arith.constant 8 : i32
    %dma_start3A_293 = tpu.memref_slice %arg3[%dma_start3A_292, %multiple_of3A_269] : memref<16x1000000xf32, #tpu.memory_space<hbm>> -> memref<8x128xf32, #tpu.memory_space<hbm>>
    %dma_start3A_294 = arith.constant 0 : i32
    %dma_start3A_295 = arith.constant 0 : i32
    %dma_start3A_296 = tpu.memref_slice %arg6[%add3A_286, %dma_start3A_287, %dma_start3A_294, %dma_start3A_295] : memref<16x2x8x128xf32, #tpu.memory_space<vmem>> -> memref<1x1x8x128xf32, #tpu.memory_space<vmem>>
    %dma_start3A_297 = tpu.memref_squeeze %dma_start3A_296 : memref<1x1x8x128xf32, #tpu.memory_space<vmem>> -> memref<8x128xf32, #tpu.memory_space<vmem>>
    %dma_start3A_298 = arith.constant 8 : i32
    %dma_start3A_299 = tpu.memref_slice %arg3[%dma_start3A_298, %multiple_of3A_269] : memref<16x1000000xf32, #tpu.memory_space<hbm>> -> memref<8x128xf32, #tpu.memory_space<hbm>>
    tpu.enqueue_dma source(%dma_start3A_299 : memref<8x128xf32, #tpu.memory_space<hbm>>) target(%dma_start3A_297 : memref<8x128xf32, #tpu.memory_space<vmem>>) target_semaphore(%arg8 : memref<!tpu.dma_semaphore, #tpu.memory_space<semaphore_mem>>)
    %slice3A_300 = vector.extract_strided_slice %get3A_11 {offsets = [5], sizes = [1], strides = [1]} : vector<16xi32> to vector<1xi32>
    %squeeze3A_301 = vector.extract %slice3A_300[0] : i32 from vector<1xi32>
    %jit3A_302 = arith.constant 128 : i32
    %div3A_303 = arith.divsi %squeeze3A_301, %jit3A_302 : i32
    %sign3A_304 = arith.constant 0 : i32
    %sign3A_305 = arith.cmpi sgt, %squeeze3A_301, %sign3A_304 : i32
    %sign3A_306 = arith.extui %sign3A_305 : i1 to i32
    %sign3A_307 = arith.constant 0 : i32
    %sign3A_308 = arith.cmpi slt, %squeeze3A_301, %sign3A_307 : i32
    %sign3A_309 = arith.extui %sign3A_308 : i1 to i32
    %sign3A_310 = arith.subi %sign3A_306, %sign3A_309 : i32
    %sign3A_311 = arith.constant 0 : i32
    %sign3A_312 = arith.cmpi sgt, %jit3A_302, %sign3A_311 : i32
    %sign3A_313 = arith.extui %sign3A_312 : i1 to i32
    %sign3A_314 = arith.constant 0 : i32
    %sign3A_315 = arith.cmpi slt, %jit3A_302, %sign3A_314 : i32
    %sign3A_316 = arith.extui %sign3A_315 : i1 to i32
    %sign3A_317 = arith.subi %sign3A_313, %sign3A_316 : i32
    %ne3A_318 = arith.cmpi ne, %sign3A_310, %sign3A_317 : i32
    %rem3A_319 = arith.remsi %squeeze3A_301, %jit3A_302 : i32
    %ne3A_320 = arith.constant 0 : i32
    %ne3A_321 = arith.cmpi ne, %rem3A_319, %ne3A_320 : i32
    %and3A_322 = arith.andi %ne3A_318, %ne3A_321 : i1
    %sub3A_323 = arith.constant 1 : i32
    %sub3A_324 = arith.subi %div3A_303, %sub3A_323 : i32
    %select_n3A_325 = arith.select %and3A_322, %sub3A_324, %div3A_303 : i32
    %mul3A_326 = arith.constant 128 : i32
    %mul3A_327 = arith.muli %select_n3A_325, %mul3A_326 : i32
    %multiple_of3A_328 = tpu.assume_multiple %mul3A_327, 128 : i32
    %add3A_329 = arith.constant 5 : i32
    %add3A_330 = arith.addi %mul3A_15, %add3A_329 : i32
    %dma_start3A_331 = arith.constant 0 : i32
    %dma_start3A_332 = arith.constant 0 : i32
    %dma_start3A_333 = arith.constant 0 : i32
    %dma_start3A_334 = tpu.memref_slice %arg6[%add3A_330, %dma_start3A_331, %dma_start3A_332, %dma_start3A_333] : memref<16x2x8x128xf32, #tpu.memory_space<vmem>> -> memref<1x1x8x128xf32, #tpu.memory_space<vmem>>
    %dma_start3A_335 = tpu.memref_squeeze %dma_start3A_334 : memref<1x1x8x128xf32, #tpu.memory_space<vmem>> -> memref<8x128xf32, #tpu.memory_space<vmem>>
    %dma_start3A_336 = arith.constant 0 : i32
    %dma_start3A_337 = tpu.memref_slice %arg3[%dma_start3A_336, %multiple_of3A_328] : memref<16x1000000xf32, #tpu.memory_space<hbm>> -> memref<8x128xf32, #tpu.memory_space<hbm>>
    %dma_start3A_338 = arith.constant 0 : i32
    %dma_start3A_339 = arith.constant 0 : i32
    %dma_start3A_340 = tpu.memref_slice %arg6[%add3A_330, %dma_start3A_331, %dma_start3A_338, %dma_start3A_339] : memref<16x2x8x128xf32, #tpu.memory_space<vmem>> -> memref<1x1x8x128xf32, #tpu.memory_space<vmem>>
    %dma_start3A_341 = tpu.memref_squeeze %dma_start3A_340 : memref<1x1x8x128xf32, #tpu.memory_space<vmem>> -> memref<8x128xf32, #tpu.memory_space<vmem>>
    %dma_start3A_342 = arith.constant 0 : i32
    %dma_start3A_343 = tpu.memref_slice %arg3[%dma_start3A_342, %multiple_of3A_328] : memref<16x1000000xf32, #tpu.memory_space<hbm>> -> memref<8x128xf32, #tpu.memory_space<hbm>>
    tpu.enqueue_dma source(%dma_start3A_343 : memref<8x128xf32, #tpu.memory_space<hbm>>) target(%dma_start3A_341 : memref<8x128xf32, #tpu.memory_space<vmem>>) target_semaphore(%arg8 : memref<!tpu.dma_semaphore, #tpu.memory_space<semaphore_mem>>)
    %add3A_344 = arith.constant 5 : i32
    %add3A_345 = arith.addi %mul3A_15, %add3A_344 : i32
    %dma_start3A_346 = arith.constant 1 : i32
    %dma_start3A_347 = arith.constant 0 : i32
    %dma_start3A_348 = arith.constant 0 : i32
    %dma_start3A_349 = tpu.memref_slice %arg6[%add3A_345, %dma_start3A_346, %dma_start3A_347, %dma_start3A_348] : memref<16x2x8x128xf32, #tpu.memory_space<vmem>> -> memref<1x1x8x128xf32, #tpu.memory_space<vmem>>
    %dma_start3A_350 = tpu.memref_squeeze %dma_start3A_349 : memref<1x1x8x128xf32, #tpu.memory_space<vmem>> -> memref<8x128xf32, #tpu.memory_space<vmem>>
    %dma_start3A_351 = arith.constant 8 : i32
    %dma_start3A_352 = tpu.memref_slice %arg3[%dma_start3A_351, %multiple_of3A_328] : memref<16x1000000xf32, #tpu.memory_space<hbm>> -> memref<8x128xf32, #tpu.memory_space<hbm>>
    %dma_start3A_353 = arith.constant 0 : i32
    %dma_start3A_354 = arith.constant 0 : i32
    %dma_start3A_355 = tpu.memref_slice %arg6[%add3A_345, %dma_start3A_346, %dma_start3A_353, %dma_start3A_354] : memref<16x2x8x128xf32, #tpu.memory_space<vmem>> -> memref<1x1x8x128xf32, #tpu.memory_space<vmem>>
    %dma_start3A_356 = tpu.memref_squeeze %dma_start3A_355 : memref<1x1x8x128xf32, #tpu.memory_space<vmem>> -> memref<8x128xf32, #tpu.memory_space<vmem>>
    %dma_start3A_357 = arith.constant 8 : i32
    %dma_start3A_358 = tpu.memref_slice %arg3[%dma_start3A_357, %multiple_of3A_328] : memref<16x1000000xf32, #tpu.memory_space<hbm>> -> memref<8x128xf32, #tpu.memory_space<hbm>>
    tpu.enqueue_dma source(%dma_start3A_358 : memref<8x128xf32, #tpu.memory_space<hbm>>) target(%dma_start3A_356 : memref<8x128xf32, #tpu.memory_space<vmem>>) target_semaphore(%arg8 : memref<!tpu.dma_semaphore, #tpu.memory_space<semaphore_mem>>)
    %slice3A_359 = vector.extract_strided_slice %get3A_11 {offsets = [6], sizes = [1], strides = [1]} : vector<16xi32> to vector<1xi32>
    %squeeze3A_360 = vector.extract %slice3A_359[0] : i32 from vector<1xi32>
    %jit3A_361 = arith.constant 128 : i32
    %div3A_362 = arith.divsi %squeeze3A_360, %jit3A_361 : i32
    %sign3A_363 = arith.constant 0 : i32
    %sign3A_364 = arith.cmpi sgt, %squeeze3A_360, %sign3A_363 : i32
    %sign3A_365 = arith.extui %sign3A_364 : i1 to i32
    %sign3A_366 = arith.constant 0 : i32
    %sign3A_367 = arith.cmpi slt, %squeeze3A_360, %sign3A_366 : i32
    %sign3A_368 = arith.extui %sign3A_367 : i1 to i32
    %sign3A_369 = arith.subi %sign3A_365, %sign3A_368 : i32
    %sign3A_370 = arith.constant 0 : i32
    %sign3A_371 = arith.cmpi sgt, %jit3A_361, %sign3A_370 : i32
    %sign3A_372 = arith.extui %sign3A_371 : i1 to i32
    %sign3A_373 = arith.constant 0 : i32
    %sign3A_374 = arith.cmpi slt, %jit3A_361, %sign3A_373 : i32
    %sign3A_375 = arith.extui %sign3A_374 : i1 to i32
    %sign3A_376 = arith.subi %sign3A_372, %sign3A_375 : i32
    %ne3A_377 = arith.cmpi ne, %sign3A_369, %sign3A_376 : i32
    %rem3A_378 = arith.remsi %squeeze3A_360, %jit3A_361 : i32
    %ne3A_379 = arith.constant 0 : i32
    %ne3A_380 = arith.cmpi ne, %rem3A_378, %ne3A_379 : i32
    %and3A_381 = arith.andi %ne3A_377, %ne3A_380 : i1
    %sub3A_382 = arith.constant 1 : i32
    %sub3A_383 = arith.subi %div3A_362, %sub3A_382 : i32
    %select_n3A_384 = arith.select %and3A_381, %sub3A_383, %div3A_362 : i32
    %mul3A_385 = arith.constant 128 : i32
    %mul3A_386 = arith.muli %select_n3A_384, %mul3A_385 : i32
    %multiple_of3A_387 = tpu.assume_multiple %mul3A_386, 128 : i32
    %add3A_388 = arith.constant 6 : i32
    %add3A_389 = arith.addi %mul3A_15, %add3A_388 : i32
    %dma_start3A_390 = arith.constant 0 : i32
    %dma_start3A_391 = arith.constant 0 : i32
    %dma_start3A_392 = arith.constant 0 : i32
    %dma_start3A_393 = tpu.memref_slice %arg6[%add3A_389, %dma_start3A_390, %dma_start3A_391, %dma_start3A_392] : memref<16x2x8x128xf32, #tpu.memory_space<vmem>> -> memref<1x1x8x128xf32, #tpu.memory_space<vmem>>
    %dma_start3A_394 = tpu.memref_squeeze %dma_start3A_393 : memref<1x1x8x128xf32, #tpu.memory_space<vmem>> -> memref<8x128xf32, #tpu.memory_space<vmem>>
    %dma_start3A_395 = arith.constant 0 : i32
    %dma_start3A_396 = tpu.memref_slice %arg3[%dma_start3A_395, %multiple_of3A_387] : memref<16x1000000xf32, #tpu.memory_space<hbm>> -> memref<8x128xf32, #tpu.memory_space<hbm>>
    %dma_start3A_397 = arith.constant 0 : i32
    %dma_start3A_398 = arith.constant 0 : i32
    %dma_start3A_399 = tpu.memref_slice %arg6[%add3A_389, %dma_start3A_390, %dma_start3A_397, %dma_start3A_398] : memref<16x2x8x128xf32, #tpu.memory_space<vmem>> -> memref<1x1x8x128xf32, #tpu.memory_space<vmem>>
    %dma_start3A_400 = tpu.memref_squeeze %dma_start3A_399 : memref<1x1x8x128xf32, #tpu.memory_space<vmem>> -> memref<8x128xf32, #tpu.memory_space<vmem>>
    %dma_start3A_401 = arith.constant 0 : i32
    %dma_start3A_402 = tpu.memref_slice %arg3[%dma_start3A_401, %multiple_of3A_387] : memref<16x1000000xf32, #tpu.memory_space<hbm>> -> memref<8x128xf32, #tpu.memory_space<hbm>>
    tpu.enqueue_dma source(%dma_start3A_402 : memref<8x128xf32, #tpu.memory_space<hbm>>) target(%dma_start3A_400 : memref<8x128xf32, #tpu.memory_space<vmem>>) target_semaphore(%arg8 : memref<!tpu.dma_semaphore, #tpu.memory_space<semaphore_mem>>)
    %add3A_403 = arith.constant 6 : i32
    %add3A_404 = arith.addi %mul3A_15, %add3A_403 : i32
    %dma_start3A_405 = arith.constant 1 : i32
    %dma_start3A_406 = arith.constant 0 : i32
    %dma_start3A_407 = arith.constant 0 : i32
    %dma_start3A_408 = tpu.memref_slice %arg6[%add3A_404, %dma_start3A_405, %dma_start3A_406, %dma_start3A_407] : memref<16x2x8x128xf32, #tpu.memory_space<vmem>> -> memref<1x1x8x128xf32, #tpu.memory_space<vmem>>
    %dma_start3A_409 = tpu.memref_squeeze %dma_start3A_408 : memref<1x1x8x128xf32, #tpu.memory_space<vmem>> -> memref<8x128xf32, #tpu.memory_space<vmem>>
    %dma_start3A_410 = arith.constant 8 : i32
    %dma_start3A_411 = tpu.memref_slice %arg3[%dma_start3A_410, %multiple_of3A_387] : memref<16x1000000xf32, #tpu.memory_space<hbm>> -> memref<8x128xf32, #tpu.memory_space<hbm>>
    %dma_start3A_412 = arith.constant 0 : i32
    %dma_start3A_413 = arith.constant 0 : i32
    %dma_start3A_414 = tpu.memref_slice %arg6[%add3A_404, %dma_start3A_405, %dma_start3A_412, %dma_start3A_413] : memref<16x2x8x128xf32, #tpu.memory_space<vmem>> -> memref<1x1x8x128xf32, #tpu.memory_space<vmem>>
    %dma_start3A_415 = tpu.memref_squeeze %dma_start3A_414 : memref<1x1x8x128xf32, #tpu.memory_space<vmem>> -> memref<8x128xf32, #tpu.memory_space<vmem>>
    %dma_start3A_416 = arith.constant 8 : i32
    %dma_start3A_417 = tpu.memref_slice %arg3[%dma_start3A_416, %multiple_of3A_387] : memref<16x1000000xf32, #tpu.memory_space<hbm>> -> memref<8x128xf32, #tpu.memory_space<hbm>>
    tpu.enqueue_dma source(%dma_start3A_417 : memref<8x128xf32, #tpu.memory_space<hbm>>) target(%dma_start3A_415 : memref<8x128xf32, #tpu.memory_space<vmem>>) target_semaphore(%arg8 : memref<!tpu.dma_semaphore, #tpu.memory_space<semaphore_mem>>)
    %slice3A_418 = vector.extract_strided_slice %get3A_11 {offsets = [7], sizes = [1], strides = [1]} : vector<16xi32> to vector<1xi32>
    %squeeze3A_419 = vector.extract %slice3A_418[0] : i32 from vector<1xi32>
    %jit3A_420 = arith.constant 128 : i32
    %div3A_421 = arith.divsi %squeeze3A_419, %jit3A_420 : i32
    %sign3A_422 = arith.constant 0 : i32
    %sign3A_423 = arith.cmpi sgt, %squeeze3A_419, %sign3A_422 : i32
    %sign3A_424 = arith.extui %sign3A_423 : i1 to i32
    %sign3A_425 = arith.constant 0 : i32
    %sign3A_426 = arith.cmpi slt, %squeeze3A_419, %sign3A_425 : i32
    %sign3A_427 = arith.extui %sign3A_426 : i1 to i32
    %sign3A_428 = arith.subi %sign3A_424, %sign3A_427 : i32
    %sign3A_429 = arith.constant 0 : i32
    %sign3A_430 = arith.cmpi sgt, %jit3A_420, %sign3A_429 : i32
    %sign3A_431 = arith.extui %sign3A_430 : i1 to i32
    %sign3A_432 = arith.constant 0 : i32
    %sign3A_433 = arith.cmpi slt, %jit3A_420, %sign3A_432 : i32
    %sign3A_434 = arith.extui %sign3A_433 : i1 to i32
    %sign3A_435 = arith.subi %sign3A_431, %sign3A_434 : i32
    %ne3A_436 = arith.cmpi ne, %sign3A_428, %sign3A_435 : i32
    %rem3A_437 = arith.remsi %squeeze3A_419, %jit3A_420 : i32
    %ne3A_438 = arith.constant 0 : i32
    %ne3A_439 = arith.cmpi ne, %rem3A_437, %ne3A_438 : i32
    %and3A_440 = arith.andi %ne3A_436, %ne3A_439 : i1
    %sub3A_441 = arith.constant 1 : i32
    %sub3A_442 = arith.subi %div3A_421, %sub3A_441 : i32
    %select_n3A_443 = arith.select %and3A_440, %sub3A_442, %div3A_421 : i32
    %mul3A_444 = arith.constant 128 : i32
    %mul3A_445 = arith.muli %select_n3A_443, %mul3A_444 : i32
    %multiple_of3A_446 = tpu.assume_multiple %mul3A_445, 128 : i32
    %add3A_447 = arith.constant 7 : i32
    %add3A_448 = arith.addi %mul3A_15, %add3A_447 : i32
    %dma_start3A_449 = arith.constant 0 : i32
    %dma_start3A_450 = arith.constant 0 : i32
    %dma_start3A_451 = arith.constant 0 : i32
    %dma_start3A_452 = tpu.memref_slice %arg6[%add3A_448, %dma_start3A_449, %dma_start3A_450, %dma_start3A_451] : memref<16x2x8x128xf32, #tpu.memory_space<vmem>> -> memref<1x1x8x128xf32, #tpu.memory_space<vmem>>
    %dma_start3A_453 = tpu.memref_squeeze %dma_start3A_452 : memref<1x1x8x128xf32, #tpu.memory_space<vmem>> -> memref<8x128xf32, #tpu.memory_space<vmem>>
    %dma_start3A_454 = arith.constant 0 : i32
    %dma_start3A_455 = tpu.memref_slice %arg3[%dma_start3A_454, %multiple_of3A_446] : memref<16x1000000xf32, #tpu.memory_space<hbm>> -> memref<8x128xf32, #tpu.memory_space<hbm>>
    %dma_start3A_456 = arith.constant 0 : i32
    %dma_start3A_457 = arith.constant 0 : i32
    %dma_start3A_458 = tpu.memref_slice %arg6[%add3A_448, %dma_start3A_449, %dma_start3A_456, %dma_start3A_457] : memref<16x2x8x128xf32, #tpu.memory_space<vmem>> -> memref<1x1x8x128xf32, #tpu.memory_space<vmem>>
    %dma_start3A_459 = tpu.memref_squeeze %dma_start3A_458 : memref<1x1x8x128xf32, #tpu.memory_space<vmem>> -> memref<8x128xf32, #tpu.memory_space<vmem>>
    %dma_start3A_460 = arith.constant 0 : i32
    %dma_start3A_461 = tpu.memref_slice %arg3[%dma_start3A_460, %multiple_of3A_446] : memref<16x1000000xf32, #tpu.memory_space<hbm>> -> memref<8x128xf32, #tpu.memory_space<hbm>>
    tpu.enqueue_dma source(%dma_start3A_461 : memref<8x128xf32, #tpu.memory_space<hbm>>) target(%dma_start3A_459 : memref<8x128xf32, #tpu.memory_space<vmem>>) target_semaphore(%arg8 : memref<!tpu.dma_semaphore, #tpu.memory_space<semaphore_mem>>)
    %add3A_462 = arith.constant 7 : i32
    %add3A_463 = arith.addi %mul3A_15, %add3A_462 : i32
    %dma_start3A_464 = arith.constant 1 : i32
    %dma_start3A_465 = arith.constant 0 : i32
    %dma_start3A_466 = arith.constant 0 : i32
    %dma_start3A_467 = tpu.memref_slice %arg6[%add3A_463, %dma_start3A_464, %dma_start3A_465, %dma_start3A_466] : memref<16x2x8x128xf32, #tpu.memory_space<vmem>> -> memref<1x1x8x128xf32, #tpu.memory_space<vmem>>
    %dma_start3A_468 = tpu.memref_squeeze %dma_start3A_467 : memref<1x1x8x128xf32, #tpu.memory_space<vmem>> -> memref<8x128xf32, #tpu.memory_space<vmem>>
    %dma_start3A_469 = arith.constant 8 : i32
    %dma_start3A_470 = tpu.memref_slice %arg3[%dma_start3A_469, %multiple_of3A_446] : memref<16x1000000xf32, #tpu.memory_space<hbm>> -> memref<8x128xf32, #tpu.memory_space<hbm>>
    %dma_start3A_471 = arith.constant 0 : i32
    %dma_start3A_472 = arith.constant 0 : i32
    %dma_start3A_473 = tpu.memref_slice %arg6[%add3A_463, %dma_start3A_464, %dma_start3A_471, %dma_start3A_472] : memref<16x2x8x128xf32, #tpu.memory_space<vmem>> -> memref<1x1x8x128xf32, #tpu.memory_space<vmem>>
    %dma_start3A_474 = tpu.memref_squeeze %dma_start3A_473 : memref<1x1x8x128xf32, #tpu.memory_space<vmem>> -> memref<8x128xf32, #tpu.memory_space<vmem>>
    %dma_start3A_475 = arith.constant 8 : i32
    %dma_start3A_476 = tpu.memref_slice %arg3[%dma_start3A_475, %multiple_of3A_446] : memref<16x1000000xf32, #tpu.memory_space<hbm>> -> memref<8x128xf32, #tpu.memory_space<hbm>>
    tpu.enqueue_dma source(%dma_start3A_476 : memref<8x128xf32, #tpu.memory_space<hbm>>) target(%dma_start3A_474 : memref<8x128xf32, #tpu.memory_space<vmem>>) target_semaphore(%arg8 : memref<!tpu.dma_semaphore, #tpu.memory_space<semaphore_mem>>)
    %scan3A_477 = arith.constant 0 : i32
    %scan3A_478 = arith.constant 0 : i32
    %scan3A_479 = arith.constant 64 : i32
    %scan3A_480 = arith.addi %scan3A_478, %scan3A_479 : i32
    %scan3A_481 = arith.constant 1 : i32
    scf.for %scan3A_489 = %scan3A_478 to %scan3A_480 step %scan3A_481  : i32 {
      %dma_wait3A = arith.constant 0 : i32
      %dma_wait3A_490 = arith.constant 0 : i32
      %dma_wait3A_491 = arith.constant 0 : i32
      %dma_wait3A_492 = arith.constant 0 : i32
      %dma_wait3A_493 = tpu.memref_slice %arg6[%dma_wait3A, %dma_wait3A_490, %dma_wait3A_491, %dma_wait3A_492] : memref<16x2x8x128xf32, #tpu.memory_space<vmem>> -> memref<1x1x8x128xf32, #tpu.memory_space<vmem>>
      %dma_wait3A_494 = tpu.memref_squeeze %dma_wait3A_493 : memref<1x1x8x128xf32, #tpu.memory_space<vmem>> -> memref<8x128xf32, #tpu.memory_space<vmem>>
      %dma_wait3A_495 = arith.constant 0 : i32
      %dma_wait3A_496 = arith.constant 0 : i32
      %dma_wait3A_497 = tpu.memref_slice %arg3[%dma_wait3A_495, %dma_wait3A_496] : memref<16x1000000xf32, #tpu.memory_space<hbm>> -> memref<8x128xf32, #tpu.memory_space<hbm>>
      %dma_wait3A_498 = arith.constant 0 : i32
      %dma_wait3A_499 = arith.constant 0 : i32
      %dma_wait3A_500 = tpu.memref_slice %arg6[%dma_wait3A, %dma_wait3A_490, %dma_wait3A_498, %dma_wait3A_499] : memref<16x2x8x128xf32, #tpu.memory_space<vmem>> -> memref<1x1x8x128xf32, #tpu.memory_space<vmem>>
      %dma_wait3A_501 = tpu.memref_squeeze %dma_wait3A_500 : memref<1x1x8x128xf32, #tpu.memory_space<vmem>> -> memref<8x128xf32, #tpu.memory_space<vmem>>
      %dma_wait3A_502 = arith.constant 0 : i32
      %dma_wait3A_503 = arith.constant 0 : i32
      %dma_wait3A_504 = tpu.memref_slice %arg3[%dma_wait3A_502, %dma_wait3A_503] : memref<16x1000000xf32, #tpu.memory_space<hbm>> -> memref<8x128xf32, #tpu.memory_space<hbm>>
      tpu.wait_dma2 semaphore(%arg8 : memref<!tpu.dma_semaphore, #tpu.memory_space<semaphore_mem>>) src(%dma_wait3A_504 : memref<8x128xf32, #tpu.memory_space<hbm>>) dst(%dma_wait3A_501 : memref<8x128xf32, #tpu.memory_space<vmem>>)
      %dma_wait3A_505 = arith.constant 0 : i32
      %dma_wait3A_506 = arith.constant 0 : i32
      %dma_wait3A_507 = arith.constant 0 : i32
      %dma_wait3A_508 = arith.constant 0 : i32
      %dma_wait3A_509 = tpu.memref_slice %arg6[%dma_wait3A_505, %dma_wait3A_506, %dma_wait3A_507, %dma_wait3A_508] : memref<16x2x8x128xf32, #tpu.memory_space<vmem>> -> memref<1x1x8x128xf32, #tpu.memory_space<vmem>>
      %dma_wait3A_510 = tpu.memref_squeeze %dma_wait3A_509 : memref<1x1x8x128xf32, #tpu.memory_space<vmem>> -> memref<8x128xf32, #tpu.memory_space<vmem>>
      %dma_wait3A_511 = arith.constant 0 : i32
      %dma_wait3A_512 = arith.constant 0 : i32
      %dma_wait3A_513 = tpu.memref_slice %arg3[%dma_wait3A_511, %dma_wait3A_512] : memref<16x1000000xf32, #tpu.memory_space<hbm>> -> memref<8x128xf32, #tpu.memory_space<hbm>>
      %dma_wait3A_514 = arith.constant 0 : i32
      %dma_wait3A_515 = arith.constant 0 : i32
      %dma_wait3A_516 = tpu.memref_slice %arg6[%dma_wait3A_505, %dma_wait3A_506, %dma_wait3A_514, %dma_wait3A_515] : memref<16x2x8x128xf32, #tpu.memory_space<vmem>> -> memref<1x1x8x128xf32, #tpu.memory_space<vmem>>
      %dma_wait3A_517 = tpu.memref_squeeze %dma_wait3A_516 : memref<1x1x8x128xf32, #tpu.memory_space<vmem>> -> memref<8x128xf32, #tpu.memory_space<vmem>>
      %dma_wait3A_518 = arith.constant 0 : i32
      %dma_wait3A_519 = arith.constant 0 : i32
      %dma_wait3A_520 = tpu.memref_slice %arg3[%dma_wait3A_518, %dma_wait3A_519] : memref<16x1000000xf32, #tpu.memory_space<hbm>> -> memref<8x128xf32, #tpu.memory_space<hbm>>
      tpu.wait_dma2 semaphore(%arg8 : memref<!tpu.dma_semaphore, #tpu.memory_space<semaphore_mem>>) src(%dma_wait3A_520 : memref<8x128xf32, #tpu.memory_space<hbm>>) dst(%dma_wait3A_517 : memref<8x128xf32, #tpu.memory_space<vmem>>)
      %dma_wait3A_521 = arith.constant 0 : i32
      %dma_wait3A_522 = arith.constant 0 : i32
      %dma_wait3A_523 = arith.constant 0 : i32
      %dma_wait3A_524 = arith.constant 0 : i32
      %dma_wait3A_525 = tpu.memref_slice %arg6[%dma_wait3A_521, %dma_wait3A_522, %dma_wait3A_523, %dma_wait3A_524] : memref<16x2x8x128xf32, #tpu.memory_space<vmem>> -> memref<1x1x8x128xf32, #tpu.memory_space<vmem>>
      %dma_wait3A_526 = tpu.memref_squeeze %dma_wait3A_525 : memref<1x1x8x128xf32, #tpu.memory_space<vmem>> -> memref<8x128xf32, #tpu.memory_space<vmem>>
      %dma_wait3A_527 = arith.constant 0 : i32
      %dma_wait3A_528 = arith.constant 0 : i32
      %dma_wait3A_529 = tpu.memref_slice %arg3[%dma_wait3A_527, %dma_wait3A_528] : memref<16x1000000xf32, #tpu.memory_space<hbm>> -> memref<8x128xf32, #tpu.memory_space<hbm>>
      %dma_wait3A_530 = arith.constant 0 : i32
      %dma_wait3A_531 = arith.constant 0 : i32
      %dma_wait3A_532 = tpu.memref_slice %arg6[%dma_wait3A_521, %dma_wait3A_522, %dma_wait3A_530, %dma_wait3A_531] : memref<16x2x8x128xf32, #tpu.memory_space<vmem>> -> memref<1x1x8x128xf32, #tpu.memory_space<vmem>>
      %dma_wait3A_533 = tpu.memref_squeeze %dma_wait3A_532 : memref<1x1x8x128xf32, #tpu.memory_space<vmem>> -> memref<8x128xf32, #tpu.memory_space<vmem>>
      %dma_wait3A_534 = arith.constant 0 : i32
      %dma_wait3A_535 = arith.constant 0 : i32
      %dma_wait3A_536 = tpu.memref_slice %arg3[%dma_wait3A_534, %dma_wait3A_535] : memref<16x1000000xf32, #tpu.memory_space<hbm>> -> memref<8x128xf32, #tpu.memory_space<hbm>>
      tpu.wait_dma2 semaphore(%arg8 : memref<!tpu.dma_semaphore, #tpu.memory_space<semaphore_mem>>) src(%dma_wait3A_536 : memref<8x128xf32, #tpu.memory_space<hbm>>) dst(%dma_wait3A_533 : memref<8x128xf32, #tpu.memory_space<vmem>>)
      %dma_wait3A_537 = arith.constant 0 : i32
      %dma_wait3A_538 = arith.constant 0 : i32
      %dma_wait3A_539 = arith.constant 0 : i32
      %dma_wait3A_540 = arith.constant 0 : i32
      %dma_wait3A_541 = tpu.memref_slice %arg6[%dma_wait3A_537, %dma_wait3A_538, %dma_wait3A_539, %dma_wait3A_540] : memref<16x2x8x128xf32, #tpu.memory_space<vmem>> -> memref<1x1x8x128xf32, #tpu.memory_space<vmem>>
      %dma_wait3A_542 = tpu.memref_squeeze %dma_wait3A_541 : memref<1x1x8x128xf32, #tpu.memory_space<vmem>> -> memref<8x128xf32, #tpu.memory_space<vmem>>
      %dma_wait3A_543 = arith.constant 0 : i32
      %dma_wait3A_544 = arith.constant 0 : i32
      %dma_wait3A_545 = tpu.memref_slice %arg3[%dma_wait3A_543, %dma_wait3A_544] : memref<16x1000000xf32, #tpu.memory_space<hbm>> -> memref<8x128xf32, #tpu.memory_space<hbm>>
      %dma_wait3A_546 = arith.constant 0 : i32
      %dma_wait3A_547 = arith.constant 0 : i32
      %dma_wait3A_548 = tpu.memref_slice %arg6[%dma_wait3A_537, %dma_wait3A_538, %dma_wait3A_546, %dma_wait3A_547] : memref<16x2x8x128xf32, #tpu.memory_space<vmem>> -> memref<1x1x8x128xf32, #tpu.memory_space<vmem>>
      %dma_wait3A_549 = tpu.memref_squeeze %dma_wait3A_548 : memref<1x1x8x128xf32, #tpu.memory_space<vmem>> -> memref<8x128xf32, #tpu.memory_space<vmem>>
      %dma_wait3A_550 = arith.constant 0 : i32
      %dma_wait3A_551 = arith.constant 0 : i32
      %dma_wait3A_552 = tpu.memref_slice %arg3[%dma_wait3A_550, %dma_wait3A_551] : memref<16x1000000xf32, #tpu.memory_space<hbm>> -> memref<8x128xf32, #tpu.memory_space<hbm>>
      tpu.wait_dma2 semaphore(%arg8 : memref<!tpu.dma_semaphore, #tpu.memory_space<semaphore_mem>>) src(%dma_wait3A_552 : memref<8x128xf32, #tpu.memory_space<hbm>>) dst(%dma_wait3A_549 : memref<8x128xf32, #tpu.memory_space<vmem>>)
      %dma_wait3A_553 = arith.constant 0 : i32
      %dma_wait3A_554 = arith.constant 0 : i32
      %dma_wait3A_555 = arith.constant 0 : i32
      %dma_wait3A_556 = arith.constant 0 : i32
      %dma_wait3A_557 = tpu.memref_slice %arg6[%dma_wait3A_553, %dma_wait3A_554, %dma_wait3A_555, %dma_wait3A_556] : memref<16x2x8x128xf32, #tpu.memory_space<vmem>> -> memref<1x1x8x128xf32, #tpu.memory_space<vmem>>
      %dma_wait3A_558 = tpu.memref_squeeze %dma_wait3A_557 : memref<1x1x8x128xf32, #tpu.memory_space<vmem>> -> memref<8x128xf32, #tpu.memory_space<vmem>>
      %dma_wait3A_559 = arith.constant 0 : i32
      %dma_wait3A_560 = arith.constant 0 : i32
      %dma_wait3A_561 = tpu.memref_slice %arg3[%dma_wait3A_559, %dma_wait3A_560] : memref<16x1000000xf32, #tpu.memory_space<hbm>> -> memref<8x128xf32, #tpu.memory_space<hbm>>
      %dma_wait3A_562 = arith.constant 0 : i32
      %dma_wait3A_563 = arith.constant 0 : i32
      %dma_wait3A_564 = tpu.memref_slice %arg6[%dma_wait3A_553, %dma_wait3A_554, %dma_wait3A_562, %dma_wait3A_563] : memref<16x2x8x128xf32, #tpu.memory_space<vmem>> -> memref<1x1x8x128xf32, #tpu.memory_space<vmem>>
      %dma_wait3A_565 = tpu.memref_squeeze %dma_wait3A_564 : memref<1x1x8x128xf32, #tpu.memory_space<vmem>> -> memref<8x128xf32, #tpu.memory_space<vmem>>
      %dma_wait3A_566 = arith.constant 0 : i32
      %dma_wait3A_567 = arith.constant 0 : i32
      %dma_wait3A_568 = tpu.memref_slice %arg3[%dma_wait3A_566, %dma_wait3A_567] : memref<16x1000000xf32, #tpu.memory_space<hbm>> -> memref<8x128xf32, #tpu.memory_space<hbm>>
      tpu.wait_dma2 semaphore(%arg8 : memref<!tpu.dma_semaphore, #tpu.memory_space<semaphore_mem>>) src(%dma_wait3A_568 : memref<8x128xf32, #tpu.memory_space<hbm>>) dst(%dma_wait3A_565 : memref<8x128xf32, #tpu.memory_space<vmem>>)
      %dma_wait3A_569 = arith.constant 0 : i32
      %dma_wait3A_570 = arith.constant 0 : i32
      %dma_wait3A_571 = arith.constant 0 : i32
      %dma_wait3A_572 = arith.constant 0 : i32
      %dma_wait3A_573 = tpu.memref_slice %arg6[%dma_wait3A_569, %dma_wait3A_570, %dma_wait3A_571, %dma_wait3A_572] : memref<16x2x8x128xf32, #tpu.memory_space<vmem>> -> memref<1x1x8x128xf32, #tpu.memory_space<vmem>>
      %dma_wait3A_574 = tpu.memref_squeeze %dma_wait3A_573 : memref<1x1x8x128xf32, #tpu.memory_space<vmem>> -> memref<8x128xf32, #tpu.memory_space<vmem>>
      %dma_wait3A_575 = arith.constant 0 : i32
      %dma_wait3A_576 = arith.constant 0 : i32
      %dma_wait3A_577 = tpu.memref_slice %arg3[%dma_wait3A_575, %dma_wait3A_576] : memref<16x1000000xf32, #tpu.memory_space<hbm>> -> memref<8x128xf32, #tpu.memory_space<hbm>>
      %dma_wait3A_578 = arith.constant 0 : i32
      %dma_wait3A_579 = arith.constant 0 : i32
      %dma_wait3A_580 = tpu.memref_slice %arg6[%dma_wait3A_569, %dma_wait3A_570, %dma_wait3A_578, %dma_wait3A_579] : memref<16x2x8x128xf32, #tpu.memory_space<vmem>> -> memref<1x1x8x128xf32, #tpu.memory_space<vmem>>
      %dma_wait3A_581 = tpu.memref_squeeze %dma_wait3A_580 : memref<1x1x8x128xf32, #tpu.memory_space<vmem>> -> memref<8x128xf32, #tpu.memory_space<vmem>>
      %dma_wait3A_582 = arith.constant 0 : i32
      %dma_wait3A_583 = arith.constant 0 : i32
      %dma_wait3A_584 = tpu.memref_slice %arg3[%dma_wait3A_582, %dma_wait3A_583] : memref<16x1000000xf32, #tpu.memory_space<hbm>> -> memref<8x128xf32, #tpu.memory_space<hbm>>
      tpu.wait_dma2 semaphore(%arg8 : memref<!tpu.dma_semaphore, #tpu.memory_space<semaphore_mem>>) src(%dma_wait3A_584 : memref<8x128xf32, #tpu.memory_space<hbm>>) dst(%dma_wait3A_581 : memref<8x128xf32, #tpu.memory_space<vmem>>)
      %dma_wait3A_585 = arith.constant 0 : i32
      %dma_wait3A_586 = arith.constant 0 : i32
      %dma_wait3A_587 = arith.constant 0 : i32
      %dma_wait3A_588 = arith.constant 0 : i32
      %dma_wait3A_589 = tpu.memref_slice %arg6[%dma_wait3A_585, %dma_wait3A_586, %dma_wait3A_587, %dma_wait3A_588] : memref<16x2x8x128xf32, #tpu.memory_space<vmem>> -> memref<1x1x8x128xf32, #tpu.memory_space<vmem>>
      %dma_wait3A_590 = tpu.memref_squeeze %dma_wait3A_589 : memref<1x1x8x128xf32, #tpu.memory_space<vmem>> -> memref<8x128xf32, #tpu.memory_space<vmem>>
      %dma_wait3A_591 = arith.constant 0 : i32
      %dma_wait3A_592 = arith.constant 0 : i32
      %dma_wait3A_593 = tpu.memref_slice %arg3[%dma_wait3A_591, %dma_wait3A_592] : memref<16x1000000xf32, #tpu.memory_space<hbm>> -> memref<8x128xf32, #tpu.memory_space<hbm>>
      %dma_wait3A_594 = arith.constant 0 : i32
      %dma_wait3A_595 = arith.constant 0 : i32
      %dma_wait3A_596 = tpu.memref_slice %arg6[%dma_wait3A_585, %dma_wait3A_586, %dma_wait3A_594, %dma_wait3A_595] : memref<16x2x8x128xf32, #tpu.memory_space<vmem>> -> memref<1x1x8x128xf32, #tpu.memory_space<vmem>>
      %dma_wait3A_597 = tpu.memref_squeeze %dma_wait3A_596 : memref<1x1x8x128xf32, #tpu.memory_space<vmem>> -> memref<8x128xf32, #tpu.memory_space<vmem>>
      %dma_wait3A_598 = arith.constant 0 : i32
      %dma_wait3A_599 = arith.constant 0 : i32
      %dma_wait3A_600 = tpu.memref_slice %arg3[%dma_wait3A_598, %dma_wait3A_599] : memref<16x1000000xf32, #tpu.memory_space<hbm>> -> memref<8x128xf32, #tpu.memory_space<hbm>>
      tpu.wait_dma2 semaphore(%arg8 : memref<!tpu.dma_semaphore, #tpu.memory_space<semaphore_mem>>) src(%dma_wait3A_600 : memref<8x128xf32, #tpu.memory_space<hbm>>) dst(%dma_wait3A_597 : memref<8x128xf32, #tpu.memory_space<vmem>>)
      %dma_wait3A_601 = arith.constant 0 : i32
      %dma_wait3A_602 = arith.constant 0 : i32
      %dma_wait3A_603 = arith.constant 0 : i32
      %dma_wait3A_604 = arith.constant 0 : i32
      %dma_wait3A_605 = tpu.memref_slice %arg6[%dma_wait3A_601, %dma_wait3A_602, %dma_wait3A_603, %dma_wait3A_604] : memref<16x2x8x128xf32, #tpu.memory_space<vmem>> -> memref<1x1x8x128xf32, #tpu.memory_space<vmem>>
      %dma_wait3A_606 = tpu.memref_squeeze %dma_wait3A_605 : memref<1x1x8x128xf32, #tpu.memory_space<vmem>> -> memref<8x128xf32, #tpu.memory_space<vmem>>
      %dma_wait3A_607 = arith.constant 0 : i32
      %dma_wait3A_608 = arith.constant 0 : i32
      %dma_wait3A_609 = tpu.memref_slice %arg3[%dma_wait3A_607, %dma_wait3A_608] : memref<16x1000000xf32, #tpu.memory_space<hbm>> -> memref<8x128xf32, #tpu.memory_space<hbm>>
      %dma_wait3A_610 = arith.constant 0 : i32
      %dma_wait3A_611 = arith.constant 0 : i32
      %dma_wait3A_612 = tpu.memref_slice %arg6[%dma_wait3A_601, %dma_wait3A_602, %dma_wait3A_610, %dma_wait3A_611] : memref<16x2x8x128xf32, #tpu.memory_space<vmem>> -> memref<1x1x8x128xf32, #tpu.memory_space<vmem>>
      %dma_wait3A_613 = tpu.memref_squeeze %dma_wait3A_612 : memref<1x1x8x128xf32, #tpu.memory_space<vmem>> -> memref<8x128xf32, #tpu.memory_space<vmem>>
      %dma_wait3A_614 = arith.constant 0 : i32
      %dma_wait3A_615 = arith.constant 0 : i32
      %dma_wait3A_616 = tpu.memref_slice %arg3[%dma_wait3A_614, %dma_wait3A_615] : memref<16x1000000xf32, #tpu.memory_space<hbm>> -> memref<8x128xf32, #tpu.memory_space<hbm>>
      tpu.wait_dma2 semaphore(%arg8 : memref<!tpu.dma_semaphore, #tpu.memory_space<semaphore_mem>>) src(%dma_wait3A_616 : memref<8x128xf32, #tpu.memory_space<hbm>>) dst(%dma_wait3A_613 : memref<8x128xf32, #tpu.memory_space<vmem>>)
      %dma_wait3A_617 = arith.constant 0 : i32
      %dma_wait3A_618 = arith.constant 0 : i32
      %dma_wait3A_619 = arith.constant 0 : i32
      %dma_wait3A_620 = arith.constant 0 : i32
      %dma_wait3A_621 = tpu.memref_slice %arg6[%dma_wait3A_617, %dma_wait3A_618, %dma_wait3A_619, %dma_wait3A_620] : memref<16x2x8x128xf32, #tpu.memory_space<vmem>> -> memref<1x1x8x128xf32, #tpu.memory_space<vmem>>
      %dma_wait3A_622 = tpu.memref_squeeze %dma_wait3A_621 : memref<1x1x8x128xf32, #tpu.memory_space<vmem>> -> memref<8x128xf32, #tpu.memory_space<vmem>>
      %dma_wait3A_623 = arith.constant 0 : i32
      %dma_wait3A_624 = arith.constant 0 : i32
      %dma_wait3A_625 = tpu.memref_slice %arg3[%dma_wait3A_623, %dma_wait3A_624] : memref<16x1000000xf32, #tpu.memory_space<hbm>> -> memref<8x128xf32, #tpu.memory_space<hbm>>
      %dma_wait3A_626 = arith.constant 0 : i32
      %dma_wait3A_627 = arith.constant 0 : i32
      %dma_wait3A_628 = tpu.memref_slice %arg6[%dma_wait3A_617, %dma_wait3A_618, %dma_wait3A_626, %dma_wait3A_627] : memref<16x2x8x128xf32, #tpu.memory_space<vmem>> -> memref<1x1x8x128xf32, #tpu.memory_space<vmem>>
      %dma_wait3A_629 = tpu.memref_squeeze %dma_wait3A_628 : memref<1x1x8x128xf32, #tpu.memory_space<vmem>> -> memref<8x128xf32, #tpu.memory_space<vmem>>
      %dma_wait3A_630 = arith.constant 0 : i32
      %dma_wait3A_631 = arith.constant 0 : i32
      %dma_wait3A_632 = tpu.memref_slice %arg3[%dma_wait3A_630, %dma_wait3A_631] : memref<16x1000000xf32, #tpu.memory_space<hbm>> -> memref<8x128xf32, #tpu.memory_space<hbm>>
      tpu.wait_dma2 semaphore(%arg8 : memref<!tpu.dma_semaphore, #tpu.memory_space<semaphore_mem>>) src(%dma_wait3A_632 : memref<8x128xf32, #tpu.memory_space<hbm>>) dst(%dma_wait3A_629 : memref<8x128xf32, #tpu.memory_space<vmem>>)
      %dma_wait3A_633 = arith.constant 0 : i32
      %dma_wait3A_634 = arith.constant 0 : i32
      %dma_wait3A_635 = arith.constant 0 : i32
      %dma_wait3A_636 = arith.constant 0 : i32
      %dma_wait3A_637 = tpu.memref_slice %arg6[%dma_wait3A_633, %dma_wait3A_634, %dma_wait3A_635, %dma_wait3A_636] : memref<16x2x8x128xf32, #tpu.memory_space<vmem>> -> memref<1x1x8x128xf32, #tpu.memory_space<vmem>>
      %dma_wait3A_638 = tpu.memref_squeeze %dma_wait3A_637 : memref<1x1x8x128xf32, #tpu.memory_space<vmem>> -> memref<8x128xf32, #tpu.memory_space<vmem>>
      %dma_wait3A_639 = arith.constant 0 : i32
      %dma_wait3A_640 = arith.constant 0 : i32
      %dma_wait3A_641 = tpu.memref_slice %arg3[%dma_wait3A_639, %dma_wait3A_640] : memref<16x1000000xf32, #tpu.memory_space<hbm>> -> memref<8x128xf32, #tpu.memory_space<hbm>>
      %dma_wait3A_642 = arith.constant 0 : i32
      %dma_wait3A_643 = arith.constant 0 : i32
      %dma_wait3A_644 = tpu.memref_slice %arg6[%dma_wait3A_633, %dma_wait3A_634, %dma_wait3A_642, %dma_wait3A_643] : memref<16x2x8x128xf32, #tpu.memory_space<vmem>> -> memref<1x1x8x128xf32, #tpu.memory_space<vmem>>
      %dma_wait3A_645 = tpu.memref_squeeze %dma_wait3A_644 : memref<1x1x8x128xf32, #tpu.memory_space<vmem>> -> memref<8x128xf32, #tpu.memory_space<vmem>>
      %dma_wait3A_646 = arith.constant 0 : i32
      %dma_wait3A_647 = arith.constant 0 : i32
      %dma_wait3A_648 = tpu.memref_slice %arg3[%dma_wait3A_646, %dma_wait3A_647] : memref<16x1000000xf32, #tpu.memory_space<hbm>> -> memref<8x128xf32, #tpu.memory_space<hbm>>
      tpu.wait_dma2 semaphore(%arg8 : memref<!tpu.dma_semaphore, #tpu.memory_space<semaphore_mem>>) src(%dma_wait3A_648 : memref<8x128xf32, #tpu.memory_space<hbm>>) dst(%dma_wait3A_645 : memref<8x128xf32, #tpu.memory_space<vmem>>)
      %dma_wait3A_649 = arith.constant 0 : i32
      %dma_wait3A_650 = arith.constant 0 : i32
      %dma_wait3A_651 = arith.constant 0 : i32
      %dma_wait3A_652 = arith.constant 0 : i32
      %dma_wait3A_653 = tpu.memref_slice %arg6[%dma_wait3A_649, %dma_wait3A_650, %dma_wait3A_651, %dma_wait3A_652] : memref<16x2x8x128xf32, #tpu.memory_space<vmem>> -> memref<1x1x8x128xf32, #tpu.memory_space<vmem>>
      %dma_wait3A_654 = tpu.memref_squeeze %dma_wait3A_653 : memref<1x1x8x128xf32, #tpu.memory_space<vmem>> -> memref<8x128xf32, #tpu.memory_space<vmem>>
      %dma_wait3A_655 = arith.constant 0 : i32
      %dma_wait3A_656 = arith.constant 0 : i32
      %dma_wait3A_657 = tpu.memref_slice %arg3[%dma_wait3A_655, %dma_wait3A_656] : memref<16x1000000xf32, #tpu.memory_space<hbm>> -> memref<8x128xf32, #tpu.memory_space<hbm>>
      %dma_wait3A_658 = arith.constant 0 : i32
      %dma_wait3A_659 = arith.constant 0 : i32
      %dma_wait3A_660 = tpu.memref_slice %arg6[%dma_wait3A_649, %dma_wait3A_650, %dma_wait3A_658, %dma_wait3A_659] : memref<16x2x8x128xf32, #tpu.memory_space<vmem>> -> memref<1x1x8x128xf32, #tpu.memory_space<vmem>>
      %dma_wait3A_661 = tpu.memref_squeeze %dma_wait3A_660 : memref<1x1x8x128xf32, #tpu.memory_space<vmem>> -> memref<8x128xf32, #tpu.memory_space<vmem>>
      %dma_wait3A_662 = arith.constant 0 : i32
      %dma_wait3A_663 = arith.constant 0 : i32
      %dma_wait3A_664 = tpu.memref_slice %arg3[%dma_wait3A_662, %dma_wait3A_663] : memref<16x1000000xf32, #tpu.memory_space<hbm>> -> memref<8x128xf32, #tpu.memory_space<hbm>>
      tpu.wait_dma2 semaphore(%arg8 : memref<!tpu.dma_semaphore, #tpu.memory_space<semaphore_mem>>) src(%dma_wait3A_664 : memref<8x128xf32, #tpu.memory_space<hbm>>) dst(%dma_wait3A_661 : memref<8x128xf32, #tpu.memory_space<vmem>>)
      %dma_wait3A_665 = arith.constant 0 : i32
      %dma_wait3A_666 = arith.constant 0 : i32
      %dma_wait3A_667 = arith.constant 0 : i32
      %dma_wait3A_668 = arith.constant 0 : i32
      %dma_wait3A_669 = tpu.memref_slice %arg6[%dma_wait3A_665, %dma_wait3A_666, %dma_wait3A_667, %dma_wait3A_668] : memref<16x2x8x128xf32, #tpu.memory_space<vmem>> -> memref<1x1x8x128xf32, #tpu.memory_space<vmem>>
      %dma_wait3A_670 = tpu.memref_squeeze %dma_wait3A_669 : memref<1x1x8x128xf32, #tpu.memory_space<vmem>> -> memref<8x128xf32, #tpu.memory_space<vmem>>
      %dma_wait3A_671 = arith.constant 0 : i32
      %dma_wait3A_672 = arith.constant 0 : i32
      %dma_wait3A_673 = tpu.memref_slice %arg3[%dma_wait3A_671, %dma_wait3A_672] : memref<16x1000000xf32, #tpu.memory_space<hbm>> -> memref<8x128xf32, #tpu.memory_space<hbm>>
      %dma_wait3A_674 = arith.constant 0 : i32
      %dma_wait3A_675 = arith.constant 0 : i32
      %dma_wait3A_676 = tpu.memref_slice %arg6[%dma_wait3A_665, %dma_wait3A_666, %dma_wait3A_674, %dma_wait3A_675] : memref<16x2x8x128xf32, #tpu.memory_space<vmem>> -> memref<1x1x8x128xf32, #tpu.memory_space<vmem>>
      %dma_wait3A_677 = tpu.memref_squeeze %dma_wait3A_676 : memref<1x1x8x128xf32, #tpu.memory_space<vmem>> -> memref<8x128xf32, #tpu.memory_space<vmem>>
      %dma_wait3A_678 = arith.constant 0 : i32
      %dma_wait3A_679 = arith.constant 0 : i32
      %dma_wait3A_680 = tpu.memref_slice %arg3[%dma_wait3A_678, %dma_wait3A_679] : memref<16x1000000xf32, #tpu.memory_space<hbm>> -> memref<8x128xf32, #tpu.memory_space<hbm>>
      tpu.wait_dma2 semaphore(%arg8 : memref<!tpu.dma_semaphore, #tpu.memory_space<semaphore_mem>>) src(%dma_wait3A_680 : memref<8x128xf32, #tpu.memory_space<hbm>>) dst(%dma_wait3A_677 : memref<8x128xf32, #tpu.memory_space<vmem>>)
      %dma_wait3A_681 = arith.constant 0 : i32
      %dma_wait3A_682 = arith.constant 0 : i32
      %dma_wait3A_683 = arith.constant 0 : i32
      %dma_wait3A_684 = arith.constant 0 : i32
      %dma_wait3A_685 = tpu.memref_slice %arg6[%dma_wait3A_681, %dma_wait3A_682, %dma_wait3A_683, %dma_wait3A_684] : memref<16x2x8x128xf32, #tpu.memory_space<vmem>> -> memref<1x1x8x128xf32, #tpu.memory_space<vmem>>
      %dma_wait3A_686 = tpu.memref_squeeze %dma_wait3A_685 : memref<1x1x8x128xf32, #tpu.memory_space<vmem>> -> memref<8x128xf32, #tpu.memory_space<vmem>>
      %dma_wait3A_687 = arith.constant 0 : i32
      %dma_wait3A_688 = arith.constant 0 : i32
      %dma_wait3A_689 = tpu.memref_slice %arg3[%dma_wait3A_687, %dma_wait3A_688] : memref<16x1000000xf32, #tpu.memory_space<hbm>> -> memref<8x128xf32, #tpu.memory_space<hbm>>
      %dma_wait3A_690 = arith.constant 0 : i32
      %dma_wait3A_691 = arith.constant 0 : i32
      %dma_wait3A_692 = tpu.memref_slice %arg6[%dma_wait3A_681, %dma_wait3A_682, %dma_wait3A_690, %dma_wait3A_691] : memref<16x2x8x128xf32, #tpu.memory_space<vmem>> -> memref<1x1x8x128xf32, #tpu.memory_space<vmem>>
      %dma_wait3A_693 = tpu.memref_squeeze %dma_wait3A_692 : memref<1x1x8x128xf32, #tpu.memory_space<vmem>> -> memref<8x128xf32, #tpu.memory_space<vmem>>
      %dma_wait3A_694 = arith.constant 0 : i32
      %dma_wait3A_695 = arith.constant 0 : i32
      %dma_wait3A_696 = tpu.memref_slice %arg3[%dma_wait3A_694, %dma_wait3A_695] : memref<16x1000000xf32, #tpu.memory_space<hbm>> -> memref<8x128xf32, #tpu.memory_space<hbm>>
      tpu.wait_dma2 semaphore(%arg8 : memref<!tpu.dma_semaphore, #tpu.memory_space<semaphore_mem>>) src(%dma_wait3A_696 : memref<8x128xf32, #tpu.memory_space<hbm>>) dst(%dma_wait3A_693 : memref<8x128xf32, #tpu.memory_space<vmem>>)
      %dma_wait3A_697 = arith.constant 0 : i32
      %dma_wait3A_698 = arith.constant 0 : i32
      %dma_wait3A_699 = arith.constant 0 : i32
      %dma_wait3A_700 = arith.constant 0 : i32
      %dma_wait3A_701 = tpu.memref_slice %arg6[%dma_wait3A_697, %dma_wait3A_698, %dma_wait3A_699, %dma_wait3A_700] : memref<16x2x8x128xf32, #tpu.memory_space<vmem>> -> memref<1x1x8x128xf32, #tpu.memory_space<vmem>>
      %dma_wait3A_702 = tpu.memref_squeeze %dma_wait3A_701 : memref<1x1x8x128xf32, #tpu.memory_space<vmem>> -> memref<8x128xf32, #tpu.memory_space<vmem>>
      %dma_wait3A_703 = arith.constant 0 : i32
      %dma_wait3A_704 = arith.constant 0 : i32
      %dma_wait3A_705 = tpu.memref_slice %arg3[%dma_wait3A_703, %dma_wait3A_704] : memref<16x1000000xf32, #tpu.memory_space<hbm>> -> memref<8x128xf32, #tpu.memory_space<hbm>>
      %dma_wait3A_706 = arith.constant 0 : i32
      %dma_wait3A_707 = arith.constant 0 : i32
      %dma_wait3A_708 = tpu.memref_slice %arg6[%dma_wait3A_697, %dma_wait3A_698, %dma_wait3A_706, %dma_wait3A_707] : memref<16x2x8x128xf32, #tpu.memory_space<vmem>> -> memref<1x1x8x128xf32, #tpu.memory_space<vmem>>
      %dma_wait3A_709 = tpu.memref_squeeze %dma_wait3A_708 : memref<1x1x8x128xf32, #tpu.memory_space<vmem>> -> memref<8x128xf32, #tpu.memory_space<vmem>>
      %dma_wait3A_710 = arith.constant 0 : i32
      %dma_wait3A_711 = arith.constant 0 : i32
      %dma_wait3A_712 = tpu.memref_slice %arg3[%dma_wait3A_710, %dma_wait3A_711] : memref<16x1000000xf32, #tpu.memory_space<hbm>> -> memref<8x128xf32, #tpu.memory_space<hbm>>
      tpu.wait_dma2 semaphore(%arg8 : memref<!tpu.dma_semaphore, #tpu.memory_space<semaphore_mem>>) src(%dma_wait3A_712 : memref<8x128xf32, #tpu.memory_space<hbm>>) dst(%dma_wait3A_709 : memref<8x128xf32, #tpu.memory_space<vmem>>)
      %dma_wait3A_713 = arith.constant 0 : i32
      %dma_wait3A_714 = arith.constant 0 : i32
      %dma_wait3A_715 = arith.constant 0 : i32
      %dma_wait3A_716 = arith.constant 0 : i32
      %dma_wait3A_717 = tpu.memref_slice %arg6[%dma_wait3A_713, %dma_wait3A_714, %dma_wait3A_715, %dma_wait3A_716] : memref<16x2x8x128xf32, #tpu.memory_space<vmem>> -> memref<1x1x8x128xf32, #tpu.memory_space<vmem>>
      %dma_wait3A_718 = tpu.memref_squeeze %dma_wait3A_717 : memref<1x1x8x128xf32, #tpu.memory_space<vmem>> -> memref<8x128xf32, #tpu.memory_space<vmem>>
      %dma_wait3A_719 = arith.constant 0 : i32
      %dma_wait3A_720 = arith.constant 0 : i32
      %dma_wait3A_721 = tpu.memref_slice %arg3[%dma_wait3A_719, %dma_wait3A_720] : memref<16x1000000xf32, #tpu.memory_space<hbm>> -> memref<8x128xf32, #tpu.memory_space<hbm>>
      %dma_wait3A_722 = arith.constant 0 : i32
      %dma_wait3A_723 = arith.constant 0 : i32
      %dma_wait3A_724 = tpu.memref_slice %arg6[%dma_wait3A_713, %dma_wait3A_714, %dma_wait3A_722, %dma_wait3A_723] : memref<16x2x8x128xf32, #tpu.memory_space<vmem>> -> memref<1x1x8x128xf32, #tpu.memory_space<vmem>>
      %dma_wait3A_725 = tpu.memref_squeeze %dma_wait3A_724 : memref<1x1x8x128xf32, #tpu.memory_space<vmem>> -> memref<8x128xf32, #tpu.memory_space<vmem>>
      %dma_wait3A_726 = arith.constant 0 : i32
      %dma_wait3A_727 = arith.constant 0 : i32
      %dma_wait3A_728 = tpu.memref_slice %arg3[%dma_wait3A_726, %dma_wait3A_727] : memref<16x1000000xf32, #tpu.memory_space<hbm>> -> memref<8x128xf32, #tpu.memory_space<hbm>>
      tpu.wait_dma2 semaphore(%arg8 : memref<!tpu.dma_semaphore, #tpu.memory_space<semaphore_mem>>) src(%dma_wait3A_728 : memref<8x128xf32, #tpu.memory_space<hbm>>) dst(%dma_wait3A_725 : memref<8x128xf32, #tpu.memory_space<vmem>>)
      %dma_wait3A_729 = arith.constant 0 : i32
      %dma_wait3A_730 = arith.constant 0 : i32
      %dma_wait3A_731 = arith.constant 0 : i32
      %dma_wait3A_732 = arith.constant 0 : i32
      %dma_wait3A_733 = tpu.memref_slice %arg6[%dma_wait3A_729, %dma_wait3A_730, %dma_wait3A_731, %dma_wait3A_732] : memref<16x2x8x128xf32, #tpu.memory_space<vmem>> -> memref<1x1x8x128xf32, #tpu.memory_space<vmem>>
      %dma_wait3A_734 = tpu.memref_squeeze %dma_wait3A_733 : memref<1x1x8x128xf32, #tpu.memory_space<vmem>> -> memref<8x128xf32, #tpu.memory_space<vmem>>
      %dma_wait3A_735 = arith.constant 0 : i32
      %dma_wait3A_736 = arith.constant 0 : i32
      %dma_wait3A_737 = tpu.memref_slice %arg3[%dma_wait3A_735, %dma_wait3A_736] : memref<16x1000000xf32, #tpu.memory_space<hbm>> -> memref<8x128xf32, #tpu.memory_space<hbm>>
      %dma_wait3A_738 = arith.constant 0 : i32
      %dma_wait3A_739 = arith.constant 0 : i32
      %dma_wait3A_740 = tpu.memref_slice %arg6[%dma_wait3A_729, %dma_wait3A_730, %dma_wait3A_738, %dma_wait3A_739] : memref<16x2x8x128xf32, #tpu.memory_space<vmem>> -> memref<1x1x8x128xf32, #tpu.memory_space<vmem>>
      %dma_wait3A_741 = tpu.memref_squeeze %dma_wait3A_740 : memref<1x1x8x128xf32, #tpu.memory_space<vmem>> -> memref<8x128xf32, #tpu.memory_space<vmem>>
      %dma_wait3A_742 = arith.constant 0 : i32
      %dma_wait3A_743 = arith.constant 0 : i32
      %dma_wait3A_744 = tpu.memref_slice %arg3[%dma_wait3A_742, %dma_wait3A_743] : memref<16x1000000xf32, #tpu.memory_space<hbm>> -> memref<8x128xf32, #tpu.memory_space<hbm>>
      tpu.wait_dma2 semaphore(%arg8 : memref<!tpu.dma_semaphore, #tpu.memory_space<semaphore_mem>>) src(%dma_wait3A_744 : memref<8x128xf32, #tpu.memory_space<hbm>>) dst(%dma_wait3A_741 : memref<8x128xf32, #tpu.memory_space<vmem>>)
      %lt3A = arith.constant 63 : i32
      %lt3A_745 = arith.cmpi slt, %scan3A_489, %lt3A : i32
      %convert_element_type3A = arith.extui %lt3A_745 : i1 to i32
      %cond3A = arith.constant 0 : i32
      %cond3A_746 = arith.cmpi ne, %convert_element_type3A, %cond3A : i32
      scf.if %cond3A_746 {
        %add3A_979 = arith.constant 1 : i32
        %add3A_980 = arith.addi %scan3A_489, %add3A_979 : i32
        %mul3A_981 = arith.constant 8 : i32
        %mul3A_982 = arith.muli %add3A_980, %mul3A_981 : i32
        %get3A_983 = arith.index_cast %mul3A_982 : i32 to index
        %get3A_984 = tpu.vector_load %arg5[%get3A_983] {strides = array<i32>} : memref<528xi32, #tpu.memory_space<vmem>>, vector<16xi32>,
        %rem3A_985 = arith.constant 2 : i32
        %rem3A_986 = arith.remsi %add3A_980, %rem3A_985 : i32
        %mul3A_987 = arith.constant 8 : i32
        %mul3A_988 = arith.muli %rem3A_986, %mul3A_987 : i32
        %slice3A_989 = vector.extract_strided_slice %get3A_984 {offsets = [0], sizes = [1], strides = [1]} : vector<16xi32> to vector<1xi32>
        %squeeze3A_990 = vector.extract %slice3A_989[0] : i32 from vector<1xi32>
        %jit3A_991 = arith.constant 128 : i32
        %div3A_992 = arith.divsi %squeeze3A_990, %jit3A_991 : i32
        %sign3A_993 = arith.constant 0 : i32
        %sign3A_994 = arith.cmpi sgt, %squeeze3A_990, %sign3A_993 : i32
        %sign3A_995 = arith.extui %sign3A_994 : i1 to i32
        %sign3A_996 = arith.constant 0 : i32
        %sign3A_997 = arith.cmpi slt, %squeeze3A_990, %sign3A_996 : i32
        %sign3A_998 = arith.extui %sign3A_997 : i1 to i32
        %sign3A_999 = arith.subi %sign3A_995, %sign3A_998 : i32
        %sign3A_1000 = arith.constant 0 : i32
        %sign3A_1001 = arith.cmpi sgt, %jit3A_991, %sign3A_1000 : i32
        %sign3A_1002 = arith.extui %sign3A_1001 : i1 to i32
        %sign3A_1003 = arith.constant 0 : i32
        %sign3A_1004 = arith.cmpi slt, %jit3A_991, %sign3A_1003 : i32
        %sign3A_1005 = arith.extui %sign3A_1004 : i1 to i32
        %sign3A_1006 = arith.subi %sign3A_1002, %sign3A_1005 : i32
        %ne3A_1007 = arith.cmpi ne, %sign3A_999, %sign3A_1006 : i32
        %rem3A_1008 = arith.remsi %squeeze3A_990, %jit3A_991 : i32
        %ne3A_1009 = arith.constant 0 : i32
        %ne3A_1010 = arith.cmpi ne, %rem3A_1008, %ne3A_1009 : i32
        %and3A_1011 = arith.andi %ne3A_1007, %ne3A_1010 : i1
        %sub3A_1012 = arith.constant 1 : i32
        %sub3A_1013 = arith.subi %div3A_992, %sub3A_1012 : i32
        %select_n3A_1014 = arith.select %and3A_1011, %sub3A_1013, %div3A_992 : i32
        %mul3A_1015 = arith.constant 128 : i32
        %mul3A_1016 = arith.muli %select_n3A_1014, %mul3A_1015 : i32
        %multiple_of3A_1017 = tpu.assume_multiple %mul3A_1016, 128 : i32
        %add3A_1018 = arith.constant 0 : i32
        %add3A_1019 = arith.addi %mul3A_988, %add3A_1018 : i32
        %dma_start3A_1020 = arith.constant 0 : i32
        %dma_start3A_1021 = arith.constant 0 : i32
        %dma_start3A_1022 = arith.constant 0 : i32
        %dma_start3A_1023 = tpu.memref_slice %arg6[%add3A_1019, %dma_start3A_1020, %dma_start3A_1021, %dma_start3A_1022] : memref<16x2x8x128xf32, #tpu.memory_space<vmem>> -> memref<1x1x8x128xf32, #tpu.memory_space<vmem>>
        %dma_start3A_1024 = tpu.memref_squeeze %dma_start3A_1023 : memref<1x1x8x128xf32, #tpu.memory_space<vmem>> -> memref<8x128xf32, #tpu.memory_space<vmem>>
        %dma_start3A_1025 = arith.constant 0 : i32
        %dma_start3A_1026 = tpu.memref_slice %arg3[%dma_start3A_1025, %multiple_of3A_1017] : memref<16x1000000xf32, #tpu.memory_space<hbm>> -> memref<8x128xf32, #tpu.memory_space<hbm>>
        %dma_start3A_1027 = arith.constant 0 : i32
        %dma_start3A_1028 = arith.constant 0 : i32
        %dma_start3A_1029 = tpu.memref_slice %arg6[%add3A_1019, %dma_start3A_1020, %dma_start3A_1027, %dma_start3A_1028] : memref<16x2x8x128xf32, #tpu.memory_space<vmem>> -> memref<1x1x8x128xf32, #tpu.memory_space<vmem>>
        %dma_start3A_1030 = tpu.memref_squeeze %dma_start3A_1029 : memref<1x1x8x128xf32, #tpu.memory_space<vmem>> -> memref<8x128xf32, #tpu.memory_space<vmem>>
        %dma_start3A_1031 = arith.constant 0 : i32
        %dma_start3A_1032 = tpu.memref_slice %arg3[%dma_start3A_1031, %multiple_of3A_1017] : memref<16x1000000xf32, #tpu.memory_space<hbm>> -> memref<8x128xf32, #tpu.memory_space<hbm>>
        tpu.enqueue_dma source(%dma_start3A_1032 : memref<8x128xf32, #tpu.memory_space<hbm>>) target(%dma_start3A_1030 : memref<8x128xf32, #tpu.memory_space<vmem>>) target_semaphore(%arg8 : memref<!tpu.dma_semaphore, #tpu.memory_space<semaphore_mem>>)
        %add3A_1033 = arith.constant 0 : i32
        %add3A_1034 = arith.addi %mul3A_988, %add3A_1033 : i32
        %dma_start3A_1035 = arith.constant 1 : i32
        %dma_start3A_1036 = arith.constant 0 : i32
        %dma_start3A_1037 = arith.constant 0 : i32
        %dma_start3A_1038 = tpu.memref_slice %arg6[%add3A_1034, %dma_start3A_1035, %dma_start3A_1036, %dma_start3A_1037] : memref<16x2x8x128xf32, #tpu.memory_space<vmem>> -> memref<1x1x8x128xf32, #tpu.memory_space<vmem>>
        %dma_start3A_1039 = tpu.memref_squeeze %dma_start3A_1038 : memref<1x1x8x128xf32, #tpu.memory_space<vmem>> -> memref<8x128xf32, #tpu.memory_space<vmem>>
        %dma_start3A_1040 = arith.constant 8 : i32
        %dma_start3A_1041 = tpu.memref_slice %arg3[%dma_start3A_1040, %multiple_of3A_1017] : memref<16x1000000xf32, #tpu.memory_space<hbm>> -> memref<8x128xf32, #tpu.memory_space<hbm>>
        %dma_start3A_1042 = arith.constant 0 : i32
        %dma_start3A_1043 = arith.constant 0 : i32
        %dma_start3A_1044 = tpu.memref_slice %arg6[%add3A_1034, %dma_start3A_1035, %dma_start3A_1042, %dma_start3A_1043] : memref<16x2x8x128xf32, #tpu.memory_space<vmem>> -> memref<1x1x8x128xf32, #tpu.memory_space<vmem>>
        %dma_start3A_1045 = tpu.memref_squeeze %dma_start3A_1044 : memref<1x1x8x128xf32, #tpu.memory_space<vmem>> -> memref<8x128xf32, #tpu.memory_space<vmem>>
        %dma_start3A_1046 = arith.constant 8 : i32
        %dma_start3A_1047 = tpu.memref_slice %arg3[%dma_start3A_1046, %multiple_of3A_1017] : memref<16x1000000xf32, #tpu.memory_space<hbm>> -> memref<8x128xf32, #tpu.memory_space<hbm>>
        tpu.enqueue_dma source(%dma_start3A_1047 : memref<8x128xf32, #tpu.memory_space<hbm>>) target(%dma_start3A_1045 : memref<8x128xf32, #tpu.memory_space<vmem>>) target_semaphore(%arg8 : memref<!tpu.dma_semaphore, #tpu.memory_space<semaphore_mem>>)
        %slice3A_1048 = vector.extract_strided_slice %get3A_984 {offsets = [1], sizes = [1], strides = [1]} : vector<16xi32> to vector<1xi32>
        %squeeze3A_1049 = vector.extract %slice3A_1048[0] : i32 from vector<1xi32>
        %jit3A_1050 = arith.constant 128 : i32
        %div3A_1051 = arith.divsi %squeeze3A_1049, %jit3A_1050 : i32
        %sign3A_1052 = arith.constant 0 : i32
        %sign3A_1053 = arith.cmpi sgt, %squeeze3A_1049, %sign3A_1052 : i32
        %sign3A_1054 = arith.extui %sign3A_1053 : i1 to i32
        %sign3A_1055 = arith.constant 0 : i32
        %sign3A_1056 = arith.cmpi slt, %squeeze3A_1049, %sign3A_1055 : i32
        %sign3A_1057 = arith.extui %sign3A_1056 : i1 to i32
        %sign3A_1058 = arith.subi %sign3A_1054, %sign3A_1057 : i32
        %sign3A_1059 = arith.constant 0 : i32
        %sign3A_1060 = arith.cmpi sgt, %jit3A_1050, %sign3A_1059 : i32
        %sign3A_1061 = arith.extui %sign3A_1060 : i1 to i32
        %sign3A_1062 = arith.constant 0 : i32
        %sign3A_1063 = arith.cmpi slt, %jit3A_1050, %sign3A_1062 : i32
        %sign3A_1064 = arith.extui %sign3A_1063 : i1 to i32
        %sign3A_1065 = arith.subi %sign3A_1061, %sign3A_1064 : i32
        %ne3A_1066 = arith.cmpi ne, %sign3A_1058, %sign3A_1065 : i32
        %rem3A_1067 = arith.remsi %squeeze3A_1049, %jit3A_1050 : i32
        %ne3A_1068 = arith.constant 0 : i32
        %ne3A_1069 = arith.cmpi ne, %rem3A_1067, %ne3A_1068 : i32
        %and3A_1070 = arith.andi %ne3A_1066, %ne3A_1069 : i1
        %sub3A_1071 = arith.constant 1 : i32
        %sub3A_1072 = arith.subi %div3A_1051, %sub3A_1071 : i32
        %select_n3A_1073 = arith.select %and3A_1070, %sub3A_1072, %div3A_1051 : i32
        %mul3A_1074 = arith.constant 128 : i32
        %mul3A_1075 = arith.muli %select_n3A_1073, %mul3A_1074 : i32
        %multiple_of3A_1076 = tpu.assume_multiple %mul3A_1075, 128 : i32
        %add3A_1077 = arith.constant 1 : i32
        %add3A_1078 = arith.addi %mul3A_988, %add3A_1077 : i32
        %dma_start3A_1079 = arith.constant 0 : i32
        %dma_start3A_1080 = arith.constant 0 : i32
        %dma_start3A_1081 = arith.constant 0 : i32
        %dma_start3A_1082 = tpu.memref_slice %arg6[%add3A_1078, %dma_start3A_1079, %dma_start3A_1080, %dma_start3A_1081] : memref<16x2x8x128xf32, #tpu.memory_space<vmem>> -> memref<1x1x8x128xf32, #tpu.memory_space<vmem>>
        %dma_start3A_1083 = tpu.memref_squeeze %dma_start3A_1082 : memref<1x1x8x128xf32, #tpu.memory_space<vmem>> -> memref<8x128xf32, #tpu.memory_space<vmem>>
        %dma_start3A_1084 = arith.constant 0 : i32
        %dma_start3A_1085 = tpu.memref_slice %arg3[%dma_start3A_1084, %multiple_of3A_1076] : memref<16x1000000xf32, #tpu.memory_space<hbm>> -> memref<8x128xf32, #tpu.memory_space<hbm>>
        %dma_start3A_1086 = arith.constant 0 : i32
        %dma_start3A_1087 = arith.constant 0 : i32
        %dma_start3A_1088 = tpu.memref_slice %arg6[%add3A_1078, %dma_start3A_1079, %dma_start3A_1086, %dma_start3A_1087] : memref<16x2x8x128xf32, #tpu.memory_space<vmem>> -> memref<1x1x8x128xf32, #tpu.memory_space<vmem>>
        %dma_start3A_1089 = tpu.memref_squeeze %dma_start3A_1088 : memref<1x1x8x128xf32, #tpu.memory_space<vmem>> -> memref<8x128xf32, #tpu.memory_space<vmem>>
        %dma_start3A_1090 = arith.constant 0 : i32
        %dma_start3A_1091 = tpu.memref_slice %arg3[%dma_start3A_1090, %multiple_of3A_1076] : memref<16x1000000xf32, #tpu.memory_space<hbm>> -> memref<8x128xf32, #tpu.memory_space<hbm>>
        tpu.enqueue_dma source(%dma_start3A_1091 : memref<8x128xf32, #tpu.memory_space<hbm>>) target(%dma_start3A_1089 : memref<8x128xf32, #tpu.memory_space<vmem>>) target_semaphore(%arg8 : memref<!tpu.dma_semaphore, #tpu.memory_space<semaphore_mem>>)
        %add3A_1092 = arith.constant 1 : i32
        %add3A_1093 = arith.addi %mul3A_988, %add3A_1092 : i32
        %dma_start3A_1094 = arith.constant 1 : i32
        %dma_start3A_1095 = arith.constant 0 : i32
        %dma_start3A_1096 = arith.constant 0 : i32
        %dma_start3A_1097 = tpu.memref_slice %arg6[%add3A_1093, %dma_start3A_1094, %dma_start3A_1095, %dma_start3A_1096] : memref<16x2x8x128xf32, #tpu.memory_space<vmem>> -> memref<1x1x8x128xf32, #tpu.memory_space<vmem>>
        %dma_start3A_1098 = tpu.memref_squeeze %dma_start3A_1097 : memref<1x1x8x128xf32, #tpu.memory_space<vmem>> -> memref<8x128xf32, #tpu.memory_space<vmem>>
        %dma_start3A_1099 = arith.constant 8 : i32
        %dma_start3A_1100 = tpu.memref_slice %arg3[%dma_start3A_1099, %multiple_of3A_1076] : memref<16x1000000xf32, #tpu.memory_space<hbm>> -> memref<8x128xf32, #tpu.memory_space<hbm>>
        %dma_start3A_1101 = arith.constant 0 : i32
        %dma_start3A_1102 = arith.constant 0 : i32
        %dma_start3A_1103 = tpu.memref_slice %arg6[%add3A_1093, %dma_start3A_1094, %dma_start3A_1101, %dma_start3A_1102] : memref<16x2x8x128xf32, #tpu.memory_space<vmem>> -> memref<1x1x8x128xf32, #tpu.memory_space<vmem>>
        %dma_start3A_1104 = tpu.memref_squeeze %dma_start3A_1103 : memref<1x1x8x128xf32, #tpu.memory_space<vmem>> -> memref<8x128xf32, #tpu.memory_space<vmem>>
        %dma_start3A_1105 = arith.constant 8 : i32
        %dma_start3A_1106 = tpu.memref_slice %arg3[%dma_start3A_1105, %multiple_of3A_1076] : memref<16x1000000xf32, #tpu.memory_space<hbm>> -> memref<8x128xf32, #tpu.memory_space<hbm>>
        tpu.enqueue_dma source(%dma_start3A_1106 : memref<8x128xf32, #tpu.memory_space<hbm>>) target(%dma_start3A_1104 : memref<8x128xf32, #tpu.memory_space<vmem>>) target_semaphore(%arg8 : memref<!tpu.dma_semaphore, #tpu.memory_space<semaphore_mem>>)
        %slice3A_1107 = vector.extract_strided_slice %get3A_984 {offsets = [2], sizes = [1], strides = [1]} : vector<16xi32> to vector<1xi32>
        %squeeze3A_1108 = vector.extract %slice3A_1107[0] : i32 from vector<1xi32>
        %jit3A_1109 = arith.constant 128 : i32
        %div3A_1110 = arith.divsi %squeeze3A_1108, %jit3A_1109 : i32
        %sign3A_1111 = arith.constant 0 : i32
        %sign3A_1112 = arith.cmpi sgt, %squeeze3A_1108, %sign3A_1111 : i32
        %sign3A_1113 = arith.extui %sign3A_1112 : i1 to i32
        %sign3A_1114 = arith.constant 0 : i32
        %sign3A_1115 = arith.cmpi slt, %squeeze3A_1108, %sign3A_1114 : i32
        %sign3A_1116 = arith.extui %sign3A_1115 : i1 to i32
        %sign3A_1117 = arith.subi %sign3A_1113, %sign3A_1116 : i32
        %sign3A_1118 = arith.constant 0 : i32
        %sign3A_1119 = arith.cmpi sgt, %jit3A_1109, %sign3A_1118 : i32
        %sign3A_1120 = arith.extui %sign3A_1119 : i1 to i32
        %sign3A_1121 = arith.constant 0 : i32
        %sign3A_1122 = arith.cmpi slt, %jit3A_1109, %sign3A_1121 : i32
        %sign3A_1123 = arith.extui %sign3A_1122 : i1 to i32
        %sign3A_1124 = arith.subi %sign3A_1120, %sign3A_1123 : i32
        %ne3A_1125 = arith.cmpi ne, %sign3A_1117, %sign3A_1124 : i32
        %rem3A_1126 = arith.remsi %squeeze3A_1108, %jit3A_1109 : i32
        %ne3A_1127 = arith.constant 0 : i32
        %ne3A_1128 = arith.cmpi ne, %rem3A_1126, %ne3A_1127 : i32
        %and3A_1129 = arith.andi %ne3A_1125, %ne3A_1128 : i1
        %sub3A_1130 = arith.constant 1 : i32
        %sub3A_1131 = arith.subi %div3A_1110, %sub3A_1130 : i32
        %select_n3A_1132 = arith.select %and3A_1129, %sub3A_1131, %div3A_1110 : i32
        %mul3A_1133 = arith.constant 128 : i32
        %mul3A_1134 = arith.muli %select_n3A_1132, %mul3A_1133 : i32
        %multiple_of3A_1135 = tpu.assume_multiple %mul3A_1134, 128 : i32
        %add3A_1136 = arith.constant 2 : i32
        %add3A_1137 = arith.addi %mul3A_988, %add3A_1136 : i32
        %dma_start3A_1138 = arith.constant 0 : i32
        %dma_start3A_1139 = arith.constant 0 : i32
        %dma_start3A_1140 = arith.constant 0 : i32
        %dma_start3A_1141 = tpu.memref_slice %arg6[%add3A_1137, %dma_start3A_1138, %dma_start3A_1139, %dma_start3A_1140] : memref<16x2x8x128xf32, #tpu.memory_space<vmem>> -> memref<1x1x8x128xf32, #tpu.memory_space<vmem>>
        %dma_start3A_1142 = tpu.memref_squeeze %dma_start3A_1141 : memref<1x1x8x128xf32, #tpu.memory_space<vmem>> -> memref<8x128xf32, #tpu.memory_space<vmem>>
        %dma_start3A_1143 = arith.constant 0 : i32
        %dma_start3A_1144 = tpu.memref_slice %arg3[%dma_start3A_1143, %multiple_of3A_1135] : memref<16x1000000xf32, #tpu.memory_space<hbm>> -> memref<8x128xf32, #tpu.memory_space<hbm>>
        %dma_start3A_1145 = arith.constant 0 : i32
        %dma_start3A_1146 = arith.constant 0 : i32
        %dma_start3A_1147 = tpu.memref_slice %arg6[%add3A_1137, %dma_start3A_1138, %dma_start3A_1145, %dma_start3A_1146] : memref<16x2x8x128xf32, #tpu.memory_space<vmem>> -> memref<1x1x8x128xf32, #tpu.memory_space<vmem>>
        %dma_start3A_1148 = tpu.memref_squeeze %dma_start3A_1147 : memref<1x1x8x128xf32, #tpu.memory_space<vmem>> -> memref<8x128xf32, #tpu.memory_space<vmem>>
        %dma_start3A_1149 = arith.constant 0 : i32
        %dma_start3A_1150 = tpu.memref_slice %arg3[%dma_start3A_1149, %multiple_of3A_1135] : memref<16x1000000xf32, #tpu.memory_space<hbm>> -> memref<8x128xf32, #tpu.memory_space<hbm>>
        tpu.enqueue_dma source(%dma_start3A_1150 : memref<8x128xf32, #tpu.memory_space<hbm>>) target(%dma_start3A_1148 : memref<8x128xf32, #tpu.memory_space<vmem>>) target_semaphore(%arg8 : memref<!tpu.dma_semaphore, #tpu.memory_space<semaphore_mem>>)
        %add3A_1151 = arith.constant 2 : i32
        %add3A_1152 = arith.addi %mul3A_988, %add3A_1151 : i32
        %dma_start3A_1153 = arith.constant 1 : i32
        %dma_start3A_1154 = arith.constant 0 : i32
        %dma_start3A_1155 = arith.constant 0 : i32
        %dma_start3A_1156 = tpu.memref_slice %arg6[%add3A_1152, %dma_start3A_1153, %dma_start3A_1154, %dma_start3A_1155] : memref<16x2x8x128xf32, #tpu.memory_space<vmem>> -> memref<1x1x8x128xf32, #tpu.memory_space<vmem>>
        %dma_start3A_1157 = tpu.memref_squeeze %dma_start3A_1156 : memref<1x1x8x128xf32, #tpu.memory_space<vmem>> -> memref<8x128xf32, #tpu.memory_space<vmem>>
        %dma_start3A_1158 = arith.constant 8 : i32
        %dma_start3A_1159 = tpu.memref_slice %arg3[%dma_start3A_1158, %multiple_of3A_1135] : memref<16x1000000xf32, #tpu.memory_space<hbm>> -> memref<8x128xf32, #tpu.memory_space<hbm>>
        %dma_start3A_1160 = arith.constant 0 : i32
        %dma_start3A_1161 = arith.constant 0 : i32
        %dma_start3A_1162 = tpu.memref_slice %arg6[%add3A_1152, %dma_start3A_1153, %dma_start3A_1160, %dma_start3A_1161] : memref<16x2x8x128xf32, #tpu.memory_space<vmem>> -> memref<1x1x8x128xf32, #tpu.memory_space<vmem>>
        %dma_start3A_1163 = tpu.memref_squeeze %dma_start3A_1162 : memref<1x1x8x128xf32, #tpu.memory_space<vmem>> -> memref<8x128xf32, #tpu.memory_space<vmem>>
        %dma_start3A_1164 = arith.constant 8 : i32
        %dma_start3A_1165 = tpu.memref_slice %arg3[%dma_start3A_1164, %multiple_of3A_1135] : memref<16x1000000xf32, #tpu.memory_space<hbm>> -> memref<8x128xf32, #tpu.memory_space<hbm>>
        tpu.enqueue_dma source(%dma_start3A_1165 : memref<8x128xf32, #tpu.memory_space<hbm>>) target(%dma_start3A_1163 : memref<8x128xf32, #tpu.memory_space<vmem>>) target_semaphore(%arg8 : memref<!tpu.dma_semaphore, #tpu.memory_space<semaphore_mem>>)
        %slice3A_1166 = vector.extract_strided_slice %get3A_984 {offsets = [3], sizes = [1], strides = [1]} : vector<16xi32> to vector<1xi32>
        %squeeze3A_1167 = vector.extract %slice3A_1166[0] : i32 from vector<1xi32>
        %jit3A_1168 = arith.constant 128 : i32
        %div3A_1169 = arith.divsi %squeeze3A_1167, %jit3A_1168 : i32
        %sign3A_1170 = arith.constant 0 : i32
        %sign3A_1171 = arith.cmpi sgt, %squeeze3A_1167, %sign3A_1170 : i32
        %sign3A_1172 = arith.extui %sign3A_1171 : i1 to i32
        %sign3A_1173 = arith.constant 0 : i32
        %sign3A_1174 = arith.cmpi slt, %squeeze3A_1167, %sign3A_1173 : i32
        %sign3A_1175 = arith.extui %sign3A_1174 : i1 to i32
        %sign3A_1176 = arith.subi %sign3A_1172, %sign3A_1175 : i32
        %sign3A_1177 = arith.constant 0 : i32
        %sign3A_1178 = arith.cmpi sgt, %jit3A_1168, %sign3A_1177 : i32
        %sign3A_1179 = arith.extui %sign3A_1178 : i1 to i32
        %sign3A_1180 = arith.constant 0 : i32
        %sign3A_1181 = arith.cmpi slt, %jit3A_1168, %sign3A_1180 : i32
        %sign3A_1182 = arith.extui %sign3A_1181 : i1 to i32
        %sign3A_1183 = arith.subi %sign3A_1179, %sign3A_1182 : i32
        %ne3A_1184 = arith.cmpi ne, %sign3A_1176, %sign3A_1183 : i32
        %rem3A_1185 = arith.remsi %squeeze3A_1167, %jit3A_1168 : i32
        %ne3A_1186 = arith.constant 0 : i32
        %ne3A_1187 = arith.cmpi ne, %rem3A_1185, %ne3A_1186 : i32
        %and3A_1188 = arith.andi %ne3A_1184, %ne3A_1187 : i1
        %sub3A_1189 = arith.constant 1 : i32
        %sub3A_1190 = arith.subi %div3A_1169, %sub3A_1189 : i32
        %select_n3A_1191 = arith.select %and3A_1188, %sub3A_1190, %div3A_1169 : i32
        %mul3A_1192 = arith.constant 128 : i32
        %mul3A_1193 = arith.muli %select_n3A_1191, %mul3A_1192 : i32
        %multiple_of3A_1194 = tpu.assume_multiple %mul3A_1193, 128 : i32
        %add3A_1195 = arith.constant 3 : i32
        %add3A_1196 = arith.addi %mul3A_988, %add3A_1195 : i32
        %dma_start3A_1197 = arith.constant 0 : i32
        %dma_start3A_1198 = arith.constant 0 : i32
        %dma_start3A_1199 = arith.constant 0 : i32
        %dma_start3A_1200 = tpu.memref_slice %arg6[%add3A_1196, %dma_start3A_1197, %dma_start3A_1198, %dma_start3A_1199] : memref<16x2x8x128xf32, #tpu.memory_space<vmem>> -> memref<1x1x8x128xf32, #tpu.memory_space<vmem>>
        %dma_start3A_1201 = tpu.memref_squeeze %dma_start3A_1200 : memref<1x1x8x128xf32, #tpu.memory_space<vmem>> -> memref<8x128xf32, #tpu.memory_space<vmem>>
        %dma_start3A_1202 = arith.constant 0 : i32
        %dma_start3A_1203 = tpu.memref_slice %arg3[%dma_start3A_1202, %multiple_of3A_1194] : memref<16x1000000xf32, #tpu.memory_space<hbm>> -> memref<8x128xf32, #tpu.memory_space<hbm>>
        %dma_start3A_1204 = arith.constant 0 : i32
        %dma_start3A_1205 = arith.constant 0 : i32
        %dma_start3A_1206 = tpu.memref_slice %arg6[%add3A_1196, %dma_start3A_1197, %dma_start3A_1204, %dma_start3A_1205] : memref<16x2x8x128xf32, #tpu.memory_space<vmem>> -> memref<1x1x8x128xf32, #tpu.memory_space<vmem>>
        %dma_start3A_1207 = tpu.memref_squeeze %dma_start3A_1206 : memref<1x1x8x128xf32, #tpu.memory_space<vmem>> -> memref<8x128xf32, #tpu.memory_space<vmem>>
        %dma_start3A_1208 = arith.constant 0 : i32
        %dma_start3A_1209 = tpu.memref_slice %arg3[%dma_start3A_1208, %multiple_of3A_1194] : memref<16x1000000xf32, #tpu.memory_space<hbm>> -> memref<8x128xf32, #tpu.memory_space<hbm>>
        tpu.enqueue_dma source(%dma_start3A_1209 : memref<8x128xf32, #tpu.memory_space<hbm>>) target(%dma_start3A_1207 : memref<8x128xf32, #tpu.memory_space<vmem>>) target_semaphore(%arg8 : memref<!tpu.dma_semaphore, #tpu.memory_space<semaphore_mem>>)
        %add3A_1210 = arith.constant 3 : i32
        %add3A_1211 = arith.addi %mul3A_988, %add3A_1210 : i32
        %dma_start3A_1212 = arith.constant 1 : i32
        %dma_start3A_1213 = arith.constant 0 : i32
        %dma_start3A_1214 = arith.constant 0 : i32
        %dma_start3A_1215 = tpu.memref_slice %arg6[%add3A_1211, %dma_start3A_1212, %dma_start3A_1213, %dma_start3A_1214] : memref<16x2x8x128xf32, #tpu.memory_space<vmem>> -> memref<1x1x8x128xf32, #tpu.memory_space<vmem>>
        %dma_start3A_1216 = tpu.memref_squeeze %dma_start3A_1215 : memref<1x1x8x128xf32, #tpu.memory_space<vmem>> -> memref<8x128xf32, #tpu.memory_space<vmem>>
        %dma_start3A_1217 = arith.constant 8 : i32
        %dma_start3A_1218 = tpu.memref_slice %arg3[%dma_start3A_1217, %multiple_of3A_1194] : memref<16x1000000xf32, #tpu.memory_space<hbm>> -> memref<8x128xf32, #tpu.memory_space<hbm>>
        %dma_start3A_1219 = arith.constant 0 : i32
        %dma_start3A_1220 = arith.constant 0 : i32
        %dma_start3A_1221 = tpu.memref_slice %arg6[%add3A_1211, %dma_start3A_1212, %dma_start3A_1219, %dma_start3A_1220] : memref<16x2x8x128xf32, #tpu.memory_space<vmem>> -> memref<1x1x8x128xf32, #tpu.memory_space<vmem>>
        %dma_start3A_1222 = tpu.memref_squeeze %dma_start3A_1221 : memref<1x1x8x128xf32, #tpu.memory_space<vmem>> -> memref<8x128xf32, #tpu.memory_space<vmem>>
        %dma_start3A_1223 = arith.constant 8 : i32
        %dma_start3A_1224 = tpu.memref_slice %arg3[%dma_start3A_1223, %multiple_of3A_1194] : memref<16x1000000xf32, #tpu.memory_space<hbm>> -> memref<8x128xf32, #tpu.memory_space<hbm>>
        tpu.enqueue_dma source(%dma_start3A_1224 : memref<8x128xf32, #tpu.memory_space<hbm>>) target(%dma_start3A_1222 : memref<8x128xf32, #tpu.memory_space<vmem>>) target_semaphore(%arg8 : memref<!tpu.dma_semaphore, #tpu.memory_space<semaphore_mem>>)
        %slice3A_1225 = vector.extract_strided_slice %get3A_984 {offsets = [4], sizes = [1], strides = [1]} : vector<16xi32> to vector<1xi32>
        %squeeze3A_1226 = vector.extract %slice3A_1225[0] : i32 from vector<1xi32>
        %jit3A_1227 = arith.constant 128 : i32
        %div3A_1228 = arith.divsi %squeeze3A_1226, %jit3A_1227 : i32
        %sign3A_1229 = arith.constant 0 : i32
        %sign3A_1230 = arith.cmpi sgt, %squeeze3A_1226, %sign3A_1229 : i32
        %sign3A_1231 = arith.extui %sign3A_1230 : i1 to i32
        %sign3A_1232 = arith.constant 0 : i32
        %sign3A_1233 = arith.cmpi slt, %squeeze3A_1226, %sign3A_1232 : i32
        %sign3A_1234 = arith.extui %sign3A_1233 : i1 to i32
        %sign3A_1235 = arith.subi %sign3A_1231, %sign3A_1234 : i32
        %sign3A_1236 = arith.constant 0 : i32
        %sign3A_1237 = arith.cmpi sgt, %jit3A_1227, %sign3A_1236 : i32
        %sign3A_1238 = arith.extui %sign3A_1237 : i1 to i32
        %sign3A_1239 = arith.constant 0 : i32
        %sign3A_1240 = arith.cmpi slt, %jit3A_1227, %sign3A_1239 : i32
        %sign3A_1241 = arith.extui %sign3A_1240 : i1 to i32
        %sign3A_1242 = arith.subi %sign3A_1238, %sign3A_1241 : i32
        %ne3A_1243 = arith.cmpi ne, %sign3A_1235, %sign3A_1242 : i32
        %rem3A_1244 = arith.remsi %squeeze3A_1226, %jit3A_1227 : i32
        %ne3A_1245 = arith.constant 0 : i32
        %ne3A_1246 = arith.cmpi ne, %rem3A_1244, %ne3A_1245 : i32
        %and3A_1247 = arith.andi %ne3A_1243, %ne3A_1246 : i1
        %sub3A_1248 = arith.constant 1 : i32
        %sub3A_1249 = arith.subi %div3A_1228, %sub3A_1248 : i32
        %select_n3A_1250 = arith.select %and3A_1247, %sub3A_1249, %div3A_1228 : i32
        %mul3A_1251 = arith.constant 128 : i32
        %mul3A_1252 = arith.muli %select_n3A_1250, %mul3A_1251 : i32
        %multiple_of3A_1253 = tpu.assume_multiple %mul3A_1252, 128 : i32
        %add3A_1254 = arith.constant 4 : i32
        %add3A_1255 = arith.addi %mul3A_988, %add3A_1254 : i32
        %dma_start3A_1256 = arith.constant 0 : i32
        %dma_start3A_1257 = arith.constant 0 : i32
        %dma_start3A_1258 = arith.constant 0 : i32
        %dma_start3A_1259 = tpu.memref_slice %arg6[%add3A_1255, %dma_start3A_1256, %dma_start3A_1257, %dma_start3A_1258] : memref<16x2x8x128xf32, #tpu.memory_space<vmem>> -> memref<1x1x8x128xf32, #tpu.memory_space<vmem>>
        %dma_start3A_1260 = tpu.memref_squeeze %dma_start3A_1259 : memref<1x1x8x128xf32, #tpu.memory_space<vmem>> -> memref<8x128xf32, #tpu.memory_space<vmem>>
        %dma_start3A_1261 = arith.constant 0 : i32
        %dma_start3A_1262 = tpu.memref_slice %arg3[%dma_start3A_1261, %multiple_of3A_1253] : memref<16x1000000xf32, #tpu.memory_space<hbm>> -> memref<8x128xf32, #tpu.memory_space<hbm>>
        %dma_start3A_1263 = arith.constant 0 : i32
        %dma_start3A_1264 = arith.constant 0 : i32
        %dma_start3A_1265 = tpu.memref_slice %arg6[%add3A_1255, %dma_start3A_1256, %dma_start3A_1263, %dma_start3A_1264] : memref<16x2x8x128xf32, #tpu.memory_space<vmem>> -> memref<1x1x8x128xf32, #tpu.memory_space<vmem>>
        %dma_start3A_1266 = tpu.memref_squeeze %dma_start3A_1265 : memref<1x1x8x128xf32, #tpu.memory_space<vmem>> -> memref<8x128xf32, #tpu.memory_space<vmem>>
        %dma_start3A_1267 = arith.constant 0 : i32
        %dma_start3A_1268 = tpu.memref_slice %arg3[%dma_start3A_1267, %multiple_of3A_1253] : memref<16x1000000xf32, #tpu.memory_space<hbm>> -> memref<8x128xf32, #tpu.memory_space<hbm>>
        tpu.enqueue_dma source(%dma_start3A_1268 : memref<8x128xf32, #tpu.memory_space<hbm>>) target(%dma_start3A_1266 : memref<8x128xf32, #tpu.memory_space<vmem>>) target_semaphore(%arg8 : memref<!tpu.dma_semaphore, #tpu.memory_space<semaphore_mem>>)
        %add3A_1269 = arith.constant 4 : i32
        %add3A_1270 = arith.addi %mul3A_988, %add3A_1269 : i32
        %dma_start3A_1271 = arith.constant 1 : i32
        %dma_start3A_1272 = arith.constant 0 : i32
        %dma_start3A_1273 = arith.constant 0 : i32
        %dma_start3A_1274 = tpu.memref_slice %arg6[%add3A_1270, %dma_start3A_1271, %dma_start3A_1272, %dma_start3A_1273] : memref<16x2x8x128xf32, #tpu.memory_space<vmem>> -> memref<1x1x8x128xf32, #tpu.memory_space<vmem>>
        %dma_start3A_1275 = tpu.memref_squeeze %dma_start3A_1274 : memref<1x1x8x128xf32, #tpu.memory_space<vmem>> -> memref<8x128xf32, #tpu.memory_space<vmem>>
        %dma_start3A_1276 = arith.constant 8 : i32
        %dma_start3A_1277 = tpu.memref_slice %arg3[%dma_start3A_1276, %multiple_of3A_1253] : memref<16x1000000xf32, #tpu.memory_space<hbm>> -> memref<8x128xf32, #tpu.memory_space<hbm>>
        %dma_start3A_1278 = arith.constant 0 : i32
        %dma_start3A_1279 = arith.constant 0 : i32
        %dma_start3A_1280 = tpu.memref_slice %arg6[%add3A_1270, %dma_start3A_1271, %dma_start3A_1278, %dma_start3A_1279] : memref<16x2x8x128xf32, #tpu.memory_space<vmem>> -> memref<1x1x8x128xf32, #tpu.memory_space<vmem>>
        %dma_start3A_1281 = tpu.memref_squeeze %dma_start3A_1280 : memref<1x1x8x128xf32, #tpu.memory_space<vmem>> -> memref<8x128xf32, #tpu.memory_space<vmem>>
        %dma_start3A_1282 = arith.constant 8 : i32
        %dma_start3A_1283 = tpu.memref_slice %arg3[%dma_start3A_1282, %multiple_of3A_1253] : memref<16x1000000xf32, #tpu.memory_space<hbm>> -> memref<8x128xf32, #tpu.memory_space<hbm>>
        tpu.enqueue_dma source(%dma_start3A_1283 : memref<8x128xf32, #tpu.memory_space<hbm>>) target(%dma_start3A_1281 : memref<8x128xf32, #tpu.memory_space<vmem>>) target_semaphore(%arg8 : memref<!tpu.dma_semaphore, #tpu.memory_space<semaphore_mem>>)
        %slice3A_1284 = vector.extract_strided_slice %get3A_984 {offsets = [5], sizes = [1], strides = [1]} : vector<16xi32> to vector<1xi32>
        %squeeze3A_1285 = vector.extract %slice3A_1284[0] : i32 from vector<1xi32>
        %jit3A_1286 = arith.constant 128 : i32
        %div3A_1287 = arith.divsi %squeeze3A_1285, %jit3A_1286 : i32
        %sign3A_1288 = arith.constant 0 : i32
        %sign3A_1289 = arith.cmpi sgt, %squeeze3A_1285, %sign3A_1288 : i32
        %sign3A_1290 = arith.extui %sign3A_1289 : i1 to i32
        %sign3A_1291 = arith.constant 0 : i32
        %sign3A_1292 = arith.cmpi slt, %squeeze3A_1285, %sign3A_1291 : i32
        %sign3A_1293 = arith.extui %sign3A_1292 : i1 to i32
        %sign3A_1294 = arith.subi %sign3A_1290, %sign3A_1293 : i32
        %sign3A_1295 = arith.constant 0 : i32
        %sign3A_1296 = arith.cmpi sgt, %jit3A_1286, %sign3A_1295 : i32
        %sign3A_1297 = arith.extui %sign3A_1296 : i1 to i32
        %sign3A_1298 = arith.constant 0 : i32
        %sign3A_1299 = arith.cmpi slt, %jit3A_1286, %sign3A_1298 : i32
        %sign3A_1300 = arith.extui %sign3A_1299 : i1 to i32
        %sign3A_1301 = arith.subi %sign3A_1297, %sign3A_1300 : i32
        %ne3A_1302 = arith.cmpi ne, %sign3A_1294, %sign3A_1301 : i32
        %rem3A_1303 = arith.remsi %squeeze3A_1285, %jit3A_1286 : i32
        %ne3A_1304 = arith.constant 0 : i32
        %ne3A_1305 = arith.cmpi ne, %rem3A_1303, %ne3A_1304 : i32
        %and3A_1306 = arith.andi %ne3A_1302, %ne3A_1305 : i1
        %sub3A_1307 = arith.constant 1 : i32
        %sub3A_1308 = arith.subi %div3A_1287, %sub3A_1307 : i32
        %select_n3A_1309 = arith.select %and3A_1306, %sub3A_1308, %div3A_1287 : i32
        %mul3A_1310 = arith.constant 128 : i32
        %mul3A_1311 = arith.muli %select_n3A_1309, %mul3A_1310 : i32
        %multiple_of3A_1312 = tpu.assume_multiple %mul3A_1311, 128 : i32
        %add3A_1313 = arith.constant 5 : i32
        %add3A_1314 = arith.addi %mul3A_988, %add3A_1313 : i32
        %dma_start3A_1315 = arith.constant 0 : i32
        %dma_start3A_1316 = arith.constant 0 : i32
        %dma_start3A_1317 = arith.constant 0 : i32
        %dma_start3A_1318 = tpu.memref_slice %arg6[%add3A_1314, %dma_start3A_1315, %dma_start3A_1316, %dma_start3A_1317] : memref<16x2x8x128xf32, #tpu.memory_space<vmem>> -> memref<1x1x8x128xf32, #tpu.memory_space<vmem>>
        %dma_start3A_1319 = tpu.memref_squeeze %dma_start3A_1318 : memref<1x1x8x128xf32, #tpu.memory_space<vmem>> -> memref<8x128xf32, #tpu.memory_space<vmem>>
        %dma_start3A_1320 = arith.constant 0 : i32
        %dma_start3A_1321 = tpu.memref_slice %arg3[%dma_start3A_1320, %multiple_of3A_1312] : memref<16x1000000xf32, #tpu.memory_space<hbm>> -> memref<8x128xf32, #tpu.memory_space<hbm>>
        %dma_start3A_1322 = arith.constant 0 : i32
        %dma_start3A_1323 = arith.constant 0 : i32
        %dma_start3A_1324 = tpu.memref_slice %arg6[%add3A_1314, %dma_start3A_1315, %dma_start3A_1322, %dma_start3A_1323] : memref<16x2x8x128xf32, #tpu.memory_space<vmem>> -> memref<1x1x8x128xf32, #tpu.memory_space<vmem>>
        %dma_start3A_1325 = tpu.memref_squeeze %dma_start3A_1324 : memref<1x1x8x128xf32, #tpu.memory_space<vmem>> -> memref<8x128xf32, #tpu.memory_space<vmem>>
        %dma_start3A_1326 = arith.constant 0 : i32
        %dma_start3A_1327 = tpu.memref_slice %arg3[%dma_start3A_1326, %multiple_of3A_1312] : memref<16x1000000xf32, #tpu.memory_space<hbm>> -> memref<8x128xf32, #tpu.memory_space<hbm>>
        tpu.enqueue_dma source(%dma_start3A_1327 : memref<8x128xf32, #tpu.memory_space<hbm>>) target(%dma_start3A_1325 : memref<8x128xf32, #tpu.memory_space<vmem>>) target_semaphore(%arg8 : memref<!tpu.dma_semaphore, #tpu.memory_space<semaphore_mem>>)
        %add3A_1328 = arith.constant 5 : i32
        %add3A_1329 = arith.addi %mul3A_988, %add3A_1328 : i32
        %dma_start3A_1330 = arith.constant 1 : i32
        %dma_start3A_1331 = arith.constant 0 : i32
        %dma_start3A_1332 = arith.constant 0 : i32
        %dma_start3A_1333 = tpu.memref_slice %arg6[%add3A_1329, %dma_start3A_1330, %dma_start3A_1331, %dma_start3A_1332] : memref<16x2x8x128xf32, #tpu.memory_space<vmem>> -> memref<1x1x8x128xf32, #tpu.memory_space<vmem>>
        %dma_start3A_1334 = tpu.memref_squeeze %dma_start3A_1333 : memref<1x1x8x128xf32, #tpu.memory_space<vmem>> -> memref<8x128xf32, #tpu.memory_space<vmem>>
        %dma_start3A_1335 = arith.constant 8 : i32
        %dma_start3A_1336 = tpu.memref_slice %arg3[%dma_start3A_1335, %multiple_of3A_1312] : memref<16x1000000xf32, #tpu.memory_space<hbm>> -> memref<8x128xf32, #tpu.memory_space<hbm>>
        %dma_start3A_1337 = arith.constant 0 : i32
        %dma_start3A_1338 = arith.constant 0 : i32
        %dma_start3A_1339 = tpu.memref_slice %arg6[%add3A_1329, %dma_start3A_1330, %dma_start3A_1337, %dma_start3A_1338] : memref<16x2x8x128xf32, #tpu.memory_space<vmem>> -> memref<1x1x8x128xf32, #tpu.memory_space<vmem>>
        %dma_start3A_1340 = tpu.memref_squeeze %dma_start3A_1339 : memref<1x1x8x128xf32, #tpu.memory_space<vmem>> -> memref<8x128xf32, #tpu.memory_space<vmem>>
        %dma_start3A_1341 = arith.constant 8 : i32
        %dma_start3A_1342 = tpu.memref_slice %arg3[%dma_start3A_1341, %multiple_of3A_1312] : memref<16x1000000xf32, #tpu.memory_space<hbm>> -> memref<8x128xf32, #tpu.memory_space<hbm>>
        tpu.enqueue_dma source(%dma_start3A_1342 : memref<8x128xf32, #tpu.memory_space<hbm>>) target(%dma_start3A_1340 : memref<8x128xf32, #tpu.memory_space<vmem>>) target_semaphore(%arg8 : memref<!tpu.dma_semaphore, #tpu.memory_space<semaphore_mem>>)
        %slice3A_1343 = vector.extract_strided_slice %get3A_984 {offsets = [6], sizes = [1], strides = [1]} : vector<16xi32> to vector<1xi32>
        %squeeze3A_1344 = vector.extract %slice3A_1343[0] : i32 from vector<1xi32>
        %jit3A_1345 = arith.constant 128 : i32
        %div3A_1346 = arith.divsi %squeeze3A_1344, %jit3A_1345 : i32
        %sign3A_1347 = arith.constant 0 : i32
        %sign3A_1348 = arith.cmpi sgt, %squeeze3A_1344, %sign3A_1347 : i32
        %sign3A_1349 = arith.extui %sign3A_1348 : i1 to i32
        %sign3A_1350 = arith.constant 0 : i32
        %sign3A_1351 = arith.cmpi slt, %squeeze3A_1344, %sign3A_1350 : i32
        %sign3A_1352 = arith.extui %sign3A_1351 : i1 to i32
        %sign3A_1353 = arith.subi %sign3A_1349, %sign3A_1352 : i32
        %sign3A_1354 = arith.constant 0 : i32
        %sign3A_1355 = arith.cmpi sgt, %jit3A_1345, %sign3A_1354 : i32
        %sign3A_1356 = arith.extui %sign3A_1355 : i1 to i32
        %sign3A_1357 = arith.constant 0 : i32
        %sign3A_1358 = arith.cmpi slt, %jit3A_1345, %sign3A_1357 : i32
        %sign3A_1359 = arith.extui %sign3A_1358 : i1 to i32
        %sign3A_1360 = arith.subi %sign3A_1356, %sign3A_1359 : i32
        %ne3A_1361 = arith.cmpi ne, %sign3A_1353, %sign3A_1360 : i32
        %rem3A_1362 = arith.remsi %squeeze3A_1344, %jit3A_1345 : i32
        %ne3A_1363 = arith.constant 0 : i32
        %ne3A_1364 = arith.cmpi ne, %rem3A_1362, %ne3A_1363 : i32
        %and3A_1365 = arith.andi %ne3A_1361, %ne3A_1364 : i1
        %sub3A_1366 = arith.constant 1 : i32
        %sub3A_1367 = arith.subi %div3A_1346, %sub3A_1366 : i32
        %select_n3A_1368 = arith.select %and3A_1365, %sub3A_1367, %div3A_1346 : i32
        %mul3A_1369 = arith.constant 128 : i32
        %mul3A_1370 = arith.muli %select_n3A_1368, %mul3A_1369 : i32
        %multiple_of3A_1371 = tpu.assume_multiple %mul3A_1370, 128 : i32
        %add3A_1372 = arith.constant 6 : i32
        %add3A_1373 = arith.addi %mul3A_988, %add3A_1372 : i32
        %dma_start3A_1374 = arith.constant 0 : i32
        %dma_start3A_1375 = arith.constant 0 : i32
        %dma_start3A_1376 = arith.constant 0 : i32
        %dma_start3A_1377 = tpu.memref_slice %arg6[%add3A_1373, %dma_start3A_1374, %dma_start3A_1375, %dma_start3A_1376] : memref<16x2x8x128xf32, #tpu.memory_space<vmem>> -> memref<1x1x8x128xf32, #tpu.memory_space<vmem>>
        %dma_start3A_1378 = tpu.memref_squeeze %dma_start3A_1377 : memref<1x1x8x128xf32, #tpu.memory_space<vmem>> -> memref<8x128xf32, #tpu.memory_space<vmem>>
        %dma_start3A_1379 = arith.constant 0 : i32
        %dma_start3A_1380 = tpu.memref_slice %arg3[%dma_start3A_1379, %multiple_of3A_1371] : memref<16x1000000xf32, #tpu.memory_space<hbm>> -> memref<8x128xf32, #tpu.memory_space<hbm>>
        %dma_start3A_1381 = arith.constant 0 : i32
        %dma_start3A_1382 = arith.constant 0 : i32
        %dma_start3A_1383 = tpu.memref_slice %arg6[%add3A_1373, %dma_start3A_1374, %dma_start3A_1381, %dma_start3A_1382] : memref<16x2x8x128xf32, #tpu.memory_space<vmem>> -> memref<1x1x8x128xf32, #tpu.memory_space<vmem>>
        %dma_start3A_1384 = tpu.memref_squeeze %dma_start3A_1383 : memref<1x1x8x128xf32, #tpu.memory_space<vmem>> -> memref<8x128xf32, #tpu.memory_space<vmem>>
        %dma_start3A_1385 = arith.constant 0 : i32
        %dma_start3A_1386 = tpu.memref_slice %arg3[%dma_start3A_1385, %multiple_of3A_1371] : memref<16x1000000xf32, #tpu.memory_space<hbm>> -> memref<8x128xf32, #tpu.memory_space<hbm>>
        tpu.enqueue_dma source(%dma_start3A_1386 : memref<8x128xf32, #tpu.memory_space<hbm>>) target(%dma_start3A_1384 : memref<8x128xf32, #tpu.memory_space<vmem>>) target_semaphore(%arg8 : memref<!tpu.dma_semaphore, #tpu.memory_space<semaphore_mem>>)
        %add3A_1387 = arith.constant 6 : i32
        %add3A_1388 = arith.addi %mul3A_988, %add3A_1387 : i32
        %dma_start3A_1389 = arith.constant 1 : i32
        %dma_start3A_1390 = arith.constant 0 : i32
        %dma_start3A_1391 = arith.constant 0 : i32
        %dma_start3A_1392 = tpu.memref_slice %arg6[%add3A_1388, %dma_start3A_1389, %dma_start3A_1390, %dma_start3A_1391] : memref<16x2x8x128xf32, #tpu.memory_space<vmem>> -> memref<1x1x8x128xf32, #tpu.memory_space<vmem>>
        %dma_start3A_1393 = tpu.memref_squeeze %dma_start3A_1392 : memref<1x1x8x128xf32, #tpu.memory_space<vmem>> -> memref<8x128xf32, #tpu.memory_space<vmem>>
        %dma_start3A_1394 = arith.constant 8 : i32
        %dma_start3A_1395 = tpu.memref_slice %arg3[%dma_start3A_1394, %multiple_of3A_1371] : memref<16x1000000xf32, #tpu.memory_space<hbm>> -> memref<8x128xf32, #tpu.memory_space<hbm>>
        %dma_start3A_1396 = arith.constant 0 : i32
        %dma_start3A_1397 = arith.constant 0 : i32
        %dma_start3A_1398 = tpu.memref_slice %arg6[%add3A_1388, %dma_start3A_1389, %dma_start3A_1396, %dma_start3A_1397] : memref<16x2x8x128xf32, #tpu.memory_space<vmem>> -> memref<1x1x8x128xf32, #tpu.memory_space<vmem>>
        %dma_start3A_1399 = tpu.memref_squeeze %dma_start3A_1398 : memref<1x1x8x128xf32, #tpu.memory_space<vmem>> -> memref<8x128xf32, #tpu.memory_space<vmem>>
        %dma_start3A_1400 = arith.constant 8 : i32
        %dma_start3A_1401 = tpu.memref_slice %arg3[%dma_start3A_1400, %multiple_of3A_1371] : memref<16x1000000xf32, #tpu.memory_space<hbm>> -> memref<8x128xf32, #tpu.memory_space<hbm>>
        tpu.enqueue_dma source(%dma_start3A_1401 : memref<8x128xf32, #tpu.memory_space<hbm>>) target(%dma_start3A_1399 : memref<8x128xf32, #tpu.memory_space<vmem>>) target_semaphore(%arg8 : memref<!tpu.dma_semaphore, #tpu.memory_space<semaphore_mem>>)
        %slice3A_1402 = vector.extract_strided_slice %get3A_984 {offsets = [7], sizes = [1], strides = [1]} : vector<16xi32> to vector<1xi32>
        %squeeze3A_1403 = vector.extract %slice3A_1402[0] : i32 from vector<1xi32>
        %jit3A_1404 = arith.constant 128 : i32
        %div3A_1405 = arith.divsi %squeeze3A_1403, %jit3A_1404 : i32
        %sign3A_1406 = arith.constant 0 : i32
        %sign3A_1407 = arith.cmpi sgt, %squeeze3A_1403, %sign3A_1406 : i32
        %sign3A_1408 = arith.extui %sign3A_1407 : i1 to i32
        %sign3A_1409 = arith.constant 0 : i32
        %sign3A_1410 = arith.cmpi slt, %squeeze3A_1403, %sign3A_1409 : i32
        %sign3A_1411 = arith.extui %sign3A_1410 : i1 to i32
        %sign3A_1412 = arith.subi %sign3A_1408, %sign3A_1411 : i32
        %sign3A_1413 = arith.constant 0 : i32
        %sign3A_1414 = arith.cmpi sgt, %jit3A_1404, %sign3A_1413 : i32
        %sign3A_1415 = arith.extui %sign3A_1414 : i1 to i32
        %sign3A_1416 = arith.constant 0 : i32
        %sign3A_1417 = arith.cmpi slt, %jit3A_1404, %sign3A_1416 : i32
        %sign3A_1418 = arith.extui %sign3A_1417 : i1 to i32
        %sign3A_1419 = arith.subi %sign3A_1415, %sign3A_1418 : i32
        %ne3A_1420 = arith.cmpi ne, %sign3A_1412, %sign3A_1419 : i32
        %rem3A_1421 = arith.remsi %squeeze3A_1403, %jit3A_1404 : i32
        %ne3A_1422 = arith.constant 0 : i32
        %ne3A_1423 = arith.cmpi ne, %rem3A_1421, %ne3A_1422 : i32
        %and3A_1424 = arith.andi %ne3A_1420, %ne3A_1423 : i1
        %sub3A_1425 = arith.constant 1 : i32
        %sub3A_1426 = arith.subi %div3A_1405, %sub3A_1425 : i32
        %select_n3A_1427 = arith.select %and3A_1424, %sub3A_1426, %div3A_1405 : i32
        %mul3A_1428 = arith.constant 128 : i32
        %mul3A_1429 = arith.muli %select_n3A_1427, %mul3A_1428 : i32
        %multiple_of3A_1430 = tpu.assume_multiple %mul3A_1429, 128 : i32
        %add3A_1431 = arith.constant 7 : i32
        %add3A_1432 = arith.addi %mul3A_988, %add3A_1431 : i32
        %dma_start3A_1433 = arith.constant 0 : i32
        %dma_start3A_1434 = arith.constant 0 : i32
        %dma_start3A_1435 = arith.constant 0 : i32
        %dma_start3A_1436 = tpu.memref_slice %arg6[%add3A_1432, %dma_start3A_1433, %dma_start3A_1434, %dma_start3A_1435] : memref<16x2x8x128xf32, #tpu.memory_space<vmem>> -> memref<1x1x8x128xf32, #tpu.memory_space<vmem>>
        %dma_start3A_1437 = tpu.memref_squeeze %dma_start3A_1436 : memref<1x1x8x128xf32, #tpu.memory_space<vmem>> -> memref<8x128xf32, #tpu.memory_space<vmem>>
        %dma_start3A_1438 = arith.constant 0 : i32
        %dma_start3A_1439 = tpu.memref_slice %arg3[%dma_start3A_1438, %multiple_of3A_1430] : memref<16x1000000xf32, #tpu.memory_space<hbm>> -> memref<8x128xf32, #tpu.memory_space<hbm>>
        %dma_start3A_1440 = arith.constant 0 : i32
        %dma_start3A_1441 = arith.constant 0 : i32
        %dma_start3A_1442 = tpu.memref_slice %arg6[%add3A_1432, %dma_start3A_1433, %dma_start3A_1440, %dma_start3A_1441] : memref<16x2x8x128xf32, #tpu.memory_space<vmem>> -> memref<1x1x8x128xf32, #tpu.memory_space<vmem>>
        %dma_start3A_1443 = tpu.memref_squeeze %dma_start3A_1442 : memref<1x1x8x128xf32, #tpu.memory_space<vmem>> -> memref<8x128xf32, #tpu.memory_space<vmem>>
        %dma_start3A_1444 = arith.constant 0 : i32
        %dma_start3A_1445 = tpu.memref_slice %arg3[%dma_start3A_1444, %multiple_of3A_1430] : memref<16x1000000xf32, #tpu.memory_space<hbm>> -> memref<8x128xf32, #tpu.memory_space<hbm>>
        tpu.enqueue_dma source(%dma_start3A_1445 : memref<8x128xf32, #tpu.memory_space<hbm>>) target(%dma_start3A_1443 : memref<8x128xf32, #tpu.memory_space<vmem>>) target_semaphore(%arg8 : memref<!tpu.dma_semaphore, #tpu.memory_space<semaphore_mem>>)
        %add3A_1446 = arith.constant 7 : i32
        %add3A_1447 = arith.addi %mul3A_988, %add3A_1446 : i32
        %dma_start3A_1448 = arith.constant 1 : i32
        %dma_start3A_1449 = arith.constant 0 : i32
        %dma_start3A_1450 = arith.constant 0 : i32
        %dma_start3A_1451 = tpu.memref_slice %arg6[%add3A_1447, %dma_start3A_1448, %dma_start3A_1449, %dma_start3A_1450] : memref<16x2x8x128xf32, #tpu.memory_space<vmem>> -> memref<1x1x8x128xf32, #tpu.memory_space<vmem>>
        %dma_start3A_1452 = tpu.memref_squeeze %dma_start3A_1451 : memref<1x1x8x128xf32, #tpu.memory_space<vmem>> -> memref<8x128xf32, #tpu.memory_space<vmem>>
        %dma_start3A_1453 = arith.constant 8 : i32
        %dma_start3A_1454 = tpu.memref_slice %arg3[%dma_start3A_1453, %multiple_of3A_1430] : memref<16x1000000xf32, #tpu.memory_space<hbm>> -> memref<8x128xf32, #tpu.memory_space<hbm>>
        %dma_start3A_1455 = arith.constant 0 : i32
        %dma_start3A_1456 = arith.constant 0 : i32
        %dma_start3A_1457 = tpu.memref_slice %arg6[%add3A_1447, %dma_start3A_1448, %dma_start3A_1455, %dma_start3A_1456] : memref<16x2x8x128xf32, #tpu.memory_space<vmem>> -> memref<1x1x8x128xf32, #tpu.memory_space<vmem>>
        %dma_start3A_1458 = tpu.memref_squeeze %dma_start3A_1457 : memref<1x1x8x128xf32, #tpu.memory_space<vmem>> -> memref<8x128xf32, #tpu.memory_space<vmem>>
        %dma_start3A_1459 = arith.constant 8 : i32
        %dma_start3A_1460 = tpu.memref_slice %arg3[%dma_start3A_1459, %multiple_of3A_1430] : memref<16x1000000xf32, #tpu.memory_space<hbm>> -> memref<8x128xf32, #tpu.memory_space<hbm>>
        tpu.enqueue_dma source(%dma_start3A_1460 : memref<8x128xf32, #tpu.memory_space<hbm>>) target(%dma_start3A_1458 : memref<8x128xf32, #tpu.memory_space<vmem>>) target_semaphore(%arg8 : memref<!tpu.dma_semaphore, #tpu.memory_space<semaphore_mem>>)
      } else {
      }
      %mul3A_747 = arith.constant 8 : i32
      %mul3A_748 = arith.muli %scan3A_489, %mul3A_747 : i32
      %get3A_749 = arith.index_cast %mul3A_748 : i32 to index
      %get3A_750 = tpu.vector_load %arg5[%get3A_749] {strides = array<i32>} : memref<528xi32, #tpu.memory_space<vmem>>, vector<16xi32>,
      %rem3A_751 = arith.constant 2 : i32
      %rem3A_752 = arith.remsi %scan3A_489, %rem3A_751 : i32
      %mul3A_753 = arith.constant 8 : i32
      %mul3A_754 = arith.muli %rem3A_752, %mul3A_753 : i32
      %jit3A_755 = arith.constant 8 : i32
      %div3A_756 = vector.broadcast %jit3A_755 : i32 to vector<16xi32>
      %div3A_757 = arith.divsi %iota3A, %div3A_756 : vector<16xi32>
      %sign3A_758 = arith.constant 0 : i32
      %sign3A_759 = vector.broadcast %sign3A_758 : i32 to vector<16xi32>
      %sign3A_760 = arith.cmpi sgt, %iota3A, %sign3A_759 : vector<16xi32>
      %sign3A_761 = arith.extui %sign3A_760 : vector<16xi1> to vector<16xi32>
      %sign3A_762 = arith.constant 0 : i32
      %sign3A_763 = vector.broadcast %sign3A_762 : i32 to vector<16xi32>
      %sign3A_764 = arith.cmpi slt, %iota3A, %sign3A_763 : vector<16xi32>
      %sign3A_765 = arith.extui %sign3A_764 : vector<16xi1> to vector<16xi32>
      %sign3A_766 = arith.subi %sign3A_761, %sign3A_765 : vector<16xi32>
      %sign3A_767 = arith.constant 0 : i32
      %sign3A_768 = arith.cmpi sgt, %jit3A_755, %sign3A_767 : i32
      %sign3A_769 = arith.extui %sign3A_768 : i1 to i32
      %sign3A_770 = arith.constant 0 : i32
      %sign3A_771 = arith.cmpi slt, %jit3A_755, %sign3A_770 : i32
      %sign3A_772 = arith.extui %sign3A_771 : i1 to i32
      %sign3A_773 = arith.subi %sign3A_769, %sign3A_772 : i32
      %ne3A_774 = vector.broadcast %sign3A_773 : i32 to vector<16xi32>
      %ne3A_775 = arith.cmpi ne, %sign3A_766, %ne3A_774 : vector<16xi32>
      %rem3A_776 = vector.broadcast %jit3A_755 : i32 to vector<16xi32>
      %rem3A_777 = arith.remsi %iota3A, %rem3A_776 : vector<16xi32>
      %ne3A_778 = arith.constant 0 : i32
      %ne3A_779 = vector.broadcast %ne3A_778 : i32 to vector<16xi32>
      %ne3A_780 = arith.cmpi ne, %rem3A_777, %ne3A_779 : vector<16xi32>
      %and3A_781 = arith.andi %ne3A_775, %ne3A_780 : vector<16xi1>
      %sub3A_782 = arith.constant 1 : i32
      %sub3A_783 = vector.broadcast %sub3A_782 : i32 to vector<16xi32>
      %sub3A_784 = arith.subi %div3A_757, %sub3A_783 : vector<16xi32>
      %select_n3A_785 = arith.select %and3A_781, %sub3A_784, %div3A_757 : vector<16xi1>, vector<16xi32>
      %rem3A_786 = arith.constant 8 : i32
      %rem3A_787 = vector.broadcast %rem3A_786 : i32 to vector<16xi32>
      %rem3A_788 = arith.remsi %iota3A, %rem3A_787 : vector<16xi32>
      %slice3A_789 = vector.extract_strided_slice %get3A_750 {offsets = [0], sizes = [1], strides = [1]} : vector<16xi32> to vector<1xi32>
      %squeeze3A_790 = vector.extract %slice3A_789[0] : i32 from vector<1xi32>
      %broadcast_in_dim3A = arith.constant 0 : i32
      %broadcast_in_dim3A_791 = vector.broadcast %broadcast_in_dim3A : i32 to vector<16xi32>
      %add3A_792 = vector.broadcast %mul3A_754 : i32 to vector<16xi32>
      %add3A_793 = arith.addi %broadcast_in_dim3A_791, %add3A_792 : vector<16xi32>
      %add3A_794 = arith.constant 0 : i32
      %add3A_795 = vector.broadcast %add3A_794 : i32 to vector<16xi32>
      %add3A_796 = arith.addi %add3A_793, %add3A_795 : vector<16xi32>
      %broadcast_in_dim3A_797 = arith.constant 0 : i32
      %broadcast_in_dim3A_798 = vector.broadcast %broadcast_in_dim3A_797 : i32 to vector<16xi32>
      %rem3A_799 = arith.constant 128 : i32
      %rem3A_800 = arith.remsi %squeeze3A_790, %rem3A_799 : i32
      %add3A_801 = vector.broadcast %rem3A_800 : i32 to vector<16xi32>
      %add3A_802 = arith.addi %broadcast_in_dim3A_798, %add3A_801 : vector<16xi32>
      %gather3A = tpu.vector_load_idx %arg6[%add3A_796, %select_n3A_785, %rem3A_788, %add3A_802] : memref<16x2x8x128xf32, #tpu.memory_space<vmem>>[vector<16xi32>, vector<16xi32>, vector<16xi32>, vector<16xi32>], vector<16xf32>,
      %mul3A_803 = arith.constant 8 : i32
      %mul3A_804 = arith.muli %scan3A_489, %mul3A_803 : i32
      %add3A_805 = arith.constant 0 : i32
      %add3A_806 = arith.addi %mul3A_804, %add3A_805 : i32
      %broadcast_in_dim3A_807 = arith.constant 0 : i32
      %broadcast_in_dim3A_808 = vector.broadcast %broadcast_in_dim3A_807 : i32 to vector<16xi32>
      %add3A_809 = vector.broadcast %add3A_806 : i32 to vector<16xi32>
      %add3A_810 = arith.addi %broadcast_in_dim3A_808, %add3A_809 : vector<16xi32>
      tpu.vector_store_idx %arg7[%add3A_810, %iota3A], %gather3A : memref<512x16xf32, #tpu.memory_space<vmem>>[vector<16xi32>, vector<16xi32>], vector<16xf32>,
      %slice3A_811 = vector.extract_strided_slice %get3A_750 {offsets = [1], sizes = [1], strides = [1]} : vector<16xi32> to vector<1xi32>
      %squeeze3A_812 = vector.extract %slice3A_811[0] : i32 from vector<1xi32>
      %broadcast_in_dim3A_813 = arith.constant 0 : i32
      %broadcast_in_dim3A_814 = vector.broadcast %broadcast_in_dim3A_813 : i32 to vector<16xi32>
      %add3A_815 = vector.broadcast %mul3A_754 : i32 to vector<16xi32>
      %add3A_816 = arith.addi %broadcast_in_dim3A_814, %add3A_815 : vector<16xi32>
      %add3A_817 = arith.constant 1 : i32
      %add3A_818 = vector.broadcast %add3A_817 : i32 to vector<16xi32>
      %add3A_819 = arith.addi %add3A_816, %add3A_818 : vector<16xi32>
      %broadcast_in_dim3A_820 = arith.constant 0 : i32
      %broadcast_in_dim3A_821 = vector.broadcast %broadcast_in_dim3A_820 : i32 to vector<16xi32>
      %rem3A_822 = arith.constant 128 : i32
      %rem3A_823 = arith.remsi %squeeze3A_812, %rem3A_822 : i32
      %add3A_824 = vector.broadcast %rem3A_823 : i32 to vector<16xi32>
      %add3A_825 = arith.addi %broadcast_in_dim3A_821, %add3A_824 : vector<16xi32>
      %gather3A_826 = tpu.vector_load_idx %arg6[%add3A_819, %select_n3A_785, %rem3A_788, %add3A_825] : memref<16x2x8x128xf32, #tpu.memory_space<vmem>>[vector<16xi32>, vector<16xi32>, vector<16xi32>, vector<16xi32>], vector<16xf32>,
      %mul3A_827 = arith.constant 8 : i32
      %mul3A_828 = arith.muli %scan3A_489, %mul3A_827 : i32
      %add3A_829 = arith.constant 1 : i32
      %add3A_830 = arith.addi %mul3A_828, %add3A_829 : i32
      %broadcast_in_dim3A_831 = arith.constant 0 : i32
      %broadcast_in_dim3A_832 = vector.broadcast %broadcast_in_dim3A_831 : i32 to vector<16xi32>
      %add3A_833 = vector.broadcast %add3A_830 : i32 to vector<16xi32>
      %add3A_834 = arith.addi %broadcast_in_dim3A_832, %add3A_833 : vector<16xi32>
      tpu.vector_store_idx %arg7[%add3A_834, %iota3A], %gather3A_826 : memref<512x16xf32, #tpu.memory_space<vmem>>[vector<16xi32>, vector<16xi32>], vector<16xf32>,
      %slice3A_835 = vector.extract_strided_slice %get3A_750 {offsets = [2], sizes = [1], strides = [1]} : vector<16xi32> to vector<1xi32>
      %squeeze3A_836 = vector.extract %slice3A_835[0] : i32 from vector<1xi32>
      %broadcast_in_dim3A_837 = arith.constant 0 : i32
      %broadcast_in_dim3A_838 = vector.broadcast %broadcast_in_dim3A_837 : i32 to vector<16xi32>
      %add3A_839 = vector.broadcast %mul3A_754 : i32 to vector<16xi32>
      %add3A_840 = arith.addi %broadcast_in_dim3A_838, %add3A_839 : vector<16xi32>
      %add3A_841 = arith.constant 2 : i32
      %add3A_842 = vector.broadcast %add3A_841 : i32 to vector<16xi32>
      %add3A_843 = arith.addi %add3A_840, %add3A_842 : vector<16xi32>
      %broadcast_in_dim3A_844 = arith.constant 0 : i32
      %broadcast_in_dim3A_845 = vector.broadcast %broadcast_in_dim3A_844 : i32 to vector<16xi32>
      %rem3A_846 = arith.constant 128 : i32
      %rem3A_847 = arith.remsi %squeeze3A_836, %rem3A_846 : i32
      %add3A_848 = vector.broadcast %rem3A_847 : i32 to vector<16xi32>
      %add3A_849 = arith.addi %broadcast_in_dim3A_845, %add3A_848 : vector<16xi32>
      %gather3A_850 = tpu.vector_load_idx %arg6[%add3A_843, %select_n3A_785, %rem3A_788, %add3A_849] : memref<16x2x8x128xf32, #tpu.memory_space<vmem>>[vector<16xi32>, vector<16xi32>, vector<16xi32>, vector<16xi32>], vector<16xf32>,
      %mul3A_851 = arith.constant 8 : i32
      %mul3A_852 = arith.muli %scan3A_489, %mul3A_851 : i32
      %add3A_853 = arith.constant 2 : i32
      %add3A_854 = arith.addi %mul3A_852, %add3A_853 : i32
      %broadcast_in_dim3A_855 = arith.constant 0 : i32
      %broadcast_in_dim3A_856 = vector.broadcast %broadcast_in_dim3A_855 : i32 to vector<16xi32>
      %add3A_857 = vector.broadcast %add3A_854 : i32 to vector<16xi32>
      %add3A_858 = arith.addi %broadcast_in_dim3A_856, %add3A_857 : vector<16xi32>
      tpu.vector_store_idx %arg7[%add3A_858, %iota3A], %gather3A_850 : memref<512x16xf32, #tpu.memory_space<vmem>>[vector<16xi32>, vector<16xi32>], vector<16xf32>,
      %slice3A_859 = vector.extract_strided_slice %get3A_750 {offsets = [3], sizes = [1], strides = [1]} : vector<16xi32> to vector<1xi32>
      %squeeze3A_860 = vector.extract %slice3A_859[0] : i32 from vector<1xi32>
      %broadcast_in_dim3A_861 = arith.constant 0 : i32
      %broadcast_in_dim3A_862 = vector.broadcast %broadcast_in_dim3A_861 : i32 to vector<16xi32>
      %add3A_863 = vector.broadcast %mul3A_754 : i32 to vector<16xi32>
      %add3A_864 = arith.addi %broadcast_in_dim3A_862, %add3A_863 : vector<16xi32>
      %add3A_865 = arith.constant 3 : i32
      %add3A_866 = vector.broadcast %add3A_865 : i32 to vector<16xi32>
      %add3A_867 = arith.addi %add3A_864, %add3A_866 : vector<16xi32>
      %broadcast_in_dim3A_868 = arith.constant 0 : i32
      %broadcast_in_dim3A_869 = vector.broadcast %broadcast_in_dim3A_868 : i32 to vector<16xi32>
      %rem3A_870 = arith.constant 128 : i32
      %rem3A_871 = arith.remsi %squeeze3A_860, %rem3A_870 : i32
      %add3A_872 = vector.broadcast %rem3A_871 : i32 to vector<16xi32>
      %add3A_873 = arith.addi %broadcast_in_dim3A_869, %add3A_872 : vector<16xi32>
      %gather3A_874 = tpu.vector_load_idx %arg6[%add3A_867, %select_n3A_785, %rem3A_788, %add3A_873] : memref<16x2x8x128xf32, #tpu.memory_space<vmem>>[vector<16xi32>, vector<16xi32>, vector<16xi32>, vector<16xi32>], vector<16xf32>,
      %mul3A_875 = arith.constant 8 : i32
      %mul3A_876 = arith.muli %scan3A_489, %mul3A_875 : i32
      %add3A_877 = arith.constant 3 : i32
      %add3A_878 = arith.addi %mul3A_876, %add3A_877 : i32
      %broadcast_in_dim3A_879 = arith.constant 0 : i32
      %broadcast_in_dim3A_880 = vector.broadcast %broadcast_in_dim3A_879 : i32 to vector<16xi32>
      %add3A_881 = vector.broadcast %add3A_878 : i32 to vector<16xi32>
      %add3A_882 = arith.addi %broadcast_in_dim3A_880, %add3A_881 : vector<16xi32>
      tpu.vector_store_idx %arg7[%add3A_882, %iota3A], %gather3A_874 : memref<512x16xf32, #tpu.memory_space<vmem>>[vector<16xi32>, vector<16xi32>], vector<16xf32>,
      %slice3A_883 = vector.extract_strided_slice %get3A_750 {offsets = [4], sizes = [1], strides = [1]} : vector<16xi32> to vector<1xi32>
      %squeeze3A_884 = vector.extract %slice3A_883[0] : i32 from vector<1xi32>
      %broadcast_in_dim3A_885 = arith.constant 0 : i32
      %broadcast_in_dim3A_886 = vector.broadcast %broadcast_in_dim3A_885 : i32 to vector<16xi32>
      %add3A_887 = vector.broadcast %mul3A_754 : i32 to vector<16xi32>
      %add3A_888 = arith.addi %broadcast_in_dim3A_886, %add3A_887 : vector<16xi32>
      %add3A_889 = arith.constant 4 : i32
      %add3A_890 = vector.broadcast %add3A_889 : i32 to vector<16xi32>
      %add3A_891 = arith.addi %add3A_888, %add3A_890 : vector<16xi32>
      %broadcast_in_dim3A_892 = arith.constant 0 : i32
      %broadcast_in_dim3A_893 = vector.broadcast %broadcast_in_dim3A_892 : i32 to vector<16xi32>
      %rem3A_894 = arith.constant 128 : i32
      %rem3A_895 = arith.remsi %squeeze3A_884, %rem3A_894 : i32
      %add3A_896 = vector.broadcast %rem3A_895 : i32 to vector<16xi32>
      %add3A_897 = arith.addi %broadcast_in_dim3A_893, %add3A_896 : vector<16xi32>
      %gather3A_898 = tpu.vector_load_idx %arg6[%add3A_891, %select_n3A_785, %rem3A_788, %add3A_897] : memref<16x2x8x128xf32, #tpu.memory_space<vmem>>[vector<16xi32>, vector<16xi32>, vector<16xi32>, vector<16xi32>], vector<16xf32>,
      %mul3A_899 = arith.constant 8 : i32
      %mul3A_900 = arith.muli %scan3A_489, %mul3A_899 : i32
      %add3A_901 = arith.constant 4 : i32
      %add3A_902 = arith.addi %mul3A_900, %add3A_901 : i32
      %broadcast_in_dim3A_903 = arith.constant 0 : i32
      %broadcast_in_dim3A_904 = vector.broadcast %broadcast_in_dim3A_903 : i32 to vector<16xi32>
      %add3A_905 = vector.broadcast %add3A_902 : i32 to vector<16xi32>
      %add3A_906 = arith.addi %broadcast_in_dim3A_904, %add3A_905 : vector<16xi32>
      tpu.vector_store_idx %arg7[%add3A_906, %iota3A], %gather3A_898 : memref<512x16xf32, #tpu.memory_space<vmem>>[vector<16xi32>, vector<16xi32>], vector<16xf32>,
      %slice3A_907 = vector.extract_strided_slice %get3A_750 {offsets = [5], sizes = [1], strides = [1]} : vector<16xi32> to vector<1xi32>
      %squeeze3A_908 = vector.extract %slice3A_907[0] : i32 from vector<1xi32>
      %broadcast_in_dim3A_909 = arith.constant 0 : i32
      %broadcast_in_dim3A_910 = vector.broadcast %broadcast_in_dim3A_909 : i32 to vector<16xi32>
      %add3A_911 = vector.broadcast %mul3A_754 : i32 to vector<16xi32>
      %add3A_912 = arith.addi %broadcast_in_dim3A_910, %add3A_911 : vector<16xi32>
      %add3A_913 = arith.constant 5 : i32
      %add3A_914 = vector.broadcast %add3A_913 : i32 to vector<16xi32>
      %add3A_915 = arith.addi %add3A_912, %add3A_914 : vector<16xi32>
      %broadcast_in_dim3A_916 = arith.constant 0 : i32
      %broadcast_in_dim3A_917 = vector.broadcast %broadcast_in_dim3A_916 : i32 to vector<16xi32>
      %rem3A_918 = arith.constant 128 : i32
      %rem3A_919 = arith.remsi %squeeze3A_908, %rem3A_918 : i32
      %add3A_920 = vector.broadcast %rem3A_919 : i32 to vector<16xi32>
      %add3A_921 = arith.addi %broadcast_in_dim3A_917, %add3A_920 : vector<16xi32>
      %gather3A_922 = tpu.vector_load_idx %arg6[%add3A_915, %select_n3A_785, %rem3A_788, %add3A_921] : memref<16x2x8x128xf32, #tpu.memory_space<vmem>>[vector<16xi32>, vector<16xi32>, vector<16xi32>, vector<16xi32>], vector<16xf32>,
      %mul3A_923 = arith.constant 8 : i32
      %mul3A_924 = arith.muli %scan3A_489, %mul3A_923 : i32
      %add3A_925 = arith.constant 5 : i32
      %add3A_926 = arith.addi %mul3A_924, %add3A_925 : i32
      %broadcast_in_dim3A_927 = arith.constant 0 : i32
      %broadcast_in_dim3A_928 = vector.broadcast %broadcast_in_dim3A_927 : i32 to vector<16xi32>
      %add3A_929 = vector.broadcast %add3A_926 : i32 to vector<16xi32>
      %add3A_930 = arith.addi %broadcast_in_dim3A_928, %add3A_929 : vector<16xi32>
      tpu.vector_store_idx %arg7[%add3A_930, %iota3A], %gather3A_922 : memref<512x16xf32, #tpu.memory_space<vmem>>[vector<16xi32>, vector<16xi32>], vector<16xf32>,
      %slice3A_931 = vector.extract_strided_slice %get3A_750 {offsets = [6], sizes = [1], strides = [1]} : vector<16xi32> to vector<1xi32>
      %squeeze3A_932 = vector.extract %slice3A_931[0] : i32 from vector<1xi32>
      %broadcast_in_dim3A_933 = arith.constant 0 : i32
      %broadcast_in_dim3A_934 = vector.broadcast %broadcast_in_dim3A_933 : i32 to vector<16xi32>
      %add3A_935 = vector.broadcast %mul3A_754 : i32 to vector<16xi32>
      %add3A_936 = arith.addi %broadcast_in_dim3A_934, %add3A_935 : vector<16xi32>
      %add3A_937 = arith.constant 6 : i32
      %add3A_938 = vector.broadcast %add3A_937 : i32 to vector<16xi32>
      %add3A_939 = arith.addi %add3A_936, %add3A_938 : vector<16xi32>
      %broadcast_in_dim3A_940 = arith.constant 0 : i32
      %broadcast_in_dim3A_941 = vector.broadcast %broadcast_in_dim3A_940 : i32 to vector<16xi32>
      %rem3A_942 = arith.constant 128 : i32
      %rem3A_943 = arith.remsi %squeeze3A_932, %rem3A_942 : i32
      %add3A_944 = vector.broadcast %rem3A_943 : i32 to vector<16xi32>
      %add3A_945 = arith.addi %broadcast_in_dim3A_941, %add3A_944 : vector<16xi32>
      %gather3A_946 = tpu.vector_load_idx %arg6[%add3A_939, %select_n3A_785, %rem3A_788, %add3A_945] : memref<16x2x8x128xf32, #tpu.memory_space<vmem>>[vector<16xi32>, vector<16xi32>, vector<16xi32>, vector<16xi32>], vector<16xf32>,
      %mul3A_947 = arith.constant 8 : i32
      %mul3A_948 = arith.muli %scan3A_489, %mul3A_947 : i32
      %add3A_949 = arith.constant 6 : i32
      %add3A_950 = arith.addi %mul3A_948, %add3A_949 : i32
      %broadcast_in_dim3A_951 = arith.constant 0 : i32
      %broadcast_in_dim3A_952 = vector.broadcast %broadcast_in_dim3A_951 : i32 to vector<16xi32>
      %add3A_953 = vector.broadcast %add3A_950 : i32 to vector<16xi32>
      %add3A_954 = arith.addi %broadcast_in_dim3A_952, %add3A_953 : vector<16xi32>
      tpu.vector_store_idx %arg7[%add3A_954, %iota3A], %gather3A_946 : memref<512x16xf32, #tpu.memory_space<vmem>>[vector<16xi32>, vector<16xi32>], vector<16xf32>,
      %slice3A_955 = vector.extract_strided_slice %get3A_750 {offsets = [7], sizes = [1], strides = [1]} : vector<16xi32> to vector<1xi32>
      %squeeze3A_956 = vector.extract %slice3A_955[0] : i32 from vector<1xi32>
      %broadcast_in_dim3A_957 = arith.constant 0 : i32
      %broadcast_in_dim3A_958 = vector.broadcast %broadcast_in_dim3A_957 : i32 to vector<16xi32>
      %add3A_959 = vector.broadcast %mul3A_754 : i32 to vector<16xi32>
      %add3A_960 = arith.addi %broadcast_in_dim3A_958, %add3A_959 : vector<16xi32>
      %add3A_961 = arith.constant 7 : i32
      %add3A_962 = vector.broadcast %add3A_961 : i32 to vector<16xi32>
      %add3A_963 = arith.addi %add3A_960, %add3A_962 : vector<16xi32>
      %broadcast_in_dim3A_964 = arith.constant 0 : i32
      %broadcast_in_dim3A_965 = vector.broadcast %broadcast_in_dim3A_964 : i32 to vector<16xi32>
      %rem3A_966 = arith.constant 128 : i32
      %rem3A_967 = arith.remsi %squeeze3A_956, %rem3A_966 : i32
      %add3A_968 = vector.broadcast %rem3A_967 : i32 to vector<16xi32>
      %add3A_969 = arith.addi %broadcast_in_dim3A_965, %add3A_968 : vector<16xi32>
      %gather3A_970 = tpu.vector_load_idx %arg6[%add3A_963, %select_n3A_785, %rem3A_788, %add3A_969] : memref<16x2x8x128xf32, #tpu.memory_space<vmem>>[vector<16xi32>, vector<16xi32>, vector<16xi32>, vector<16xi32>], vector<16xf32>,
      %mul3A_971 = arith.constant 8 : i32
      %mul3A_972 = arith.muli %scan3A_489, %mul3A_971 : i32
      %add3A_973 = arith.constant 7 : i32
      %add3A_974 = arith.addi %mul3A_972, %add3A_973 : i32
      %broadcast_in_dim3A_975 = arith.constant 0 : i32
      %broadcast_in_dim3A_976 = vector.broadcast %broadcast_in_dim3A_975 : i32 to vector<16xi32>
      %add3A_977 = vector.broadcast %add3A_974 : i32 to vector<16xi32>
      %add3A_978 = arith.addi %broadcast_in_dim3A_976, %add3A_977 : vector<16xi32>
      tpu.vector_store_idx %arg7[%add3A_978, %iota3A], %gather3A_970 : memref<512x16xf32, #tpu.memory_space<vmem>>[vector<16xi32>, vector<16xi32>], vector<16xf32>,
    }
    %scan3A_482 = arith.constant 64 : i32
    %scan3A_483 = arith.constant 0 : i32
    %scan3A_484 = arith.constant 0 : i32
    %scan3A_485 = arith.constant 16 : i32
    %scan3A_486 = arith.addi %scan3A_484, %scan3A_485 : i32
    %scan3A_487 = arith.constant 1 : i32
    scf.for %scan3A_489 = %scan3A_484 to %scan3A_486 step %scan3A_487  : i32 {
      %mul3A_490 = arith.constant 32 : i32
      %mul3A_491 = arith.muli %scan3A_489, %mul3A_490 : i32
      %add3A_492 = arith.addi %mul3A_2, %mul3A_491 : i32
      "tpu.region"() ({
        %run_scoped3A = tpu.sem_alloc : memref<!tpu.dma_semaphore, #tpu.memory_space<semaphore_mem>>
        %dma_start3A_493 = arith.constant 0 : i32
        %dma_start3A_494 = tpu.memref_slice %arg7[%mul3A_491, %dma_start3A_493] : memref<512x16xf32, #tpu.memory_space<vmem>> -> memref<32x16xf32, #tpu.memory_space<vmem>>
        %dma_start3A_495 = arith.constant 0 : i32
        %dma_start3A_496 = tpu.memref_slice %arg4[%add3A_492, %dma_start3A_495] : memref<16384x16xf32, #tpu.memory_space<hbm>> -> memref<32x16xf32, #tpu.memory_space<hbm>>
        %dma_start3A_497 = arith.constant 0 : i32
        %dma_start3A_498 = tpu.memref_slice %arg4[%add3A_492, %dma_start3A_497] : memref<16384x16xf32, #tpu.memory_space<hbm>> -> memref<32x16xf32, #tpu.memory_space<hbm>>
        %dma_start3A_499 = arith.constant 0 : i32
        %dma_start3A_500 = tpu.memref_slice %arg7[%mul3A_491, %dma_start3A_499] : memref<512x16xf32, #tpu.memory_space<vmem>> -> memref<32x16xf32, #tpu.memory_space<vmem>>
        tpu.enqueue_dma source(%dma_start3A_500 : memref<32x16xf32, #tpu.memory_space<vmem>>) target(%dma_start3A_498 : memref<32x16xf32, #tpu.memory_space<hbm>>) target_semaphore(%run_scoped3A : memref<!tpu.dma_semaphore, #tpu.memory_space<semaphore_mem>>)
        %dma_wait3A = arith.constant 0 : i32
        %dma_wait3A_501 = tpu.memref_slice %arg7[%mul3A_491, %dma_wait3A] : memref<512x16xf32, #tpu.memory_space<vmem>> -> memref<32x16xf32, #tpu.memory_space<vmem>>
        %dma_wait3A_502 = arith.constant 0 : i32
        %dma_wait3A_503 = tpu.memref_slice %arg4[%add3A_492, %dma_wait3A_502] : memref<16384x16xf32, #tpu.memory_space<hbm>> -> memref<32x16xf32, #tpu.memory_space<hbm>>
        %dma_wait3A_504 = arith.constant 0 : i32
        %dma_wait3A_505 = tpu.memref_slice %arg4[%add3A_492, %dma_wait3A_504] : memref<16384x16xf32, #tpu.memory_space<hbm>> -> memref<32x16xf32, #tpu.memory_space<hbm>>
        %dma_wait3A_506 = arith.constant 0 : i32
        %dma_wait3A_507 = tpu.memref_slice %arg7[%mul3A_491, %dma_wait3A_506] : memref<512x16xf32, #tpu.memory_space<vmem>> -> memref<32x16xf32, #tpu.memory_space<vmem>>
        tpu.wait_dma2 semaphore(%run_scoped3A : memref<!tpu.dma_semaphore, #tpu.memory_space<semaphore_mem>>) src(%dma_wait3A_507 : memref<32x16xf32, #tpu.memory_space<vmem>>) dst(%dma_wait3A_505 : memref<32x16xf32, #tpu.memory_space<hbm>>)
        tpu.yield
      }) : () -> ()
    }
    %scan3A_488 = arith.constant 16 : i32
    return
  }
}

module attributes {stable_mosaic.version = 14 : i64} {
  func.func @_tc_body(%arg0: i32, %arg1: memref<2048x16xf32, #tpu.memory_space<vmem>>, %arg2: memref<2048x16xf32, #tpu.memory_space<vmem>>, %arg3: memref<2048xf32, #tpu.memory_space<vmem>>, %arg4: memref<2048x32xf32, #tpu.memory_space<vmem>>) attributes {dimension_semantics = [#tpu.dimension_semantics<arbitrary>], iteration_bounds = array<i64: 8>, scalar_prefetch = 0 : i64, scratch_operands = 0 : i64, tpu.core_type = #tpu.core_type<tc>, window_params = [{transform_indices = @transform_0, window_bounds = array<i64: 2048, 16>}, {transform_indices = @transform_1, window_bounds = array<i64: 2048, 16>}, {transform_indices = @transform_2, window_bounds = array<i64: 2048>}, {transform_indices = @transform_3, window_bounds = array<i64: 2048, 32>}]} {
    %get3A = arith.constant 0 : index
    %get3A_0 = arith.constant 0 : index
    %get3A_1 = vector.load %arg1[%get3A, %get3A_0] : memref<2048x16xf32, #tpu.memory_space<vmem>>, vector<2048x16xf32>
    %get3A_2 = arith.constant 0 : index
    %get3A_3 = arith.constant 0 : index
    %get3A_4 = vector.load %arg2[%get3A_2, %get3A_3] : memref<2048x16xf32, #tpu.memory_space<vmem>>, vector<2048x16xf32>
    %mul3A = arith.mulf %get3A_1, %get3A_4 : vector<2048x16xf32>
    %reduce_sum3A = arith.constant dense<0.000000e+00> : vector<2048xf32>
    %reduce_sum3A_5 = vector.multi_reduction <add>, %mul3A, %reduce_sum3A [1] : vector<2048x16xf32> to vector<2048xf32>
    %swap3A = arith.constant 0 : index
    %swap3A_6 = vector.load %arg3[%swap3A] : memref<2048xf32, #tpu.memory_space<vmem>>, vector<2048xf32>
    tpu.vector_store %arg3[%swap3A], %reduce_sum3A_5 {strides = array<i32>} : memref<2048xf32, #tpu.memory_space<vmem>>, vector<2048xf32>,
    %swap3A_7 = arith.constant 0 : index
    %swap3A_8 = arith.constant 0 : index
    %swap3A_9 = vector.load %arg4[%swap3A_7, %swap3A_8] : memref<2048x32xf32, #tpu.memory_space<vmem>>, vector<2048x16xf32>
    tpu.vector_store %arg4[%swap3A_7, %swap3A_8], %get3A_1 {strides = array<i32>} : memref<2048x32xf32, #tpu.memory_space<vmem>>, vector<2048x16xf32>,
    %swap3A_10 = arith.constant 0 : index
    %swap3A_11 = arith.constant 16 : index
    %swap3A_12 = vector.load %arg4[%swap3A_10, %swap3A_11] : memref<2048x32xf32, #tpu.memory_space<vmem>>, vector<2048x16xf32>
    tpu.vector_store %arg4[%swap3A_10, %swap3A_11], %get3A_4 {strides = array<i32>} : memref<2048x32xf32, #tpu.memory_space<vmem>>, vector<2048x16xf32>,
    return
  }
  func.func @transform_0(%arg0: i32) -> (i32, i32) {
    %c0_i32 = arith.constant 0 : i32
    %c0_i32_0 = arith.constant 0 : i32
    return %arg0, %c0_i32 : i32, i32
  }
  func.func @transform_1(%arg0: i32) -> (i32, i32) {
    %c0_i32 = arith.constant 0 : i32
    %c0_i32_0 = arith.constant 0 : i32
    return %arg0, %c0_i32 : i32, i32
  }
  func.func @transform_2(%arg0: i32) -> i32 {
    %c0_i32 = arith.constant 0 : i32
    return %arg0 : i32
  }
  func.func @transform_3(%arg0: i32) -> (i32, i32) {
    %c0_i32 = arith.constant 0 : i32
    %c0_i32_0 = arith.constant 0 : i32
    return %arg0, %c0_i32 : i32, i32
  }
}

</mosaic_0001>

<sc_bundles>
// kernel: kernel.5.cloned.1.call-start
scs
__scs_entry_jumppad:
0x0: {  	(pc) =	sbr.rel $0x88, $3  }
0x1: {  	(tag) =	ssettag $0x0;
	lr =	simm.s32 $0x1  }
0x2: {  	[smem:$0x3F9E] =	sst lr;
	_ =	strace $0xD0000000  }
0x3: {  	_ = 	snop  }
0x4: {  	_ = 	snop  }
0x5: {  	_ = 	snop  }
0x6: {  	_ = 	snop  }
0x7: {  	_ = 	snop  }
__scs_overlays_trampoline_lowered:
0x8: {  	[smem:$0x3FAD] =	sst s0  }
0x9: {  	[smem:$0x3FAE] =	sst s1  }
0xa: {  	[smem:$0x3FAF] =	sst s2  }
0xb: {  	[smem:$0x3FB0] =	sst s3  }
0xc: {  	[smem:$0x3FB1] =	sst s4  }
0xd: {  	[smem:$0x3FB2] =	sst s5  }
0xe: {  	[smem:$0x3FB3] =	sst s6  }
0xf: {  	[smem:$0x3FB4] =	sst s7  }
0x10: {  	[smem:$0x3FB5] =	sst s8  }
0x11: {  	[smem:$0x3FB6] =	sst s9;
	s0 =	simm.s32 @!p0 $0x0  }
0x12: {  	s1 =	sld [smem:$0x3F9C];
	s0 =	simm.s32 @p0 $0x1  }
0x13: {  	[smem:$0x3FB7] =	sst s0;
	s0 =	simm.s32 @!p1 $0x0  }
0x14: {  	s2 =	sld [smem:$0x3F9B];
	s0 =	simm.s32 @p1 $0x1  }
0x15: {  	[smem:$0x3FB8] =	sst s0;
	s0 =	simm.s32 @!p2 $0x0  }
0x16: {  	s3 =	sld [smem:$0x3FDB];
	s0 =	simm.s32 @p2 $0x1  }
0x17: {  	s4 =	simm.s32 $0x1BF5;
	[smem:$0x3FBA] =	sst s0  }
0x18: {  	s0 =	sld [smem:$0x3F9D];
	_ =	swait.ge [sflag:s4], $0x0  }
0x19: {  	s7 =	sld [smem:$0x3F9E]  }
0x1a: {  	s8 =	sadd.s32 $0xFFFFE003, lr  }
0x1b: {  	s9 =	sadd.s32 $0xFFFFFEF7, lr;
	s5 =	simm.s32 $0xFFFFFFFF;
	p2 =	slt.u32 s8, $0xFFFFF086  }
0x1c: {  	p1 =	slt.u32 s9, $0xF7A;
	s5 =	simm.s32 @!p2 $0x0  }
0x1d: {  	s5 =	simm.s32 @p1 $0x1;
	p0 =	seq.s32 s7, s2  }
0x1e: {  	s7 =	smul.u32 @!p0 $0xF7A, s2;
	p2 =	seq.s32 @!p0 s5, $0x0  }
0x1f: {  	s9 =	smul.u32 $0xF7A, s1;
	s8 =	simm.s32 @!p0 $0x1BF5;
	p2 =	por !p2, p0  }
0x20: {  	[sflag:s8] =	ssyncset.s32 @!p0 $0xFFFFF086;
	s6 =	sadd.s32 @!p0 s3, s7;
	s7 =	simm.s32 @!p0 $0x108  }
0x21: {  	s3 =	sadd.s32 s3, s9;
	s6 =	sadd.s32 @!p0 $0x88, s6;
	s7 =	simm.s32 @p2 $0x1082  }
0x22: {  	[simem:s7], [sflag:s8] =	dma.local @!p0 [hbm:s6], $0xF7A  }
0x23: {  	s9 =	sor.u32 $0xD0000000, s2;
	s6 =	simm.s32 $0x108;
	_ =	swait.ge @!p0 [sflag:s8], $0x0  }
0x24: {  	s3 =	sadd.s32 $0x88, s3;
	s6 =	simm.s32 @!p1 $0x1082;
	[sflag:s4] =	ssyncset.s32 $0xFFFFF086  }
0x25: {  	[simem:s6], [sflag:s4] =	dma.local [hbm:s3], $0xF7A  }
0x26: {  	[smem:$0x3F9E] =	sst s1;
	(tag) =	ssettag s2;
	_ =	strace s9  }
0x27: {  	s1 =	sld [smem:$0x3FAE]  }
0x28: {  	s2 =	sld [smem:$0x3FAF]  }
0x29: {  	s4 =	sld [smem:$0x3FB1]  }
0x2a: {  	p0 =	seq.s32 s5, $0x0;
	s5 =	sld [smem:$0x3FB2]  }
0x2b: {  	s6 =	sld [smem:$0x3FB3]  }
0x2c: {  	s7 =	sld [smem:$0x3FB4]  }
0x2d: {  	s3 =	simm.s32 $0x108;
	s8 =	sld [smem:$0x3FB5]  }
0x2e: {  	s3 =	simm.s32 @!p0 $0x1082;
	s9 =	sld [smem:$0x3FB6]  }
0x2f: {  	lr =	sadd.s32 s0, s3;
	s0 =	sld [smem:$0x3FAD]  }
0x30: {  	s3 =	sld [smem:$0x3FB0]  }
0x31: {  	[smem:$0x3FB9] =	sst s10  }
0x32: {  	s10 =	sld [smem:$0x3FB7];
	_ =	sdelay $0x3  }
0x33: {  	p0 =	seq.s32 s10, $0x1;
	s10 =	sld [smem:$0x3FB9];
	_ =	sdelay $0x3  }
0x34: {  	[smem:$0x3FB9] =	sst s10  }
0x35: {  	s10 =	sld [smem:$0x3FB8];
	_ =	sdelay $0x3  }
0x36: {  	p1 =	seq.s32 s10, $0x1;
	s10 =	sld [smem:$0x3FB9];
	_ =	sdelay $0x3  }
0x37: {  	[smem:$0x3FB9] =	sst s10  }
0x38: {  	s10 =	sld [smem:$0x3FBA]  }
0x39: {  	_ = 	snop;
	(pc) =	sbr.ind lr, $3  }
0x3a: {  	_ = 	snop  }
0x3b: {  	_ = 	snop  }
0x3c: {  	p2 =	seq.s32 s10, $0x1;
	s10 =	sld [smem:$0x3FB9]  }
0x3d: {  	_ =	shalt  }
0x3e: {  	_ =	shalt  }
0x3f: {  	_ =	shalt  }
0x40: {  	_ =	shalt  }
0x41: {  	_ =	shalt  }
0x42: {  	_ =	shalt  }
0x43: {  	_ =	shalt  }
0x44: {  	_ =	shalt  }
0x45: {  	_ =	shalt  }
0x46: {  	_ =	shalt  }
0x47: {  	_ =	shalt  }
0x48: {  	_ =	shalt  }
0x49: {  	_ =	shalt  }
0x4a: {  	_ =	shalt  }
0x4b: {  	_ =	shalt  }
0x4c: {  	_ =	shalt  }
0x4d: {  	_ =	shalt  }
0x4e: {  	_ =	shalt  }
0x4f: {  	_ =	shalt  }
0x50: {  	_ =	shalt  }
0x51: {  	_ =	shalt  }
0x52: {  	_ =	shalt  }
0x53: {  	_ =	shalt  }
0x54: {  	_ =	shalt  }
0x55: {  	_ =	shalt  }
0x56: {  	_ =	shalt  }
0x57: {  	_ =	shalt  }
0x58: {  	_ =	shalt  }
0x59: {  	_ =	shalt  }
0x5a: {  	_ =	shalt  }
0x5b: {  	_ =	shalt  }
0x5c: {  	_ =	shalt  }
0x5d: {  	_ =	shalt  }
0x5e: {  	_ =	shalt  }
0x5f: {  	_ =	shalt  }
0x60: {  	_ =	shalt  }
0x61: {  	_ =	shalt  }
0x62: {  	_ =	shalt  }
0x63: {  	_ =	shalt  }
0x64: {  	_ =	shalt  }
0x65: {  	_ =	shalt  }
0x66: {  	_ =	shalt  }
0x67: {  	_ =	shalt  }
0x68: {  	_ =	shalt  }
0x69: {  	_ =	shalt  }
0x6a: {  	_ =	shalt  }
0x6b: {  	_ =	shalt  }
0x6c: {  	_ =	shalt  }
0x6d: {  	_ =	shalt  }
0x6e: {  	_ =	shalt  }
0x6f: {  	_ =	shalt  }
0x70: {  	_ =	shalt  }
0x71: {  	_ =	shalt  }
0x72: {  	_ =	shalt  }
0x73: {  	_ =	shalt  }
0x74: {  	_ =	shalt  }
0x75: {  	_ =	shalt  }
0x76: {  	_ =	shalt  }
0x77: {  	_ =	shalt  }
0x78: {  	_ =	shalt  }
0x79: {  	_ =	shalt  }
0x7a: {  	_ =	shalt  }
0x7b: {  	_ =	shalt  }
0x7c: {  	_ =	shalt  }
0x7d: {  	_ =	shalt  }
0x7e: {  	_ =	shalt  }
0x7f: {  	_ =	shalt  }
0x80: {  	_ =	shalt  }
0x81: {  	_ =	shalt  }
0x82: {  	_ =	shalt  }
0x83: {  	_ =	shalt  }
0x84: {  	_ =	shalt  }
0x85: {  	_ =	shalt  }
0x86: {  	_ =	shalt  }
0x87: {  	_ =	shalt  }
.Lfunc_end0:
.L_simem_size_0:
called_computation_lowered:
.L_overlay_start_0:
0x88: {  	s2 =	sld [smem:$0x3FD9]  }
0x89: {  	s3 =	sld [smem:$0x3FFE];
	_ =	sdelay $0x1  }
0x8a: {  	s1 =	srdreg.scid  }
0x8b: {  	s0 =	sand.u32 $0x1, s1  }
0x8c: {  	s17 =	sshll.u32 s0, $0xA;
	s2 =	sadd.s32 s3, s2  }
0x8d: {  	s2 =	sadd.s32 s2, s17  }
0x8e: {  	[smem:$0x3FC5] =	sst s2  }
0x8f: {  	_ = 	snop  }
0x90: {  	s18 =	sld [smem:$0x3FC9]  }
0x91: {  	s4 =	sld [smem:$0x3FC8];
	(tm) =	ssettm $0x1  }
0x92: {  	s19 =	sld [smem:$0x3FFB];
	_ =	sdelay $0x3  }
0x93: {  	_ =	strace s19  }
0x94: {  	s2 =	sld [smem:$0x3FFC];
	_ =	sdelay $0x3  }
0x95: {  	_ =	strace s2  }
0x96: {  	s2 =	sld [smem:$0x3FFD];
	_ =	sdelay $0x3  }
0x97: {  	_ =	strace s2  }
0x98: {  	_ =	strace $0x8FFFFFFF  }
0x99: {  	s20 =	sld [smem:$0x3FDB];
	_ =	sdelay $0x1  }
0x9a: {  	s5 =	simm.s32 $_scs_section_size  }
0x9b: {  	s6 =	simm.s32 $_size__tile_overlayer_lowered;
	s7 =	simm.s32 $_tile_overlayer_lowered  }
0x9c: {  	s8 =	simm.s32 $0x1BFF;
	s21 =	sshll.u32 s7, $0x1;
	s5 =	sadd.s32 s5, s20  }
0x9d: {  	s22 =	simm.s32 $0x0;
	s6 =	sshll.u32 s6, $0x1;
	s7 =	sadd.s32 s21, s5  }
0x9e: {  	[timem:s22], [sflag:s8] =	dma.local [hbm:s7], s6  }
0x9f: {  	_ =	swait.ge [sflag:s8], s6  }
0xa0: {  	s6 =	ssub.s32 $0x0, s6;
	[sflag:s8] =	ssyncset.done $0x0  }
0xa1: {  	[sflag:s8] =	ssyncadd.s32 s6;
	_ =	sdelay $0x1  }
0xa2: {  	s23 =	simm.s32 $0x1B8B  }
0xa3: {  	_ =	swait.ge [sflag:s23], $0x1  }
0xa4: {  	[sflag:s23] =	ssyncset.done $0x0  }
0xa5: {  	[sflag:s23] =	ssyncadd.s32 $0xFFFFFFFF  }
0xa6: {  	s6 =	sld [smem:$0x0]  }
0xa7: {  	s7 =	sand.u32 $0xFFFFFFFE, s1  }
0xa8: {  	p0 =	sne.s32 s1, s7  }
0xa9: {  	s7 =	sshll.u32 @p0 s7, $0xE  }
0xaa: {  	s7 =	sadd.s32 @p0 $0x11B8D, s7;
	s8 =	sshll.u32 @p0 s6, $0x11  }
0xab: {  	s7 =	sor.u32 @p0 s8, s7  }
0xac: {  	[sflag:s7] =	ssyncadd.remote.s32 @p0 $0x1;
	_ =	sdelay $0x1  }
0xad: {  	s7 =	simm.s32 @p0 $0x1B8D  }
0xae: {  	_ =	swait.eq @p0 [sflag:s7], $0x1  }
0xaf: {  	[sflag:s7] =	ssyncadd.s32 @p0 $0xFFFFFFFF  }
0xb0: {  	s8 =	sshll.u32 @!p0 s1, $0xE  }
0xb1: {  	s8 =	sor.u32 @!p0 $0x4000, s8;
	s7 =	simm.s32 @!p0 $0x1B8D  }
0xb2: {  	s6 =	sshll.u32 @!p0 s6, $0x11;
	s8 =	sadd.s32 @!p0 $0x11B8D, s8;
	_ =	swait.eq @!p0 [sflag:s7], $0x1  }
0xb3: {  	s6 =	sor.u32 @!p0 s6, s8;
	[sflag:s7] =	ssyncadd.s32 @!p0 $0xFFFFFFFF  }
0xb4: {  	s25 =	simm.s32 $0x1B8E;
	s24 =	sld [smem:$0x3FFE];
	[sflag:s6] =	ssyncadd.remote.s32 @!p0 $0x1  }
0xb5: {  	s26 =	simm.s32 $execute0_lowered;
	[smem:$0x3FD2] =	sst s25  }
0xb6: {  	s7 =	sshll.u32 s26, $0x1;
	_ =	strace $0x80000049;
	[dreg:$0x1] =	wrdreg $0xFFFFFFFF  }
0xb7: {  	s28 =	simm.s32 $_size_execute0_lowered;
	s5 =	sadd.s32 s5, s7;
	[dreg:$0x0] =	wrdreg $0x0  }
0xb8: {  	s7 =	sshll.u32 s28, $0x1;
	[dreg:$0x2] =	wrdreg s5  }
0xb9: {  	[dreg:$0x3] =	wrdreg s7  }
0xba: {  	[dreg:$0x4] =	wrdreg $0xC0  }
0xbb: {  	_ =	task [dreg:s22], $0x5FFFF  }
0xbc: {  	[dreg:$0x1] =	wrdreg $0xFFFFFFFF  }
0xbd: {  	[dreg:$0x0] =	wrdreg $0x60  }
0xbe: {  	[dreg:$0x2] =	wrdreg s18  }
0xbf: {  	[dreg:$0x3] =	wrdreg s4  }
0xc0: {  	[dreg:$0x4] =	wrdreg s24  }
0xc1: {  	[dreg:$0x5] =	wrdreg $0x9  }
0xc2: {  	_ =	task.clear_ibuf [dreg:s22], $0x6FFFF;
	_ =	strace $0x90000049  }
0xc3: {  	s29 =	simm.s32 $0x9;
	_ =	strace $0x8000004B  }
0xc4: {  	_ =	swait.ge [sflag:s29], $0x1  }
0xc5: {  	[sflag:s29] =	ssyncadd.s32 $0xFFFFFFFF  }
0xc6: {  	_ =	strace $0x9000004B  }
0xc7: {  	_ =	sfence  }
0xc8: {  	s30 =	sld [smem:$0x0];
	_ =	sdelay $0x2  }
0xc9: {  	s31 =	sshll.u32 s1, $0xD;
	s1 =	sshrl.u32 s1, $0x2  }
0xca: {  	s4 =	sand.u32 $0x4000, s31;
	s1 =	sadd.s32 s1, s30  }
0xcb: {  	s0 =	sor.u32 s4, s0;
	s1 =	sshll.u32 s1, $0x11  }
0xcc: {  	s0 =	sor.u32 s1, s0  }
0xcd: {  	s0 =	sadd.s32 $0x8F2B, s0  }
0xce: {  	[sflag:s0] =	ssyncadd.remote.s32 $0x1  }
0xcf: {  	_ =	sfence.sel $0xFFFF  }
0xd0: {  	[dreg:$0x0] =	wrdreg $0xFFFFFFFF;
	(pc) =	sbr.abs _section_cstart, $3  }
0xd1: {  	[dreg:$0x1] =	wrdreg $0xFFFFFFFF  }
0xd2: {  	_ =	task.clear_ibuf [dreg:s22], $0x2FFFF;
	_ =	strace $0x9FFFFFFF  }
0xd3: {  	(tm) =	ssettm $0x7FFFFFFF  }
tec
execute0_lowered:
.L_overlay_start_1:
0x0: {  	(tag) =	ssettag $0x1  }
0x1: {  	s0 =	rddreg [dreg:$0x0]  }
0x2: {  	s1 =	rddreg [dreg:$0x1]  }
0x3: {  	s2 =	rddreg [dreg:$0x2];
	s3 =	simm.s32 $0x0  }
0x4: {  	s4 =	srdreg.scid;
	s8 =	stileid.u32;
	s10 =	simm.s32 $0x2  }
0x5: {  	s14 =	simm.s32 $0x1;
	s15 =	simm.s32 $0x280;
	s18 =	simm.s32 $0xE80  }
0x6: {  	s19 =	simm.s32 $0x1280;
	s20 =	simm.s32 $0x1680;
	s21 =	simm.s32 $0x1A80  }
0x7: {  	s22 =	simm.s32 $0x1E80;
	s23 =	simm.s32 $0x2280;
	s24 =	simm.s32 $0x2680  }
0x8: {  	s25 =	simm.s32 $0x2A80;
	s28 =	simm.s32 $0x3280;
	s29 =	simm.s32 $0x3680  }
0x9: {  	s30 =	simm.s32 $0x3A80;
	s31 =	simm.s32 $0x3E80;
	[smem:$0x7FF] =	sst s3  }
0xa: {  	s6 =	sand.u32 $0x1, s4;
	s5 =	sshll.u32 s8, $0xA;
	s8 =	sshll.u32 s8, $0xE  }
0xb: {  	v0 =	vlaneseq.u32;
	_ =	strace $0x8000004A;
	s4 =	ssub.s32 $0x2, s6;
	s7 =	sshll.u32 s6, $0x9  }
0xc: {  	v1 =	vmul.u32 $0x80, v0;
	s2 =	sadd.s32 s8, s2;
	s9 =	sshrl.u32 s4, $0x1;
	s5 =	sor.u32 s7, s5  }
0xd: {  	s26 =	sshll.u32 s6, $0xD;
	s4 =	ssub.s32 s4, s9;
	s5 =	sshrl.u32 s5, $0x2  }
0xe: {  	v2 =	vor.u32 $0x800, v1;
	s4 =	smax.u32 s4, $0x1;
	s5 =	sadd.s32 s0, s5;
	s0 =	sadd.s32 s26, s2  }
0xf: {  	v3 =	vor.u32 $0x1000, v1;
	v4 =	vor.u32 $0x1800, v1;
	v5 =	vor.u32 $0x2000, v1;
	s26 =	simm.s32 $0x2E80;
	s6 =	sadd.s32 $0x20, s5;
	s7 =	sadd.s32 $0x40, s5  }
0x10: {  	v6 =	vor.u32 $0x2800, v1;
	v7 =	vor.u32 $0x3000, v1;
	v8 =	vor.u32 $0x3800, v1;
	s8 =	sadd.s32 $0x60, s5;
	s9 =	sadd.s32 $0x40C00, s0;
	s0 =	simm.s32 $0x0  }
.LBB2_1:
0x11: {  	[tilespmem:s3], [sflag:$0x2] =	stream.linear.gather [hbm4b:s5+s3], $0x80, $0x38;
	[tilespmem:$0x18280] =	vst v63  }
0x12: {  	_ =	swait.ge [sflag:s10], $0x80  }
0x13: {  	[sflag:s10] =	ssyncset.done $0x0  }
0x14: {  	s2 =	simm.s32 $0x80;
	[sflag:s10] =	ssyncadd.s32 $0xFFFFFF80  }
0x15: {  	[tilespmem:s2], [sflag:$0x2] =	stream.linear.gather [hbm4b:s6+s3], $0x80, $0x38;
	[tilespmem:$0x18280] =	vst v63  }
0x16: {  	_ =	swait.ge [sflag:s10], $0x80  }
0x17: {  	[sflag:s10] =	ssyncset.done $0x0  }
0x18: {  	s17 =	simm.s32 $0x100;
	[sflag:s10] =	ssyncadd.s32 $0xFFFFFF80  }
0x19: {  	[tilespmem:s17], [sflag:$0x2] =	stream.linear.gather [hbm4b:s7+s3], $0x80, $0x38;
	[tilespmem:$0x18280] =	vst v63  }
0x1a: {  	_ =	swait.ge [sflag:s10], $0x80  }
0x1b: {  	[sflag:s10] =	ssyncset.done $0x0  }
0x1c: {  	s11 =	simm.s32 $0x180;
	[sflag:s10] =	ssyncadd.s32 $0xFFFFFF80  }
0x1d: {  	[tilespmem:s11], [sflag:$0x2] =	stream.linear.gather [hbm4b:s8+s3], $0x80, $0x38;
	[tilespmem:$0x18280] =	vst v63  }
0x1e: {  	_ =	swait.ge [sflag:s10], $0x80  }
0x1f: {  	[sflag:s10] =	ssyncset.done $0x0  }
0x20: {  	[sflag:s10] =	ssyncadd.s32 $0xFFFFFF80  }
0x21: {  	v9 =	vld [tilespmem:$0x0];
	_ =	sdelay $0x4  }
0x22: {  	(v2sf) =	vpush v9, $0x0;
	_ =	sdelay $0xe  }
0x23: {  	s12 =	spop (v2sf);
	(v2sf) =	vpush v9, $0x1;
	_ =	sdelay $0x7  }
0x24: {  	s11 =	sand.u32 $0x7F, s12  }
0x25: {  	s13 =	sshra.s32 s12, $0x1F;
	p1 =	slt.s32 s12, $0x1;
	p0 =	sne.s32 s11, $0x0  }
0x26: {  	s11 =	sshrl.u32 s13, $0x19;
	p0 =	por !p1, !p0  }
0x27: {  	s2 =	sadd.s32 s11, s12;
	s11 =	simm.s32 $0x1;
	p0 =	por !p0, !p0  }
0x28: {  	s2 =	sshrl.u32 s2, $0x7;
	s11 =	simm.s32 @!p0 $0x0  }
0x29: {  	s2 =	ssub.s32 s2, s11  }
0x2a: {  	s2 =	sshll.u32 s2, $0xA  }
0x2b: {  	s16 =	sshrl.u32 s2, $0x3;
	s2 =	sadd.s32 $0x7A1400, s2;
	s12 =	spop (v2sf);
	(v2sf) =	vpush v9, $0x2  }
0x2c: {  	s11 =	sadd.s32 s1, s16;
	s2 =	sshrl.u32 s2, $0x3  }
0x2d: {  	[tilespmem:s15], [sflag:$0x1] =	stream.linear.gather [hbm4b:s11+s3], $0x400, $0x38;
	[tilespmem:$0x18280] =	vst v63  }
0x2e: {  	s17 =	simm.s32 $0x680;
	s2 =	sadd.s32 s1, s2  }
0x2f: {  	[tilespmem:s17], [sflag:$0x1] =	stream.linear.gather [hbm4b:s2+s3], $0x400, $0x38;
	[tilespmem:$0x18280] =	vst v63  }
0x30: {  	s13 =	sand.u32 $0x7F, s12  }
0x31: {  	s16 =	sshra.s32 s12, $0x1F;
	p6 =	slt.s32 s12, $0x1;
	p5 =	sne.s32 s13, $0x0  }
0x32: {  	s11 =	sshrl.u32 s16, $0x19;
	p0 =	por !p6, !p5  }
0x33: {  	s2 =	sadd.s32 s11, s12;
	s11 =	simm.s32 $0x1;
	p0 =	por !p0, !p0  }
0x34: {  	s2 =	sshrl.u32 s2, $0x7;
	s11 =	simm.s32 @!p0 $0x0  }
0x35: {  	s2 =	ssub.s32 s2, s11  }
0x36: {  	s2 =	sshll.u32 s2, $0xA  }
0x37: {  	s17 =	sshrl.u32 s2, $0x3  }
0x38: {  	s12 =	simm.s32 $0xA80;
	s11 =	sadd.s32 s1, s17  }
0x39: {  	[tilespmem:s12], [sflag:$0x1] =	stream.linear.gather [hbm4b:s11+s3], $0x400, $0x38;
	[tilespmem:$0x18280] =	vst v63  }
0x3a: {  	s12 =	spop (v2sf);
	(v2sf) =	vpush v9, $0x3;
	_ =	sdelay $0x8  }
0x3b: {  	s2 =	sadd.s32 $0x7A1400, s2  }
0x3c: {  	s2 =	sshrl.u32 s2, $0x3  }
0x3d: {  	s2 =	sadd.s32 s1, s2  }
0x3e: {  	[tilespmem:s18], [sflag:$0x1] =	stream.linear.gather [hbm4b:s2+s3], $0x400, $0x38;
	[tilespmem:$0x18280] =	vst v63  }
0x3f: {  	s16 =	sshra.s32 s12, $0x1F  }
0x40: {  	s13 =	sand.u32 $0x7F, s12;
	p2 =	slt.s32 s12, $0x1;
	s11 =	sshrl.u32 s16, $0x19  }
0x41: {  	p1 =	sne.s32 s13, $0x0;
	s2 =	sadd.s32 s11, s12;
	s12 =	spop (v2sf);
	(v2sf) =	vpush v9, $0x4  }
0x42: {  	p0 =	por !p2, !p1  }
0x43: {  	s11 =	simm.s32 $0x1;
	p0 =	por !p0, !p0  }
0x44: {  	s2 =	sshrl.u32 s2, $0x7;
	s11 =	simm.s32 @!p0 $0x0  }
0x45: {  	s2 =	ssub.s32 s2, s11  }
0x46: {  	s2 =	sshll.u32 s2, $0xA  }
0x47: {  	s17 =	sshrl.u32 s2, $0x3;
	s2 =	sadd.s32 $0x7A1400, s2  }
0x48: {  	s11 =	sadd.s32 s1, s17;
	s2 =	sshrl.u32 s2, $0x3  }
0x49: {  	[tilespmem:s19], [sflag:$0x1] =	stream.linear.gather [hbm4b:s11+s3], $0x400, $0x38;
	[tilespmem:$0x18280] =	vst v63  }
0x4a: {  	s2 =	sadd.s32 s1, s2  }
0x4b: {  	[tilespmem:s20], [sflag:$0x1] =	stream.linear.gather [hbm4b:s2+s3], $0x400, $0x38;
	[tilespmem:$0x18280] =	vst v63  }
0x4c: {  	s13 =	sand.u32 $0x7F, s12  }
0x4d: {  	s16 =	sshra.s32 s12, $0x1F;
	p4 =	slt.s32 s12, $0x1;
	p3 =	sne.s32 s13, $0x0  }
0x4e: {  	s11 =	sshrl.u32 s16, $0x19;
	p0 =	por !p4, !p3  }
0x4f: {  	s2 =	sadd.s32 s11, s12;
	s11 =	simm.s32 $0x1;
	p0 =	por !p0, !p0  }
0x50: {  	s2 =	sshrl.u32 s2, $0x7;
	s11 =	simm.s32 @!p0 $0x0;
	s12 =	spop (v2sf);
	(v2sf) =	vpush v9, $0x5  }
0x51: {  	s2 =	ssub.s32 s2, s11  }
0x52: {  	s2 =	sshll.u32 s2, $0xA  }
0x53: {  	s17 =	sshrl.u32 s2, $0x3;
	s2 =	sadd.s32 $0x7A1400, s2  }
0x54: {  	s11 =	sadd.s32 s1, s17;
	s2 =	sshrl.u32 s2, $0x3  }
0x55: {  	[tilespmem:s21], [sflag:$0x1] =	stream.linear.gather [hbm4b:s11+s3], $0x400, $0x38;
	[tilespmem:$0x18280] =	vst v63  }
0x56: {  	s2 =	sadd.s32 s1, s2  }
0x57: {  	[tilespmem:s22], [sflag:$0x1] =	stream.linear.gather [hbm4b:s2+s3], $0x400, $0x38;
	[tilespmem:$0x18280] =	vst v63  }
0x58: {  	s13 =	sand.u32 $0x7F, s12  }
0x59: {  	s16 =	sshra.s32 s12, $0x1F;
	p6 =	slt.s32 s12, $0x1;
	p5 =	sne.s32 s13, $0x0  }
0x5a: {  	s11 =	sshrl.u32 s16, $0x19;
	p0 =	por !p6, !p5  }
0x5b: {  	s2 =	sadd.s32 s11, s12;
	s11 =	simm.s32 $0x1;
	p0 =	por !p0, !p0  }
0x5c: {  	s2 =	sshrl.u32 s2, $0x7;
	s11 =	simm.s32 @!p0 $0x0  }
0x5d: {  	s2 =	ssub.s32 s2, s11  }
0x5e: {  	s2 =	sshll.u32 s2, $0xA  }
0x5f: {  	s17 =	sshrl.u32 s2, $0x3;
	s2 =	sadd.s32 $0x7A1400, s2;
	s12 =	spop (v2sf);
	(v2sf) =	vpush v9, $0x6  }
0x60: {  	s11 =	sadd.s32 s1, s17;
	s2 =	sshrl.u32 s2, $0x3  }
0x61: {  	[tilespmem:s23], [sflag:$0x1] =	stream.linear.gather [hbm4b:s11+s3], $0x400, $0x38;
	[tilespmem:$0x18280] =	vst v63  }
0x62: {  	s2 =	sadd.s32 s1, s2  }
0x63: {  	[tilespmem:s24], [sflag:$0x1] =	stream.linear.gather [hbm4b:s2+s3], $0x400, $0x38;
	[tilespmem:$0x18280] =	vst v63  }
0x64: {  	s13 =	sand.u32 $0x7F, s12  }
0x65: {  	s16 =	sshra.s32 s12, $0x1F;
	p2 =	slt.s32 s12, $0x1;
	p1 =	sne.s32 s13, $0x0  }
0x66: {  	s11 =	sshrl.u32 s16, $0x19;
	p0 =	por !p2, !p1  }
0x67: {  	s2 =	sadd.s32 s11, s12;
	s11 =	simm.s32 $0x1;
	p0 =	por !p0, !p0  }
0x68: {  	s2 =	sshrl.u32 s2, $0x7;
	s11 =	simm.s32 @!p0 $0x0  }
0x69: {  	s2 =	ssub.s32 s2, s11  }
0x6a: {  	s2 =	sshll.u32 s2, $0xA  }
0x6b: {  	s17 =	sshrl.u32 s2, $0x3  }
0x6c: {  	s2 =	sadd.s32 $0x7A1400, s2;
	s11 =	sadd.s32 s1, s17  }
0x6d: {  	[tilespmem:s25], [sflag:$0x1] =	stream.linear.gather [hbm4b:s11+s3], $0x400, $0x38;
	[tilespmem:$0x18280] =	vst v63  }
0x6e: {  	s2 =	sshrl.u32 s2, $0x3;
	s12 =	spop (v2sf);
	(v2sf) =	vpush v9, $0x7  }
0x6f: {  	s2 =	sadd.s32 s1, s2  }
0x70: {  	[tilespmem:s26], [sflag:$0x1] =	stream.linear.gather [hbm4b:s2+s3], $0x400, $0x38;
	[tilespmem:$0x18280] =	vst v63  }
0x71: {  	s13 =	sand.u32 $0x7F, s12  }
0x72: {  	s16 =	sshra.s32 s12, $0x1F;
	p4 =	slt.s32 s12, $0x1;
	p3 =	sne.s32 s13, $0x0  }
0x73: {  	s11 =	sshrl.u32 s16, $0x19;
	p0 =	por !p4, !p3  }
0x74: {  	s2 =	sadd.s32 s11, s12;
	s11 =	simm.s32 $0x1;
	p0 =	por !p0, !p0  }
0x75: {  	s2 =	sshrl.u32 s2, $0x7;
	s11 =	simm.s32 @!p0 $0x0  }
0x76: {  	s2 =	ssub.s32 s2, s11  }
0x77: {  	s2 =	sshll.u32 s2, $0xA  }
0x78: {  	s17 =	sshrl.u32 s2, $0x3;
	s2 =	sadd.s32 $0x7A1400, s2  }
0x79: {  	s11 =	sadd.s32 s1, s17;
	s2 =	sshrl.u32 s2, $0x3  }
0x7a: {  	[tilespmem:s28], [sflag:$0x1] =	stream.linear.gather [hbm4b:s11+s3], $0x400, $0x38;
	[tilespmem:$0x18280] =	vst v63  }
0x7b: {  	s2 =	sadd.s32 s1, s2  }
0x7c: {  	[tilespmem:s29], [sflag:$0x1] =	stream.linear.gather [hbm4b:s2+s3], $0x400, $0x38;
	[tilespmem:$0x18280] =	vst v63  }
0x7d: {  	s12 =	spop (v2sf)  }
0x7e: {  	s13 =	sand.u32 $0x7F, s12  }
0x7f: {  	s16 =	sshra.s32 s12, $0x1F;
	p6 =	slt.s32 s12, $0x1;
	p5 =	sne.s32 s13, $0x0  }
0x80: {  	s11 =	sshrl.u32 s16, $0x19;
	p0 =	por !p6, !p5  }
0x81: {  	s2 =	sadd.s32 s11, s12;
	s11 =	simm.s32 $0x1;
	p0 =	por !p0, !p0  }
0x82: {  	s2 =	sshrl.u32 s2, $0x7;
	s11 =	simm.s32 @!p0 $0x0  }
0x83: {  	s2 =	ssub.s32 s2, s11  }
0x84: {  	s2 =	sshll.u32 s2, $0xA  }
0x85: {  	s17 =	sshrl.u32 s2, $0x3;
	s2 =	sadd.s32 $0x7A1400, s2  }
.Ltmp0:
0x86: {  	s11 =	sadd.s32 s1, s17;
	s2 =	sshrl.u32 s2, $0x3;
	(pc) =	sbr.rel .LBB2_2-.Ltmp0, $4  }
0x87: {  	[tilespmem:s30], [sflag:$0x1] =	stream.linear.gather [hbm4b:s11+s3], $0x400, $0x38;
	[tilespmem:$0x18280] =	vst v63  }
0x88: {  	s2 =	sadd.s32 s1, s2  }
0x89: {  	[tilespmem:s31], [sflag:$0x1] =	stream.linear.gather [hbm4b:s2+s3], $0x400, $0x38;
	[tilespmem:$0x18280] =	vst v63  }
0x8a: {  	s2 =	simm.s32 $0x0  }
.LBB2_4:
0x8b: {  	s12 =	sshll.u32 s2, $0x3  }
0x8c: {  	v9 =	vld [tilespmem:s12+$0x0];
	_ =	sdelay $0x4  }
0x8d: {  	(v2sf) =	vpush v9, $0x0;
	_ =	sdelay $0x5  }
0x8e: {  	(v2sf) =	vpush v9, $0x1;
	_ =	sdelay $0x5  }
0x8f: {  	(v2sf) =	vpush v9, $0x2;
	_ =	sdelay $0x2  }
0x90: {  	s13 =	spop (v2sf)  }
0x91: {  	s16 =	sshra.s32 s13, $0x1F  }
0x92: {  	s16 =	sshrl.u32 s16, $0x19  }
0x93: {  	s12 =	sand.u32 $0x8, s12;
	(v2sf) =	vpush v9, $0x3;
	s16 =	sadd.s32 s16, s13  }
0x94: {  	v10 =	vmov s12;
	s16 =	sand.u32 $0xFFFFFF80, s16  }
0x95: {  	v10 =	vshll.u32 v10, $0xB;
	s12 =	ssub.s32 s13, s16  }
0x96: {  	v10 =	vbroadcast v10, $0x0;
	s17 =	spop (v2sf);
	v11 =	vmov s12  }
0x97: {  	s16 =	sshra.s32 s17, $0x1F;
	v12 =	vand.u32 $0xFFFFFF80, v11  }
0x98: {  	s13 =	sshrl.u32 s16, $0x19;
	v11 =	vand.u32 $0x7F, v11;
	v12 =	vadd.s32 v10, v12  }
0x99: {  	(v2sf) =	vpush v9, $0x4;
	s13 =	sadd.s32 s13, s17;
	v11 =	vor.u32 v11, v12  }
0x9a: {  	s13 =	sand.u32 $0xFFFFFF80, s13;
	v11 =	vadd.s32 v1, v11  }
0x9b: {  	s12 =	ssub.s32 s17, s13  }
0x9c: {  	s17 =	spop (v2sf);
	v40 =	vmov s12  }
0x9d: {  	s16 =	sshra.s32 s17, $0x1F;
	v13 =	vand.u32 $0xFFFFFF80, v40  }
0x9e: {  	s2 =	sshll.u32 s2, $0xA;
	v12 =	vand.u32 $0x7F, v40;
	s13 =	sshrl.u32 s16, $0x19;
	v13 =	vadd.s32 v10, v13  }
0x9f: {  	v14 =	vor.u32 s2, v0;
	(v2sf) =	vpush v9, $0x5;
	s13 =	sadd.s32 s13, s17;
	v12 =	vor.u32 v12, v13;
	v11 =	vld.idx.msk [tilespmem:v11+s15+$0x0], $0xffff  }
0xa0: {  	s13 =	sand.u32 $0xFFFFFF80, s13;
	v12 =	vadd.s32 v2, v12  }
0xa1: {  	s12 =	ssub.s32 s17, s13  }
0xa2: {  	v41 =	vmov s12;
	s13 =	spop (v2sf)  }
0xa3: {  	s12 =	simm.s32 $0x8280;
	v15 =	vand.u32 $0xFFFFFF80, v41;
	s16 =	sshra.s32 s13, $0x1F  }
0xa4: {  	s17 =	sor.u32 $0x80, s2;
	v42 =	vadd.s32 v10, v15;
	s16 =	sshrl.u32 s16, $0x19;
	[tilespmem:v14+s12+$0x0] =	vst.idx.msk $0xffff, v11;
	v11 =	vand.u32 $0x7F, v41  }
0xa5: {  	v43 =	vor.u32 s17, v0;
	(v2sf) =	vpush v9, $0x6;
	s16 =	sadd.s32 s16, s13;
	v12 =	vld.idx.msk [tilespmem:v12+s15+$0x0], $0xffff;
	v11 =	vor.u32 v11, v42  }
0xa6: {  	s16 =	sand.u32 $0xFFFFFF80, s16;
	v11 =	vadd.s32 v3, v11  }
0xa7: {  	s13 =	ssub.s32 s13, s16  }
0xa8: {  	v44 =	vmov s13;
	s13 =	spop (v2sf)  }
0xa9: {  	v45 =	vand.u32 $0xFFFFFF80, v44;
	s16 =	sshra.s32 s13, $0x1F  }
0xaa: {  	s17 =	sor.u32 $0x100, s2;
	v46 =	vand.u32 $0x7F, v44;
	v47 =	vadd.s32 v10, v45;
	s16 =	sshrl.u32 s16, $0x19;
	[tilespmem:v43+s12+$0x0] =	vst.idx.msk $0xffff, v12  }
0xab: {  	v48 =	vor.u32 s17, v0;
	(v2sf) =	vpush v9, $0x7;
	s16 =	sadd.s32 s16, s13;
	v12 =	vor.u32 v46, v47;
	v11 =	vld.idx.msk [tilespmem:v11+s15+$0x0], $0xffff  }
0xac: {  	s16 =	sand.u32 $0xFFFFFF80, s16;
	v9 =	vadd.s32 v4, v12  }
0xad: {  	s13 =	ssub.s32 s13, s16  }
0xae: {  	s16 =	spop (v2sf);
	v49 =	vmov s13  }
0xaf: {  	s13 =	sshra.s32 s16, $0x1F;
	v50 =	vand.u32 $0xFFFFFF80, v49  }
0xb0: {  	s17 =	sor.u32 $0x180, s2;
	s13 =	sshrl.u32 s13, $0x19;
	v51 =	vadd.s32 v10, v50;
	[tilespmem:v48+s12+$0x0] =	vst.idx.msk $0xffff, v11;
	v11 =	vand.u32 $0x7F, v49  }
0xb1: {  	v52 =	vor.u32 s17, v0;
	s13 =	sadd.s32 s13, s16;
	v9 =	vld.idx.msk [tilespmem:v9+s15+$0x0], $0xffff;
	v11 =	vor.u32 v11, v51  }
0xb2: {  	s13 =	sand.u32 $0xFFFFFF80, s13;
	v11 =	vadd.s32 v5, v11  }
0xb3: {  	s13 =	ssub.s32 s16, s13  }
0xb4: {  	s16 =	spop (v2sf);
	v53 =	vmov s13  }
0xb5: {  	s13 =	sshra.s32 s16, $0x1F;
	v54 =	vand.u32 $0xFFFFFF80, v53  }
0xb6: {  	s17 =	sor.u32 $0x200, s2;
	s13 =	sshrl.u32 s13, $0x19;
	v55 =	vadd.s32 v10, v54;
	[tilespmem:v52+s12+$0x0] =	vst.idx.msk $0xffff, v9;
	v9 =	vand.u32 $0x7F, v53  }
0xb7: {  	v56 =	vor.u32 s17, v0;
	s13 =	sadd.s32 s13, s16;
	v11 =	vld.idx.msk [tilespmem:v11+s15+$0x0], $0xffff;
	v9 =	vor.u32 v9, v55  }
0xb8: {  	s13 =	sand.u32 $0xFFFFFF80, s13;
	v9 =	vadd.s32 v6, v9  }
0xb9: {  	s13 =	ssub.s32 s16, s13  }
0xba: {  	v57 =	vmov s13;
	s13 =	spop (v2sf)  }
0xbb: {  	v58 =	vand.u32 $0xFFFFFF80, v57;
	s16 =	sshra.s32 s13, $0x1F  }
0xbc: {  	s17 =	sor.u32 $0x280, s2;
	v59 =	vadd.s32 v10, v58;
	s16 =	sshrl.u32 s16, $0x19;
	[tilespmem:v56+s12+$0x0] =	vst.idx.msk $0xffff, v11;
	v11 =	vand.u32 $0x7F, v57  }
0xbd: {  	v60 =	vor.u32 s17, v0;
	s16 =	sadd.s32 s16, s13;
	v9 =	vld.idx.msk [tilespmem:v9+s15+$0x0], $0xffff;
	v11 =	vor.u32 v11, v59  }
0xbe: {  	s16 =	sand.u32 $0xFFFFFF80, s16;
	v11 =	vadd.s32 v7, v11  }
0xbf: {  	s13 =	ssub.s32 s13, s16  }
0xc0: {  	v61 =	vmov s13  }
0xc1: {  	v62 =	vand.u32 $0xFFFFFF80, v61  }
0xc2: {  	s17 =	sor.u32 $0x300, s2;
	v10 =	vadd.s32 v10, v62;
	[tilespmem:v60+s12+$0x0] =	vst.idx.msk $0xffff, v9;
	v9 =	vand.u32 $0x7F, v61  }
0xc3: {  	v63 =	vor.u32 s17, v0;
	v11 =	vld.idx.msk [tilespmem:v11+s15+$0x0], $0xffff;
	v9 =	vor.u32 v9, v10  }
0xc4: {  	v9 =	vadd.s32 v8, v9;
	_ =	sdelay $0x3  }
0xc5: {  	s2 =	sor.u32 $0x380, s2;
	[tilespmem:v63+s12+$0x0] =	vst.idx.msk $0xffff, v11  }
0xc6: {  	p0 =	sne.s32 s11, $0x40;
	v10 =	vor.u32 s2, v0;
	v9 =	vld.idx.msk [tilespmem:v9+s15+$0x0], $0xffff  }
.Ltmp1:
0xc7: {  	_ = 	snop;
	(pc) =	sbr.rel @!p0 .LBB2_5-.Ltmp1, $2  }
0xc8: {  	_ =	sdelay $0x2  }
0xc9: {  	s13 =	simm.s32 $0x0;
	s2 =	smov.u32 s11;
	[tilespmem:v10+s12+$0x0] =	vst.idx.msk $0xffff, v9  }
.LBB2_2:
0xca: {  	_ =	swait.ge [sflag:s14], $0x400  }
0xcb: {  	[sflag:s14] =	ssyncset.done $0x0  }
0xcc: {  	[sflag:s14] =	ssyncadd.s32 $0xFFFFFC00  }
0xcd: {  	_ =	swait.ge [sflag:s14], $0x400  }
0xce: {  	[sflag:s14] =	ssyncset.done $0x0  }
0xcf: {  	[sflag:s14] =	ssyncadd.s32 $0xFFFFFC00  }
0xd0: {  	_ =	swait.ge [sflag:s14], $0x400  }
0xd1: {  	[sflag:s14] =	ssyncset.done $0x0  }
0xd2: {  	[sflag:s14] =	ssyncadd.s32 $0xFFFFFC00  }
0xd3: {  	_ =	swait.ge [sflag:s14], $0x400  }
0xd4: {  	[sflag:s14] =	ssyncset.done $0x0  }
0xd5: {  	[sflag:s14] =	ssyncadd.s32 $0xFFFFFC00  }
0xd6: {  	_ =	swait.ge [sflag:s14], $0x400  }
0xd7: {  	[sflag:s14] =	ssyncset.done $0x0  }
0xd8: {  	[sflag:s14] =	ssyncadd.s32 $0xFFFFFC00  }
0xd9: {  	_ =	swait.ge [sflag:s14], $0x400  }
0xda: {  	[sflag:s14] =	ssyncset.done $0x0  }
0xdb: {  	[sflag:s14] =	ssyncadd.s32 $0xFFFFFC00  }
0xdc: {  	_ =	swait.ge [sflag:s14], $0x400  }
0xdd: {  	[sflag:s14] =	ssyncset.done $0x0  }
0xde: {  	[sflag:s14] =	ssyncadd.s32 $0xFFFFFC00  }
0xdf: {  	_ =	swait.ge [sflag:s14], $0x400  }
0xe0: {  	[sflag:s14] =	ssyncset.done $0x0  }
0xe1: {  	[sflag:s14] =	ssyncadd.s32 $0xFFFFFC00  }
0xe2: {  	_ =	swait.ge [sflag:s14], $0x400  }
0xe3: {  	[sflag:s14] =	ssyncset.done $0x0  }
0xe4: {  	[sflag:s14] =	ssyncadd.s32 $0xFFFFFC00  }
0xe5: {  	_ =	swait.ge [sflag:s14], $0x400  }
0xe6: {  	[sflag:s14] =	ssyncset.done $0x0  }
0xe7: {  	[sflag:s14] =	ssyncadd.s32 $0xFFFFFC00  }
0xe8: {  	_ =	swait.ge [sflag:s14], $0x400  }
0xe9: {  	[sflag:s14] =	ssyncset.done $0x0  }
0xea: {  	[sflag:s14] =	ssyncadd.s32 $0xFFFFFC00  }
0xeb: {  	_ =	swait.ge [sflag:s14], $0x400  }
0xec: {  	[sflag:s14] =	ssyncset.done $0x0  }
0xed: {  	[sflag:s14] =	ssyncadd.s32 $0xFFFFFC00  }
0xee: {  	_ =	swait.ge [sflag:s14], $0x400  }
0xef: {  	[sflag:s14] =	ssyncset.done $0x0  }
0xf0: {  	[sflag:s14] =	ssyncadd.s32 $0xFFFFFC00  }
0xf1: {  	_ =	swait.ge [sflag:s14], $0x400  }
0xf2: {  	[sflag:s14] =	ssyncset.done $0x0  }
0xf3: {  	[sflag:s14] =	ssyncadd.s32 $0xFFFFFC00  }
0xf4: {  	p0 =	seq.s32 s2, $0x3F;
	_ =	swait.ge [sflag:s14], $0x400  }
.Ltmp2:
0xf5: {  	[sflag:s14] =	ssyncset.done $0x0;
	(pc) =	sbr.rel @p0 .LBB2_4-.Ltmp2, $4  }
0xf6: {  	[sflag:s14] =	ssyncadd.s32 $0xFFFFFC00  }
0xf7: {  	_ =	swait.ge [sflag:s14], $0x400  }
0xf8: {  	[sflag:s14] =	ssyncset.done $0x0  }
0xf9: {  	s11 =	simm.s32 $0x40;
	[sflag:s14] =	ssyncadd.s32 $0xFFFFFC00  }
0xfa: {  	s11 =	sadd.s32 $0x1, s2  }
0xfb: {  	s12 =	sshll.u32 s11, $0x3  }
0xfc: {  	s12 =	sand.u32 $0x3FFFFFF8, s12  }
0xfd: {  	v9 =	vld [tilespmem:s12+$0x0];
	_ =	sdelay $0x4  }
0xfe: {  	(v2sf) =	vpush v9, $0x0;
	_ =	sdelay $0xe  }
0xff: {  	s17 =	spop (v2sf);
	(v2sf) =	vpush v9, $0x1;
	_ =	sdelay $0x1  }
0x100: {  	s13 =	sand.u32 $0x7F, s17  }
0x101: {  	s16 =	sshra.s32 s17, $0x1F;
	p0 =	slt.s32 s17, $0x1;
	p1 =	sne.s32 s13, $0x0  }
0x102: {  	s16 =	sshrl.u32 s16, $0x19;
	p0 =	por !p0, !p1  }
0x103: {  	s13 =	simm.s32 $0x1;
	s12 =	sadd.s32 s16, s17;
	p0 =	por !p0, !p0  }
0x104: {  	s12 =	sshrl.u32 s12, $0x7;
	s13 =	simm.s32 @!p0 $0x0  }
0x105: {  	s12 =	ssub.s32 s12, s13  }
0x106: {  	s17 =	sshll.u32 s11, $0xE;
	s16 =	sshll.u32 s12, $0xA  }
0x107: {  	s12 =	sand.u32 $0x4000, s17;
	s13 =	sshrl.u32 s16, $0x3  }
0x108: {  	s17 =	sor.u32 $0x280, s12;
	s16 =	sadd.s32 $0x7A1400, s16;
	s13 =	sadd.s32 s1, s13  }
0x109: {  	[tilespmem:s17], [sflag:$0x1] =	stream.linear.gather [hbm4b:s13+s3], $0x400, $0x38;
	[tilespmem:$0x18280] =	vst v63  }
0x10a: {  	s13 =	sshrl.u32 s16, $0x3  }
0x10b: {  	s17 =	sor.u32 $0x680, s12;
	s13 =	sadd.s32 s1, s13  }
0x10c: {  	[tilespmem:s17], [sflag:$0x1] =	stream.linear.gather [hbm4b:s13+s3], $0x400, $0x38;
	[tilespmem:$0x18280] =	vst v63  }
0x10d: {  	s13 =	spop (v2sf);
	(v2sf) =	vpush v9, $0x2;
	_ =	sdelay $0x2  }
0x10e: {  	s16 =	sand.u32 $0x7F, s13  }
0x10f: {  	s17 =	sshra.s32 s13, $0x1F;
	p5 =	slt.s32 s13, $0x1;
	p6 =	sne.s32 s16, $0x0  }
0x110: {  	s17 =	sshrl.u32 s17, $0x19;
	p0 =	por !p5, !p6  }
0x111: {  	s16 =	simm.s32 $0x1;
	s13 =	sadd.s32 s17, s13;
	p0 =	por !p0, !p0  }
0x112: {  	s13 =	sshrl.u32 s13, $0x7;
	s16 =	simm.s32 @!p0 $0x0  }
0x113: {  	s13 =	ssub.s32 s13, s16  }
0x114: {  	s13 =	sshll.u32 s13, $0xA  }
0x115: {  	s16 =	sshrl.u32 s13, $0x3;
	s13 =	sadd.s32 $0x7A1400, s13  }
0x116: {  	s17 =	sor.u32 $0xA80, s12;
	s16 =	sadd.s32 s1, s16;
	s13 =	sshrl.u32 s13, $0x3  }
0x117: {  	[tilespmem:s17], [sflag:$0x1] =	stream.linear.gather [hbm4b:s16+s3], $0x400, $0x38;
	[tilespmem:$0x18280] =	vst v63  }
0x118: {  	s17 =	sor.u32 $0xE80, s12;
	s13 =	sadd.s32 s1, s13  }
0x119: {  	[tilespmem:s17], [sflag:$0x1] =	stream.linear.gather [hbm4b:s13+s3], $0x400, $0x38;
	[tilespmem:$0x18280] =	vst v63  }
0x11a: {  	s13 =	spop (v2sf);
	(v2sf) =	vpush v9, $0x3;
	_ =	sdelay $0x2  }
0x11b: {  	s16 =	sand.u32 $0x7F, s13  }
0x11c: {  	s17 =	sshra.s32 s13, $0x1F;
	p1 =	slt.s32 s13, $0x1;
	p2 =	sne.s32 s16, $0x0  }
0x11d: {  	s17 =	sshrl.u32 s17, $0x19;
	p0 =	por !p1, !p2  }
0x11e: {  	s16 =	simm.s32 $0x1;
	s13 =	sadd.s32 s17, s13;
	p0 =	por !p0, !p0  }
0x11f: {  	s13 =	sshrl.u32 s13, $0x7;
	s16 =	simm.s32 @!p0 $0x0  }
0x120: {  	s13 =	ssub.s32 s13, s16  }
0x121: {  	s13 =	sshll.u32 s13, $0xA  }
0x122: {  	s16 =	sshrl.u32 s13, $0x3;
	s13 =	sadd.s32 $0x7A1400, s13  }
0x123: {  	s17 =	sor.u32 $0x1280, s12;
	s16 =	sadd.s32 s1, s16;
	s13 =	sshrl.u32 s13, $0x3  }
0x124: {  	[tilespmem:s17], [sflag:$0x1] =	stream.linear.gather [hbm4b:s16+s3], $0x400, $0x38;
	[tilespmem:$0x18280] =	vst v63  }
0x125: {  	s17 =	sor.u32 $0x1680, s12;
	s13 =	sadd.s32 s1, s13  }
0x126: {  	[tilespmem:s17], [sflag:$0x1] =	stream.linear.gather [hbm4b:s13+s3], $0x400, $0x38;
	[tilespmem:$0x18280] =	vst v63  }
0x127: {  	s13 =	spop (v2sf);
	(v2sf) =	vpush v9, $0x4;
	_ =	sdelay $0x2  }
0x128: {  	s16 =	sand.u32 $0x7F, s13  }
0x129: {  	s17 =	sshra.s32 s13, $0x1F;
	p3 =	slt.s32 s13, $0x1;
	p4 =	sne.s32 s16, $0x0  }
0x12a: {  	s17 =	sshrl.u32 s17, $0x19;
	p0 =	por !p3, !p4  }
0x12b: {  	s16 =	simm.s32 $0x1;
	s13 =	sadd.s32 s17, s13;
	p0 =	por !p0, !p0  }
0x12c: {  	s13 =	sshrl.u32 s13, $0x7;
	s16 =	simm.s32 @!p0 $0x0  }
0x12d: {  	s13 =	ssub.s32 s13, s16  }
0x12e: {  	s13 =	sshll.u32 s13, $0xA  }
0x12f: {  	s16 =	sshrl.u32 s13, $0x3;
	s13 =	sadd.s32 $0x7A1400, s13  }
0x130: {  	s17 =	sor.u32 $0x1A80, s12;
	s16 =	sadd.s32 s1, s16;
	s13 =	sshrl.u32 s13, $0x3  }
0x131: {  	[tilespmem:s17], [sflag:$0x1] =	stream.linear.gather [hbm4b:s16+s3], $0x400, $0x38;
	[tilespmem:$0x18280] =	vst v63  }
0x132: {  	s17 =	sor.u32 $0x1E80, s12;
	s13 =	sadd.s32 s1, s13  }
0x133: {  	[tilespmem:s17], [sflag:$0x1] =	stream.linear.gather [hbm4b:s13+s3], $0x400, $0x38;
	[tilespmem:$0x18280] =	vst v63  }
0x134: {  	s13 =	spop (v2sf);
	(v2sf) =	vpush v9, $0x5;
	_ =	sdelay $0x2  }
0x135: {  	s16 =	sand.u32 $0x7F, s13  }
0x136: {  	s17 =	sshra.s32 s13, $0x1F;
	p5 =	slt.s32 s13, $0x1;
	p6 =	sne.s32 s16, $0x0  }
0x137: {  	s17 =	sshrl.u32 s17, $0x19;
	p0 =	por !p5, !p6  }
0x138: {  	s16 =	simm.s32 $0x1;
	s13 =	sadd.s32 s17, s13;
	p0 =	por !p0, !p0  }
0x139: {  	s13 =	sshrl.u32 s13, $0x7;
	s16 =	simm.s32 @!p0 $0x0  }
0x13a: {  	s13 =	ssub.s32 s13, s16  }
0x13b: {  	s13 =	sshll.u32 s13, $0xA  }
0x13c: {  	s16 =	sshrl.u32 s13, $0x3;
	s13 =	sadd.s32 $0x7A1400, s13  }
0x13d: {  	s17 =	sor.u32 $0x2280, s12;
	s16 =	sadd.s32 s1, s16;
	s13 =	sshrl.u32 s13, $0x3  }
0x13e: {  	[tilespmem:s17], [sflag:$0x1] =	stream.linear.gather [hbm4b:s16+s3], $0x400, $0x38;
	[tilespmem:$0x18280] =	vst v63  }
0x13f: {  	s17 =	sor.u32 $0x2680, s12;
	s13 =	sadd.s32 s1, s13  }
0x140: {  	[tilespmem:s17], [sflag:$0x1] =	stream.linear.gather [hbm4b:s13+s3], $0x400, $0x38;
	[tilespmem:$0x18280] =	vst v63  }
0x141: {  	s13 =	spop (v2sf);
	(v2sf) =	vpush v9, $0x6;
	_ =	sdelay $0x2  }
0x142: {  	s16 =	sand.u32 $0x7F, s13  }
0x143: {  	s17 =	sshra.s32 s13, $0x1F;
	p1 =	slt.s32 s13, $0x1;
	p2 =	sne.s32 s16, $0x0  }
0x144: {  	s17 =	sshrl.u32 s17, $0x19;
	p0 =	por !p1, !p2  }
0x145: {  	s16 =	simm.s32 $0x1;
	s13 =	sadd.s32 s17, s13;
	p0 =	por !p0, !p0  }
0x146: {  	s13 =	sshrl.u32 s13, $0x7;
	s16 =	simm.s32 @!p0 $0x0  }
0x147: {  	s13 =	ssub.s32 s13, s16  }
0x148: {  	s13 =	sshll.u32 s13, $0xA  }
0x149: {  	s16 =	sshrl.u32 s13, $0x3;
	s13 =	sadd.s32 $0x7A1400, s13  }
0x14a: {  	s17 =	sor.u32 $0x2A80, s12;
	s16 =	sadd.s32 s1, s16;
	s13 =	sshrl.u32 s13, $0x3  }
0x14b: {  	[tilespmem:s17], [sflag:$0x1] =	stream.linear.gather [hbm4b:s16+s3], $0x400, $0x38;
	[tilespmem:$0x18280] =	vst v63  }
0x14c: {  	s17 =	sor.u32 $0x2E80, s12;
	s13 =	sadd.s32 s1, s13  }
0x14d: {  	[tilespmem:s17], [sflag:$0x1] =	stream.linear.gather [hbm4b:s13+s3], $0x400, $0x38;
	[tilespmem:$0x18280] =	vst v63  }
0x14e: {  	s13 =	spop (v2sf);
	(v2sf) =	vpush v9, $0x7;
	_ =	sdelay $0x2  }
0x14f: {  	s16 =	sand.u32 $0x7F, s13  }
0x150: {  	s17 =	sshra.s32 s13, $0x1F;
	p3 =	slt.s32 s13, $0x1;
	p4 =	sne.s32 s16, $0x0  }
0x151: {  	s17 =	sshrl.u32 s17, $0x19;
	p0 =	por !p3, !p4  }
0x152: {  	s16 =	simm.s32 $0x1;
	s13 =	sadd.s32 s17, s13;
	p0 =	por !p0, !p0  }
0x153: {  	s13 =	sshrl.u32 s13, $0x7;
	s16 =	simm.s32 @!p0 $0x0  }
0x154: {  	s13 =	ssub.s32 s13, s16  }
0x155: {  	s13 =	sshll.u32 s13, $0xA  }
0x156: {  	s16 =	sshrl.u32 s13, $0x3;
	s13 =	sadd.s32 $0x7A1400, s13  }
0x157: {  	s17 =	sor.u32 $0x3280, s12;
	s16 =	sadd.s32 s1, s16;
	s13 =	sshrl.u32 s13, $0x3  }
0x158: {  	[tilespmem:s17], [sflag:$0x1] =	stream.linear.gather [hbm4b:s16+s3], $0x400, $0x38;
	[tilespmem:$0x18280] =	vst v63  }
0x159: {  	s17 =	sor.u32 $0x3680, s12;
	s13 =	sadd.s32 s1, s13  }
0x15a: {  	[tilespmem:s17], [sflag:$0x1] =	stream.linear.gather [hbm4b:s13+s3], $0x400, $0x38;
	[tilespmem:$0x18280] =	vst v63  }
0x15b: {  	s13 =	spop (v2sf)  }
0x15c: {  	s16 =	sand.u32 $0x7F, s13  }
0x15d: {  	s17 =	sshra.s32 s13, $0x1F;
	p5 =	slt.s32 s13, $0x1;
	p6 =	sne.s32 s16, $0x0  }
0x15e: {  	s17 =	sshrl.u32 s17, $0x19;
	p0 =	por !p5, !p6  }
0x15f: {  	s16 =	simm.s32 $0x1;
	s13 =	sadd.s32 s17, s13;
	p0 =	por !p0, !p0  }
0x160: {  	s13 =	sshrl.u32 s13, $0x7;
	s16 =	simm.s32 @!p0 $0x0  }
0x161: {  	s13 =	ssub.s32 s13, s16  }
0x162: {  	s13 =	sshll.u32 s13, $0xA  }
.Ltmp3:
0x163: {  	s16 =	sshrl.u32 s13, $0x3;
	s13 =	sadd.s32 $0x7A1400, s13;
	(pc) =	sbr.rel .LBB2_4-.Ltmp3, $4  }
0x164: {  	s17 =	sor.u32 $0x3A80, s12;
	s16 =	sadd.s32 s1, s16;
	s13 =	sshrl.u32 s13, $0x3  }
0x165: {  	[tilespmem:s17], [sflag:$0x1] =	stream.linear.gather [hbm4b:s16+s3], $0x400, $0x38;
	[tilespmem:$0x18280] =	vst v63  }
0x166: {  	s12 =	sor.u32 $0x3E80, s12;
	s13 =	sadd.s32 s1, s13  }
0x167: {  	[tilespmem:s12], [sflag:$0x1] =	stream.linear.gather [hbm4b:s13+s3], $0x400, $0x38;
	[tilespmem:$0x18280] =	vst v63  }
.LBB2_5:
0x168: {  	s2 =	sadd.s32 s13, s9  }
0x169: {  	[hbm4b:s2+s3] =	stream.linear.scatter [tilespmem:s12], [sflag:$0x2], $0x1000, $0x38;
	[tilespmem:$0x18280] =	vst v63  }
0x16a: {  	_ =	swait.ge [sflag:s10], $0x1000  }
0x16b: {  	s2 =	sadd.s32 $0x200, s13;
	[sflag:s10] =	ssyncset.done $0x0  }
.LBB2_6:
0x16c: {  	s11 =	sadd.s32 s2, s9  }
0x16d: {  	[sflag:s10] =	ssyncadd.s32 $0xFFFFF000;
	s12 =	sadd.s32 $0x1000, s12;
	p0 =	sne.s32 s2, $0x1E00  }
0x16e: {  	[hbm4b:s11+s3] =	stream.linear.scatter [tilespmem:s12], [sflag:$0x2], $0x1000, $0x38;
	[tilespmem:$0x18280] =	vst v63  }
.Ltmp4:
0x16f: {  	_ = 	snop;
	(pc) =	sbr.rel @p0 .LBB2_6-.Ltmp4, $4  }
0x170: {  	_ = 	snop  }
0x171: {  	s2 =	sadd.s32 $0x200, s2  }
0x172: {  	_ =	swait.ge [sflag:s10], $0x1000  }
0x173: {  	[sflag:s10] =	ssyncset.done $0x0  }
0x174: {  	s0 =	sadd.s32 $0x1, s0  }
0x175: {  	p0 =	sne.s32 s0, s4  }
.Ltmp5:
0x176: {  	_ = 	snop;
	(pc) =	sbr.rel @p0 .LBB2_1-.Ltmp5, $2  }
0x177: {  	_ =	sdelay $0x2  }
0x178: {  	[sflag:s10] =	ssyncadd.s32 $0xFFFFF000  }
0x179: {  	_ =	sfence.sel $0x180000  }
0x17a: {  	[bflag:$0x0] =	sbarrier.arrive $0xFFFF  }
0x17b: {  	_ =	strace $0x9000004A  }
0x17c: {  	s0 =	stileid.u32;
	[bflag:$0x2] =	sbarrier.arrive $0xFFFF  }
0x17d: {  	p0 =	sne.s32 s0, $0x0;
	s0 =	rddreg [dreg:$0x3]  }
0x17e: {  	s0 =	sadd.s32 @!p0 $0x100000, s0  }
0x17f: {  	[sflag:s0] =	ssyncadd.tile.s32 @!p0 $0x1;
	_ =	shalt  }
.Lfunc_end2:
_tile_overlayer_lowered:
.L_overlay_start_2:
0x180: {  	(tag) =	ssettag $0x2  }
0x181: {  	s0 =	rddreg [dreg:$0x0];
	s2 =	stileid.u32  }
0x182: {  	s1 =	rddreg [dreg:$0x1];
	p0 =	sne.s32 s2, $0x0  }
0x183: {  	s3 =	rddreg [dreg:$0x2];
	[bflag:$0x3] =	sbarrier.arrive $0xFFFF;
	s2 =	simm.s32 @!p0 $0x1C02  }
0x184: {  	[timem:s3], [sflag:s2] =	dma.local @!p0 [hbm:s0], s1  }
0x185: {  	s0 =	simm.s32 @!p0 $0x2  }
0x186: {  	_ =	swait.ge @!p0 [sflag:s0], s1  }
0x187: {  	s1 =	ssub.s32 @!p0 $0x0, s1;
	[sflag:s0] =	ssyncset.done @!p0 $0x0  }
0x188: {  	[sflag:s0] =	ssyncadd.s32 @!p0 s1  }
0x189: {  	[bflag:$0x3] =	sbarrier.arrive $0xFFFF  }
0x18a: {  	_ =	shalt  }

// kernel: kernel.8.cloned.1.call-start
scs
__scs_entry_jumppad:
0x0: {  	(pc) =	sbr.rel $0x88, $3  }
0x1: {  	(tag) =	ssettag $0x0;
	lr =	simm.s32 $0x1  }
0x2: {  	[smem:$0x3F9E] =	sst lr;
	_ =	strace $0xD0000000  }
0x3: {  	_ = 	snop  }
0x4: {  	_ = 	snop  }
0x5: {  	_ = 	snop  }
0x6: {  	_ = 	snop  }
0x7: {  	_ = 	snop  }
__scs_overlays_trampoline_lowered:
0x8: {  	[smem:$0x3FAD] =	sst s0  }
0x9: {  	[smem:$0x3FAE] =	sst s1  }
0xa: {  	[smem:$0x3FAF] =	sst s2  }
0xb: {  	[smem:$0x3FB0] =	sst s3  }
0xc: {  	[smem:$0x3FB1] =	sst s4  }
0xd: {  	[smem:$0x3FB2] =	sst s5  }
0xe: {  	[smem:$0x3FB3] =	sst s6  }
0xf: {  	[smem:$0x3FB4] =	sst s7  }
0x10: {  	[smem:$0x3FB5] =	sst s8  }
0x11: {  	[smem:$0x3FB6] =	sst s9;
	s0 =	simm.s32 @!p0 $0x0  }
0x12: {  	s1 =	sld [smem:$0x3F9C];
	s0 =	simm.s32 @p0 $0x1  }
0x13: {  	[smem:$0x3FB7] =	sst s0;
	s0 =	simm.s32 @!p1 $0x0  }
0x14: {  	s2 =	sld [smem:$0x3F9B];
	s0 =	simm.s32 @p1 $0x1  }
0x15: {  	[smem:$0x3FB8] =	sst s0;
	s0 =	simm.s32 @!p2 $0x0  }
0x16: {  	s3 =	sld [smem:$0x3FDB];
	s0 =	simm.s32 @p2 $0x1  }
0x17: {  	s4 =	simm.s32 $0x1BF5;
	[smem:$0x3FBA] =	sst s0  }
0x18: {  	s0 =	sld [smem:$0x3F9D];
	_ =	swait.ge [sflag:s4], $0x0  }
0x19: {  	s7 =	sld [smem:$0x3F9E]  }
0x1a: {  	s8 =	sadd.s32 $0xFFFFE003, lr  }
0x1b: {  	s9 =	sadd.s32 $0xFFFFFEF7, lr;
	s5 =	simm.s32 $0xFFFFFFFF;
	p2 =	slt.u32 s8, $0xFFFFF086  }
0x1c: {  	p1 =	slt.u32 s9, $0xF7A;
	s5 =	simm.s32 @!p2 $0x0  }
0x1d: {  	s5 =	simm.s32 @p1 $0x1;
	p0 =	seq.s32 s7, s2  }
0x1e: {  	s7 =	smul.u32 @!p0 $0xF7A, s2;
	p2 =	seq.s32 @!p0 s5, $0x0  }
0x1f: {  	s9 =	smul.u32 $0xF7A, s1;
	s8 =	simm.s32 @!p0 $0x1BF5;
	p2 =	por !p2, p0  }
0x20: {  	[sflag:s8] =	ssyncset.s32 @!p0 $0xFFFFF086;
	s6 =	sadd.s32 @!p0 s3, s7;
	s7 =	simm.s32 @!p0 $0x108  }
0x21: {  	s3 =	sadd.s32 s3, s9;
	s6 =	sadd.s32 @!p0 $0x88, s6;
	s7 =	simm.s32 @p2 $0x1082  }
0x22: {  	[simem:s7], [sflag:s8] =	dma.local @!p0 [hbm:s6], $0xF7A  }
0x23: {  	s9 =	sor.u32 $0xD0000000, s2;
	s6 =	simm.s32 $0x108;
	_ =	swait.ge @!p0 [sflag:s8], $0x0  }
0x24: {  	s3 =	sadd.s32 $0x88, s3;
	s6 =	simm.s32 @!p1 $0x1082;
	[sflag:s4] =	ssyncset.s32 $0xFFFFF086  }
0x25: {  	[simem:s6], [sflag:s4] =	dma.local [hbm:s3], $0xF7A  }
0x26: {  	[smem:$0x3F9E] =	sst s1;
	(tag) =	ssettag s2;
	_ =	strace s9  }
0x27: {  	s1 =	sld [smem:$0x3FAE]  }
0x28: {  	s2 =	sld [smem:$0x3FAF]  }
0x29: {  	s4 =	sld [smem:$0x3FB1]  }
0x2a: {  	p0 =	seq.s32 s5, $0x0;
	s5 =	sld [smem:$0x3FB2]  }
0x2b: {  	s6 =	sld [smem:$0x3FB3]  }
0x2c: {  	s7 =	sld [smem:$0x3FB4]  }
0x2d: {  	s3 =	simm.s32 $0x108;
	s8 =	sld [smem:$0x3FB5]  }
0x2e: {  	s3 =	simm.s32 @!p0 $0x1082;
	s9 =	sld [smem:$0x3FB6]  }
0x2f: {  	lr =	sadd.s32 s0, s3;
	s0 =	sld [smem:$0x3FAD]  }
0x30: {  	s3 =	sld [smem:$0x3FB0]  }
0x31: {  	[smem:$0x3FB9] =	sst s10  }
0x32: {  	s10 =	sld [smem:$0x3FB7];
	_ =	sdelay $0x3  }
0x33: {  	p0 =	seq.s32 s10, $0x1;
	s10 =	sld [smem:$0x3FB9];
	_ =	sdelay $0x3  }
0x34: {  	[smem:$0x3FB9] =	sst s10  }
0x35: {  	s10 =	sld [smem:$0x3FB8];
	_ =	sdelay $0x3  }
0x36: {  	p1 =	seq.s32 s10, $0x1;
	s10 =	sld [smem:$0x3FB9];
	_ =	sdelay $0x3  }
0x37: {  	[smem:$0x3FB9] =	sst s10  }
0x38: {  	s10 =	sld [smem:$0x3FBA]  }
0x39: {  	_ = 	snop;
	(pc) =	sbr.ind lr, $3  }
0x3a: {  	_ = 	snop  }
0x3b: {  	_ = 	snop  }
0x3c: {  	p2 =	seq.s32 s10, $0x1;
	s10 =	sld [smem:$0x3FB9]  }
0x3d: {  	_ =	shalt  }
0x3e: {  	_ =	shalt  }
0x3f: {  	_ =	shalt  }
0x40: {  	_ =	shalt  }
0x41: {  	_ =	shalt  }
0x42: {  	_ =	shalt  }
0x43: {  	_ =	shalt  }
0x44: {  	_ =	shalt  }
0x45: {  	_ =	shalt  }
0x46: {  	_ =	shalt  }
0x47: {  	_ =	shalt  }
0x48: {  	_ =	shalt  }
0x49: {  	_ =	shalt  }
0x4a: {  	_ =	shalt  }
0x4b: {  	_ =	shalt  }
0x4c: {  	_ =	shalt  }
0x4d: {  	_ =	shalt  }
0x4e: {  	_ =	shalt  }
0x4f: {  	_ =	shalt  }
0x50: {  	_ =	shalt  }
0x51: {  	_ =	shalt  }
0x52: {  	_ =	shalt  }
0x53: {  	_ =	shalt  }
0x54: {  	_ =	shalt  }
0x55: {  	_ =	shalt  }
0x56: {  	_ =	shalt  }
0x57: {  	_ =	shalt  }
0x58: {  	_ =	shalt  }
0x59: {  	_ =	shalt  }
0x5a: {  	_ =	shalt  }
0x5b: {  	_ =	shalt  }
0x5c: {  	_ =	shalt  }
0x5d: {  	_ =	shalt  }
0x5e: {  	_ =	shalt  }
0x5f: {  	_ =	shalt  }
0x60: {  	_ =	shalt  }
0x61: {  	_ =	shalt  }
0x62: {  	_ =	shalt  }
0x63: {  	_ =	shalt  }
0x64: {  	_ =	shalt  }
0x65: {  	_ =	shalt  }
0x66: {  	_ =	shalt  }
0x67: {  	_ =	shalt  }
0x68: {  	_ =	shalt  }
0x69: {  	_ =	shalt  }
0x6a: {  	_ =	shalt  }
0x6b: {  	_ =	shalt  }
0x6c: {  	_ =	shalt  }
0x6d: {  	_ =	shalt  }
0x6e: {  	_ =	shalt  }
0x6f: {  	_ =	shalt  }
0x70: {  	_ =	shalt  }
0x71: {  	_ =	shalt  }
0x72: {  	_ =	shalt  }
0x73: {  	_ =	shalt  }
0x74: {  	_ =	shalt  }
0x75: {  	_ =	shalt  }
0x76: {  	_ =	shalt  }
0x77: {  	_ =	shalt  }
0x78: {  	_ =	shalt  }
0x79: {  	_ =	shalt  }
0x7a: {  	_ =	shalt  }
0x7b: {  	_ =	shalt  }
0x7c: {  	_ =	shalt  }
0x7d: {  	_ =	shalt  }
0x7e: {  	_ =	shalt  }
0x7f: {  	_ =	shalt  }
0x80: {  	_ =	shalt  }
0x81: {  	_ =	shalt  }
0x82: {  	_ =	shalt  }
0x83: {  	_ =	shalt  }
0x84: {  	_ =	shalt  }
0x85: {  	_ =	shalt  }
0x86: {  	_ =	shalt  }
0x87: {  	_ =	shalt  }
.Lfunc_end0:
.L_simem_size_0:
called_computation.1_lowered:
.L_overlay_start_0:
0x88: {  	s2 =	sld [smem:$0x3FD9]  }
0x89: {  	s3 =	sld [smem:$0x3FFE];
	_ =	sdelay $0x1  }
0x8a: {  	s1 =	srdreg.scid  }
0x8b: {  	s0 =	sand.u32 $0x1, s1  }
0x8c: {  	s17 =	sshll.u32 s0, $0xA;
	s2 =	sadd.s32 s3, s2  }
0x8d: {  	s2 =	sadd.s32 s2, s17  }
0x8e: {  	[smem:$0x3FC5] =	sst s2  }
0x8f: {  	_ = 	snop  }
0x90: {  	s2 =	sld [smem:$0x3FC9]  }
0x91: {  	s18 =	sld [smem:$0x3FC7];
	(tm) =	ssettm $0x1  }
0x92: {  	s4 =	sld [smem:$0x3FFB];
	_ =	sdelay $0x3  }
0x93: {  	_ =	strace s4  }
0x94: {  	s4 =	sld [smem:$0x3FFC];
	_ =	sdelay $0x3  }
0x95: {  	_ =	strace s4  }
0x96: {  	s4 =	sld [smem:$0x3FFD];
	_ =	sdelay $0x3  }
0x97: {  	_ =	strace s4  }
0x98: {  	_ =	strace $0x8FFFFFFF  }
0x99: {  	s19 =	sld [smem:$0x3FDB];
	_ =	sdelay $0x1  }
0x9a: {  	s5 =	simm.s32 $_scs_section_size  }
0x9b: {  	s6 =	simm.s32 $_size__tile_overlayer_lowered;
	s7 =	simm.s32 $_tile_overlayer_lowered  }
0x9c: {  	s22 =	simm.s32 $0x1BFF;
	s21 =	sshll.u32 s7, $0x1;
	s4 =	sadd.s32 s5, s19  }
0x9d: {  	s8 =	simm.s32 $0x0;
	s20 =	sshll.u32 s6, $0x1;
	s6 =	sadd.s32 s21, s4  }
0x9e: {  	[timem:s8], [sflag:s22] =	dma.local [hbm:s6], s20  }
0x9f: {  	_ =	swait.ge [sflag:s22], s20  }
0xa0: {  	s5 =	ssub.s32 $0x0, s20;
	[sflag:s22] =	ssyncset.done $0x0  }
0xa1: {  	[sflag:s22] =	ssyncadd.s32 s5;
	_ =	sdelay $0x1  }
0xa2: {  	s23 =	simm.s32 $0x1B8B  }
0xa3: {  	_ =	swait.ge [sflag:s23], $0x1  }
0xa4: {  	[sflag:s23] =	ssyncset.done $0x0  }
0xa5: {  	s25 =	simm.s32 $0x1B8E;
	s24 =	sld [smem:$0x3FFE];
	[sflag:s23] =	ssyncadd.s32 $0xFFFFFFFF  }
0xa6: {  	s26 =	simm.s32 $execute0_lowered;
	[smem:$0x3FD2] =	sst s25  }
0xa7: {  	s6 =	sshll.u32 s26, $0x1;
	_ =	strace $0x80000046;
	[dreg:$0x1] =	wrdreg $0xFFFFFFFF  }
0xa8: {  	s28 =	simm.s32 $_size_execute0_lowered;
	s4 =	sadd.s32 s4, s6;
	[dreg:$0x0] =	wrdreg $0x0  }
0xa9: {  	s6 =	sshll.u32 s28, $0x1;
	[dreg:$0x2] =	wrdreg s4  }
0xaa: {  	[dreg:$0x3] =	wrdreg s6  }
0xab: {  	[dreg:$0x4] =	wrdreg $0xC0  }
0xac: {  	_ =	task [dreg:s8], $0x5FFFF  }
0xad: {  	[dreg:$0x1] =	wrdreg $0xFFFFFFFF  }
0xae: {  	[dreg:$0x0] =	wrdreg $0x60  }
0xaf: {  	[dreg:$0x2] =	wrdreg s2  }
0xb0: {  	[dreg:$0x3] =	wrdreg s18  }
0xb1: {  	[dreg:$0x4] =	wrdreg s24  }
0xb2: {  	[dreg:$0x5] =	wrdreg $0xA  }
0xb3: {  	_ =	task.clear_ibuf [dreg:s8], $0x6FFFF;
	_ =	strace $0x90000046  }
0xb4: {  	s29 =	simm.s32 $0xA;
	_ =	strace $0x80000048  }
0xb5: {  	_ =	swait.ge [sflag:s29], $0x1  }
0xb6: {  	[sflag:s29] =	ssyncadd.s32 $0xFFFFFFFF  }
0xb7: {  	_ =	strace $0x90000048  }
0xb8: {  	_ =	sfence  }
0xb9: {  	s30 =	sld [smem:$0x0];
	_ =	sdelay $0x2  }
0xba: {  	s31 =	sshll.u32 s1, $0xD;
	s1 =	sshrl.u32 s1, $0x2  }
0xbb: {  	s3 =	sand.u32 $0x4000, s31;
	s1 =	sadd.s32 s1, s30  }
0xbc: {  	s0 =	sor.u32 s3, s0;
	s1 =	sshll.u32 s1, $0x11  }
0xbd: {  	s0 =	sor.u32 s1, s0  }
0xbe: {  	s0 =	sadd.s32 $0x8F2B, s0  }
0xbf: {  	[sflag:s0] =	ssyncadd.remote.s32 $0x1  }
0xc0: {  	_ =	sfence.sel $0xFFFF  }
0xc1: {  	[dreg:$0x0] =	wrdreg $0xFFFFFFFF;
	(pc) =	sbr.abs _section_cstart, $3  }
0xc2: {  	[dreg:$0x1] =	wrdreg $0xFFFFFFFF  }
0xc3: {  	_ =	task.clear_ibuf [dreg:s8], $0x2FFFF;
	_ =	strace $0x9FFFFFFF  }
0xc4: {  	(tm) =	ssettm $0x7FFFFFFF  }
0xc5: {  	_ =	shalt  }
tec
execute0_lowered:
.L_overlay_start_1:
0x0: {  	(tag) =	ssettag $0x1  }
0x1: {  	s0 =	rddreg [dreg:$0x0]  }
0x2: {  	s1 =	rddreg [dreg:$0x1]  }
0x3: {  	s2 =	rddreg [dreg:$0x2];
	s4 =	srdreg.scid;
	s3 =	simm.s32 $0x0  }
0x4: {  	s8 =	stileid.u32;
	s10 =	simm.s32 $0x2;
	s14 =	simm.s32 $0x1  }
0x5: {  	s15 =	simm.s32 $0x280;
	s18 =	simm.s32 $0xE80;
	s19 =	simm.s32 $0x1280  }
0x6: {  	s20 =	simm.s32 $0x1680;
	s21 =	simm.s32 $0x1A80;
	s28 =	simm.s32 $0x3280  }
0x7: {  	s29 =	simm.s32 $0x3680;
	s30 =	simm.s32 $0x3A80;
	s31 =	simm.s32 $0x3E80  }
0x8: {  	s6 =	sand.u32 $0x1, s4;
	[smem:$0x7FF] =	sst s3;
	s22 =	sshll.u32 s8, $0xA  }
0x9: {  	s23 =	sshll.u32 s8, $0xE;
	s5 =	sshll.u32 s6, $0x9;
	_ =	strace $0x80000047  }
0xa: {  	s7 =	ssub.s32 $0x2, s6;
	s2 =	sadd.s32 s23, s2;
	s26 =	sshll.u32 s6, $0xD  }
0xb: {  	v0 =	vlaneseq.u32;
	s23 =	simm.s32 $0x2280;
	s4 =	sor.u32 s5, s22;
	s24 =	sshrl.u32 s7, $0x1  }
0xc: {  	v1 =	vmul.u32 $0x80, v0;
	s2 =	sadd.s32 s26, s2;
	s22 =	simm.s32 $0x1E80;
	s26 =	simm.s32 $0x2E80  }
0xd: {  	s4 =	sshrl.u32 s4, $0x2;
	s25 =	ssub.s32 s7, s24;
	s9 =	sadd.s32 $0xC00, s2  }
0xe: {  	v2 =	vor.u32 $0x800, v1;
	s24 =	simm.s32 $0x2680;
	s0 =	sadd.s32 s4, s0;
	s4 =	smax.u32 s25, $0x1  }
0xf: {  	v3 =	vor.u32 $0x1000, v1;
	v4 =	vor.u32 $0x1800, v1;
	v5 =	vor.u32 $0x2000, v1;
	s25 =	simm.s32 $0x2A80;
	s5 =	sadd.s32 $0x10, s0;
	s6 =	sadd.s32 $0x30, s0  }
0x10: {  	v6 =	vor.u32 $0x2800, v1;
	v7 =	vor.u32 $0x3000, v1;
	v8 =	vor.u32 $0x3800, v1;
	s7 =	sadd.s32 $0x50, s0;
	s8 =	sadd.s32 $0x70, s0;
	s0 =	simm.s32 $0x0  }
.LBB2_1:
0x11: {  	[tilespmem:s3], [sflag:$0x2] =	stream.linear.gather [hbm4b:s5+s3], $0x80, $0x38;
	[tilespmem:$0x18280] =	vst v63  }
0x12: {  	_ =	swait.ge [sflag:s10], $0x80  }
0x13: {  	[sflag:s10] =	ssyncset.done $0x0  }
0x14: {  	s2 =	simm.s32 $0x80;
	[sflag:s10] =	ssyncadd.s32 $0xFFFFFF80  }
0x15: {  	[tilespmem:s2], [sflag:$0x2] =	stream.linear.gather [hbm4b:s6+s3], $0x80, $0x38;
	[tilespmem:$0x18280] =	vst v63  }
0x16: {  	_ =	swait.ge [sflag:s10], $0x80  }
0x17: {  	[sflag:s10] =	ssyncset.done $0x0  }
0x18: {  	s17 =	simm.s32 $0x100;
	[sflag:s10] =	ssyncadd.s32 $0xFFFFFF80  }
0x19: {  	[tilespmem:s17], [sflag:$0x2] =	stream.linear.gather [hbm4b:s7+s3], $0x80, $0x38;
	[tilespmem:$0x18280] =	vst v63  }
0x1a: {  	_ =	swait.ge [sflag:s10], $0x80  }
0x1b: {  	[sflag:s10] =	ssyncset.done $0x0  }
0x1c: {  	s11 =	simm.s32 $0x180;
	[sflag:s10] =	ssyncadd.s32 $0xFFFFFF80  }
0x1d: {  	[tilespmem:s11], [sflag:$0x2] =	stream.linear.gather [hbm4b:s8+s3], $0x80, $0x38;
	[tilespmem:$0x18280] =	vst v63  }
0x1e: {  	_ =	swait.ge [sflag:s10], $0x80  }
0x1f: {  	[sflag:s10] =	ssyncset.done $0x0  }
0x20: {  	[sflag:s10] =	ssyncadd.s32 $0xFFFFFF80  }
0x21: {  	v9 =	vld [tilespmem:$0x0];
	_ =	sdelay $0x4  }
0x22: {  	(v2sf) =	vpush v9, $0x0;
	_ =	sdelay $0xe  }
0x23: {  	s12 =	spop (v2sf);
	(v2sf) =	vpush v9, $0x1;
	_ =	sdelay $0x7  }
0x24: {  	s11 =	sand.u32 $0x7F, s12  }
0x25: {  	s13 =	sshra.s32 s12, $0x1F;
	p1 =	slt.s32 s12, $0x1;
	p0 =	sne.s32 s11, $0x0  }
0x26: {  	s11 =	sshrl.u32 s13, $0x19;
	p0 =	por !p1, !p0  }
0x27: {  	s2 =	sadd.s32 s11, s12;
	s11 =	simm.s32 $0x1;
	p0 =	por !p0, !p0  }
0x28: {  	s2 =	sshrl.u32 s2, $0x7;
	s11 =	simm.s32 @!p0 $0x0  }
0x29: {  	s2 =	ssub.s32 s2, s11  }
0x2a: {  	s2 =	sshll.u32 s2, $0xA  }
0x2b: {  	s16 =	sshrl.u32 s2, $0x3;
	s2 =	sadd.s32 $0x7A1400, s2;
	s12 =	spop (v2sf);
	(v2sf) =	vpush v9, $0x2  }
0x2c: {  	s11 =	sadd.s32 s1, s16;
	s2 =	sshrl.u32 s2, $0x3  }
0x2d: {  	[tilespmem:s15], [sflag:$0x1] =	stream.linear.gather [hbm4b:s11+s3], $0x400, $0x38;
	[tilespmem:$0x18280] =	vst v63  }
0x2e: {  	s17 =	simm.s32 $0x680;
	s2 =	sadd.s32 s1, s2  }
0x2f: {  	[tilespmem:s17], [sflag:$0x1] =	stream.linear.gather [hbm4b:s2+s3], $0x400, $0x38;
	[tilespmem:$0x18280] =	vst v63  }
0x30: {  	s13 =	sand.u32 $0x7F, s12  }
0x31: {  	s16 =	sshra.s32 s12, $0x1F;
	p6 =	slt.s32 s12, $0x1;
	p5 =	sne.s32 s13, $0x0  }
0x32: {  	s11 =	sshrl.u32 s16, $0x19;
	p0 =	por !p6, !p5  }
0x33: {  	s2 =	sadd.s32 s11, s12;
	s11 =	simm.s32 $0x1;
	p0 =	por !p0, !p0  }
0x34: {  	s2 =	sshrl.u32 s2, $0x7;
	s11 =	simm.s32 @!p0 $0x0  }
0x35: {  	s2 =	ssub.s32 s2, s11  }
0x36: {  	s2 =	sshll.u32 s2, $0xA  }
0x37: {  	s17 =	sshrl.u32 s2, $0x3  }
0x38: {  	s12 =	simm.s32 $0xA80;
	s11 =	sadd.s32 s1, s17  }
0x39: {  	[tilespmem:s12], [sflag:$0x1] =	stream.linear.gather [hbm4b:s11+s3], $0x400, $0x38;
	[tilespmem:$0x18280] =	vst v63  }
0x3a: {  	s12 =	spop (v2sf);
	(v2sf) =	vpush v9, $0x3;
	_ =	sdelay $0x8  }
0x3b: {  	s2 =	sadd.s32 $0x7A1400, s2  }
0x3c: {  	s2 =	sshrl.u32 s2, $0x3  }
0x3d: {  	s2 =	sadd.s32 s1, s2  }
0x3e: {  	[tilespmem:s18], [sflag:$0x1] =	stream.linear.gather [hbm4b:s2+s3], $0x400, $0x38;
	[tilespmem:$0x18280] =	vst v63  }
0x3f: {  	s16 =	sshra.s32 s12, $0x1F  }
0x40: {  	s13 =	sand.u32 $0x7F, s12;
	p2 =	slt.s32 s12, $0x1;
	s11 =	sshrl.u32 s16, $0x19  }
0x41: {  	p1 =	sne.s32 s13, $0x0;
	s2 =	sadd.s32 s11, s12;
	s12 =	spop (v2sf);
	(v2sf) =	vpush v9, $0x4  }
0x42: {  	p0 =	por !p2, !p1  }
0x43: {  	s11 =	simm.s32 $0x1;
	p0 =	por !p0, !p0  }
0x44: {  	s2 =	sshrl.u32 s2, $0x7;
	s11 =	simm.s32 @!p0 $0x0  }
0x45: {  	s2 =	ssub.s32 s2, s11  }
0x46: {  	s2 =	sshll.u32 s2, $0xA  }
0x47: {  	s17 =	sshrl.u32 s2, $0x3;
	s2 =	sadd.s32 $0x7A1400, s2  }
0x48: {  	s11 =	sadd.s32 s1, s17;
	s2 =	sshrl.u32 s2, $0x3  }
0x49: {  	[tilespmem:s19], [sflag:$0x1] =	stream.linear.gather [hbm4b:s11+s3], $0x400, $0x38;
	[tilespmem:$0x18280] =	vst v63  }
0x4a: {  	s2 =	sadd.s32 s1, s2  }
0x4b: {  	[tilespmem:s20], [sflag:$0x1] =	stream.linear.gather [hbm4b:s2+s3], $0x400, $0x38;
	[tilespmem:$0x18280] =	vst v63  }
0x4c: {  	s13 =	sand.u32 $0x7F, s12  }
0x4d: {  	s16 =	sshra.s32 s12, $0x1F;
	p4 =	slt.s32 s12, $0x1;
	p3 =	sne.s32 s13, $0x0  }
0x4e: {  	s11 =	sshrl.u32 s16, $0x19;
	p0 =	por !p4, !p3  }
0x4f: {  	s2 =	sadd.s32 s11, s12;
	s11 =	simm.s32 $0x1;
	p0 =	por !p0, !p0  }
0x50: {  	s2 =	sshrl.u32 s2, $0x7;
	s11 =	simm.s32 @!p0 $0x0;
	s12 =	spop (v2sf);
	(v2sf) =	vpush v9, $0x5  }
0x51: {  	s2 =	ssub.s32 s2, s11  }
0x52: {  	s2 =	sshll.u32 s2, $0xA  }
0x53: {  	s17 =	sshrl.u32 s2, $0x3;
	s2 =	sadd.s32 $0x7A1400, s2  }
0x54: {  	s11 =	sadd.s32 s1, s17;
	s2 =	sshrl.u32 s2, $0x3  }
0x55: {  	[tilespmem:s21], [sflag:$0x1] =	stream.linear.gather [hbm4b:s11+s3], $0x400, $0x38;
	[tilespmem:$0x18280] =	vst v63  }
0x56: {  	s2 =	sadd.s32 s1, s2  }
0x57: {  	[tilespmem:s22], [sflag:$0x1] =	stream.linear.gather [hbm4b:s2+s3], $0x400, $0x38;
	[tilespmem:$0x18280] =	vst v63  }
0x58: {  	s13 =	sand.u32 $0x7F, s12  }
0x59: {  	s16 =	sshra.s32 s12, $0x1F;
	p6 =	slt.s32 s12, $0x1;
	p5 =	sne.s32 s13, $0x0  }
0x5a: {  	s11 =	sshrl.u32 s16, $0x19;
	p0 =	por !p6, !p5  }
0x5b: {  	s2 =	sadd.s32 s11, s12;
	s11 =	simm.s32 $0x1;
	p0 =	por !p0, !p0  }
0x5c: {  	s2 =	sshrl.u32 s2, $0x7;
	s11 =	simm.s32 @!p0 $0x0  }
0x5d: {  	s2 =	ssub.s32 s2, s11  }
0x5e: {  	s2 =	sshll.u32 s2, $0xA  }
0x5f: {  	s17 =	sshrl.u32 s2, $0x3;
	s2 =	sadd.s32 $0x7A1400, s2;
	s12 =	spop (v2sf);
	(v2sf) =	vpush v9, $0x6  }
0x60: {  	s11 =	sadd.s32 s1, s17;
	s2 =	sshrl.u32 s2, $0x3  }
0x61: {  	[tilespmem:s23], [sflag:$0x1] =	stream.linear.gather [hbm4b:s11+s3], $0x400, $0x38;
	[tilespmem:$0x18280] =	vst v63  }
0x62: {  	s2 =	sadd.s32 s1, s2  }
0x63: {  	[tilespmem:s24], [sflag:$0x1] =	stream.linear.gather [hbm4b:s2+s3], $0x400, $0x38;
	[tilespmem:$0x18280] =	vst v63  }
0x64: {  	s13 =	sand.u32 $0x7F, s12  }
0x65: {  	s16 =	sshra.s32 s12, $0x1F;
	p2 =	slt.s32 s12, $0x1;
	p1 =	sne.s32 s13, $0x0  }
0x66: {  	s11 =	sshrl.u32 s16, $0x19;
	p0 =	por !p2, !p1  }
0x67: {  	s2 =	sadd.s32 s11, s12;
	s11 =	simm.s32 $0x1;
	p0 =	por !p0, !p0  }
0x68: {  	s2 =	sshrl.u32 s2, $0x7;
	s11 =	simm.s32 @!p0 $0x0  }
0x69: {  	s2 =	ssub.s32 s2, s11  }
0x6a: {  	s2 =	sshll.u32 s2, $0xA  }
0x6b: {  	s17 =	sshrl.u32 s2, $0x3  }
0x6c: {  	s2 =	sadd.s32 $0x7A1400, s2;
	s11 =	sadd.s32 s1, s17  }
0x6d: {  	[tilespmem:s25], [sflag:$0x1] =	stream.linear.gather [hbm4b:s11+s3], $0x400, $0x38;
	[tilespmem:$0x18280] =	vst v63  }
0x6e: {  	s2 =	sshrl.u32 s2, $0x3;
	s12 =	spop (v2sf);
	(v2sf) =	vpush v9, $0x7  }
0x6f: {  	s2 =	sadd.s32 s1, s2  }
0x70: {  	[tilespmem:s26], [sflag:$0x1] =	stream.linear.gather [hbm4b:s2+s3], $0x400, $0x38;
	[tilespmem:$0x18280] =	vst v63  }
0x71: {  	s13 =	sand.u32 $0x7F, s12  }
0x72: {  	s16 =	sshra.s32 s12, $0x1F;
	p4 =	slt.s32 s12, $0x1;
	p3 =	sne.s32 s13, $0x0  }
0x73: {  	s11 =	sshrl.u32 s16, $0x19;
	p0 =	por !p4, !p3  }
0x74: {  	s2 =	sadd.s32 s11, s12;
	s11 =	simm.s32 $0x1;
	p0 =	por !p0, !p0  }
0x75: {  	s2 =	sshrl.u32 s2, $0x7;
	s11 =	simm.s32 @!p0 $0x0  }
0x76: {  	s2 =	ssub.s32 s2, s11  }
0x77: {  	s2 =	sshll.u32 s2, $0xA  }
0x78: {  	s17 =	sshrl.u32 s2, $0x3;
	s2 =	sadd.s32 $0x7A1400, s2  }
0x79: {  	s11 =	sadd.s32 s1, s17;
	s2 =	sshrl.u32 s2, $0x3  }
0x7a: {  	[tilespmem:s28], [sflag:$0x1] =	stream.linear.gather [hbm4b:s11+s3], $0x400, $0x38;
	[tilespmem:$0x18280] =	vst v63  }
0x7b: {  	s2 =	sadd.s32 s1, s2  }
0x7c: {  	[tilespmem:s29], [sflag:$0x1] =	stream.linear.gather [hbm4b:s2+s3], $0x400, $0x38;
	[tilespmem:$0x18280] =	vst v63  }
0x7d: {  	s12 =	spop (v2sf)  }
0x7e: {  	s13 =	sand.u32 $0x7F, s12  }
0x7f: {  	s16 =	sshra.s32 s12, $0x1F;
	p6 =	slt.s32 s12, $0x1;
	p5 =	sne.s32 s13, $0x0  }
0x80: {  	s11 =	sshrl.u32 s16, $0x19;
	p0 =	por !p6, !p5  }
0x81: {  	s2 =	sadd.s32 s11, s12;
	s11 =	simm.s32 $0x1;
	p0 =	por !p0, !p0  }
0x82: {  	s2 =	sshrl.u32 s2, $0x7;
	s11 =	simm.s32 @!p0 $0x0  }
0x83: {  	s2 =	ssub.s32 s2, s11  }
0x84: {  	s2 =	sshll.u32 s2, $0xA  }
0x85: {  	s17 =	sshrl.u32 s2, $0x3;
	s2 =	sadd.s32 $0x7A1400, s2  }
.Ltmp0:
0x86: {  	s11 =	sadd.s32 s1, s17;
	s2 =	sshrl.u32 s2, $0x3;
	(pc) =	sbr.rel .LBB2_2-.Ltmp0, $4  }
0x87: {  	[tilespmem:s30], [sflag:$0x1] =	stream.linear.gather [hbm4b:s11+s3], $0x400, $0x38;
	[tilespmem:$0x18280] =	vst v63  }
0x88: {  	s2 =	sadd.s32 s1, s2  }
0x89: {  	[tilespmem:s31], [sflag:$0x1] =	stream.linear.gather [hbm4b:s2+s3], $0x400, $0x38;
	[tilespmem:$0x18280] =	vst v63  }
0x8a: {  	s2 =	simm.s32 $0x0  }
.LBB2_4:
0x8b: {  	s12 =	sshll.u32 s2, $0x3  }
0x8c: {  	v9 =	vld [tilespmem:s12+$0x0];
	_ =	sdelay $0x4  }
0x8d: {  	(v2sf) =	vpush v9, $0x0;
	_ =	sdelay $0x5  }
0x8e: {  	(v2sf) =	vpush v9, $0x1;
	_ =	sdelay $0x5  }
0x8f: {  	(v2sf) =	vpush v9, $0x2;
	_ =	sdelay $0x2  }
0x90: {  	s13 =	spop (v2sf)  }
0x91: {  	s16 =	sshra.s32 s13, $0x1F  }
0x92: {  	s16 =	sshrl.u32 s16, $0x19  }
0x93: {  	s12 =	sand.u32 $0x8, s12;
	(v2sf) =	vpush v9, $0x3;
	s16 =	sadd.s32 s16, s13  }
0x94: {  	v10 =	vmov s12;
	s16 =	sand.u32 $0xFFFFFF80, s16  }
0x95: {  	v10 =	vshll.u32 v10, $0xB;
	s12 =	ssub.s32 s13, s16  }
0x96: {  	v10 =	vbroadcast v10, $0x0;
	s17 =	spop (v2sf);
	v11 =	vmov s12  }
0x97: {  	s16 =	sshra.s32 s17, $0x1F;
	v12 =	vand.u32 $0xFFFFFF80, v11  }
0x98: {  	s13 =	sshrl.u32 s16, $0x19;
	v11 =	vand.u32 $0x7F, v11;
	v12 =	vadd.s32 v10, v12  }
0x99: {  	(v2sf) =	vpush v9, $0x4;
	s13 =	sadd.s32 s13, s17;
	v11 =	vor.u32 v11, v12  }
0x9a: {  	s13 =	sand.u32 $0xFFFFFF80, s13;
	v11 =	vadd.s32 v1, v11  }
0x9b: {  	s12 =	ssub.s32 s17, s13  }
0x9c: {  	s17 =	spop (v2sf);
	v40 =	vmov s12  }
0x9d: {  	s16 =	sshra.s32 s17, $0x1F;
	v13 =	vand.u32 $0xFFFFFF80, v40  }
0x9e: {  	s2 =	sshll.u32 s2, $0xA;
	v12 =	vand.u32 $0x7F, v40;
	s13 =	sshrl.u32 s16, $0x19;
	v13 =	vadd.s32 v10, v13  }
0x9f: {  	v14 =	vor.u32 s2, v0;
	(v2sf) =	vpush v9, $0x5;
	s13 =	sadd.s32 s13, s17;
	v12 =	vor.u32 v12, v13;
	v11 =	vld.idx.msk [tilespmem:v11+s15+$0x0], $0xffff  }
0xa0: {  	s13 =	sand.u32 $0xFFFFFF80, s13;
	v12 =	vadd.s32 v2, v12  }
0xa1: {  	s12 =	ssub.s32 s17, s13  }
0xa2: {  	v41 =	vmov s12;
	s13 =	spop (v2sf)  }
0xa3: {  	s12 =	simm.s32 $0x8280;
	v15 =	vand.u32 $0xFFFFFF80, v41;
	s16 =	sshra.s32 s13, $0x1F  }
0xa4: {  	s17 =	sor.u32 $0x80, s2;
	v42 =	vadd.s32 v10, v15;
	s16 =	sshrl.u32 s16, $0x19;
	[tilespmem:v14+s12+$0x0] =	vst.idx.msk $0xffff, v11;
	v11 =	vand.u32 $0x7F, v41  }
0xa5: {  	v43 =	vor.u32 s17, v0;
	(v2sf) =	vpush v9, $0x6;
	s16 =	sadd.s32 s16, s13;
	v12 =	vld.idx.msk [tilespmem:v12+s15+$0x0], $0xffff;
	v11 =	vor.u32 v11, v42  }
0xa6: {  	s16 =	sand.u32 $0xFFFFFF80, s16;
	v11 =	vadd.s32 v3, v11  }
0xa7: {  	s13 =	ssub.s32 s13, s16  }
0xa8: {  	v44 =	vmov s13;
	s13 =	spop (v2sf)  }
0xa9: {  	v45 =	vand.u32 $0xFFFFFF80, v44;
	s16 =	sshra.s32 s13, $0x1F  }
0xaa: {  	s17 =	sor.u32 $0x100, s2;
	v46 =	vand.u32 $0x7F, v44;
	v47 =	vadd.s32 v10, v45;
	s16 =	sshrl.u32 s16, $0x19;
	[tilespmem:v43+s12+$0x0] =	vst.idx.msk $0xffff, v12  }
0xab: {  	v48 =	vor.u32 s17, v0;
	(v2sf) =	vpush v9, $0x7;
	s16 =	sadd.s32 s16, s13;
	v12 =	vor.u32 v46, v47;
	v11 =	vld.idx.msk [tilespmem:v11+s15+$0x0], $0xffff  }
0xac: {  	s16 =	sand.u32 $0xFFFFFF80, s16;
	v9 =	vadd.s32 v4, v12  }
0xad: {  	s13 =	ssub.s32 s13, s16  }
0xae: {  	s16 =	spop (v2sf);
	v49 =	vmov s13  }
0xaf: {  	s13 =	sshra.s32 s16, $0x1F;
	v50 =	vand.u32 $0xFFFFFF80, v49  }
0xb0: {  	s17 =	sor.u32 $0x180, s2;
	s13 =	sshrl.u32 s13, $0x19;
	v51 =	vadd.s32 v10, v50;
	[tilespmem:v48+s12+$0x0] =	vst.idx.msk $0xffff, v11;
	v11 =	vand.u32 $0x7F, v49  }
0xb1: {  	v52 =	vor.u32 s17, v0;
	s13 =	sadd.s32 s13, s16;
	v9 =	vld.idx.msk [tilespmem:v9+s15+$0x0], $0xffff;
	v11 =	vor.u32 v11, v51  }
0xb2: {  	s13 =	sand.u32 $0xFFFFFF80, s13;
	v11 =	vadd.s32 v5, v11  }
0xb3: {  	s13 =	ssub.s32 s16, s13  }
0xb4: {  	s16 =	spop (v2sf);
	v53 =	vmov s13  }
0xb5: {  	s13 =	sshra.s32 s16, $0x1F;
	v54 =	vand.u32 $0xFFFFFF80, v53  }
0xb6: {  	s17 =	sor.u32 $0x200, s2;
	s13 =	sshrl.u32 s13, $0x19;
	v55 =	vadd.s32 v10, v54;
	[tilespmem:v52+s12+$0x0] =	vst.idx.msk $0xffff, v9;
	v9 =	vand.u32 $0x7F, v53  }
0xb7: {  	v56 =	vor.u32 s17, v0;
	s13 =	sadd.s32 s13, s16;
	v11 =	vld.idx.msk [tilespmem:v11+s15+$0x0], $0xffff;
	v9 =	vor.u32 v9, v55  }
0xb8: {  	s13 =	sand.u32 $0xFFFFFF80, s13;
	v9 =	vadd.s32 v6, v9  }
0xb9: {  	s13 =	ssub.s32 s16, s13  }
0xba: {  	v57 =	vmov s13;
	s13 =	spop (v2sf)  }
0xbb: {  	v58 =	vand.u32 $0xFFFFFF80, v57;
	s16 =	sshra.s32 s13, $0x1F  }
0xbc: {  	s17 =	sor.u32 $0x280, s2;
	v59 =	vadd.s32 v10, v58;
	s16 =	sshrl.u32 s16, $0x19;
	[tilespmem:v56+s12+$0x0] =	vst.idx.msk $0xffff, v11;
	v11 =	vand.u32 $0x7F, v57  }
0xbd: {  	v60 =	vor.u32 s17, v0;
	s16 =	sadd.s32 s16, s13;
	v9 =	vld.idx.msk [tilespmem:v9+s15+$0x0], $0xffff;
	v11 =	vor.u32 v11, v59  }
0xbe: {  	s16 =	sand.u32 $0xFFFFFF80, s16;
	v11 =	vadd.s32 v7, v11  }
0xbf: {  	s13 =	ssub.s32 s13, s16  }
0xc0: {  	v61 =	vmov s13  }
0xc1: {  	v62 =	vand.u32 $0xFFFFFF80, v61  }
0xc2: {  	s17 =	sor.u32 $0x300, s2;
	v10 =	vadd.s32 v10, v62;
	[tilespmem:v60+s12+$0x0] =	vst.idx.msk $0xffff, v9;
	v9 =	vand.u32 $0x7F, v61  }
0xc3: {  	v63 =	vor.u32 s17, v0;
	v11 =	vld.idx.msk [tilespmem:v11+s15+$0x0], $0xffff;
	v9 =	vor.u32 v9, v10  }
0xc4: {  	v9 =	vadd.s32 v8, v9;
	_ =	sdelay $0x3  }
0xc5: {  	s2 =	sor.u32 $0x380, s2;
	[tilespmem:v63+s12+$0x0] =	vst.idx.msk $0xffff, v11  }
0xc6: {  	p0 =	sne.s32 s11, $0x40;
	v10 =	vor.u32 s2, v0;
	v9 =	vld.idx.msk [tilespmem:v9+s15+$0x0], $0xffff  }
.Ltmp1:
0xc7: {  	_ = 	snop;
	(pc) =	sbr.rel @!p0 .LBB2_5-.Ltmp1, $2  }
0xc8: {  	_ =	sdelay $0x2  }
0xc9: {  	s13 =	simm.s32 $0x0;
	s2 =	smov.u32 s11;
	[tilespmem:v10+s12+$0x0] =	vst.idx.msk $0xffff, v9  }
.LBB2_2:
0xca: {  	_ =	swait.ge [sflag:s14], $0x400  }
0xcb: {  	[sflag:s14] =	ssyncset.done $0x0  }
0xcc: {  	[sflag:s14] =	ssyncadd.s32 $0xFFFFFC00  }
0xcd: {  	_ =	swait.ge [sflag:s14], $0x400  }
0xce: {  	[sflag:s14] =	ssyncset.done $0x0  }
0xcf: {  	[sflag:s14] =	ssyncadd.s32 $0xFFFFFC00  }
0xd0: {  	_ =	swait.ge [sflag:s14], $0x400  }
0xd1: {  	[sflag:s14] =	ssyncset.done $0x0  }
0xd2: {  	[sflag:s14] =	ssyncadd.s32 $0xFFFFFC00  }
0xd3: {  	_ =	swait.ge [sflag:s14], $0x400  }
0xd4: {  	[sflag:s14] =	ssyncset.done $0x0  }
0xd5: {  	[sflag:s14] =	ssyncadd.s32 $0xFFFFFC00  }
0xd6: {  	_ =	swait.ge [sflag:s14], $0x400  }
0xd7: {  	[sflag:s14] =	ssyncset.done $0x0  }
0xd8: {  	[sflag:s14] =	ssyncadd.s32 $0xFFFFFC00  }
0xd9: {  	_ =	swait.ge [sflag:s14], $0x400  }
0xda: {  	[sflag:s14] =	ssyncset.done $0x0  }
0xdb: {  	[sflag:s14] =	ssyncadd.s32 $0xFFFFFC00  }
0xdc: {  	_ =	swait.ge [sflag:s14], $0x400  }
0xdd: {  	[sflag:s14] =	ssyncset.done $0x0  }
0xde: {  	[sflag:s14] =	ssyncadd.s32 $0xFFFFFC00  }
0xdf: {  	_ =	swait.ge [sflag:s14], $0x400  }
0xe0: {  	[sflag:s14] =	ssyncset.done $0x0  }
0xe1: {  	[sflag:s14] =	ssyncadd.s32 $0xFFFFFC00  }
0xe2: {  	_ =	swait.ge [sflag:s14], $0x400  }
0xe3: {  	[sflag:s14] =	ssyncset.done $0x0  }
0xe4: {  	[sflag:s14] =	ssyncadd.s32 $0xFFFFFC00  }
0xe5: {  	_ =	swait.ge [sflag:s14], $0x400  }
0xe6: {  	[sflag:s14] =	ssyncset.done $0x0  }
0xe7: {  	[sflag:s14] =	ssyncadd.s32 $0xFFFFFC00  }
0xe8: {  	_ =	swait.ge [sflag:s14], $0x400  }
0xe9: {  	[sflag:s14] =	ssyncset.done $0x0  }
0xea: {  	[sflag:s14] =	ssyncadd.s32 $0xFFFFFC00  }
0xeb: {  	_ =	swait.ge [sflag:s14], $0x400  }
0xec: {  	[sflag:s14] =	ssyncset.done $0x0  }
0xed: {  	[sflag:s14] =	ssyncadd.s32 $0xFFFFFC00  }
0xee: {  	_ =	swait.ge [sflag:s14], $0x400  }
0xef: {  	[sflag:s14] =	ssyncset.done $0x0  }
0xf0: {  	[sflag:s14] =	ssyncadd.s32 $0xFFFFFC00  }
0xf1: {  	_ =	swait.ge [sflag:s14], $0x400  }
0xf2: {  	[sflag:s14] =	ssyncset.done $0x0  }
0xf3: {  	[sflag:s14] =	ssyncadd.s32 $0xFFFFFC00  }
0xf4: {  	p0 =	seq.s32 s2, $0x3F;
	_ =	swait.ge [sflag:s14], $0x400  }
.Ltmp2:
0xf5: {  	[sflag:s14] =	ssyncset.done $0x0;
	(pc) =	sbr.rel @p0 .LBB2_4-.Ltmp2, $4  }
0xf6: {  	[sflag:s14] =	ssyncadd.s32 $0xFFFFFC00  }
0xf7: {  	_ =	swait.ge [sflag:s14], $0x400  }
0xf8: {  	[sflag:s14] =	ssyncset.done $0x0  }
0xf9: {  	s11 =	simm.s32 $0x40;
	[sflag:s14] =	ssyncadd.s32 $0xFFFFFC00  }
0xfa: {  	s11 =	sadd.s32 $0x1, s2  }
0xfb: {  	s12 =	sshll.u32 s11, $0x3  }
0xfc: {  	s12 =	sand.u32 $0x3FFFFFF8, s12  }
0xfd: {  	v9 =	vld [tilespmem:s12+$0x0];
	_ =	sdelay $0x4  }
0xfe: {  	(v2sf) =	vpush v9, $0x0;
	_ =	sdelay $0xe  }
0xff: {  	s17 =	spop (v2sf);
	(v2sf) =	vpush v9, $0x1;
	_ =	sdelay $0x1  }
0x100: {  	s13 =	sand.u32 $0x7F, s17  }
0x101: {  	s16 =	sshra.s32 s17, $0x1F;
	p0 =	slt.s32 s17, $0x1;
	p1 =	sne.s32 s13, $0x0  }
0x102: {  	s16 =	sshrl.u32 s16, $0x19;
	p0 =	por !p0, !p1  }
0x103: {  	s13 =	simm.s32 $0x1;
	s12 =	sadd.s32 s16, s17;
	p0 =	por !p0, !p0  }
0x104: {  	s12 =	sshrl.u32 s12, $0x7;
	s13 =	simm.s32 @!p0 $0x0  }
0x105: {  	s12 =	ssub.s32 s12, s13  }
0x106: {  	s17 =	sshll.u32 s11, $0xE;
	s16 =	sshll.u32 s12, $0xA  }
0x107: {  	s12 =	sand.u32 $0x4000, s17;
	s13 =	sshrl.u32 s16, $0x3  }
0x108: {  	s17 =	sor.u32 $0x280, s12;
	s16 =	sadd.s32 $0x7A1400, s16;
	s13 =	sadd.s32 s1, s13  }
0x109: {  	[tilespmem:s17], [sflag:$0x1] =	stream.linear.gather [hbm4b:s13+s3], $0x400, $0x38;
	[tilespmem:$0x18280] =	vst v63  }
0x10a: {  	s13 =	sshrl.u32 s16, $0x3  }
0x10b: {  	s17 =	sor.u32 $0x680, s12;
	s13 =	sadd.s32 s1, s13  }
0x10c: {  	[tilespmem:s17], [sflag:$0x1] =	stream.linear.gather [hbm4b:s13+s3], $0x400, $0x38;
	[tilespmem:$0x18280] =	vst v63  }
0x10d: {  	s13 =	spop (v2sf);
	(v2sf) =	vpush v9, $0x2;
	_ =	sdelay $0x2  }
0x10e: {  	s16 =	sand.u32 $0x7F, s13  }
0x10f: {  	s17 =	sshra.s32 s13, $0x1F;
	p5 =	slt.s32 s13, $0x1;
	p6 =	sne.s32 s16, $0x0  }
0x110: {  	s17 =	sshrl.u32 s17, $0x19;
	p0 =	por !p5, !p6  }
0x111: {  	s16 =	simm.s32 $0x1;
	s13 =	sadd.s32 s17, s13;
	p0 =	por !p0, !p0  }
0x112: {  	s13 =	sshrl.u32 s13, $0x7;
	s16 =	simm.s32 @!p0 $0x0  }
0x113: {  	s13 =	ssub.s32 s13, s16  }
0x114: {  	s13 =	sshll.u32 s13, $0xA  }
0x115: {  	s16 =	sshrl.u32 s13, $0x3;
	s13 =	sadd.s32 $0x7A1400, s13  }
0x116: {  	s17 =	sor.u32 $0xA80, s12;
	s16 =	sadd.s32 s1, s16;
	s13 =	sshrl.u32 s13, $0x3  }
0x117: {  	[tilespmem:s17], [sflag:$0x1] =	stream.linear.gather [hbm4b:s16+s3], $0x400, $0x38;
	[tilespmem:$0x18280] =	vst v63  }
0x118: {  	s17 =	sor.u32 $0xE80, s12;
	s13 =	sadd.s32 s1, s13  }
0x119: {  	[tilespmem:s17], [sflag:$0x1] =	stream.linear.gather [hbm4b:s13+s3], $0x400, $0x38;
	[tilespmem:$0x18280] =	vst v63  }
0x11a: {  	s13 =	spop (v2sf);
	(v2sf) =	vpush v9, $0x3;
	_ =	sdelay $0x2  }
0x11b: {  	s16 =	sand.u32 $0x7F, s13  }
0x11c: {  	s17 =	sshra.s32 s13, $0x1F;
	p1 =	slt.s32 s13, $0x1;
	p2 =	sne.s32 s16, $0x0  }
0x11d: {  	s17 =	sshrl.u32 s17, $0x19;
	p0 =	por !p1, !p2  }
0x11e: {  	s16 =	simm.s32 $0x1;
	s13 =	sadd.s32 s17, s13;
	p0 =	por !p0, !p0  }
0x11f: {  	s13 =	sshrl.u32 s13, $0x7;
	s16 =	simm.s32 @!p0 $0x0  }
0x120: {  	s13 =	ssub.s32 s13, s16  }
0x121: {  	s13 =	sshll.u32 s13, $0xA  }
0x122: {  	s16 =	sshrl.u32 s13, $0x3;
	s13 =	sadd.s32 $0x7A1400, s13  }
0x123: {  	s17 =	sor.u32 $0x1280, s12;
	s16 =	sadd.s32 s1, s16;
	s13 =	sshrl.u32 s13, $0x3  }
0x124: {  	[tilespmem:s17], [sflag:$0x1] =	stream.linear.gather [hbm4b:s16+s3], $0x400, $0x38;
	[tilespmem:$0x18280] =	vst v63  }
0x125: {  	s17 =	sor.u32 $0x1680, s12;
	s13 =	sadd.s32 s1, s13  }
0x126: {  	[tilespmem:s17], [sflag:$0x1] =	stream.linear.gather [hbm4b:s13+s3], $0x400, $0x38;
	[tilespmem:$0x18280] =	vst v63  }
0x127: {  	s13 =	spop (v2sf);
	(v2sf) =	vpush v9, $0x4;
	_ =	sdelay $0x2  }
0x128: {  	s16 =	sand.u32 $0x7F, s13  }
0x129: {  	s17 =	sshra.s32 s13, $0x1F;
	p3 =	slt.s32 s13, $0x1;
	p4 =	sne.s32 s16, $0x0  }
0x12a: {  	s17 =	sshrl.u32 s17, $0x19;
	p0 =	por !p3, !p4  }
0x12b: {  	s16 =	simm.s32 $0x1;
	s13 =	sadd.s32 s17, s13;
	p0 =	por !p0, !p0  }
0x12c: {  	s13 =	sshrl.u32 s13, $0x7;
	s16 =	simm.s32 @!p0 $0x0  }
0x12d: {  	s13 =	ssub.s32 s13, s16  }
0x12e: {  	s13 =	sshll.u32 s13, $0xA  }
0x12f: {  	s16 =	sshrl.u32 s13, $0x3;
	s13 =	sadd.s32 $0x7A1400, s13  }
0x130: {  	s17 =	sor.u32 $0x1A80, s12;
	s16 =	sadd.s32 s1, s16;
	s13 =	sshrl.u32 s13, $0x3  }
0x131: {  	[tilespmem:s17], [sflag:$0x1] =	stream.linear.gather [hbm4b:s16+s3], $0x400, $0x38;
	[tilespmem:$0x18280] =	vst v63  }
0x132: {  	s17 =	sor.u32 $0x1E80, s12;
	s13 =	sadd.s32 s1, s13  }
0x133: {  	[tilespmem:s17], [sflag:$0x1] =	stream.linear.gather [hbm4b:s13+s3], $0x400, $0x38;
	[tilespmem:$0x18280] =	vst v63  }
0x134: {  	s13 =	spop (v2sf);
	(v2sf) =	vpush v9, $0x5;
	_ =	sdelay $0x2  }
0x135: {  	s16 =	sand.u32 $0x7F, s13  }
0x136: {  	s17 =	sshra.s32 s13, $0x1F;
	p5 =	slt.s32 s13, $0x1;
	p6 =	sne.s32 s16, $0x0  }
0x137: {  	s17 =	sshrl.u32 s17, $0x19;
	p0 =	por !p5, !p6  }
0x138: {  	s16 =	simm.s32 $0x1;
	s13 =	sadd.s32 s17, s13;
	p0 =	por !p0, !p0  }
0x139: {  	s13 =	sshrl.u32 s13, $0x7;
	s16 =	simm.s32 @!p0 $0x0  }
0x13a: {  	s13 =	ssub.s32 s13, s16  }
0x13b: {  	s13 =	sshll.u32 s13, $0xA  }
0x13c: {  	s16 =	sshrl.u32 s13, $0x3;
	s13 =	sadd.s32 $0x7A1400, s13  }
0x13d: {  	s17 =	sor.u32 $0x2280, s12;
	s16 =	sadd.s32 s1, s16;
	s13 =	sshrl.u32 s13, $0x3  }
0x13e: {  	[tilespmem:s17], [sflag:$0x1] =	stream.linear.gather [hbm4b:s16+s3], $0x400, $0x38;
	[tilespmem:$0x18280] =	vst v63  }
0x13f: {  	s17 =	sor.u32 $0x2680, s12;
	s13 =	sadd.s32 s1, s13  }
0x140: {  	[tilespmem:s17], [sflag:$0x1] =	stream.linear.gather [hbm4b:s13+s3], $0x400, $0x38;
	[tilespmem:$0x18280] =	vst v63  }
0x141: {  	s13 =	spop (v2sf);
	(v2sf) =	vpush v9, $0x6;
	_ =	sdelay $0x2  }
0x142: {  	s16 =	sand.u32 $0x7F, s13  }
0x143: {  	s17 =	sshra.s32 s13, $0x1F;
	p1 =	slt.s32 s13, $0x1;
	p2 =	sne.s32 s16, $0x0  }
0x144: {  	s17 =	sshrl.u32 s17, $0x19;
	p0 =	por !p1, !p2  }
0x145: {  	s16 =	simm.s32 $0x1;
	s13 =	sadd.s32 s17, s13;
	p0 =	por !p0, !p0  }
0x146: {  	s13 =	sshrl.u32 s13, $0x7;
	s16 =	simm.s32 @!p0 $0x0  }
0x147: {  	s13 =	ssub.s32 s13, s16  }
0x148: {  	s13 =	sshll.u32 s13, $0xA  }
0x149: {  	s16 =	sshrl.u32 s13, $0x3;
	s13 =	sadd.s32 $0x7A1400, s13  }
0x14a: {  	s17 =	sor.u32 $0x2A80, s12;
	s16 =	sadd.s32 s1, s16;
	s13 =	sshrl.u32 s13, $0x3  }
0x14b: {  	[tilespmem:s17], [sflag:$0x1] =	stream.linear.gather [hbm4b:s16+s3], $0x400, $0x38;
	[tilespmem:$0x18280] =	vst v63  }
0x14c: {  	s17 =	sor.u32 $0x2E80, s12;
	s13 =	sadd.s32 s1, s13  }
0x14d: {  	[tilespmem:s17], [sflag:$0x1] =	stream.linear.gather [hbm4b:s13+s3], $0x400, $0x38;
	[tilespmem:$0x18280] =	vst v63  }
0x14e: {  	s13 =	spop (v2sf);
	(v2sf) =	vpush v9, $0x7;
	_ =	sdelay $0x2  }
0x14f: {  	s16 =	sand.u32 $0x7F, s13  }
0x150: {  	s17 =	sshra.s32 s13, $0x1F;
	p3 =	slt.s32 s13, $0x1;
	p4 =	sne.s32 s16, $0x0  }
0x151: {  	s17 =	sshrl.u32 s17, $0x19;
	p0 =	por !p3, !p4  }
0x152: {  	s16 =	simm.s32 $0x1;
	s13 =	sadd.s32 s17, s13;
	p0 =	por !p0, !p0  }
0x153: {  	s13 =	sshrl.u32 s13, $0x7;
	s16 =	simm.s32 @!p0 $0x0  }
0x154: {  	s13 =	ssub.s32 s13, s16  }
0x155: {  	s13 =	sshll.u32 s13, $0xA  }
0x156: {  	s16 =	sshrl.u32 s13, $0x3;
	s13 =	sadd.s32 $0x7A1400, s13  }
0x157: {  	s17 =	sor.u32 $0x3280, s12;
	s16 =	sadd.s32 s1, s16;
	s13 =	sshrl.u32 s13, $0x3  }
0x158: {  	[tilespmem:s17], [sflag:$0x1] =	stream.linear.gather [hbm4b:s16+s3], $0x400, $0x38;
	[tilespmem:$0x18280] =	vst v63  }
0x159: {  	s17 =	sor.u32 $0x3680, s12;
	s13 =	sadd.s32 s1, s13  }
0x15a: {  	[tilespmem:s17], [sflag:$0x1] =	stream.linear.gather [hbm4b:s13+s3], $0x400, $0x38;
	[tilespmem:$0x18280] =	vst v63  }
0x15b: {  	s13 =	spop (v2sf)  }
0x15c: {  	s16 =	sand.u32 $0x7F, s13  }
0x15d: {  	s17 =	sshra.s32 s13, $0x1F;
	p5 =	slt.s32 s13, $0x1;
	p6 =	sne.s32 s16, $0x0  }
0x15e: {  	s17 =	sshrl.u32 s17, $0x19;
	p0 =	por !p5, !p6  }
0x15f: {  	s16 =	simm.s32 $0x1;
	s13 =	sadd.s32 s17, s13;
	p0 =	por !p0, !p0  }
0x160: {  	s13 =	sshrl.u32 s13, $0x7;
	s16 =	simm.s32 @!p0 $0x0  }
0x161: {  	s13 =	ssub.s32 s13, s16  }
0x162: {  	s13 =	sshll.u32 s13, $0xA  }
.Ltmp3:
0x163: {  	s16 =	sshrl.u32 s13, $0x3;
	s13 =	sadd.s32 $0x7A1400, s13;
	(pc) =	sbr.rel .LBB2_4-.Ltmp3, $4  }
0x164: {  	s17 =	sor.u32 $0x3A80, s12;
	s16 =	sadd.s32 s1, s16;
	s13 =	sshrl.u32 s13, $0x3  }
0x165: {  	[tilespmem:s17], [sflag:$0x1] =	stream.linear.gather [hbm4b:s16+s3], $0x400, $0x38;
	[tilespmem:$0x18280] =	vst v63  }
0x166: {  	s12 =	sor.u32 $0x3E80, s12;
	s13 =	sadd.s32 s1, s13  }
0x167: {  	[tilespmem:s12], [sflag:$0x1] =	stream.linear.gather [hbm4b:s13+s3], $0x400, $0x38;
	[tilespmem:$0x18280] =	vst v63  }
.LBB2_5:
0x168: {  	s2 =	sadd.s32 s13, s9  }
0x169: {  	[hbm4b:s2+s3] =	stream.linear.scatter [tilespmem:s12], [sflag:$0x2], $0x1000, $0x38;
	[tilespmem:$0x18280] =	vst v63  }
0x16a: {  	_ =	swait.ge [sflag:s10], $0x1000  }
0x16b: {  	s2 =	sadd.s32 $0x200, s13;
	[sflag:s10] =	ssyncset.done $0x0  }
.LBB2_6:
0x16c: {  	s11 =	sadd.s32 s2, s9  }
0x16d: {  	[sflag:s10] =	ssyncadd.s32 $0xFFFFF000;
	s12 =	sadd.s32 $0x1000, s12;
	p0 =	sne.s32 s2, $0x1E00  }
0x16e: {  	[hbm4b:s11+s3] =	stream.linear.scatter [tilespmem:s12], [sflag:$0x2], $0x1000, $0x38;
	[tilespmem:$0x18280] =	vst v63  }
.Ltmp4:
0x16f: {  	_ = 	snop;
	(pc) =	sbr.rel @p0 .LBB2_6-.Ltmp4, $4  }
0x170: {  	_ = 	snop  }
0x171: {  	s2 =	sadd.s32 $0x200, s2  }
0x172: {  	_ =	swait.ge [sflag:s10], $0x1000  }
0x173: {  	[sflag:s10] =	ssyncset.done $0x0  }
0x174: {  	s0 =	sadd.s32 $0x1, s0  }
0x175: {  	p0 =	sne.s32 s0, s4  }
.Ltmp5:
0x176: {  	_ = 	snop;
	(pc) =	sbr.rel @p0 .LBB2_1-.Ltmp5, $2  }
0x177: {  	_ =	sdelay $0x2  }
0x178: {  	[sflag:s10] =	ssyncadd.s32 $0xFFFFF000  }
0x179: {  	_ =	sfence.sel $0x180000  }
0x17a: {  	[bflag:$0x0] =	sbarrier.arrive $0xFFFF  }
0x17b: {  	_ =	strace $0x90000047  }
0x17c: {  	s0 =	stileid.u32;
	[bflag:$0x2] =	sbarrier.arrive $0xFFFF  }
0x17d: {  	p0 =	sne.s32 s0, $0x0;
	s0 =	rddreg [dreg:$0x3]  }
0x17e: {  	s0 =	sadd.s32 @!p0 $0x100000, s0  }
0x17f: {  	[sflag:s0] =	ssyncadd.tile.s32 @!p0 $0x1;
	_ =	shalt  }
.Lfunc_end2:
_tile_overlayer_lowered:
.L_overlay_start_2:
0x180: {  	(tag) =	ssettag $0x2  }
0x181: {  	s0 =	rddreg [dreg:$0x0];
	s2 =	stileid.u32  }
0x182: {  	s1 =	rddreg [dreg:$0x1];
	p0 =	sne.s32 s2, $0x0  }
0x183: {  	s3 =	rddreg [dreg:$0x2];
	[bflag:$0x3] =	sbarrier.arrive $0xFFFF;
	s2 =	simm.s32 @!p0 $0x1C02  }
0x184: {  	[timem:s3], [sflag:s2] =	dma.local @!p0 [hbm:s0], s1  }
0x185: {  	s0 =	simm.s32 @!p0 $0x2  }
0x186: {  	_ =	swait.ge @!p0 [sflag:s0], s1  }
0x187: {  	s1 =	ssub.s32 @!p0 $0x0, s1;
	[sflag:s0] =	ssyncset.done @!p0 $0x0  }
0x188: {  	[sflag:s0] =	ssyncadd.s32 @!p0 s1  }
0x189: {  	[bflag:$0x3] =	sbarrier.arrive $0xFFFF  }
0x18a: {  	_ =	shalt  }

</sc_bundles>
